<compile_context>
chip_gen: v7x
topology: tpu7x:2x2x1
jax: 0.10.2.dev20260603
libtpu: 0.0.44.dev20260713+nightly
codegen_flags: <defaults>
</compile_context>

<pallas_src>
import functools

import jax
import jax.numpy as jnp
from jax import lax
from jax.experimental import pallas as pl
from jax.experimental.pallas import tpu as pltpu
from jax.experimental.pallas import tpu_sc as plsc

N_NODES = 10000
P = 10240
IN_FEATS = 256
H1 = 8
D1 = 128
D2 = 40
NEG = 0.2

TV = 1024
TU = 512
NVT = P // TV
NUT = P // TU

SC_W = 16
SC_ROWS = 160
SC_EDGES_PER_W = SC_ROWS * 64
E_PAD = SC_W * SC_EDGES_PER_W
ZS = 32768
NZ = (P * P) // SC_W // ZS
ZK = 20


def _build_mask_sc(zsrc, ones_hbm, src_pad, dst_pad):
    mesh = plsc.VectorSubcoreMesh(core_axis_name="c", subcore_axis_name="s",
                                  num_cores=1)

    @functools.partial(
        pl.kernel,
        out_type=jax.ShapeDtypeStruct((P * P,), jnp.float32),
        mesh=mesh,
        scratch_types=[
            pltpu.VMEM((SC_EDGES_PER_W,), jnp.int32),
            pltpu.VMEM((SC_EDGES_PER_W,), jnp.int32),
            pltpu.VMEM((SC_ROWS, 128), jnp.int32),
            pltpu.VMEM((SC_ROWS, 128), jnp.float32),
            pltpu.VMEM((ZS,), jnp.float32),
            pltpu.SemaphoreType.DMA,
            pltpu.SemaphoreType.DMA,
        ],
    )
    def sc_scatter(zsrc_hbm, ones_hbm2, src_hbm, dst_hbm, a_hbm, srcv, dstv,
                   idxv, onesv, zbuf, sem, zsem):
        wid = lax.axis_index("s")
        pltpu.sync_copy(zsrc_hbm, zbuf)
        pltpu.sync_copy(ones_hbm2, onesv)
        base = wid * SC_EDGES_PER_W
        pltpu.sync_copy(src_hbm.at[pl.ds(base, SC_EDGES_PER_W)], srcv)
        pltpu.sync_copy(dst_hbm.at[pl.ds(base, SC_EDGES_PER_W)], dstv)

        zbase = wid * (NZ * ZS)

        def zround(zr, carry):
            copies = [
                pltpu.async_copy(
                    zbuf, a_hbm.at[pl.ds(zbase + (zr * ZK + k) * ZS, ZS)], zsem)
                for k in range(ZK)
            ]
            def ibody(g, c2):
                for q in range(4):
                    off = g * 64 + q * 16
                    sv = srcv[pl.ds(off, 16)]
                    dv = dstv[pl.ds(off, 16)]
                    idxv[g, pl.ds(q * 16, 16)] = dv * P + sv
                    idxv[g, pl.ds(64 + q * 16, 16)] = sv * P + dv
                return c2

            lax.fori_loop(zr * 16, zr * 16 + 16, ibody, 0)
            for c in copies:
                c.wait()
            return carry

        lax.fori_loop(0, NZ // ZK, zround, 0)
        plsc.subcore_barrier()

        def body(g, carry):
            copies = [pltpu.async_copy(onesv.at[g * 32 + r],
                                       a_hbm.at[idxv.at[g * 32 + r]], sem)
                      for r in range(32)]
            for c in copies:
                c.wait()
            return carry

        lax.fori_loop(0, SC_ROWS // 32, body, 0)

    return sc_scatter(zsrc, ones_hbm, src_pad, dst_pad)


def _k1_body(x_ref, w1_ref, al1_ref, ar1_ref, feat_ref, elt_ref, erc_ref):
    x = x_ref[...]
    s = jnp.sum(x, axis=1, keepdims=True)
    xn = x / jnp.maximum(s, 1.0)
    feat = jnp.dot(xn, w1_ref[...], preferred_element_type=jnp.float32)
    el_rows = []
    er_cols = []
    pieces = []
    for h in range(H1):
        fh = feat[:, h * D1:(h + 1) * D1]
        pieces += [fh.astype(jnp.bfloat16),
                   jnp.ones((TV, 1), jnp.bfloat16),
                   jnp.zeros((TV, 127), jnp.bfloat16)]
        el_rows.append(
            lax.dot_general(al1_ref[h:h + 1, :], fh, (((1,), (1,)), ((), ())),
                            preferred_element_type=jnp.float32))
        er_cols.append(jnp.sum(fh * ar1_ref[h:h + 1, :], axis=1, keepdims=True))
    feat_ref[...] = jnp.concatenate(pieces, axis=1)
    elt_ref[...] = jnp.concatenate(el_rows, axis=0)
    erc_ref[...] = jnp.concatenate(er_cols, axis=1)


def _k1(x_pad, W1, al1, ar1):
    return pl.pallas_call(
        _k1_body,
        grid=(NVT,),
        in_specs=[
            pl.BlockSpec((TV, IN_FEATS), lambda i: (i, 0)),
            pl.BlockSpec((IN_FEATS, H1 * D1), lambda i: (0, 0)),
            pl.BlockSpec((H1, D1), lambda i: (0, 0)),
            pl.BlockSpec((H1, D1), lambda i: (0, 0)),
        ],
        out_specs=[
            pl.BlockSpec((TV, H1 * 256), lambda i: (i, 0)),
            pl.BlockSpec((H1, TV), lambda i: (0, i)),
            pl.BlockSpec((TV, H1), lambda i: (i, 0)),
        ],
        out_shape=[
            jax.ShapeDtypeStruct((P, H1 * 256), jnp.bfloat16),
            jax.ShapeDtypeStruct((H1, P), jnp.float32),
            jax.ShapeDtypeStruct((P, H1), jnp.float32),
        ],
    )(x_pad, W1, al1, ar1)


def _k2_body(a_ref, feat_ref, elt_ref, erc_ref, w2_ref, al2_ref, ar2c_ref,
             h_ref, feat2_ref, el2t_ref, er2c_ref, acc_ref, mxs_ref,
             hv1s_ref, hv2s_ref):
    i = pl.program_id(0)
    j = pl.program_id(1)

    @pl.when(j == 0)
    def _init():
        acc_ref[...] = jnp.zeros_like(acc_ref)
        mxrow = jnp.concatenate(
            [jnp.max(elt_ref[h:h + 1, :], axis=1, keepdims=True)
             for h in range(H1)], axis=1)
        mxs_ref[...] = mxrow
        for h in range(H1):
            t_v = erc_ref[:, h:h + 1] + mxrow[0:1, h:h + 1]
            m_v = jnp.where(t_v > 0, t_v, NEG * t_v)
            hv1s_ref[:, h:h + 1] = jnp.exp(t_v - m_v).astype(jnp.bfloat16)
            hv2s_ref[:, h:h + 1] = jnp.exp(NEG * t_v - m_v).astype(jnp.bfloat16)

    rows = lax.broadcasted_iota(jnp.int32, (TV, TU), 0) + i * TV
    cols = lax.broadcasted_iota(jnp.int32, (TV, TU), 1) + j * TU
    cmb = (a_ref[...] + jnp.where(rows == cols, 1.0, 0.0)).astype(jnp.bfloat16)

    for h in range(H1):
        mxv = mxs_ref[0:1, h:h + 1]
        es = elt_ref[h:h + 1, pl.ds(j * TU, TU)] - mxv
        gu1 = jnp.exp(es).astype(jnp.bfloat16)
        gu2 = jnp.exp(NEG * es).astype(jnp.bfloat16)
        w = jnp.maximum(hv1s_ref[:, h:h + 1] * gu1, hv2s_ref[:, h:h + 1] * gu2)
        p = cmb * w
        acc_ref[:, h * 256:(h + 1) * 256] += jnp.dot(
            p, feat_ref[:, h * 256:(h + 1) * 256],
            preferred_element_type=jnp.float32)

    @pl.when(j == NUT - 1)
    def _epilogue():
        outs = []
        for h in range(H1):
            rst = (acc_ref[:, h * 256:h * 256 + D1]
                   / (acc_ref[:, h * 256 + D1:h * 256 + D1 + 1] + 1e-9))
            outs.append(jnp.where(rst > 0, rst, jnp.exp(rst) - 1.0))
        hval = jnp.concatenate(outs, axis=1)
        h_ref[...] = hval
        feat2 = jnp.dot(hval, w2_ref[...], preferred_element_type=jnp.float32)
        feat2_ref[...] = jnp.concatenate(
            [feat2.astype(jnp.bfloat16),
             jnp.ones((TV, 1), jnp.bfloat16),
             jnp.zeros((TV, 23), jnp.bfloat16)], axis=1)
        el2t_ref[...] = lax.dot_general(
            al2_ref[...], feat2, (((1,), (1,)), ((), ())),
            preferred_element_type=jnp.float32)
        er2c_ref[...] = jnp.dot(feat2, ar2c_ref[...],
                                preferred_element_type=jnp.float32)


def _k2(A2, feat1, elt, erc, W2, al2, ar2c):
    return pl.pallas_call(
        _k2_body,
        grid=(NVT, NUT),
        in_specs=[
            pl.BlockSpec((TV, TU), lambda i, j: (i, j)),
            pl.BlockSpec((TU, H1 * 256), lambda i, j: (j, 0)),
            pl.BlockSpec((H1, P), lambda i, j: (0, 0)),
            pl.BlockSpec((TV, H1), lambda i, j: (i, 0)),
            pl.BlockSpec((H1 * D1, D2), lambda i, j: (0, 0)),
            pl.BlockSpec((1, D2), lambda i, j: (0, 0)),
            pl.BlockSpec((D2, 1), lambda i, j: (0, 0)),
        ],
        out_specs=[
            pl.BlockSpec((TV, H1 * D1), lambda i, j: (i, 0)),
            pl.BlockSpec((TV, 64), lambda i, j: (i, 0)),
            pl.BlockSpec((1, TV), lambda i, j: (0, i)),
            pl.BlockSpec((TV, 1), lambda i, j: (i, 0)),
        ],
        out_shape=[
            jax.ShapeDtypeStruct((P, H1 * D1), jnp.float32),
            jax.ShapeDtypeStruct((P, 64), jnp.bfloat16),
            jax.ShapeDtypeStruct((1, P), jnp.float32),
            jax.ShapeDtypeStruct((P, 1), jnp.float32),
        ],
        scratch_shapes=[
            pltpu.VMEM((TV, H1 * 256), jnp.float32),
            pltpu.VMEM((1, H1), jnp.float32),
            pltpu.VMEM((TV, H1), jnp.bfloat16),
            pltpu.VMEM((TV, H1), jnp.bfloat16),
        ],
        compiler_params=pltpu.CompilerParams(
            dimension_semantics=("parallel", "arbitrary")),
    )(A2, feat1, elt, erc, W2, al2, ar2c)


def _k3_body(a_ref, feat2_ref, el2t_ref, er2c_ref, out_ref, acc_ref,
             mxs_ref, hv1s_ref, hv2s_ref):
    i = pl.program_id(0)
    j = pl.program_id(1)

    @pl.when(j == 0)
    def _init():
        acc_ref[...] = jnp.zeros_like(acc_ref)
        mx = jnp.max(el2t_ref[...], axis=1, keepdims=True)
        mxs_ref[...] = mx
        t_v = er2c_ref[...] + mx[0:1, 0:1]
        m_v = jnp.where(t_v > 0, t_v, NEG * t_v)
        hv1s_ref[...] = jnp.exp(t_v - m_v).astype(jnp.bfloat16)
        hv2s_ref[...] = jnp.exp(NEG * t_v - m_v).astype(jnp.bfloat16)

    rows = lax.broadcasted_iota(jnp.int32, (TV, TU), 0) + i * TV
    cols = lax.broadcasted_iota(jnp.int32, (TV, TU), 1) + j * TU
    cmb = (a_ref[...] + jnp.where(rows == cols, 1.0, 0.0)).astype(jnp.bfloat16)

    eslice = el2t_ref[:, pl.ds(j * TU, TU)] - mxs_ref[0:1, 0:1]
    gu1 = jnp.exp(eslice).astype(jnp.bfloat16)
    gu2 = jnp.exp(NEG * eslice).astype(jnp.bfloat16)
    w = jnp.maximum(hv1s_ref[...] * gu1, hv2s_ref[...] * gu2)
    p = cmb * w
    acc_ref[...] += jnp.dot(p, feat2_ref[...],
                            preferred_element_type=jnp.float32)

    @pl.when(j == NUT - 1)
    def _epilogue():
        logits = acc_ref[:, 0:D2] / (acc_ref[:, D2:D2 + 1] + 1e-9)
        m = jnp.max(logits, axis=1, keepdims=True)
        lse = m + jnp.log(jnp.sum(jnp.exp(logits - m), axis=1, keepdims=True))
        out_ref[...] = logits - lse


def _k3(A2, feat2, el2t, er2c):
    return pl.pallas_call(
        _k3_body,
        grid=(NVT, NUT),
        in_specs=[
            pl.BlockSpec((TV, TU), lambda i, j: (i, j)),
            pl.BlockSpec((TU, 64), lambda i, j: (j, 0)),
            pl.BlockSpec((1, P), lambda i, j: (0, 0)),
            pl.BlockSpec((TV, 1), lambda i, j: (i, 0)),
        ],
        out_specs=pl.BlockSpec((TV, D2), lambda i, j: (i, 0)),
        out_shape=jax.ShapeDtypeStruct((P, D2), jnp.float32),
        scratch_shapes=[
            pltpu.VMEM((TV, 64), jnp.float32),
            pltpu.VMEM((1, 1), jnp.float32),
            pltpu.VMEM((TV, 1), jnp.bfloat16),
            pltpu.VMEM((TV, 1), jnp.bfloat16),
        ],
        compiler_params=pltpu.CompilerParams(
            dimension_semantics=("parallel", "arbitrary")),
    )(A2, feat2, el2t, er2c)


def kernel(x, edge_index, W1, al1, ar1, W2, al2, ar2):
    src = edge_index[0].astype(jnp.int32)
    dst = edge_index[1].astype(jnp.int32)
    npad = E_PAD - src.shape[0]
    fill = jnp.full((npad,), P - 1, jnp.int32)
    src_pad = jnp.concatenate([src, fill])
    dst_pad = jnp.concatenate([dst, fill])

    zsrc = jnp.zeros((ZS,), jnp.float32)
    ones_hbm = jnp.ones((SC_ROWS, 128), jnp.float32)
    A2 = _build_mask_sc(zsrc, ones_hbm, src_pad, dst_pad).reshape(P, P)

    x_pad = jnp.pad(x, ((0, P - N_NODES), (0, 0)))
    feat1, elt, erc = _k1(x_pad, W1, al1, ar1)

    ar2c = ar2.reshape(D2, 1)
    _h, feat2, el2t, er2c = _k2(A2, feat1, elt, erc, W2, al2, ar2c)

    out = _k3(A2, feat2, el2t, er2c)
    return out[:N_NODES]

# --- scband reference (transcript-rebuilt; emitter-appended) ---
"""Pipeline reference for scband-gat-framework-33887291966004 (READ-ONLY COPY).

The authoritative reference and input builder live on the scoring server;
editing this copy changes nothing except your own understanding.
"""

import jax, jax.numpy as jnp
import numpy as np

N_NODES = 10000
IN_FEATS = 256
N_HIDDEN = 128
N_CLASSES = 40
HEADS = [8, 1]
NEG_SLOPE = 0.2


def setup_inputs(seed: int = 0) -> dict:
    key = jax.random.key(seed)
    ks = [jax.random.fold_in(key, i) for i in range(8)]
    x = jax.random.uniform(ks[0], (N_NODES, IN_FEATS), dtype=jnp.float32)
    edge_index = jax.random.randint(ks[1], (2, 160000), 0, N_NODES, dtype=jnp.int64)
    W1 = jax.random.normal(ks[2], (IN_FEATS, HEADS[0] * N_HIDDEN), dtype=jnp.float32) * 0.06
    al1 = jax.random.normal(ks[3], (HEADS[0], N_HIDDEN), dtype=jnp.float32) * 0.1
    ar1 = jax.random.normal(ks[4], (HEADS[0], N_HIDDEN), dtype=jnp.float32) * 0.1
    W2 = jax.random.normal(ks[5], (HEADS[0] * N_HIDDEN, HEADS[1] * N_CLASSES), dtype=jnp.float32) * 0.03
    al2 = jax.random.normal(ks[6], (HEADS[1], N_CLASSES), dtype=jnp.float32) * 0.1
    ar2 = jax.random.normal(ks[7], (HEADS[1], N_CLASSES), dtype=jnp.float32) * 0.1
    return {"x": x, "edge_index": edge_index, "W1": W1, "al1": al1, "ar1": ar1, "W2": W2, "al2": al2, "ar2": ar2}


def _edge_softmax(e, dst, num_nodes):
    m = jax.ops.segment_max(e, dst, num_segments=num_nodes)
    ex = jnp.exp(e - m[dst])
    s = jax.ops.segment_sum(ex, dst, num_segments=num_nodes)
    return ex / (s[dst] + 1e-9)


def _gat_layer(x, W, al, ar, src, dst, num_nodes, heads, out_dim):
    feat = (x @ W).reshape(num_nodes, heads, out_dim)
    el = jnp.sum(feat * al[None, :, :], axis=-1)
    er = jnp.sum(feat * ar[None, :, :], axis=-1)
    e = jax.nn.leaky_relu(el[src] + er[dst], negative_slope=NEG_SLOPE)
    a = _edge_softmax(e, dst, num_nodes + 1)
    msg = feat[src] * a[..., None]
    rst = jax.ops.segment_sum(msg, dst, num_segments=num_nodes + 1)
    return rst[:num_nodes]


def _build_graph(edge_index, num_nodes):
    src, dst = edge_index[0], edge_index[1]
    s = jnp.concatenate([src, dst])
    d = jnp.concatenate([dst, src])
    keyid = s * num_nodes + d
    keyid = jnp.sort(keyid)
    first = jnp.concatenate([jnp.ones((1,), dtype=bool), keyid[1:] != keyid[:-1]])
    s = keyid // num_nodes
    d = jnp.where(first, keyid % num_nodes, num_nodes)
    loop = jnp.arange(num_nodes, dtype=s.dtype)
    s = jnp.concatenate([s, loop])
    d = jnp.concatenate([d, loop])
    return s, d


def reference(x, edge_index, W1, al1, ar1, W2, al2, ar2):
    num_nodes = x.shape[0]
    src, dst = _build_graph(edge_index, num_nodes)
    xn = x / jnp.clip(jnp.sum(x, axis=1, keepdims=True), 1.0, None)
    h = _gat_layer(xn, W1, al1, ar1, src, dst, num_nodes, HEADS[0], N_HIDDEN)
    h = jax.nn.elu(h).reshape(num_nodes, -1)
    logits = _gat_layer(h, W2, al2, ar2, src, dst, num_nodes, HEADS[1], N_CLASSES).mean(axis=1)
    return jax.nn.log_softmax(logits, axis=1)

if __name__ == "__main__":
    import jax
    _d = setup_inputs()
    print(jax.jit(kernel)(*tuple(_d.values())))

</pallas_src>

<mosaic_0001>
#map = affine_map<(d0, d1) -> (0)>
#map1 = affine_map<(d0, d1) -> (0, 0)>
module attributes {stable_mosaic.version = 14 : i64} {
  func.func @sc_scatter(%arg0: i32, %arg1: i32, %arg2: memref<32768xf32, #tpu.memory_space<hbm>>, %arg3: memref<160x128xf32, #tpu.memory_space<hbm>>, %arg4: memref<163840xi32, #tpu.memory_space<hbm>>, %arg5: memref<163840xi32, #tpu.memory_space<hbm>>, %arg6: memref<104857600xf32, #tpu.memory_space<hbm>>, %arg7: memref<10240xi32, #tpu.memory_space<vmem>>, %arg8: memref<10240xi32, #tpu.memory_space<vmem>>, %arg9: memref<160x128xi32, #tpu.memory_space<vmem>>, %arg10: memref<160x128xf32, #tpu.memory_space<vmem>>, %arg11: memref<32768xf32, #tpu.memory_space<vmem>>, %arg12: memref<!tpu.dma_semaphore, #tpu.memory_space<semaphore_mem>>, %arg13: memref<!tpu.dma_semaphore, #tpu.memory_space<semaphore_mem>>) attributes {dimension_semantics = [#tpu.dimension_semantics<core_parallel>, #tpu.dimension_semantics<subcore_parallel>], iteration_bounds = array<i64: 1, 16>, scalar_prefetch = 0 : i64, scratch_operands = 7 : i64, tpu.core_type = #tpu.core_type<sc_vector_subcore>, window_params = [{transform_indices = #map}, {transform_indices = #map1}, {transform_indices = #map}, {transform_indices = #map}, {transform_indices = #map}]} {
    "tpu.region"() ({
      %run_scoped3A = tpu.sem_alloc : memref<!tpu.dma_semaphore, #tpu.memory_space<semaphore_mem>>
      tpu.enqueue_dma source(%arg2 : memref<32768xf32, #tpu.memory_space<hbm>>) target(%arg11 : memref<32768xf32, #tpu.memory_space<vmem>>) target_semaphore(%run_scoped3A : memref<!tpu.dma_semaphore, #tpu.memory_space<semaphore_mem>>)
      tpu.wait_dma2 semaphore(%run_scoped3A : memref<!tpu.dma_semaphore, #tpu.memory_space<semaphore_mem>>) src(%arg2 : memref<32768xf32, #tpu.memory_space<hbm>>) dst(%arg11 : memref<32768xf32, #tpu.memory_space<vmem>>)
      tpu.yield
    }) : () -> ()
    "tpu.region"() ({
      %run_scoped3A = tpu.sem_alloc : memref<!tpu.dma_semaphore, #tpu.memory_space<semaphore_mem>>
      tpu.enqueue_dma source(%arg3 : memref<160x128xf32, #tpu.memory_space<hbm>>) target(%arg10 : memref<160x128xf32, #tpu.memory_space<vmem>>) target_semaphore(%run_scoped3A : memref<!tpu.dma_semaphore, #tpu.memory_space<semaphore_mem>>)
      tpu.wait_dma2 semaphore(%run_scoped3A : memref<!tpu.dma_semaphore, #tpu.memory_space<semaphore_mem>>) src(%arg3 : memref<160x128xf32, #tpu.memory_space<hbm>>) dst(%arg10 : memref<160x128xf32, #tpu.memory_space<vmem>>)
      tpu.yield
    }) : () -> ()
    %mul3A = arith.constant 10240 : i32
    %mul3A_0 = arith.muli %arg1, %mul3A : i32
    "tpu.region"() ({
      %run_scoped3A = tpu.sem_alloc : memref<!tpu.dma_semaphore, #tpu.memory_space<semaphore_mem>>
      %dma_start3A = tpu.memref_slice %arg4[%mul3A_0] : memref<163840xi32, #tpu.memory_space<hbm>> -> memref<10240xi32, #tpu.memory_space<hbm>>
      %dma_start3A_14 = tpu.memref_slice %arg4[%mul3A_0] : memref<163840xi32, #tpu.memory_space<hbm>> -> memref<10240xi32, #tpu.memory_space<hbm>>
      tpu.enqueue_dma source(%dma_start3A_14 : memref<10240xi32, #tpu.memory_space<hbm>>) target(%arg7 : memref<10240xi32, #tpu.memory_space<vmem>>) target_semaphore(%run_scoped3A : memref<!tpu.dma_semaphore, #tpu.memory_space<semaphore_mem>>)
      %dma_wait3A = tpu.memref_slice %arg4[%mul3A_0] : memref<163840xi32, #tpu.memory_space<hbm>> -> memref<10240xi32, #tpu.memory_space<hbm>>
      %dma_wait3A_15 = tpu.memref_slice %arg4[%mul3A_0] : memref<163840xi32, #tpu.memory_space<hbm>> -> memref<10240xi32, #tpu.memory_space<hbm>>
      tpu.wait_dma2 semaphore(%run_scoped3A : memref<!tpu.dma_semaphore, #tpu.memory_space<semaphore_mem>>) src(%dma_wait3A_15 : memref<10240xi32, #tpu.memory_space<hbm>>) dst(%arg7 : memref<10240xi32, #tpu.memory_space<vmem>>)
      tpu.yield
    }) : () -> ()
    "tpu.region"() ({
      %run_scoped3A = tpu.sem_alloc : memref<!tpu.dma_semaphore, #tpu.memory_space<semaphore_mem>>
      %dma_start3A = tpu.memref_slice %arg5[%mul3A_0] : memref<163840xi32, #tpu.memory_space<hbm>> -> memref<10240xi32, #tpu.memory_space<hbm>>
      %dma_start3A_14 = tpu.memref_slice %arg5[%mul3A_0] : memref<163840xi32, #tpu.memory_space<hbm>> -> memref<10240xi32, #tpu.memory_space<hbm>>
      tpu.enqueue_dma source(%dma_start3A_14 : memref<10240xi32, #tpu.memory_space<hbm>>) target(%arg8 : memref<10240xi32, #tpu.memory_space<vmem>>) target_semaphore(%run_scoped3A : memref<!tpu.dma_semaphore, #tpu.memory_space<semaphore_mem>>)
      %dma_wait3A = tpu.memref_slice %arg5[%mul3A_0] : memref<163840xi32, #tpu.memory_space<hbm>> -> memref<10240xi32, #tpu.memory_space<hbm>>
      %dma_wait3A_15 = tpu.memref_slice %arg5[%mul3A_0] : memref<163840xi32, #tpu.memory_space<hbm>> -> memref<10240xi32, #tpu.memory_space<hbm>>
      tpu.wait_dma2 semaphore(%run_scoped3A : memref<!tpu.dma_semaphore, #tpu.memory_space<semaphore_mem>>) src(%dma_wait3A_15 : memref<10240xi32, #tpu.memory_space<hbm>>) dst(%arg8 : memref<10240xi32, #tpu.memory_space<vmem>>)
      tpu.yield
    }) : () -> ()
    %mul3A_1 = arith.constant 6553600 : i32
    %mul3A_2 = arith.muli %arg1, %mul3A_1 : i32
    %scan3A = arith.constant 0 : i32
    %scan3A_3 = arith.constant 0 : i32
    %scan3A_4 = arith.constant 10 : i32
    %scan3A_5 = arith.addi %scan3A_3, %scan3A_4 : i32
    %scan3A_6 = arith.constant 1 : i32
    scf.for %scan3A_14 = %scan3A_3 to %scan3A_5 step %scan3A_6  : i32 {
      %mul3A_15 = arith.constant 20 : i32
      %mul3A_16 = arith.muli %scan3A_14, %mul3A_15 : i32
      %add3A = arith.constant 0 : i32
      %add3A_17 = arith.addi %mul3A_16, %add3A : i32
      %mul3A_18 = arith.constant 32768 : i32
      %mul3A_19 = arith.muli %add3A_17, %mul3A_18 : i32
      %add3A_20 = arith.addi %mul3A_2, %mul3A_19 : i32
      %dma_start3A = tpu.memref_slice %arg6[%add3A_20] : memref<104857600xf32, #tpu.memory_space<hbm>> -> memref<32768xf32, #tpu.memory_space<hbm>>
      %dma_start3A_21 = tpu.memref_slice %arg6[%add3A_20] : memref<104857600xf32, #tpu.memory_space<hbm>> -> memref<32768xf32, #tpu.memory_space<hbm>>
      tpu.enqueue_dma source(%arg11 : memref<32768xf32, #tpu.memory_space<vmem>>) target(%dma_start3A_21 : memref<32768xf32, #tpu.memory_space<hbm>>) target_semaphore(%arg13 : memref<!tpu.dma_semaphore, #tpu.memory_space<semaphore_mem>>)
      %mul3A_22 = arith.constant 20 : i32
      %mul3A_23 = arith.muli %scan3A_14, %mul3A_22 : i32
      %add3A_24 = arith.constant 1 : i32
      %add3A_25 = arith.addi %mul3A_23, %add3A_24 : i32
      %mul3A_26 = arith.constant 32768 : i32
      %mul3A_27 = arith.muli %add3A_25, %mul3A_26 : i32
      %add3A_28 = arith.addi %mul3A_2, %mul3A_27 : i32
      %dma_start3A_29 = tpu.memref_slice %arg6[%add3A_28] : memref<104857600xf32, #tpu.memory_space<hbm>> -> memref<32768xf32, #tpu.memory_space<hbm>>
      %dma_start3A_30 = tpu.memref_slice %arg6[%add3A_28] : memref<104857600xf32, #tpu.memory_space<hbm>> -> memref<32768xf32, #tpu.memory_space<hbm>>
      tpu.enqueue_dma source(%arg11 : memref<32768xf32, #tpu.memory_space<vmem>>) target(%dma_start3A_30 : memref<32768xf32, #tpu.memory_space<hbm>>) target_semaphore(%arg13 : memref<!tpu.dma_semaphore, #tpu.memory_space<semaphore_mem>>)
      %mul3A_31 = arith.constant 20 : i32
      %mul3A_32 = arith.muli %scan3A_14, %mul3A_31 : i32
      %add3A_33 = arith.constant 2 : i32
      %add3A_34 = arith.addi %mul3A_32, %add3A_33 : i32
      %mul3A_35 = arith.constant 32768 : i32
      %mul3A_36 = arith.muli %add3A_34, %mul3A_35 : i32
      %add3A_37 = arith.addi %mul3A_2, %mul3A_36 : i32
      %dma_start3A_38 = tpu.memref_slice %arg6[%add3A_37] : memref<104857600xf32, #tpu.memory_space<hbm>> -> memref<32768xf32, #tpu.memory_space<hbm>>
      %dma_start3A_39 = tpu.memref_slice %arg6[%add3A_37] : memref<104857600xf32, #tpu.memory_space<hbm>> -> memref<32768xf32, #tpu.memory_space<hbm>>
      tpu.enqueue_dma source(%arg11 : memref<32768xf32, #tpu.memory_space<vmem>>) target(%dma_start3A_39 : memref<32768xf32, #tpu.memory_space<hbm>>) target_semaphore(%arg13 : memref<!tpu.dma_semaphore, #tpu.memory_space<semaphore_mem>>)
      %mul3A_40 = arith.constant 20 : i32
      %mul3A_41 = arith.muli %scan3A_14, %mul3A_40 : i32
      %add3A_42 = arith.constant 3 : i32
      %add3A_43 = arith.addi %mul3A_41, %add3A_42 : i32
      %mul3A_44 = arith.constant 32768 : i32
      %mul3A_45 = arith.muli %add3A_43, %mul3A_44 : i32
      %add3A_46 = arith.addi %mul3A_2, %mul3A_45 : i32
      %dma_start3A_47 = tpu.memref_slice %arg6[%add3A_46] : memref<104857600xf32, #tpu.memory_space<hbm>> -> memref<32768xf32, #tpu.memory_space<hbm>>
      %dma_start3A_48 = tpu.memref_slice %arg6[%add3A_46] : memref<104857600xf32, #tpu.memory_space<hbm>> -> memref<32768xf32, #tpu.memory_space<hbm>>
      tpu.enqueue_dma source(%arg11 : memref<32768xf32, #tpu.memory_space<vmem>>) target(%dma_start3A_48 : memref<32768xf32, #tpu.memory_space<hbm>>) target_semaphore(%arg13 : memref<!tpu.dma_semaphore, #tpu.memory_space<semaphore_mem>>)
      %mul3A_49 = arith.constant 20 : i32
      %mul3A_50 = arith.muli %scan3A_14, %mul3A_49 : i32
      %add3A_51 = arith.constant 4 : i32
      %add3A_52 = arith.addi %mul3A_50, %add3A_51 : i32
      %mul3A_53 = arith.constant 32768 : i32
      %mul3A_54 = arith.muli %add3A_52, %mul3A_53 : i32
      %add3A_55 = arith.addi %mul3A_2, %mul3A_54 : i32
      %dma_start3A_56 = tpu.memref_slice %arg6[%add3A_55] : memref<104857600xf32, #tpu.memory_space<hbm>> -> memref<32768xf32, #tpu.memory_space<hbm>>
      %dma_start3A_57 = tpu.memref_slice %arg6[%add3A_55] : memref<104857600xf32, #tpu.memory_space<hbm>> -> memref<32768xf32, #tpu.memory_space<hbm>>
      tpu.enqueue_dma source(%arg11 : memref<32768xf32, #tpu.memory_space<vmem>>) target(%dma_start3A_57 : memref<32768xf32, #tpu.memory_space<hbm>>) target_semaphore(%arg13 : memref<!tpu.dma_semaphore, #tpu.memory_space<semaphore_mem>>)
      %mul3A_58 = arith.constant 20 : i32
      %mul3A_59 = arith.muli %scan3A_14, %mul3A_58 : i32
      %add3A_60 = arith.constant 5 : i32
      %add3A_61 = arith.addi %mul3A_59, %add3A_60 : i32
      %mul3A_62 = arith.constant 32768 : i32
      %mul3A_63 = arith.muli %add3A_61, %mul3A_62 : i32
      %add3A_64 = arith.addi %mul3A_2, %mul3A_63 : i32
      %dma_start3A_65 = tpu.memref_slice %arg6[%add3A_64] : memref<104857600xf32, #tpu.memory_space<hbm>> -> memref<32768xf32, #tpu.memory_space<hbm>>
      %dma_start3A_66 = tpu.memref_slice %arg6[%add3A_64] : memref<104857600xf32, #tpu.memory_space<hbm>> -> memref<32768xf32, #tpu.memory_space<hbm>>
      tpu.enqueue_dma source(%arg11 : memref<32768xf32, #tpu.memory_space<vmem>>) target(%dma_start3A_66 : memref<32768xf32, #tpu.memory_space<hbm>>) target_semaphore(%arg13 : memref<!tpu.dma_semaphore, #tpu.memory_space<semaphore_mem>>)
      %mul3A_67 = arith.constant 20 : i32
      %mul3A_68 = arith.muli %scan3A_14, %mul3A_67 : i32
      %add3A_69 = arith.constant 6 : i32
      %add3A_70 = arith.addi %mul3A_68, %add3A_69 : i32
      %mul3A_71 = arith.constant 32768 : i32
      %mul3A_72 = arith.muli %add3A_70, %mul3A_71 : i32
      %add3A_73 = arith.addi %mul3A_2, %mul3A_72 : i32
      %dma_start3A_74 = tpu.memref_slice %arg6[%add3A_73] : memref<104857600xf32, #tpu.memory_space<hbm>> -> memref<32768xf32, #tpu.memory_space<hbm>>
      %dma_start3A_75 = tpu.memref_slice %arg6[%add3A_73] : memref<104857600xf32, #tpu.memory_space<hbm>> -> memref<32768xf32, #tpu.memory_space<hbm>>
      tpu.enqueue_dma source(%arg11 : memref<32768xf32, #tpu.memory_space<vmem>>) target(%dma_start3A_75 : memref<32768xf32, #tpu.memory_space<hbm>>) target_semaphore(%arg13 : memref<!tpu.dma_semaphore, #tpu.memory_space<semaphore_mem>>)
      %mul3A_76 = arith.constant 20 : i32
      %mul3A_77 = arith.muli %scan3A_14, %mul3A_76 : i32
      %add3A_78 = arith.constant 7 : i32
      %add3A_79 = arith.addi %mul3A_77, %add3A_78 : i32
      %mul3A_80 = arith.constant 32768 : i32
      %mul3A_81 = arith.muli %add3A_79, %mul3A_80 : i32
      %add3A_82 = arith.addi %mul3A_2, %mul3A_81 : i32
      %dma_start3A_83 = tpu.memref_slice %arg6[%add3A_82] : memref<104857600xf32, #tpu.memory_space<hbm>> -> memref<32768xf32, #tpu.memory_space<hbm>>
      %dma_start3A_84 = tpu.memref_slice %arg6[%add3A_82] : memref<104857600xf32, #tpu.memory_space<hbm>> -> memref<32768xf32, #tpu.memory_space<hbm>>
      tpu.enqueue_dma source(%arg11 : memref<32768xf32, #tpu.memory_space<vmem>>) target(%dma_start3A_84 : memref<32768xf32, #tpu.memory_space<hbm>>) target_semaphore(%arg13 : memref<!tpu.dma_semaphore, #tpu.memory_space<semaphore_mem>>)
      %mul3A_85 = arith.constant 20 : i32
      %mul3A_86 = arith.muli %scan3A_14, %mul3A_85 : i32
      %add3A_87 = arith.constant 8 : i32
      %add3A_88 = arith.addi %mul3A_86, %add3A_87 : i32
      %mul3A_89 = arith.constant 32768 : i32
      %mul3A_90 = arith.muli %add3A_88, %mul3A_89 : i32
      %add3A_91 = arith.addi %mul3A_2, %mul3A_90 : i32
      %dma_start3A_92 = tpu.memref_slice %arg6[%add3A_91] : memref<104857600xf32, #tpu.memory_space<hbm>> -> memref<32768xf32, #tpu.memory_space<hbm>>
      %dma_start3A_93 = tpu.memref_slice %arg6[%add3A_91] : memref<104857600xf32, #tpu.memory_space<hbm>> -> memref<32768xf32, #tpu.memory_space<hbm>>
      tpu.enqueue_dma source(%arg11 : memref<32768xf32, #tpu.memory_space<vmem>>) target(%dma_start3A_93 : memref<32768xf32, #tpu.memory_space<hbm>>) target_semaphore(%arg13 : memref<!tpu.dma_semaphore, #tpu.memory_space<semaphore_mem>>)
      %mul3A_94 = arith.constant 20 : i32
      %mul3A_95 = arith.muli %scan3A_14, %mul3A_94 : i32
      %add3A_96 = arith.constant 9 : i32
      %add3A_97 = arith.addi %mul3A_95, %add3A_96 : i32
      %mul3A_98 = arith.constant 32768 : i32
      %mul3A_99 = arith.muli %add3A_97, %mul3A_98 : i32
      %add3A_100 = arith.addi %mul3A_2, %mul3A_99 : i32
      %dma_start3A_101 = tpu.memref_slice %arg6[%add3A_100] : memref<104857600xf32, #tpu.memory_space<hbm>> -> memref<32768xf32, #tpu.memory_space<hbm>>
      %dma_start3A_102 = tpu.memref_slice %arg6[%add3A_100] : memref<104857600xf32, #tpu.memory_space<hbm>> -> memref<32768xf32, #tpu.memory_space<hbm>>
      tpu.enqueue_dma source(%arg11 : memref<32768xf32, #tpu.memory_space<vmem>>) target(%dma_start3A_102 : memref<32768xf32, #tpu.memory_space<hbm>>) target_semaphore(%arg13 : memref<!tpu.dma_semaphore, #tpu.memory_space<semaphore_mem>>)
      %mul3A_103 = arith.constant 20 : i32
      %mul3A_104 = arith.muli %scan3A_14, %mul3A_103 : i32
      %add3A_105 = arith.constant 10 : i32
      %add3A_106 = arith.addi %mul3A_104, %add3A_105 : i32
      %mul3A_107 = arith.constant 32768 : i32
      %mul3A_108 = arith.muli %add3A_106, %mul3A_107 : i32
      %add3A_109 = arith.addi %mul3A_2, %mul3A_108 : i32
      %dma_start3A_110 = tpu.memref_slice %arg6[%add3A_109] : memref<104857600xf32, #tpu.memory_space<hbm>> -> memref<32768xf32, #tpu.memory_space<hbm>>
      %dma_start3A_111 = tpu.memref_slice %arg6[%add3A_109] : memref<104857600xf32, #tpu.memory_space<hbm>> -> memref<32768xf32, #tpu.memory_space<hbm>>
      tpu.enqueue_dma source(%arg11 : memref<32768xf32, #tpu.memory_space<vmem>>) target(%dma_start3A_111 : memref<32768xf32, #tpu.memory_space<hbm>>) target_semaphore(%arg13 : memref<!tpu.dma_semaphore, #tpu.memory_space<semaphore_mem>>)
      %mul3A_112 = arith.constant 20 : i32
      %mul3A_113 = arith.muli %scan3A_14, %mul3A_112 : i32
      %add3A_114 = arith.constant 11 : i32
      %add3A_115 = arith.addi %mul3A_113, %add3A_114 : i32
      %mul3A_116 = arith.constant 32768 : i32
      %mul3A_117 = arith.muli %add3A_115, %mul3A_116 : i32
      %add3A_118 = arith.addi %mul3A_2, %mul3A_117 : i32
      %dma_start3A_119 = tpu.memref_slice %arg6[%add3A_118] : memref<104857600xf32, #tpu.memory_space<hbm>> -> memref<32768xf32, #tpu.memory_space<hbm>>
      %dma_start3A_120 = tpu.memref_slice %arg6[%add3A_118] : memref<104857600xf32, #tpu.memory_space<hbm>> -> memref<32768xf32, #tpu.memory_space<hbm>>
      tpu.enqueue_dma source(%arg11 : memref<32768xf32, #tpu.memory_space<vmem>>) target(%dma_start3A_120 : memref<32768xf32, #tpu.memory_space<hbm>>) target_semaphore(%arg13 : memref<!tpu.dma_semaphore, #tpu.memory_space<semaphore_mem>>)
      %mul3A_121 = arith.constant 20 : i32
      %mul3A_122 = arith.muli %scan3A_14, %mul3A_121 : i32
      %add3A_123 = arith.constant 12 : i32
      %add3A_124 = arith.addi %mul3A_122, %add3A_123 : i32
      %mul3A_125 = arith.constant 32768 : i32
      %mul3A_126 = arith.muli %add3A_124, %mul3A_125 : i32
      %add3A_127 = arith.addi %mul3A_2, %mul3A_126 : i32
      %dma_start3A_128 = tpu.memref_slice %arg6[%add3A_127] : memref<104857600xf32, #tpu.memory_space<hbm>> -> memref<32768xf32, #tpu.memory_space<hbm>>
      %dma_start3A_129 = tpu.memref_slice %arg6[%add3A_127] : memref<104857600xf32, #tpu.memory_space<hbm>> -> memref<32768xf32, #tpu.memory_space<hbm>>
      tpu.enqueue_dma source(%arg11 : memref<32768xf32, #tpu.memory_space<vmem>>) target(%dma_start3A_129 : memref<32768xf32, #tpu.memory_space<hbm>>) target_semaphore(%arg13 : memref<!tpu.dma_semaphore, #tpu.memory_space<semaphore_mem>>)
      %mul3A_130 = arith.constant 20 : i32
      %mul3A_131 = arith.muli %scan3A_14, %mul3A_130 : i32
      %add3A_132 = arith.constant 13 : i32
      %add3A_133 = arith.addi %mul3A_131, %add3A_132 : i32
      %mul3A_134 = arith.constant 32768 : i32
      %mul3A_135 = arith.muli %add3A_133, %mul3A_134 : i32
      %add3A_136 = arith.addi %mul3A_2, %mul3A_135 : i32
      %dma_start3A_137 = tpu.memref_slice %arg6[%add3A_136] : memref<104857600xf32, #tpu.memory_space<hbm>> -> memref<32768xf32, #tpu.memory_space<hbm>>
      %dma_start3A_138 = tpu.memref_slice %arg6[%add3A_136] : memref<104857600xf32, #tpu.memory_space<hbm>> -> memref<32768xf32, #tpu.memory_space<hbm>>
      tpu.enqueue_dma source(%arg11 : memref<32768xf32, #tpu.memory_space<vmem>>) target(%dma_start3A_138 : memref<32768xf32, #tpu.memory_space<hbm>>) target_semaphore(%arg13 : memref<!tpu.dma_semaphore, #tpu.memory_space<semaphore_mem>>)
      %mul3A_139 = arith.constant 20 : i32
      %mul3A_140 = arith.muli %scan3A_14, %mul3A_139 : i32
      %add3A_141 = arith.constant 14 : i32
      %add3A_142 = arith.addi %mul3A_140, %add3A_141 : i32
      %mul3A_143 = arith.constant 32768 : i32
      %mul3A_144 = arith.muli %add3A_142, %mul3A_143 : i32
      %add3A_145 = arith.addi %mul3A_2, %mul3A_144 : i32
      %dma_start3A_146 = tpu.memref_slice %arg6[%add3A_145] : memref<104857600xf32, #tpu.memory_space<hbm>> -> memref<32768xf32, #tpu.memory_space<hbm>>
      %dma_start3A_147 = tpu.memref_slice %arg6[%add3A_145] : memref<104857600xf32, #tpu.memory_space<hbm>> -> memref<32768xf32, #tpu.memory_space<hbm>>
      tpu.enqueue_dma source(%arg11 : memref<32768xf32, #tpu.memory_space<vmem>>) target(%dma_start3A_147 : memref<32768xf32, #tpu.memory_space<hbm>>) target_semaphore(%arg13 : memref<!tpu.dma_semaphore, #tpu.memory_space<semaphore_mem>>)
      %mul3A_148 = arith.constant 20 : i32
      %mul3A_149 = arith.muli %scan3A_14, %mul3A_148 : i32
      %add3A_150 = arith.constant 15 : i32
      %add3A_151 = arith.addi %mul3A_149, %add3A_150 : i32
      %mul3A_152 = arith.constant 32768 : i32
      %mul3A_153 = arith.muli %add3A_151, %mul3A_152 : i32
      %add3A_154 = arith.addi %mul3A_2, %mul3A_153 : i32
      %dma_start3A_155 = tpu.memref_slice %arg6[%add3A_154] : memref<104857600xf32, #tpu.memory_space<hbm>> -> memref<32768xf32, #tpu.memory_space<hbm>>
      %dma_start3A_156 = tpu.memref_slice %arg6[%add3A_154] : memref<104857600xf32, #tpu.memory_space<hbm>> -> memref<32768xf32, #tpu.memory_space<hbm>>
      tpu.enqueue_dma source(%arg11 : memref<32768xf32, #tpu.memory_space<vmem>>) target(%dma_start3A_156 : memref<32768xf32, #tpu.memory_space<hbm>>) target_semaphore(%arg13 : memref<!tpu.dma_semaphore, #tpu.memory_space<semaphore_mem>>)
      %mul3A_157 = arith.constant 20 : i32
      %mul3A_158 = arith.muli %scan3A_14, %mul3A_157 : i32
      %add3A_159 = arith.constant 16 : i32
      %add3A_160 = arith.addi %mul3A_158, %add3A_159 : i32
      %mul3A_161 = arith.constant 32768 : i32
      %mul3A_162 = arith.muli %add3A_160, %mul3A_161 : i32
      %add3A_163 = arith.addi %mul3A_2, %mul3A_162 : i32
      %dma_start3A_164 = tpu.memref_slice %arg6[%add3A_163] : memref<104857600xf32, #tpu.memory_space<hbm>> -> memref<32768xf32, #tpu.memory_space<hbm>>
      %dma_start3A_165 = tpu.memref_slice %arg6[%add3A_163] : memref<104857600xf32, #tpu.memory_space<hbm>> -> memref<32768xf32, #tpu.memory_space<hbm>>
      tpu.enqueue_dma source(%arg11 : memref<32768xf32, #tpu.memory_space<vmem>>) target(%dma_start3A_165 : memref<32768xf32, #tpu.memory_space<hbm>>) target_semaphore(%arg13 : memref<!tpu.dma_semaphore, #tpu.memory_space<semaphore_mem>>)
      %mul3A_166 = arith.constant 20 : i32
      %mul3A_167 = arith.muli %scan3A_14, %mul3A_166 : i32
      %add3A_168 = arith.constant 17 : i32
      %add3A_169 = arith.addi %mul3A_167, %add3A_168 : i32
      %mul3A_170 = arith.constant 32768 : i32
      %mul3A_171 = arith.muli %add3A_169, %mul3A_170 : i32
      %add3A_172 = arith.addi %mul3A_2, %mul3A_171 : i32
      %dma_start3A_173 = tpu.memref_slice %arg6[%add3A_172] : memref<104857600xf32, #tpu.memory_space<hbm>> -> memref<32768xf32, #tpu.memory_space<hbm>>
      %dma_start3A_174 = tpu.memref_slice %arg6[%add3A_172] : memref<104857600xf32, #tpu.memory_space<hbm>> -> memref<32768xf32, #tpu.memory_space<hbm>>
      tpu.enqueue_dma source(%arg11 : memref<32768xf32, #tpu.memory_space<vmem>>) target(%dma_start3A_174 : memref<32768xf32, #tpu.memory_space<hbm>>) target_semaphore(%arg13 : memref<!tpu.dma_semaphore, #tpu.memory_space<semaphore_mem>>)
      %mul3A_175 = arith.constant 20 : i32
      %mul3A_176 = arith.muli %scan3A_14, %mul3A_175 : i32
      %add3A_177 = arith.constant 18 : i32
      %add3A_178 = arith.addi %mul3A_176, %add3A_177 : i32
      %mul3A_179 = arith.constant 32768 : i32
      %mul3A_180 = arith.muli %add3A_178, %mul3A_179 : i32
      %add3A_181 = arith.addi %mul3A_2, %mul3A_180 : i32
      %dma_start3A_182 = tpu.memref_slice %arg6[%add3A_181] : memref<104857600xf32, #tpu.memory_space<hbm>> -> memref<32768xf32, #tpu.memory_space<hbm>>
      %dma_start3A_183 = tpu.memref_slice %arg6[%add3A_181] : memref<104857600xf32, #tpu.memory_space<hbm>> -> memref<32768xf32, #tpu.memory_space<hbm>>
      tpu.enqueue_dma source(%arg11 : memref<32768xf32, #tpu.memory_space<vmem>>) target(%dma_start3A_183 : memref<32768xf32, #tpu.memory_space<hbm>>) target_semaphore(%arg13 : memref<!tpu.dma_semaphore, #tpu.memory_space<semaphore_mem>>)
      %mul3A_184 = arith.constant 20 : i32
      %mul3A_185 = arith.muli %scan3A_14, %mul3A_184 : i32
      %add3A_186 = arith.constant 19 : i32
      %add3A_187 = arith.addi %mul3A_185, %add3A_186 : i32
      %mul3A_188 = arith.constant 32768 : i32
      %mul3A_189 = arith.muli %add3A_187, %mul3A_188 : i32
      %add3A_190 = arith.addi %mul3A_2, %mul3A_189 : i32
      %dma_start3A_191 = tpu.memref_slice %arg6[%add3A_190] : memref<104857600xf32, #tpu.memory_space<hbm>> -> memref<32768xf32, #tpu.memory_space<hbm>>
      %dma_start3A_192 = tpu.memref_slice %arg6[%add3A_190] : memref<104857600xf32, #tpu.memory_space<hbm>> -> memref<32768xf32, #tpu.memory_space<hbm>>
      tpu.enqueue_dma source(%arg11 : memref<32768xf32, #tpu.memory_space<vmem>>) target(%dma_start3A_192 : memref<32768xf32, #tpu.memory_space<hbm>>) target_semaphore(%arg13 : memref<!tpu.dma_semaphore, #tpu.memory_space<semaphore_mem>>)
      %mul3A_193 = arith.constant 16 : i32
      %mul3A_194 = arith.muli %scan3A_14, %mul3A_193 : i32
      %mul3A_195 = arith.constant 16 : i32
      %mul3A_196 = arith.muli %scan3A_14, %mul3A_195 : i32
      %add3A_197 = arith.constant 16 : i32
      %add3A_198 = arith.addi %mul3A_196, %add3A_197 : i32
      %while3A = arith.constant 0 : i32
      %while3A_199 = arith.subi %add3A_198, %mul3A_194 : i32
      %while3A_200 = arith.addi %mul3A_194, %while3A_199 : i32
      %while3A_201 = arith.constant 1 : i32
      %while3A_202 = arith.divsi %while3A_199, %while3A_201 : i32
      %while3A_203 = arith.muli %while3A_202, %while3A_201 : i32
      %while3A_204 = arith.addi %mul3A_194, %while3A_203 : i32
      %while3A_205 = arith.constant 1 : i32
      scf.for %while3A_246 = %mul3A_194 to %while3A_204 step %while3A_205  : i32 {
        %mul3A_247 = arith.constant 64 : i32
        %mul3A_248 = arith.muli %while3A_246, %mul3A_247 : i32
        %add3A_249 = arith.constant 0 : i32
        %add3A_250 = arith.addi %mul3A_248, %add3A_249 : i32
        %get3A = arith.index_cast %add3A_250 : i32 to index
        %get3A_251 = tpu.vector_load %arg7[%get3A] {strides = array<i32>} : memref<10240xi32, #tpu.memory_space<vmem>>, vector<16xi32>,
        %get3A_252 = vector.shape_cast %get3A_251 : vector<16xi32> to vector<16xi32>
        %get3A_253 = arith.index_cast %add3A_250 : i32 to index
        %get3A_254 = tpu.vector_load %arg8[%get3A_253] {strides = array<i32>} : memref<10240xi32, #tpu.memory_space<vmem>>, vector<16xi32>,
        %get3A_255 = vector.shape_cast %get3A_254 : vector<16xi32> to vector<16xi32>
        %mul3A_256 = arith.constant 10240 : i32
        %mul3A_257 = vector.broadcast %mul3A_256 : i32 to vector<16xi32>
        %mul3A_258 = arith.muli %get3A_255, %mul3A_257 : vector<16xi32>
        %add3A_259 = arith.addi %mul3A_258, %get3A_252 : vector<16xi32>
        %swap3A = arith.index_cast %while3A_246 : i32 to index
        %swap3A_260 = arith.constant 0 : index
        %swap3A_261 = tpu.vector_load %arg9[%swap3A, %swap3A_260] {strides = array<i32>} : memref<160x128xi32, #tpu.memory_space<vmem>>, vector<1x16xi32>,
        %swap3A_262 = vector.shape_cast %swap3A_261 : vector<1x16xi32> to vector<16xi32>
        %swap3A_263 = vector.shape_cast %add3A_259 : vector<16xi32> to vector<1x16xi32>
        tpu.vector_store %arg9[%swap3A, %swap3A_260], %swap3A_263 {strides = array<i32>} : memref<160x128xi32, #tpu.memory_space<vmem>>, vector<1x16xi32>,
        %mul3A_264 = arith.constant 10240 : i32
        %mul3A_265 = vector.broadcast %mul3A_264 : i32 to vector<16xi32>
        %mul3A_266 = arith.muli %get3A_252, %mul3A_265 : vector<16xi32>
        %add3A_267 = arith.addi %mul3A_266, %get3A_255 : vector<16xi32>
        %swap3A_268 = arith.index_cast %while3A_246 : i32 to index
        %swap3A_269 = arith.constant 64 : index
        %swap3A_270 = tpu.vector_load %arg9[%swap3A_268, %swap3A_269] {strides = array<i32>} : memref<160x128xi32, #tpu.memory_space<vmem>>, vector<1x16xi32>,
        %swap3A_271 = vector.shape_cast %swap3A_270 : vector<1x16xi32> to vector<16xi32>
        %swap3A_272 = vector.shape_cast %add3A_267 : vector<16xi32> to vector<1x16xi32>
        tpu.vector_store %arg9[%swap3A_268, %swap3A_269], %swap3A_272 {strides = array<i32>} : memref<160x128xi32, #tpu.memory_space<vmem>>, vector<1x16xi32>,
        %mul3A_273 = arith.constant 64 : i32
        %mul3A_274 = arith.muli %while3A_246, %mul3A_273 : i32
        %add3A_275 = arith.constant 16 : i32
        %add3A_276 = arith.addi %mul3A_274, %add3A_275 : i32
        %get3A_277 = arith.index_cast %add3A_276 : i32 to index
        %get3A_278 = tpu.vector_load %arg7[%get3A_277] {strides = array<i32>} : memref<10240xi32, #tpu.memory_space<vmem>>, vector<16xi32>,
        %get3A_279 = vector.shape_cast %get3A_278 : vector<16xi32> to vector<16xi32>
        %get3A_280 = arith.index_cast %add3A_276 : i32 to index
        %get3A_281 = tpu.vector_load %arg8[%get3A_280] {strides = array<i32>} : memref<10240xi32, #tpu.memory_space<vmem>>, vector<16xi32>,
        %get3A_282 = vector.shape_cast %get3A_281 : vector<16xi32> to vector<16xi32>
        %mul3A_283 = arith.constant 10240 : i32
        %mul3A_284 = vector.broadcast %mul3A_283 : i32 to vector<16xi32>
        %mul3A_285 = arith.muli %get3A_282, %mul3A_284 : vector<16xi32>
        %add3A_286 = arith.addi %mul3A_285, %get3A_279 : vector<16xi32>
        %swap3A_287 = arith.index_cast %while3A_246 : i32 to index
        %swap3A_288 = arith.constant 16 : index
        %swap3A_289 = tpu.vector_load %arg9[%swap3A_287, %swap3A_288] {strides = array<i32>} : memref<160x128xi32, #tpu.memory_space<vmem>>, vector<1x16xi32>,
        %swap3A_290 = vector.shape_cast %swap3A_289 : vector<1x16xi32> to vector<16xi32>
        %swap3A_291 = vector.shape_cast %add3A_286 : vector<16xi32> to vector<1x16xi32>
        tpu.vector_store %arg9[%swap3A_287, %swap3A_288], %swap3A_291 {strides = array<i32>} : memref<160x128xi32, #tpu.memory_space<vmem>>, vector<1x16xi32>,
        %mul3A_292 = arith.constant 10240 : i32
        %mul3A_293 = vector.broadcast %mul3A_292 : i32 to vector<16xi32>
        %mul3A_294 = arith.muli %get3A_279, %mul3A_293 : vector<16xi32>
        %add3A_295 = arith.addi %mul3A_294, %get3A_282 : vector<16xi32>
        %swap3A_296 = arith.index_cast %while3A_246 : i32 to index
        %swap3A_297 = arith.constant 80 : index
        %swap3A_298 = tpu.vector_load %arg9[%swap3A_296, %swap3A_297] {strides = array<i32>} : memref<160x128xi32, #tpu.memory_space<vmem>>, vector<1x16xi32>,
        %swap3A_299 = vector.shape_cast %swap3A_298 : vector<1x16xi32> to vector<16xi32>
        %swap3A_300 = vector.shape_cast %add3A_295 : vector<16xi32> to vector<1x16xi32>
        tpu.vector_store %arg9[%swap3A_296, %swap3A_297], %swap3A_300 {strides = array<i32>} : memref<160x128xi32, #tpu.memory_space<vmem>>, vector<1x16xi32>,
        %mul3A_301 = arith.constant 64 : i32
        %mul3A_302 = arith.muli %while3A_246, %mul3A_301 : i32
        %add3A_303 = arith.constant 32 : i32
        %add3A_304 = arith.addi %mul3A_302, %add3A_303 : i32
        %get3A_305 = arith.index_cast %add3A_304 : i32 to index
        %get3A_306 = tpu.vector_load %arg7[%get3A_305] {strides = array<i32>} : memref<10240xi32, #tpu.memory_space<vmem>>, vector<16xi32>,
        %get3A_307 = vector.shape_cast %get3A_306 : vector<16xi32> to vector<16xi32>
        %get3A_308 = arith.index_cast %add3A_304 : i32 to index
        %get3A_309 = tpu.vector_load %arg8[%get3A_308] {strides = array<i32>} : memref<10240xi32, #tpu.memory_space<vmem>>, vector<16xi32>,
        %get3A_310 = vector.shape_cast %get3A_309 : vector<16xi32> to vector<16xi32>
        %mul3A_311 = arith.constant 10240 : i32
        %mul3A_312 = vector.broadcast %mul3A_311 : i32 to vector<16xi32>
        %mul3A_313 = arith.muli %get3A_310, %mul3A_312 : vector<16xi32>
        %add3A_314 = arith.addi %mul3A_313, %get3A_307 : vector<16xi32>
        %swap3A_315 = arith.index_cast %while3A_246 : i32 to index
        %swap3A_316 = arith.constant 32 : index
        %swap3A_317 = tpu.vector_load %arg9[%swap3A_315, %swap3A_316] {strides = array<i32>} : memref<160x128xi32, #tpu.memory_space<vmem>>, vector<1x16xi32>,
        %swap3A_318 = vector.shape_cast %swap3A_317 : vector<1x16xi32> to vector<16xi32>
        %swap3A_319 = vector.shape_cast %add3A_314 : vector<16xi32> to vector<1x16xi32>
        tpu.vector_store %arg9[%swap3A_315, %swap3A_316], %swap3A_319 {strides = array<i32>} : memref<160x128xi32, #tpu.memory_space<vmem>>, vector<1x16xi32>,
        %mul3A_320 = arith.constant 10240 : i32
        %mul3A_321 = vector.broadcast %mul3A_320 : i32 to vector<16xi32>
        %mul3A_322 = arith.muli %get3A_307, %mul3A_321 : vector<16xi32>
        %add3A_323 = arith.addi %mul3A_322, %get3A_310 : vector<16xi32>
        %swap3A_324 = arith.index_cast %while3A_246 : i32 to index
        %swap3A_325 = arith.constant 96 : index
        %swap3A_326 = tpu.vector_load %arg9[%swap3A_324, %swap3A_325] {strides = array<i32>} : memref<160x128xi32, #tpu.memory_space<vmem>>, vector<1x16xi32>,
        %swap3A_327 = vector.shape_cast %swap3A_326 : vector<1x16xi32> to vector<16xi32>
        %swap3A_328 = vector.shape_cast %add3A_323 : vector<16xi32> to vector<1x16xi32>
        tpu.vector_store %arg9[%swap3A_324, %swap3A_325], %swap3A_328 {strides = array<i32>} : memref<160x128xi32, #tpu.memory_space<vmem>>, vector<1x16xi32>,
        %mul3A_329 = arith.constant 64 : i32
        %mul3A_330 = arith.muli %while3A_246, %mul3A_329 : i32
        %add3A_331 = arith.constant 48 : i32
        %add3A_332 = arith.addi %mul3A_330, %add3A_331 : i32
        %get3A_333 = arith.index_cast %add3A_332 : i32 to index
        %get3A_334 = tpu.vector_load %arg7[%get3A_333] {strides = array<i32>} : memref<10240xi32, #tpu.memory_space<vmem>>, vector<16xi32>,
        %get3A_335 = vector.shape_cast %get3A_334 : vector<16xi32> to vector<16xi32>
        %get3A_336 = arith.index_cast %add3A_332 : i32 to index
        %get3A_337 = tpu.vector_load %arg8[%get3A_336] {strides = array<i32>} : memref<10240xi32, #tpu.memory_space<vmem>>, vector<16xi32>,
        %get3A_338 = vector.shape_cast %get3A_337 : vector<16xi32> to vector<16xi32>
        %mul3A_339 = arith.constant 10240 : i32
        %mul3A_340 = vector.broadcast %mul3A_339 : i32 to vector<16xi32>
        %mul3A_341 = arith.muli %get3A_338, %mul3A_340 : vector<16xi32>
        %add3A_342 = arith.addi %mul3A_341, %get3A_335 : vector<16xi32>
        %swap3A_343 = arith.index_cast %while3A_246 : i32 to index
        %swap3A_344 = arith.constant 48 : index
        %swap3A_345 = tpu.vector_load %arg9[%swap3A_343, %swap3A_344] {strides = array<i32>} : memref<160x128xi32, #tpu.memory_space<vmem>>, vector<1x16xi32>,
        %swap3A_346 = vector.shape_cast %swap3A_345 : vector<1x16xi32> to vector<16xi32>
        %swap3A_347 = vector.shape_cast %add3A_342 : vector<16xi32> to vector<1x16xi32>
        tpu.vector_store %arg9[%swap3A_343, %swap3A_344], %swap3A_347 {strides = array<i32>} : memref<160x128xi32, #tpu.memory_space<vmem>>, vector<1x16xi32>,
        %mul3A_348 = arith.constant 10240 : i32
        %mul3A_349 = vector.broadcast %mul3A_348 : i32 to vector<16xi32>
        %mul3A_350 = arith.muli %get3A_335, %mul3A_349 : vector<16xi32>
        %add3A_351 = arith.addi %mul3A_350, %get3A_338 : vector<16xi32>
        %swap3A_352 = arith.index_cast %while3A_246 : i32 to index
        %swap3A_353 = arith.constant 112 : index
        %swap3A_354 = tpu.vector_load %arg9[%swap3A_352, %swap3A_353] {strides = array<i32>} : memref<160x128xi32, #tpu.memory_space<vmem>>, vector<1x16xi32>,
        %swap3A_355 = vector.shape_cast %swap3A_354 : vector<1x16xi32> to vector<16xi32>
        %swap3A_356 = vector.shape_cast %add3A_351 : vector<16xi32> to vector<1x16xi32>
        tpu.vector_store %arg9[%swap3A_352, %swap3A_353], %swap3A_356 {strides = array<i32>} : memref<160x128xi32, #tpu.memory_space<vmem>>, vector<1x16xi32>,
      }
      %while3A_206 = arith.constant 1 : i32
      scf.for %while3A_246 = %while3A_204 to %while3A_200 step %while3A_206  : i32 {
        %mul3A_247 = arith.constant 64 : i32
        %mul3A_248 = arith.muli %while3A_246, %mul3A_247 : i32
        %add3A_249 = arith.constant 0 : i32
        %add3A_250 = arith.addi %mul3A_248, %add3A_249 : i32
        %get3A = arith.index_cast %add3A_250 : i32 to index
        %get3A_251 = tpu.vector_load %arg7[%get3A] {strides = array<i32>} : memref<10240xi32, #tpu.memory_space<vmem>>, vector<16xi32>,
        %get3A_252 = vector.shape_cast %get3A_251 : vector<16xi32> to vector<16xi32>
        %get3A_253 = arith.index_cast %add3A_250 : i32 to index
        %get3A_254 = tpu.vector_load %arg8[%get3A_253] {strides = array<i32>} : memref<10240xi32, #tpu.memory_space<vmem>>, vector<16xi32>,
        %get3A_255 = vector.shape_cast %get3A_254 : vector<16xi32> to vector<16xi32>
        %mul3A_256 = arith.constant 10240 : i32
        %mul3A_257 = vector.broadcast %mul3A_256 : i32 to vector<16xi32>
        %mul3A_258 = arith.muli %get3A_255, %mul3A_257 : vector<16xi32>
        %add3A_259 = arith.addi %mul3A_258, %get3A_252 : vector<16xi32>
        %swap3A = arith.index_cast %while3A_246 : i32 to index
        %swap3A_260 = arith.constant 0 : index
        %swap3A_261 = tpu.vector_load %arg9[%swap3A, %swap3A_260] {strides = array<i32>} : memref<160x128xi32, #tpu.memory_space<vmem>>, vector<1x16xi32>,
        %swap3A_262 = vector.shape_cast %swap3A_261 : vector<1x16xi32> to vector<16xi32>
        %swap3A_263 = vector.shape_cast %add3A_259 : vector<16xi32> to vector<1x16xi32>
        tpu.vector_store %arg9[%swap3A, %swap3A_260], %swap3A_263 {strides = array<i32>} : memref<160x128xi32, #tpu.memory_space<vmem>>, vector<1x16xi32>,
        %mul3A_264 = arith.constant 10240 : i32
        %mul3A_265 = vector.broadcast %mul3A_264 : i32 to vector<16xi32>
        %mul3A_266 = arith.muli %get3A_252, %mul3A_265 : vector<16xi32>
        %add3A_267 = arith.addi %mul3A_266, %get3A_255 : vector<16xi32>
        %swap3A_268 = arith.index_cast %while3A_246 : i32 to index
        %swap3A_269 = arith.constant 64 : index
        %swap3A_270 = tpu.vector_load %arg9[%swap3A_268, %swap3A_269] {strides = array<i32>} : memref<160x128xi32, #tpu.memory_space<vmem>>, vector<1x16xi32>,
        %swap3A_271 = vector.shape_cast %swap3A_270 : vector<1x16xi32> to vector<16xi32>
        %swap3A_272 = vector.shape_cast %add3A_267 : vector<16xi32> to vector<1x16xi32>
        tpu.vector_store %arg9[%swap3A_268, %swap3A_269], %swap3A_272 {strides = array<i32>} : memref<160x128xi32, #tpu.memory_space<vmem>>, vector<1x16xi32>,
        %mul3A_273 = arith.constant 64 : i32
        %mul3A_274 = arith.muli %while3A_246, %mul3A_273 : i32
        %add3A_275 = arith.constant 16 : i32
        %add3A_276 = arith.addi %mul3A_274, %add3A_275 : i32
        %get3A_277 = arith.index_cast %add3A_276 : i32 to index
        %get3A_278 = tpu.vector_load %arg7[%get3A_277] {strides = array<i32>} : memref<10240xi32, #tpu.memory_space<vmem>>, vector<16xi32>,
        %get3A_279 = vector.shape_cast %get3A_278 : vector<16xi32> to vector<16xi32>
        %get3A_280 = arith.index_cast %add3A_276 : i32 to index
        %get3A_281 = tpu.vector_load %arg8[%get3A_280] {strides = array<i32>} : memref<10240xi32, #tpu.memory_space<vmem>>, vector<16xi32>,
        %get3A_282 = vector.shape_cast %get3A_281 : vector<16xi32> to vector<16xi32>
        %mul3A_283 = arith.constant 10240 : i32
        %mul3A_284 = vector.broadcast %mul3A_283 : i32 to vector<16xi32>
        %mul3A_285 = arith.muli %get3A_282, %mul3A_284 : vector<16xi32>
        %add3A_286 = arith.addi %mul3A_285, %get3A_279 : vector<16xi32>
        %swap3A_287 = arith.index_cast %while3A_246 : i32 to index
        %swap3A_288 = arith.constant 16 : index
        %swap3A_289 = tpu.vector_load %arg9[%swap3A_287, %swap3A_288] {strides = array<i32>} : memref<160x128xi32, #tpu.memory_space<vmem>>, vector<1x16xi32>,
        %swap3A_290 = vector.shape_cast %swap3A_289 : vector<1x16xi32> to vector<16xi32>
        %swap3A_291 = vector.shape_cast %add3A_286 : vector<16xi32> to vector<1x16xi32>
        tpu.vector_store %arg9[%swap3A_287, %swap3A_288], %swap3A_291 {strides = array<i32>} : memref<160x128xi32, #tpu.memory_space<vmem>>, vector<1x16xi32>,
        %mul3A_292 = arith.constant 10240 : i32
        %mul3A_293 = vector.broadcast %mul3A_292 : i32 to vector<16xi32>
        %mul3A_294 = arith.muli %get3A_279, %mul3A_293 : vector<16xi32>
        %add3A_295 = arith.addi %mul3A_294, %get3A_282 : vector<16xi32>
        %swap3A_296 = arith.index_cast %while3A_246 : i32 to index
        %swap3A_297 = arith.constant 80 : index
        %swap3A_298 = tpu.vector_load %arg9[%swap3A_296, %swap3A_297] {strides = array<i32>} : memref<160x128xi32, #tpu.memory_space<vmem>>, vector<1x16xi32>,
        %swap3A_299 = vector.shape_cast %swap3A_298 : vector<1x16xi32> to vector<16xi32>
        %swap3A_300 = vector.shape_cast %add3A_295 : vector<16xi32> to vector<1x16xi32>
        tpu.vector_store %arg9[%swap3A_296, %swap3A_297], %swap3A_300 {strides = array<i32>} : memref<160x128xi32, #tpu.memory_space<vmem>>, vector<1x16xi32>,
        %mul3A_301 = arith.constant 64 : i32
        %mul3A_302 = arith.muli %while3A_246, %mul3A_301 : i32
        %add3A_303 = arith.constant 32 : i32
        %add3A_304 = arith.addi %mul3A_302, %add3A_303 : i32
        %get3A_305 = arith.index_cast %add3A_304 : i32 to index
        %get3A_306 = tpu.vector_load %arg7[%get3A_305] {strides = array<i32>} : memref<10240xi32, #tpu.memory_space<vmem>>, vector<16xi32>,
        %get3A_307 = vector.shape_cast %get3A_306 : vector<16xi32> to vector<16xi32>
        %get3A_308 = arith.index_cast %add3A_304 : i32 to index
        %get3A_309 = tpu.vector_load %arg8[%get3A_308] {strides = array<i32>} : memref<10240xi32, #tpu.memory_space<vmem>>, vector<16xi32>,
        %get3A_310 = vector.shape_cast %get3A_309 : vector<16xi32> to vector<16xi32>
        %mul3A_311 = arith.constant 10240 : i32
        %mul3A_312 = vector.broadcast %mul3A_311 : i32 to vector<16xi32>
        %mul3A_313 = arith.muli %get3A_310, %mul3A_312 : vector<16xi32>
        %add3A_314 = arith.addi %mul3A_313, %get3A_307 : vector<16xi32>
        %swap3A_315 = arith.index_cast %while3A_246 : i32 to index
        %swap3A_316 = arith.constant 32 : index
        %swap3A_317 = tpu.vector_load %arg9[%swap3A_315, %swap3A_316] {strides = array<i32>} : memref<160x128xi32, #tpu.memory_space<vmem>>, vector<1x16xi32>,
        %swap3A_318 = vector.shape_cast %swap3A_317 : vector<1x16xi32> to vector<16xi32>
        %swap3A_319 = vector.shape_cast %add3A_314 : vector<16xi32> to vector<1x16xi32>
        tpu.vector_store %arg9[%swap3A_315, %swap3A_316], %swap3A_319 {strides = array<i32>} : memref<160x128xi32, #tpu.memory_space<vmem>>, vector<1x16xi32>,
        %mul3A_320 = arith.constant 10240 : i32
        %mul3A_321 = vector.broadcast %mul3A_320 : i32 to vector<16xi32>
        %mul3A_322 = arith.muli %get3A_307, %mul3A_321 : vector<16xi32>
        %add3A_323 = arith.addi %mul3A_322, %get3A_310 : vector<16xi32>
        %swap3A_324 = arith.index_cast %while3A_246 : i32 to index
        %swap3A_325 = arith.constant 96 : index
        %swap3A_326 = tpu.vector_load %arg9[%swap3A_324, %swap3A_325] {strides = array<i32>} : memref<160x128xi32, #tpu.memory_space<vmem>>, vector<1x16xi32>,
        %swap3A_327 = vector.shape_cast %swap3A_326 : vector<1x16xi32> to vector<16xi32>
        %swap3A_328 = vector.shape_cast %add3A_323 : vector<16xi32> to vector<1x16xi32>
        tpu.vector_store %arg9[%swap3A_324, %swap3A_325], %swap3A_328 {strides = array<i32>} : memref<160x128xi32, #tpu.memory_space<vmem>>, vector<1x16xi32>,
        %mul3A_329 = arith.constant 64 : i32
        %mul3A_330 = arith.muli %while3A_246, %mul3A_329 : i32
        %add3A_331 = arith.constant 48 : i32
        %add3A_332 = arith.addi %mul3A_330, %add3A_331 : i32
        %get3A_333 = arith.index_cast %add3A_332 : i32 to index
        %get3A_334 = tpu.vector_load %arg7[%get3A_333] {strides = array<i32>} : memref<10240xi32, #tpu.memory_space<vmem>>, vector<16xi32>,
        %get3A_335 = vector.shape_cast %get3A_334 : vector<16xi32> to vector<16xi32>
        %get3A_336 = arith.index_cast %add3A_332 : i32 to index
        %get3A_337 = tpu.vector_load %arg8[%get3A_336] {strides = array<i32>} : memref<10240xi32, #tpu.memory_space<vmem>>, vector<16xi32>,
        %get3A_338 = vector.shape_cast %get3A_337 : vector<16xi32> to vector<16xi32>
        %mul3A_339 = arith.constant 10240 : i32
        %mul3A_340 = vector.broadcast %mul3A_339 : i32 to vector<16xi32>
        %mul3A_341 = arith.muli %get3A_338, %mul3A_340 : vector<16xi32>
        %add3A_342 = arith.addi %mul3A_341, %get3A_335 : vector<16xi32>
        %swap3A_343 = arith.index_cast %while3A_246 : i32 to index
        %swap3A_344 = arith.constant 48 : index
        %swap3A_345 = tpu.vector_load %arg9[%swap3A_343, %swap3A_344] {strides = array<i32>} : memref<160x128xi32, #tpu.memory_space<vmem>>, vector<1x16xi32>,
        %swap3A_346 = vector.shape_cast %swap3A_345 : vector<1x16xi32> to vector<16xi32>
        %swap3A_347 = vector.shape_cast %add3A_342 : vector<16xi32> to vector<1x16xi32>
        tpu.vector_store %arg9[%swap3A_343, %swap3A_344], %swap3A_347 {strides = array<i32>} : memref<160x128xi32, #tpu.memory_space<vmem>>, vector<1x16xi32>,
        %mul3A_348 = arith.constant 10240 : i32
        %mul3A_349 = vector.broadcast %mul3A_348 : i32 to vector<16xi32>
        %mul3A_350 = arith.muli %get3A_335, %mul3A_349 : vector<16xi32>
        %add3A_351 = arith.addi %mul3A_350, %get3A_338 : vector<16xi32>
        %swap3A_352 = arith.index_cast %while3A_246 : i32 to index
        %swap3A_353 = arith.constant 112 : index
        %swap3A_354 = tpu.vector_load %arg9[%swap3A_352, %swap3A_353] {strides = array<i32>} : memref<160x128xi32, #tpu.memory_space<vmem>>, vector<1x16xi32>,
        %swap3A_355 = vector.shape_cast %swap3A_354 : vector<1x16xi32> to vector<16xi32>
        %swap3A_356 = vector.shape_cast %add3A_351 : vector<16xi32> to vector<1x16xi32>
        tpu.vector_store %arg9[%swap3A_352, %swap3A_353], %swap3A_356 {strides = array<i32>} : memref<160x128xi32, #tpu.memory_space<vmem>>, vector<1x16xi32>,
      }
      %dma_wait3A = tpu.memref_slice %arg6[%add3A_20] : memref<104857600xf32, #tpu.memory_space<hbm>> -> memref<32768xf32, #tpu.memory_space<hbm>>
      %dma_wait3A_207 = tpu.memref_slice %arg6[%add3A_20] : memref<104857600xf32, #tpu.memory_space<hbm>> -> memref<32768xf32, #tpu.memory_space<hbm>>
      tpu.wait_dma2 semaphore(%arg13 : memref<!tpu.dma_semaphore, #tpu.memory_space<semaphore_mem>>) src(%arg11 : memref<32768xf32, #tpu.memory_space<vmem>>) dst(%dma_wait3A_207 : memref<32768xf32, #tpu.memory_space<hbm>>)
      %dma_wait3A_208 = tpu.memref_slice %arg6[%add3A_28] : memref<104857600xf32, #tpu.memory_space<hbm>> -> memref<32768xf32, #tpu.memory_space<hbm>>
      %dma_wait3A_209 = tpu.memref_slice %arg6[%add3A_28] : memref<104857600xf32, #tpu.memory_space<hbm>> -> memref<32768xf32, #tpu.memory_space<hbm>>
      tpu.wait_dma2 semaphore(%arg13 : memref<!tpu.dma_semaphore, #tpu.memory_space<semaphore_mem>>) src(%arg11 : memref<32768xf32, #tpu.memory_space<vmem>>) dst(%dma_wait3A_209 : memref<32768xf32, #tpu.memory_space<hbm>>)
      %dma_wait3A_210 = tpu.memref_slice %arg6[%add3A_37] : memref<104857600xf32, #tpu.memory_space<hbm>> -> memref<32768xf32, #tpu.memory_space<hbm>>
      %dma_wait3A_211 = tpu.memref_slice %arg6[%add3A_37] : memref<104857600xf32, #tpu.memory_space<hbm>> -> memref<32768xf32, #tpu.memory_space<hbm>>
      tpu.wait_dma2 semaphore(%arg13 : memref<!tpu.dma_semaphore, #tpu.memory_space<semaphore_mem>>) src(%arg11 : memref<32768xf32, #tpu.memory_space<vmem>>) dst(%dma_wait3A_211 : memref<32768xf32, #tpu.memory_space<hbm>>)
      %dma_wait3A_212 = tpu.memref_slice %arg6[%add3A_46] : memref<104857600xf32, #tpu.memory_space<hbm>> -> memref<32768xf32, #tpu.memory_space<hbm>>
      %dma_wait3A_213 = tpu.memref_slice %arg6[%add3A_46] : memref<104857600xf32, #tpu.memory_space<hbm>> -> memref<32768xf32, #tpu.memory_space<hbm>>
      tpu.wait_dma2 semaphore(%arg13 : memref<!tpu.dma_semaphore, #tpu.memory_space<semaphore_mem>>) src(%arg11 : memref<32768xf32, #tpu.memory_space<vmem>>) dst(%dma_wait3A_213 : memref<32768xf32, #tpu.memory_space<hbm>>)
      %dma_wait3A_214 = tpu.memref_slice %arg6[%add3A_55] : memref<104857600xf32, #tpu.memory_space<hbm>> -> memref<32768xf32, #tpu.memory_space<hbm>>
      %dma_wait3A_215 = tpu.memref_slice %arg6[%add3A_55] : memref<104857600xf32, #tpu.memory_space<hbm>> -> memref<32768xf32, #tpu.memory_space<hbm>>
      tpu.wait_dma2 semaphore(%arg13 : memref<!tpu.dma_semaphore, #tpu.memory_space<semaphore_mem>>) src(%arg11 : memref<32768xf32, #tpu.memory_space<vmem>>) dst(%dma_wait3A_215 : memref<32768xf32, #tpu.memory_space<hbm>>)
      %dma_wait3A_216 = tpu.memref_slice %arg6[%add3A_64] : memref<104857600xf32, #tpu.memory_space<hbm>> -> memref<32768xf32, #tpu.memory_space<hbm>>
      %dma_wait3A_217 = tpu.memref_slice %arg6[%add3A_64] : memref<104857600xf32, #tpu.memory_space<hbm>> -> memref<32768xf32, #tpu.memory_space<hbm>>
      tpu.wait_dma2 semaphore(%arg13 : memref<!tpu.dma_semaphore, #tpu.memory_space<semaphore_mem>>) src(%arg11 : memref<32768xf32, #tpu.memory_space<vmem>>) dst(%dma_wait3A_217 : memref<32768xf32, #tpu.memory_space<hbm>>)
      %dma_wait3A_218 = tpu.memref_slice %arg6[%add3A_73] : memref<104857600xf32, #tpu.memory_space<hbm>> -> memref<32768xf32, #tpu.memory_space<hbm>>
      %dma_wait3A_219 = tpu.memref_slice %arg6[%add3A_73] : memref<104857600xf32, #tpu.memory_space<hbm>> -> memref<32768xf32, #tpu.memory_space<hbm>>
      tpu.wait_dma2 semaphore(%arg13 : memref<!tpu.dma_semaphore, #tpu.memory_space<semaphore_mem>>) src(%arg11 : memref<32768xf32, #tpu.memory_space<vmem>>) dst(%dma_wait3A_219 : memref<32768xf32, #tpu.memory_space<hbm>>)
      %dma_wait3A_220 = tpu.memref_slice %arg6[%add3A_82] : memref<104857600xf32, #tpu.memory_space<hbm>> -> memref<32768xf32, #tpu.memory_space<hbm>>
      %dma_wait3A_221 = tpu.memref_slice %arg6[%add3A_82] : memref<104857600xf32, #tpu.memory_space<hbm>> -> memref<32768xf32, #tpu.memory_space<hbm>>
      tpu.wait_dma2 semaphore(%arg13 : memref<!tpu.dma_semaphore, #tpu.memory_space<semaphore_mem>>) src(%arg11 : memref<32768xf32, #tpu.memory_space<vmem>>) dst(%dma_wait3A_221 : memref<32768xf32, #tpu.memory_space<hbm>>)
      %dma_wait3A_222 = tpu.memref_slice %arg6[%add3A_91] : memref<104857600xf32, #tpu.memory_space<hbm>> -> memref<32768xf32, #tpu.memory_space<hbm>>
      %dma_wait3A_223 = tpu.memref_slice %arg6[%add3A_91] : memref<104857600xf32, #tpu.memory_space<hbm>> -> memref<32768xf32, #tpu.memory_space<hbm>>
      tpu.wait_dma2 semaphore(%arg13 : memref<!tpu.dma_semaphore, #tpu.memory_space<semaphore_mem>>) src(%arg11 : memref<32768xf32, #tpu.memory_space<vmem>>) dst(%dma_wait3A_223 : memref<32768xf32, #tpu.memory_space<hbm>>)
      %dma_wait3A_224 = tpu.memref_slice %arg6[%add3A_100] : memref<104857600xf32, #tpu.memory_space<hbm>> -> memref<32768xf32, #tpu.memory_space<hbm>>
      %dma_wait3A_225 = tpu.memref_slice %arg6[%add3A_100] : memref<104857600xf32, #tpu.memory_space<hbm>> -> memref<32768xf32, #tpu.memory_space<hbm>>
      tpu.wait_dma2 semaphore(%arg13 : memref<!tpu.dma_semaphore, #tpu.memory_space<semaphore_mem>>) src(%arg11 : memref<32768xf32, #tpu.memory_space<vmem>>) dst(%dma_wait3A_225 : memref<32768xf32, #tpu.memory_space<hbm>>)
      %dma_wait3A_226 = tpu.memref_slice %arg6[%add3A_109] : memref<104857600xf32, #tpu.memory_space<hbm>> -> memref<32768xf32, #tpu.memory_space<hbm>>
      %dma_wait3A_227 = tpu.memref_slice %arg6[%add3A_109] : memref<104857600xf32, #tpu.memory_space<hbm>> -> memref<32768xf32, #tpu.memory_space<hbm>>
      tpu.wait_dma2 semaphore(%arg13 : memref<!tpu.dma_semaphore, #tpu.memory_space<semaphore_mem>>) src(%arg11 : memref<32768xf32, #tpu.memory_space<vmem>>) dst(%dma_wait3A_227 : memref<32768xf32, #tpu.memory_space<hbm>>)
      %dma_wait3A_228 = tpu.memref_slice %arg6[%add3A_118] : memref<104857600xf32, #tpu.memory_space<hbm>> -> memref<32768xf32, #tpu.memory_space<hbm>>
      %dma_wait3A_229 = tpu.memref_slice %arg6[%add3A_118] : memref<104857600xf32, #tpu.memory_space<hbm>> -> memref<32768xf32, #tpu.memory_space<hbm>>
      tpu.wait_dma2 semaphore(%arg13 : memref<!tpu.dma_semaphore, #tpu.memory_space<semaphore_mem>>) src(%arg11 : memref<32768xf32, #tpu.memory_space<vmem>>) dst(%dma_wait3A_229 : memref<32768xf32, #tpu.memory_space<hbm>>)
      %dma_wait3A_230 = tpu.memref_slice %arg6[%add3A_127] : memref<104857600xf32, #tpu.memory_space<hbm>> -> memref<32768xf32, #tpu.memory_space<hbm>>
      %dma_wait3A_231 = tpu.memref_slice %arg6[%add3A_127] : memref<104857600xf32, #tpu.memory_space<hbm>> -> memref<32768xf32, #tpu.memory_space<hbm>>
      tpu.wait_dma2 semaphore(%arg13 : memref<!tpu.dma_semaphore, #tpu.memory_space<semaphore_mem>>) src(%arg11 : memref<32768xf32, #tpu.memory_space<vmem>>) dst(%dma_wait3A_231 : memref<32768xf32, #tpu.memory_space<hbm>>)
      %dma_wait3A_232 = tpu.memref_slice %arg6[%add3A_136] : memref<104857600xf32, #tpu.memory_space<hbm>> -> memref<32768xf32, #tpu.memory_space<hbm>>
      %dma_wait3A_233 = tpu.memref_slice %arg6[%add3A_136] : memref<104857600xf32, #tpu.memory_space<hbm>> -> memref<32768xf32, #tpu.memory_space<hbm>>
      tpu.wait_dma2 semaphore(%arg13 : memref<!tpu.dma_semaphore, #tpu.memory_space<semaphore_mem>>) src(%arg11 : memref<32768xf32, #tpu.memory_space<vmem>>) dst(%dma_wait3A_233 : memref<32768xf32, #tpu.memory_space<hbm>>)
      %dma_wait3A_234 = tpu.memref_slice %arg6[%add3A_145] : memref<104857600xf32, #tpu.memory_space<hbm>> -> memref<32768xf32, #tpu.memory_space<hbm>>
      %dma_wait3A_235 = tpu.memref_slice %arg6[%add3A_145] : memref<104857600xf32, #tpu.memory_space<hbm>> -> memref<32768xf32, #tpu.memory_space<hbm>>
      tpu.wait_dma2 semaphore(%arg13 : memref<!tpu.dma_semaphore, #tpu.memory_space<semaphore_mem>>) src(%arg11 : memref<32768xf32, #tpu.memory_space<vmem>>) dst(%dma_wait3A_235 : memref<32768xf32, #tpu.memory_space<hbm>>)
      %dma_wait3A_236 = tpu.memref_slice %arg6[%add3A_154] : memref<104857600xf32, #tpu.memory_space<hbm>> -> memref<32768xf32, #tpu.memory_space<hbm>>
      %dma_wait3A_237 = tpu.memref_slice %arg6[%add3A_154] : memref<104857600xf32, #tpu.memory_space<hbm>> -> memref<32768xf32, #tpu.memory_space<hbm>>
      tpu.wait_dma2 semaphore(%arg13 : memref<!tpu.dma_semaphore, #tpu.memory_space<semaphore_mem>>) src(%arg11 : memref<32768xf32, #tpu.memory_space<vmem>>) dst(%dma_wait3A_237 : memref<32768xf32, #tpu.memory_space<hbm>>)
      %dma_wait3A_238 = tpu.memref_slice %arg6[%add3A_163] : memref<104857600xf32, #tpu.memory_space<hbm>> -> memref<32768xf32, #tpu.memory_space<hbm>>
      %dma_wait3A_239 = tpu.memref_slice %arg6[%add3A_163] : memref<104857600xf32, #tpu.memory_space<hbm>> -> memref<32768xf32, #tpu.memory_space<hbm>>
      tpu.wait_dma2 semaphore(%arg13 : memref<!tpu.dma_semaphore, #tpu.memory_space<semaphore_mem>>) src(%arg11 : memref<32768xf32, #tpu.memory_space<vmem>>) dst(%dma_wait3A_239 : memref<32768xf32, #tpu.memory_space<hbm>>)
      %dma_wait3A_240 = tpu.memref_slice %arg6[%add3A_172] : memref<104857600xf32, #tpu.memory_space<hbm>> -> memref<32768xf32, #tpu.memory_space<hbm>>
      %dma_wait3A_241 = tpu.memref_slice %arg6[%add3A_172] : memref<104857600xf32, #tpu.memory_space<hbm>> -> memref<32768xf32, #tpu.memory_space<hbm>>
      tpu.wait_dma2 semaphore(%arg13 : memref<!tpu.dma_semaphore, #tpu.memory_space<semaphore_mem>>) src(%arg11 : memref<32768xf32, #tpu.memory_space<vmem>>) dst(%dma_wait3A_241 : memref<32768xf32, #tpu.memory_space<hbm>>)
      %dma_wait3A_242 = tpu.memref_slice %arg6[%add3A_181] : memref<104857600xf32, #tpu.memory_space<hbm>> -> memref<32768xf32, #tpu.memory_space<hbm>>
      %dma_wait3A_243 = tpu.memref_slice %arg6[%add3A_181] : memref<104857600xf32, #tpu.memory_space<hbm>> -> memref<32768xf32, #tpu.memory_space<hbm>>
      tpu.wait_dma2 semaphore(%arg13 : memref<!tpu.dma_semaphore, #tpu.memory_space<semaphore_mem>>) src(%arg11 : memref<32768xf32, #tpu.memory_space<vmem>>) dst(%dma_wait3A_243 : memref<32768xf32, #tpu.memory_space<hbm>>)
      %dma_wait3A_244 = tpu.memref_slice %arg6[%add3A_190] : memref<104857600xf32, #tpu.memory_space<hbm>> -> memref<32768xf32, #tpu.memory_space<hbm>>
      %dma_wait3A_245 = tpu.memref_slice %arg6[%add3A_190] : memref<104857600xf32, #tpu.memory_space<hbm>> -> memref<32768xf32, #tpu.memory_space<hbm>>
      tpu.wait_dma2 semaphore(%arg13 : memref<!tpu.dma_semaphore, #tpu.memory_space<semaphore_mem>>) src(%arg11 : memref<32768xf32, #tpu.memory_space<vmem>>) dst(%dma_wait3A_245 : memref<32768xf32, #tpu.memory_space<hbm>>)
    }
    %scan3A_7 = arith.constant 10 : i32
    %barrier3A = arith.constant 0 : index
    tpu.barrier barrier_id(%barrier3A)
    %scan3A_8 = arith.constant 0 : i32
    %scan3A_9 = arith.constant 0 : i32
    %scan3A_10 = arith.constant 5 : i32
    %scan3A_11 = arith.addi %scan3A_9, %scan3A_10 : i32
    %scan3A_12 = arith.constant 1 : i32
    scf.for %scan3A_14 = %scan3A_9 to %scan3A_11 step %scan3A_12  : i32 {
      %mul3A_15 = arith.constant 32 : i32
      %mul3A_16 = arith.muli %scan3A_14, %mul3A_15 : i32
      %add3A = arith.constant 0 : i32
      %add3A_17 = arith.addi %mul3A_16, %add3A : i32
      %mul3A_18 = arith.constant 32 : i32
      %mul3A_19 = arith.muli %scan3A_14, %mul3A_18 : i32
      %add3A_20 = arith.constant 0 : i32
      %add3A_21 = arith.addi %mul3A_19, %add3A_20 : i32
      %dma_start3A = arith.constant 0 : i32
      %dma_start3A_22 = tpu.memref_slice %arg10[%add3A_17, %dma_start3A] : memref<160x128xf32, #tpu.memory_space<vmem>> -> memref<1x128xf32, #tpu.memory_space<vmem>>
      %dma_start3A_23 = tpu.memref_squeeze %dma_start3A_22 : memref<1x128xf32, #tpu.memory_space<vmem>> -> memref<128xf32, #tpu.memory_space<vmem>>
      %dma_start3A_24 = arith.constant 0 : i32
      %dma_start3A_25 = tpu.memref_slice %arg9[%add3A_21, %dma_start3A_24] : memref<160x128xi32, #tpu.memory_space<vmem>> -> memref<1x128xi32, #tpu.memory_space<vmem>>
      %dma_start3A_26 = tpu.memref_squeeze %dma_start3A_25 : memref<1x128xi32, #tpu.memory_space<vmem>> -> memref<128xi32, #tpu.memory_space<vmem>>
      %dma_start3A_27 = arith.constant 0 : i32
      %dma_start3A_28 = tpu.memref_slice %arg6[%dma_start3A_27] : memref<104857600xf32, #tpu.memory_space<hbm>> -> memref<104857600xf32, #tpu.memory_space<hbm>>
      tpu.enqueue_indirect_dma source(%dma_start3A_23 : memref<128xf32, #tpu.memory_space<vmem>>) target(%dma_start3A_28 : memref<104857600xf32, #tpu.memory_space<hbm>>) offsets(%dma_start3A_26 : memref<128xi32, #tpu.memory_space<vmem>>) semaphore(%arg12 : memref<!tpu.dma_semaphore, #tpu.memory_space<semaphore_mem>>)
      %mul3A_29 = arith.constant 32 : i32
      %mul3A_30 = arith.muli %scan3A_14, %mul3A_29 : i32
      %add3A_31 = arith.constant 1 : i32
      %add3A_32 = arith.addi %mul3A_30, %add3A_31 : i32
      %mul3A_33 = arith.constant 32 : i32
      %mul3A_34 = arith.muli %scan3A_14, %mul3A_33 : i32
      %add3A_35 = arith.constant 1 : i32
      %add3A_36 = arith.addi %mul3A_34, %add3A_35 : i32
      %dma_start3A_37 = arith.constant 0 : i32
      %dma_start3A_38 = tpu.memref_slice %arg10[%add3A_32, %dma_start3A_37] : memref<160x128xf32, #tpu.memory_space<vmem>> -> memref<1x128xf32, #tpu.memory_space<vmem>>
      %dma_start3A_39 = tpu.memref_squeeze %dma_start3A_38 : memref<1x128xf32, #tpu.memory_space<vmem>> -> memref<128xf32, #tpu.memory_space<vmem>>
      %dma_start3A_40 = arith.constant 0 : i32
      %dma_start3A_41 = tpu.memref_slice %arg9[%add3A_36, %dma_start3A_40] : memref<160x128xi32, #tpu.memory_space<vmem>> -> memref<1x128xi32, #tpu.memory_space<vmem>>
      %dma_start3A_42 = tpu.memref_squeeze %dma_start3A_41 : memref<1x128xi32, #tpu.memory_space<vmem>> -> memref<128xi32, #tpu.memory_space<vmem>>
      %dma_start3A_43 = arith.constant 0 : i32
      %dma_start3A_44 = tpu.memref_slice %arg6[%dma_start3A_43] : memref<104857600xf32, #tpu.memory_space<hbm>> -> memref<104857600xf32, #tpu.memory_space<hbm>>
      tpu.enqueue_indirect_dma source(%dma_start3A_39 : memref<128xf32, #tpu.memory_space<vmem>>) target(%dma_start3A_44 : memref<104857600xf32, #tpu.memory_space<hbm>>) offsets(%dma_start3A_42 : memref<128xi32, #tpu.memory_space<vmem>>) semaphore(%arg12 : memref<!tpu.dma_semaphore, #tpu.memory_space<semaphore_mem>>)
      %mul3A_45 = arith.constant 32 : i32
      %mul3A_46 = arith.muli %scan3A_14, %mul3A_45 : i32
      %add3A_47 = arith.constant 2 : i32
      %add3A_48 = arith.addi %mul3A_46, %add3A_47 : i32
      %mul3A_49 = arith.constant 32 : i32
      %mul3A_50 = arith.muli %scan3A_14, %mul3A_49 : i32
      %add3A_51 = arith.constant 2 : i32
      %add3A_52 = arith.addi %mul3A_50, %add3A_51 : i32
      %dma_start3A_53 = arith.constant 0 : i32
      %dma_start3A_54 = tpu.memref_slice %arg10[%add3A_48, %dma_start3A_53] : memref<160x128xf32, #tpu.memory_space<vmem>> -> memref<1x128xf32, #tpu.memory_space<vmem>>
      %dma_start3A_55 = tpu.memref_squeeze %dma_start3A_54 : memref<1x128xf32, #tpu.memory_space<vmem>> -> memref<128xf32, #tpu.memory_space<vmem>>
      %dma_start3A_56 = arith.constant 0 : i32
      %dma_start3A_57 = tpu.memref_slice %arg9[%add3A_52, %dma_start3A_56] : memref<160x128xi32, #tpu.memory_space<vmem>> -> memref<1x128xi32, #tpu.memory_space<vmem>>
      %dma_start3A_58 = tpu.memref_squeeze %dma_start3A_57 : memref<1x128xi32, #tpu.memory_space<vmem>> -> memref<128xi32, #tpu.memory_space<vmem>>
      %dma_start3A_59 = arith.constant 0 : i32
      %dma_start3A_60 = tpu.memref_slice %arg6[%dma_start3A_59] : memref<104857600xf32, #tpu.memory_space<hbm>> -> memref<104857600xf32, #tpu.memory_space<hbm>>
      tpu.enqueue_indirect_dma source(%dma_start3A_55 : memref<128xf32, #tpu.memory_space<vmem>>) target(%dma_start3A_60 : memref<104857600xf32, #tpu.memory_space<hbm>>) offsets(%dma_start3A_58 : memref<128xi32, #tpu.memory_space<vmem>>) semaphore(%arg12 : memref<!tpu.dma_semaphore, #tpu.memory_space<semaphore_mem>>)
      %mul3A_61 = arith.constant 32 : i32
      %mul3A_62 = arith.muli %scan3A_14, %mul3A_61 : i32
      %add3A_63 = arith.constant 3 : i32
      %add3A_64 = arith.addi %mul3A_62, %add3A_63 : i32
      %mul3A_65 = arith.constant 32 : i32
      %mul3A_66 = arith.muli %scan3A_14, %mul3A_65 : i32
      %add3A_67 = arith.constant 3 : i32
      %add3A_68 = arith.addi %mul3A_66, %add3A_67 : i32
      %dma_start3A_69 = arith.constant 0 : i32
      %dma_start3A_70 = tpu.memref_slice %arg10[%add3A_64, %dma_start3A_69] : memref<160x128xf32, #tpu.memory_space<vmem>> -> memref<1x128xf32, #tpu.memory_space<vmem>>
      %dma_start3A_71 = tpu.memref_squeeze %dma_start3A_70 : memref<1x128xf32, #tpu.memory_space<vmem>> -> memref<128xf32, #tpu.memory_space<vmem>>
      %dma_start3A_72 = arith.constant 0 : i32
      %dma_start3A_73 = tpu.memref_slice %arg9[%add3A_68, %dma_start3A_72] : memref<160x128xi32, #tpu.memory_space<vmem>> -> memref<1x128xi32, #tpu.memory_space<vmem>>
      %dma_start3A_74 = tpu.memref_squeeze %dma_start3A_73 : memref<1x128xi32, #tpu.memory_space<vmem>> -> memref<128xi32, #tpu.memory_space<vmem>>
      %dma_start3A_75 = arith.constant 0 : i32
      %dma_start3A_76 = tpu.memref_slice %arg6[%dma_start3A_75] : memref<104857600xf32, #tpu.memory_space<hbm>> -> memref<104857600xf32, #tpu.memory_space<hbm>>
      tpu.enqueue_indirect_dma source(%dma_start3A_71 : memref<128xf32, #tpu.memory_space<vmem>>) target(%dma_start3A_76 : memref<104857600xf32, #tpu.memory_space<hbm>>) offsets(%dma_start3A_74 : memref<128xi32, #tpu.memory_space<vmem>>) semaphore(%arg12 : memref<!tpu.dma_semaphore, #tpu.memory_space<semaphore_mem>>)
      %mul3A_77 = arith.constant 32 : i32
      %mul3A_78 = arith.muli %scan3A_14, %mul3A_77 : i32
      %add3A_79 = arith.constant 4 : i32
      %add3A_80 = arith.addi %mul3A_78, %add3A_79 : i32
      %mul3A_81 = arith.constant 32 : i32
      %mul3A_82 = arith.muli %scan3A_14, %mul3A_81 : i32
      %add3A_83 = arith.constant 4 : i32
      %add3A_84 = arith.addi %mul3A_82, %add3A_83 : i32
      %dma_start3A_85 = arith.constant 0 : i32
      %dma_start3A_86 = tpu.memref_slice %arg10[%add3A_80, %dma_start3A_85] : memref<160x128xf32, #tpu.memory_space<vmem>> -> memref<1x128xf32, #tpu.memory_space<vmem>>
      %dma_start3A_87 = tpu.memref_squeeze %dma_start3A_86 : memref<1x128xf32, #tpu.memory_space<vmem>> -> memref<128xf32, #tpu.memory_space<vmem>>
      %dma_start3A_88 = arith.constant 0 : i32
      %dma_start3A_89 = tpu.memref_slice %arg9[%add3A_84, %dma_start3A_88] : memref<160x128xi32, #tpu.memory_space<vmem>> -> memref<1x128xi32, #tpu.memory_space<vmem>>
      %dma_start3A_90 = tpu.memref_squeeze %dma_start3A_89 : memref<1x128xi32, #tpu.memory_space<vmem>> -> memref<128xi32, #tpu.memory_space<vmem>>
      %dma_start3A_91 = arith.constant 0 : i32
      %dma_start3A_92 = tpu.memref_slice %arg6[%dma_start3A_91] : memref<104857600xf32, #tpu.memory_space<hbm>> -> memref<104857600xf32, #tpu.memory_space<hbm>>
      tpu.enqueue_indirect_dma source(%dma_start3A_87 : memref<128xf32, #tpu.memory_space<vmem>>) target(%dma_start3A_92 : memref<104857600xf32, #tpu.memory_space<hbm>>) offsets(%dma_start3A_90 : memref<128xi32, #tpu.memory_space<vmem>>) semaphore(%arg12 : memref<!tpu.dma_semaphore, #tpu.memory_space<semaphore_mem>>)
      %mul3A_93 = arith.constant 32 : i32
      %mul3A_94 = arith.muli %scan3A_14, %mul3A_93 : i32
      %add3A_95 = arith.constant 5 : i32
      %add3A_96 = arith.addi %mul3A_94, %add3A_95 : i32
      %mul3A_97 = arith.constant 32 : i32
      %mul3A_98 = arith.muli %scan3A_14, %mul3A_97 : i32
      %add3A_99 = arith.constant 5 : i32
      %add3A_100 = arith.addi %mul3A_98, %add3A_99 : i32
      %dma_start3A_101 = arith.constant 0 : i32
      %dma_start3A_102 = tpu.memref_slice %arg10[%add3A_96, %dma_start3A_101] : memref<160x128xf32, #tpu.memory_space<vmem>> -> memref<1x128xf32, #tpu.memory_space<vmem>>
      %dma_start3A_103 = tpu.memref_squeeze %dma_start3A_102 : memref<1x128xf32, #tpu.memory_space<vmem>> -> memref<128xf32, #tpu.memory_space<vmem>>
      %dma_start3A_104 = arith.constant 0 : i32
      %dma_start3A_105 = tpu.memref_slice %arg9[%add3A_100, %dma_start3A_104] : memref<160x128xi32, #tpu.memory_space<vmem>> -> memref<1x128xi32, #tpu.memory_space<vmem>>
      %dma_start3A_106 = tpu.memref_squeeze %dma_start3A_105 : memref<1x128xi32, #tpu.memory_space<vmem>> -> memref<128xi32, #tpu.memory_space<vmem>>
      %dma_start3A_107 = arith.constant 0 : i32
      %dma_start3A_108 = tpu.memref_slice %arg6[%dma_start3A_107] : memref<104857600xf32, #tpu.memory_space<hbm>> -> memref<104857600xf32, #tpu.memory_space<hbm>>
      tpu.enqueue_indirect_dma source(%dma_start3A_103 : memref<128xf32, #tpu.memory_space<vmem>>) target(%dma_start3A_108 : memref<104857600xf32, #tpu.memory_space<hbm>>) offsets(%dma_start3A_106 : memref<128xi32, #tpu.memory_space<vmem>>) semaphore(%arg12 : memref<!tpu.dma_semaphore, #tpu.memory_space<semaphore_mem>>)
      %mul3A_109 = arith.constant 32 : i32
      %mul3A_110 = arith.muli %scan3A_14, %mul3A_109 : i32
      %add3A_111 = arith.constant 6 : i32
      %add3A_112 = arith.addi %mul3A_110, %add3A_111 : i32
      %mul3A_113 = arith.constant 32 : i32
      %mul3A_114 = arith.muli %scan3A_14, %mul3A_113 : i32
      %add3A_115 = arith.constant 6 : i32
      %add3A_116 = arith.addi %mul3A_114, %add3A_115 : i32
      %dma_start3A_117 = arith.constant 0 : i32
      %dma_start3A_118 = tpu.memref_slice %arg10[%add3A_112, %dma_start3A_117] : memref<160x128xf32, #tpu.memory_space<vmem>> -> memref<1x128xf32, #tpu.memory_space<vmem>>
      %dma_start3A_119 = tpu.memref_squeeze %dma_start3A_118 : memref<1x128xf32, #tpu.memory_space<vmem>> -> memref<128xf32, #tpu.memory_space<vmem>>
      %dma_start3A_120 = arith.constant 0 : i32
      %dma_start3A_121 = tpu.memref_slice %arg9[%add3A_116, %dma_start3A_120] : memref<160x128xi32, #tpu.memory_space<vmem>> -> memref<1x128xi32, #tpu.memory_space<vmem>>
      %dma_start3A_122 = tpu.memref_squeeze %dma_start3A_121 : memref<1x128xi32, #tpu.memory_space<vmem>> -> memref<128xi32, #tpu.memory_space<vmem>>
      %dma_start3A_123 = arith.constant 0 : i32
      %dma_start3A_124 = tpu.memref_slice %arg6[%dma_start3A_123] : memref<104857600xf32, #tpu.memory_space<hbm>> -> memref<104857600xf32, #tpu.memory_space<hbm>>
      tpu.enqueue_indirect_dma source(%dma_start3A_119 : memref<128xf32, #tpu.memory_space<vmem>>) target(%dma_start3A_124 : memref<104857600xf32, #tpu.memory_space<hbm>>) offsets(%dma_start3A_122 : memref<128xi32, #tpu.memory_space<vmem>>) semaphore(%arg12 : memref<!tpu.dma_semaphore, #tpu.memory_space<semaphore_mem>>)
      %mul3A_125 = arith.constant 32 : i32
      %mul3A_126 = arith.muli %scan3A_14, %mul3A_125 : i32
      %add3A_127 = arith.constant 7 : i32
      %add3A_128 = arith.addi %mul3A_126, %add3A_127 : i32
      %mul3A_129 = arith.constant 32 : i32
      %mul3A_130 = arith.muli %scan3A_14, %mul3A_129 : i32
      %add3A_131 = arith.constant 7 : i32
      %add3A_132 = arith.addi %mul3A_130, %add3A_131 : i32
      %dma_start3A_133 = arith.constant 0 : i32
      %dma_start3A_134 = tpu.memref_slice %arg10[%add3A_128, %dma_start3A_133] : memref<160x128xf32, #tpu.memory_space<vmem>> -> memref<1x128xf32, #tpu.memory_space<vmem>>
      %dma_start3A_135 = tpu.memref_squeeze %dma_start3A_134 : memref<1x128xf32, #tpu.memory_space<vmem>> -> memref<128xf32, #tpu.memory_space<vmem>>
      %dma_start3A_136 = arith.constant 0 : i32
      %dma_start3A_137 = tpu.memref_slice %arg9[%add3A_132, %dma_start3A_136] : memref<160x128xi32, #tpu.memory_space<vmem>> -> memref<1x128xi32, #tpu.memory_space<vmem>>
      %dma_start3A_138 = tpu.memref_squeeze %dma_start3A_137 : memref<1x128xi32, #tpu.memory_space<vmem>> -> memref<128xi32, #tpu.memory_space<vmem>>
      %dma_start3A_139 = arith.constant 0 : i32
      %dma_start3A_140 = tpu.memref_slice %arg6[%dma_start3A_139] : memref<104857600xf32, #tpu.memory_space<hbm>> -> memref<104857600xf32, #tpu.memory_space<hbm>>
      tpu.enqueue_indirect_dma source(%dma_start3A_135 : memref<128xf32, #tpu.memory_space<vmem>>) target(%dma_start3A_140 : memref<104857600xf32, #tpu.memory_space<hbm>>) offsets(%dma_start3A_138 : memref<128xi32, #tpu.memory_space<vmem>>) semaphore(%arg12 : memref<!tpu.dma_semaphore, #tpu.memory_space<semaphore_mem>>)
      %mul3A_141 = arith.constant 32 : i32
      %mul3A_142 = arith.muli %scan3A_14, %mul3A_141 : i32
      %add3A_143 = arith.constant 8 : i32
      %add3A_144 = arith.addi %mul3A_142, %add3A_143 : i32
      %mul3A_145 = arith.constant 32 : i32
      %mul3A_146 = arith.muli %scan3A_14, %mul3A_145 : i32
      %add3A_147 = arith.constant 8 : i32
      %add3A_148 = arith.addi %mul3A_146, %add3A_147 : i32
      %dma_start3A_149 = arith.constant 0 : i32
      %dma_start3A_150 = tpu.memref_slice %arg10[%add3A_144, %dma_start3A_149] : memref<160x128xf32, #tpu.memory_space<vmem>> -> memref<1x128xf32, #tpu.memory_space<vmem>>
      %dma_start3A_151 = tpu.memref_squeeze %dma_start3A_150 : memref<1x128xf32, #tpu.memory_space<vmem>> -> memref<128xf32, #tpu.memory_space<vmem>>
      %dma_start3A_152 = arith.constant 0 : i32
      %dma_start3A_153 = tpu.memref_slice %arg9[%add3A_148, %dma_start3A_152] : memref<160x128xi32, #tpu.memory_space<vmem>> -> memref<1x128xi32, #tpu.memory_space<vmem>>
      %dma_start3A_154 = tpu.memref_squeeze %dma_start3A_153 : memref<1x128xi32, #tpu.memory_space<vmem>> -> memref<128xi32, #tpu.memory_space<vmem>>
      %dma_start3A_155 = arith.constant 0 : i32
      %dma_start3A_156 = tpu.memref_slice %arg6[%dma_start3A_155] : memref<104857600xf32, #tpu.memory_space<hbm>> -> memref<104857600xf32, #tpu.memory_space<hbm>>
      tpu.enqueue_indirect_dma source(%dma_start3A_151 : memref<128xf32, #tpu.memory_space<vmem>>) target(%dma_start3A_156 : memref<104857600xf32, #tpu.memory_space<hbm>>) offsets(%dma_start3A_154 : memref<128xi32, #tpu.memory_space<vmem>>) semaphore(%arg12 : memref<!tpu.dma_semaphore, #tpu.memory_space<semaphore_mem>>)
      %mul3A_157 = arith.constant 32 : i32
      %mul3A_158 = arith.muli %scan3A_14, %mul3A_157 : i32
      %add3A_159 = arith.constant 9 : i32
      %add3A_160 = arith.addi %mul3A_158, %add3A_159 : i32
      %mul3A_161 = arith.constant 32 : i32
      %mul3A_162 = arith.muli %scan3A_14, %mul3A_161 : i32
      %add3A_163 = arith.constant 9 : i32
      %add3A_164 = arith.addi %mul3A_162, %add3A_163 : i32
      %dma_start3A_165 = arith.constant 0 : i32
      %dma_start3A_166 = tpu.memref_slice %arg10[%add3A_160, %dma_start3A_165] : memref<160x128xf32, #tpu.memory_space<vmem>> -> memref<1x128xf32, #tpu.memory_space<vmem>>
      %dma_start3A_167 = tpu.memref_squeeze %dma_start3A_166 : memref<1x128xf32, #tpu.memory_space<vmem>> -> memref<128xf32, #tpu.memory_space<vmem>>
      %dma_start3A_168 = arith.constant 0 : i32
      %dma_start3A_169 = tpu.memref_slice %arg9[%add3A_164, %dma_start3A_168] : memref<160x128xi32, #tpu.memory_space<vmem>> -> memref<1x128xi32, #tpu.memory_space<vmem>>
      %dma_start3A_170 = tpu.memref_squeeze %dma_start3A_169 : memref<1x128xi32, #tpu.memory_space<vmem>> -> memref<128xi32, #tpu.memory_space<vmem>>
      %dma_start3A_171 = arith.constant 0 : i32
      %dma_start3A_172 = tpu.memref_slice %arg6[%dma_start3A_171] : memref<104857600xf32, #tpu.memory_space<hbm>> -> memref<104857600xf32, #tpu.memory_space<hbm>>
      tpu.enqueue_indirect_dma source(%dma_start3A_167 : memref<128xf32, #tpu.memory_space<vmem>>) target(%dma_start3A_172 : memref<104857600xf32, #tpu.memory_space<hbm>>) offsets(%dma_start3A_170 : memref<128xi32, #tpu.memory_space<vmem>>) semaphore(%arg12 : memref<!tpu.dma_semaphore, #tpu.memory_space<semaphore_mem>>)
      %mul3A_173 = arith.constant 32 : i32
      %mul3A_174 = arith.muli %scan3A_14, %mul3A_173 : i32
      %add3A_175 = arith.constant 10 : i32
      %add3A_176 = arith.addi %mul3A_174, %add3A_175 : i32
      %mul3A_177 = arith.constant 32 : i32
      %mul3A_178 = arith.muli %scan3A_14, %mul3A_177 : i32
      %add3A_179 = arith.constant 10 : i32
      %add3A_180 = arith.addi %mul3A_178, %add3A_179 : i32
      %dma_start3A_181 = arith.constant 0 : i32
      %dma_start3A_182 = tpu.memref_slice %arg10[%add3A_176, %dma_start3A_181] : memref<160x128xf32, #tpu.memory_space<vmem>> -> memref<1x128xf32, #tpu.memory_space<vmem>>
      %dma_start3A_183 = tpu.memref_squeeze %dma_start3A_182 : memref<1x128xf32, #tpu.memory_space<vmem>> -> memref<128xf32, #tpu.memory_space<vmem>>
      %dma_start3A_184 = arith.constant 0 : i32
      %dma_start3A_185 = tpu.memref_slice %arg9[%add3A_180, %dma_start3A_184] : memref<160x128xi32, #tpu.memory_space<vmem>> -> memref<1x128xi32, #tpu.memory_space<vmem>>
      %dma_start3A_186 = tpu.memref_squeeze %dma_start3A_185 : memref<1x128xi32, #tpu.memory_space<vmem>> -> memref<128xi32, #tpu.memory_space<vmem>>
      %dma_start3A_187 = arith.constant 0 : i32
      %dma_start3A_188 = tpu.memref_slice %arg6[%dma_start3A_187] : memref<104857600xf32, #tpu.memory_space<hbm>> -> memref<104857600xf32, #tpu.memory_space<hbm>>
      tpu.enqueue_indirect_dma source(%dma_start3A_183 : memref<128xf32, #tpu.memory_space<vmem>>) target(%dma_start3A_188 : memref<104857600xf32, #tpu.memory_space<hbm>>) offsets(%dma_start3A_186 : memref<128xi32, #tpu.memory_space<vmem>>) semaphore(%arg12 : memref<!tpu.dma_semaphore, #tpu.memory_space<semaphore_mem>>)
      %mul3A_189 = arith.constant 32 : i32
      %mul3A_190 = arith.muli %scan3A_14, %mul3A_189 : i32
      %add3A_191 = arith.constant 11 : i32
      %add3A_192 = arith.addi %mul3A_190, %add3A_191 : i32
      %mul3A_193 = arith.constant 32 : i32
      %mul3A_194 = arith.muli %scan3A_14, %mul3A_193 : i32
      %add3A_195 = arith.constant 11 : i32
      %add3A_196 = arith.addi %mul3A_194, %add3A_195 : i32
      %dma_start3A_197 = arith.constant 0 : i32
      %dma_start3A_198 = tpu.memref_slice %arg10[%add3A_192, %dma_start3A_197] : memref<160x128xf32, #tpu.memory_space<vmem>> -> memref<1x128xf32, #tpu.memory_space<vmem>>
      %dma_start3A_199 = tpu.memref_squeeze %dma_start3A_198 : memref<1x128xf32, #tpu.memory_space<vmem>> -> memref<128xf32, #tpu.memory_space<vmem>>
      %dma_start3A_200 = arith.constant 0 : i32
      %dma_start3A_201 = tpu.memref_slice %arg9[%add3A_196, %dma_start3A_200] : memref<160x128xi32, #tpu.memory_space<vmem>> -> memref<1x128xi32, #tpu.memory_space<vmem>>
      %dma_start3A_202 = tpu.memref_squeeze %dma_start3A_201 : memref<1x128xi32, #tpu.memory_space<vmem>> -> memref<128xi32, #tpu.memory_space<vmem>>
      %dma_start3A_203 = arith.constant 0 : i32
      %dma_start3A_204 = tpu.memref_slice %arg6[%dma_start3A_203] : memref<104857600xf32, #tpu.memory_space<hbm>> -> memref<104857600xf32, #tpu.memory_space<hbm>>
      tpu.enqueue_indirect_dma source(%dma_start3A_199 : memref<128xf32, #tpu.memory_space<vmem>>) target(%dma_start3A_204 : memref<104857600xf32, #tpu.memory_space<hbm>>) offsets(%dma_start3A_202 : memref<128xi32, #tpu.memory_space<vmem>>) semaphore(%arg12 : memref<!tpu.dma_semaphore, #tpu.memory_space<semaphore_mem>>)
      %mul3A_205 = arith.constant 32 : i32
      %mul3A_206 = arith.muli %scan3A_14, %mul3A_205 : i32
      %add3A_207 = arith.constant 12 : i32
      %add3A_208 = arith.addi %mul3A_206, %add3A_207 : i32
      %mul3A_209 = arith.constant 32 : i32
      %mul3A_210 = arith.muli %scan3A_14, %mul3A_209 : i32
      %add3A_211 = arith.constant 12 : i32
      %add3A_212 = arith.addi %mul3A_210, %add3A_211 : i32
      %dma_start3A_213 = arith.constant 0 : i32
      %dma_start3A_214 = tpu.memref_slice %arg10[%add3A_208, %dma_start3A_213] : memref<160x128xf32, #tpu.memory_space<vmem>> -> memref<1x128xf32, #tpu.memory_space<vmem>>
      %dma_start3A_215 = tpu.memref_squeeze %dma_start3A_214 : memref<1x128xf32, #tpu.memory_space<vmem>> -> memref<128xf32, #tpu.memory_space<vmem>>
      %dma_start3A_216 = arith.constant 0 : i32
      %dma_start3A_217 = tpu.memref_slice %arg9[%add3A_212, %dma_start3A_216] : memref<160x128xi32, #tpu.memory_space<vmem>> -> memref<1x128xi32, #tpu.memory_space<vmem>>
      %dma_start3A_218 = tpu.memref_squeeze %dma_start3A_217 : memref<1x128xi32, #tpu.memory_space<vmem>> -> memref<128xi32, #tpu.memory_space<vmem>>
      %dma_start3A_219 = arith.constant 0 : i32
      %dma_start3A_220 = tpu.memref_slice %arg6[%dma_start3A_219] : memref<104857600xf32, #tpu.memory_space<hbm>> -> memref<104857600xf32, #tpu.memory_space<hbm>>
      tpu.enqueue_indirect_dma source(%dma_start3A_215 : memref<128xf32, #tpu.memory_space<vmem>>) target(%dma_start3A_220 : memref<104857600xf32, #tpu.memory_space<hbm>>) offsets(%dma_start3A_218 : memref<128xi32, #tpu.memory_space<vmem>>) semaphore(%arg12 : memref<!tpu.dma_semaphore, #tpu.memory_space<semaphore_mem>>)
      %mul3A_221 = arith.constant 32 : i32
      %mul3A_222 = arith.muli %scan3A_14, %mul3A_221 : i32
      %add3A_223 = arith.constant 13 : i32
      %add3A_224 = arith.addi %mul3A_222, %add3A_223 : i32
      %mul3A_225 = arith.constant 32 : i32
      %mul3A_226 = arith.muli %scan3A_14, %mul3A_225 : i32
      %add3A_227 = arith.constant 13 : i32
      %add3A_228 = arith.addi %mul3A_226, %add3A_227 : i32
      %dma_start3A_229 = arith.constant 0 : i32
      %dma_start3A_230 = tpu.memref_slice %arg10[%add3A_224, %dma_start3A_229] : memref<160x128xf32, #tpu.memory_space<vmem>> -> memref<1x128xf32, #tpu.memory_space<vmem>>
      %dma_start3A_231 = tpu.memref_squeeze %dma_start3A_230 : memref<1x128xf32, #tpu.memory_space<vmem>> -> memref<128xf32, #tpu.memory_space<vmem>>
      %dma_start3A_232 = arith.constant 0 : i32
      %dma_start3A_233 = tpu.memref_slice %arg9[%add3A_228, %dma_start3A_232] : memref<160x128xi32, #tpu.memory_space<vmem>> -> memref<1x128xi32, #tpu.memory_space<vmem>>
      %dma_start3A_234 = tpu.memref_squeeze %dma_start3A_233 : memref<1x128xi32, #tpu.memory_space<vmem>> -> memref<128xi32, #tpu.memory_space<vmem>>
      %dma_start3A_235 = arith.constant 0 : i32
      %dma_start3A_236 = tpu.memref_slice %arg6[%dma_start3A_235] : memref<104857600xf32, #tpu.memory_space<hbm>> -> memref<104857600xf32, #tpu.memory_space<hbm>>
      tpu.enqueue_indirect_dma source(%dma_start3A_231 : memref<128xf32, #tpu.memory_space<vmem>>) target(%dma_start3A_236 : memref<104857600xf32, #tpu.memory_space<hbm>>) offsets(%dma_start3A_234 : memref<128xi32, #tpu.memory_space<vmem>>) semaphore(%arg12 : memref<!tpu.dma_semaphore, #tpu.memory_space<semaphore_mem>>)
      %mul3A_237 = arith.constant 32 : i32
      %mul3A_238 = arith.muli %scan3A_14, %mul3A_237 : i32
      %add3A_239 = arith.constant 14 : i32
      %add3A_240 = arith.addi %mul3A_238, %add3A_239 : i32
      %mul3A_241 = arith.constant 32 : i32
      %mul3A_242 = arith.muli %scan3A_14, %mul3A_241 : i32
      %add3A_243 = arith.constant 14 : i32
      %add3A_244 = arith.addi %mul3A_242, %add3A_243 : i32
      %dma_start3A_245 = arith.constant 0 : i32
      %dma_start3A_246 = tpu.memref_slice %arg10[%add3A_240, %dma_start3A_245] : memref<160x128xf32, #tpu.memory_space<vmem>> -> memref<1x128xf32, #tpu.memory_space<vmem>>
      %dma_start3A_247 = tpu.memref_squeeze %dma_start3A_246 : memref<1x128xf32, #tpu.memory_space<vmem>> -> memref<128xf32, #tpu.memory_space<vmem>>
      %dma_start3A_248 = arith.constant 0 : i32
      %dma_start3A_249 = tpu.memref_slice %arg9[%add3A_244, %dma_start3A_248] : memref<160x128xi32, #tpu.memory_space<vmem>> -> memref<1x128xi32, #tpu.memory_space<vmem>>
      %dma_start3A_250 = tpu.memref_squeeze %dma_start3A_249 : memref<1x128xi32, #tpu.memory_space<vmem>> -> memref<128xi32, #tpu.memory_space<vmem>>
      %dma_start3A_251 = arith.constant 0 : i32
      %dma_start3A_252 = tpu.memref_slice %arg6[%dma_start3A_251] : memref<104857600xf32, #tpu.memory_space<hbm>> -> memref<104857600xf32, #tpu.memory_space<hbm>>
      tpu.enqueue_indirect_dma source(%dma_start3A_247 : memref<128xf32, #tpu.memory_space<vmem>>) target(%dma_start3A_252 : memref<104857600xf32, #tpu.memory_space<hbm>>) offsets(%dma_start3A_250 : memref<128xi32, #tpu.memory_space<vmem>>) semaphore(%arg12 : memref<!tpu.dma_semaphore, #tpu.memory_space<semaphore_mem>>)
      %mul3A_253 = arith.constant 32 : i32
      %mul3A_254 = arith.muli %scan3A_14, %mul3A_253 : i32
      %add3A_255 = arith.constant 15 : i32
      %add3A_256 = arith.addi %mul3A_254, %add3A_255 : i32
      %mul3A_257 = arith.constant 32 : i32
      %mul3A_258 = arith.muli %scan3A_14, %mul3A_257 : i32
      %add3A_259 = arith.constant 15 : i32
      %add3A_260 = arith.addi %mul3A_258, %add3A_259 : i32
      %dma_start3A_261 = arith.constant 0 : i32
      %dma_start3A_262 = tpu.memref_slice %arg10[%add3A_256, %dma_start3A_261] : memref<160x128xf32, #tpu.memory_space<vmem>> -> memref<1x128xf32, #tpu.memory_space<vmem>>
      %dma_start3A_263 = tpu.memref_squeeze %dma_start3A_262 : memref<1x128xf32, #tpu.memory_space<vmem>> -> memref<128xf32, #tpu.memory_space<vmem>>
      %dma_start3A_264 = arith.constant 0 : i32
      %dma_start3A_265 = tpu.memref_slice %arg9[%add3A_260, %dma_start3A_264] : memref<160x128xi32, #tpu.memory_space<vmem>> -> memref<1x128xi32, #tpu.memory_space<vmem>>
      %dma_start3A_266 = tpu.memref_squeeze %dma_start3A_265 : memref<1x128xi32, #tpu.memory_space<vmem>> -> memref<128xi32, #tpu.memory_space<vmem>>
      %dma_start3A_267 = arith.constant 0 : i32
      %dma_start3A_268 = tpu.memref_slice %arg6[%dma_start3A_267] : memref<104857600xf32, #tpu.memory_space<hbm>> -> memref<104857600xf32, #tpu.memory_space<hbm>>
      tpu.enqueue_indirect_dma source(%dma_start3A_263 : memref<128xf32, #tpu.memory_space<vmem>>) target(%dma_start3A_268 : memref<104857600xf32, #tpu.memory_space<hbm>>) offsets(%dma_start3A_266 : memref<128xi32, #tpu.memory_space<vmem>>) semaphore(%arg12 : memref<!tpu.dma_semaphore, #tpu.memory_space<semaphore_mem>>)
      %mul3A_269 = arith.constant 32 : i32
      %mul3A_270 = arith.muli %scan3A_14, %mul3A_269 : i32
      %add3A_271 = arith.constant 16 : i32
      %add3A_272 = arith.addi %mul3A_270, %add3A_271 : i32
      %mul3A_273 = arith.constant 32 : i32
      %mul3A_274 = arith.muli %scan3A_14, %mul3A_273 : i32
      %add3A_275 = arith.constant 16 : i32
      %add3A_276 = arith.addi %mul3A_274, %add3A_275 : i32
      %dma_start3A_277 = arith.constant 0 : i32
      %dma_start3A_278 = tpu.memref_slice %arg10[%add3A_272, %dma_start3A_277] : memref<160x128xf32, #tpu.memory_space<vmem>> -> memref<1x128xf32, #tpu.memory_space<vmem>>
      %dma_start3A_279 = tpu.memref_squeeze %dma_start3A_278 : memref<1x128xf32, #tpu.memory_space<vmem>> -> memref<128xf32, #tpu.memory_space<vmem>>
      %dma_start3A_280 = arith.constant 0 : i32
      %dma_start3A_281 = tpu.memref_slice %arg9[%add3A_276, %dma_start3A_280] : memref<160x128xi32, #tpu.memory_space<vmem>> -> memref<1x128xi32, #tpu.memory_space<vmem>>
      %dma_start3A_282 = tpu.memref_squeeze %dma_start3A_281 : memref<1x128xi32, #tpu.memory_space<vmem>> -> memref<128xi32, #tpu.memory_space<vmem>>
      %dma_start3A_283 = arith.constant 0 : i32
      %dma_start3A_284 = tpu.memref_slice %arg6[%dma_start3A_283] : memref<104857600xf32, #tpu.memory_space<hbm>> -> memref<104857600xf32, #tpu.memory_space<hbm>>
      tpu.enqueue_indirect_dma source(%dma_start3A_279 : memref<128xf32, #tpu.memory_space<vmem>>) target(%dma_start3A_284 : memref<104857600xf32, #tpu.memory_space<hbm>>) offsets(%dma_start3A_282 : memref<128xi32, #tpu.memory_space<vmem>>) semaphore(%arg12 : memref<!tpu.dma_semaphore, #tpu.memory_space<semaphore_mem>>)
      %mul3A_285 = arith.constant 32 : i32
      %mul3A_286 = arith.muli %scan3A_14, %mul3A_285 : i32
      %add3A_287 = arith.constant 17 : i32
      %add3A_288 = arith.addi %mul3A_286, %add3A_287 : i32
      %mul3A_289 = arith.constant 32 : i32
      %mul3A_290 = arith.muli %scan3A_14, %mul3A_289 : i32
      %add3A_291 = arith.constant 17 : i32
      %add3A_292 = arith.addi %mul3A_290, %add3A_291 : i32
      %dma_start3A_293 = arith.constant 0 : i32
      %dma_start3A_294 = tpu.memref_slice %arg10[%add3A_288, %dma_start3A_293] : memref<160x128xf32, #tpu.memory_space<vmem>> -> memref<1x128xf32, #tpu.memory_space<vmem>>
      %dma_start3A_295 = tpu.memref_squeeze %dma_start3A_294 : memref<1x128xf32, #tpu.memory_space<vmem>> -> memref<128xf32, #tpu.memory_space<vmem>>
      %dma_start3A_296 = arith.constant 0 : i32
      %dma_start3A_297 = tpu.memref_slice %arg9[%add3A_292, %dma_start3A_296] : memref<160x128xi32, #tpu.memory_space<vmem>> -> memref<1x128xi32, #tpu.memory_space<vmem>>
      %dma_start3A_298 = tpu.memref_squeeze %dma_start3A_297 : memref<1x128xi32, #tpu.memory_space<vmem>> -> memref<128xi32, #tpu.memory_space<vmem>>
      %dma_start3A_299 = arith.constant 0 : i32
      %dma_start3A_300 = tpu.memref_slice %arg6[%dma_start3A_299] : memref<104857600xf32, #tpu.memory_space<hbm>> -> memref<104857600xf32, #tpu.memory_space<hbm>>
      tpu.enqueue_indirect_dma source(%dma_start3A_295 : memref<128xf32, #tpu.memory_space<vmem>>) target(%dma_start3A_300 : memref<104857600xf32, #tpu.memory_space<hbm>>) offsets(%dma_start3A_298 : memref<128xi32, #tpu.memory_space<vmem>>) semaphore(%arg12 : memref<!tpu.dma_semaphore, #tpu.memory_space<semaphore_mem>>)
      %mul3A_301 = arith.constant 32 : i32
      %mul3A_302 = arith.muli %scan3A_14, %mul3A_301 : i32
      %add3A_303 = arith.constant 18 : i32
      %add3A_304 = arith.addi %mul3A_302, %add3A_303 : i32
      %mul3A_305 = arith.constant 32 : i32
      %mul3A_306 = arith.muli %scan3A_14, %mul3A_305 : i32
      %add3A_307 = arith.constant 18 : i32
      %add3A_308 = arith.addi %mul3A_306, %add3A_307 : i32
      %dma_start3A_309 = arith.constant 0 : i32
      %dma_start3A_310 = tpu.memref_slice %arg10[%add3A_304, %dma_start3A_309] : memref<160x128xf32, #tpu.memory_space<vmem>> -> memref<1x128xf32, #tpu.memory_space<vmem>>
      %dma_start3A_311 = tpu.memref_squeeze %dma_start3A_310 : memref<1x128xf32, #tpu.memory_space<vmem>> -> memref<128xf32, #tpu.memory_space<vmem>>
      %dma_start3A_312 = arith.constant 0 : i32
      %dma_start3A_313 = tpu.memref_slice %arg9[%add3A_308, %dma_start3A_312] : memref<160x128xi32, #tpu.memory_space<vmem>> -> memref<1x128xi32, #tpu.memory_space<vmem>>
      %dma_start3A_314 = tpu.memref_squeeze %dma_start3A_313 : memref<1x128xi32, #tpu.memory_space<vmem>> -> memref<128xi32, #tpu.memory_space<vmem>>
      %dma_start3A_315 = arith.constant 0 : i32
      %dma_start3A_316 = tpu.memref_slice %arg6[%dma_start3A_315] : memref<104857600xf32, #tpu.memory_space<hbm>> -> memref<104857600xf32, #tpu.memory_space<hbm>>
      tpu.enqueue_indirect_dma source(%dma_start3A_311 : memref<128xf32, #tpu.memory_space<vmem>>) target(%dma_start3A_316 : memref<104857600xf32, #tpu.memory_space<hbm>>) offsets(%dma_start3A_314 : memref<128xi32, #tpu.memory_space<vmem>>) semaphore(%arg12 : memref<!tpu.dma_semaphore, #tpu.memory_space<semaphore_mem>>)
      %mul3A_317 = arith.constant 32 : i32
      %mul3A_318 = arith.muli %scan3A_14, %mul3A_317 : i32
      %add3A_319 = arith.constant 19 : i32
      %add3A_320 = arith.addi %mul3A_318, %add3A_319 : i32
      %mul3A_321 = arith.constant 32 : i32
      %mul3A_322 = arith.muli %scan3A_14, %mul3A_321 : i32
      %add3A_323 = arith.constant 19 : i32
      %add3A_324 = arith.addi %mul3A_322, %add3A_323 : i32
      %dma_start3A_325 = arith.constant 0 : i32
      %dma_start3A_326 = tpu.memref_slice %arg10[%add3A_320, %dma_start3A_325] : memref<160x128xf32, #tpu.memory_space<vmem>> -> memref<1x128xf32, #tpu.memory_space<vmem>>
      %dma_start3A_327 = tpu.memref_squeeze %dma_start3A_326 : memref<1x128xf32, #tpu.memory_space<vmem>> -> memref<128xf32, #tpu.memory_space<vmem>>
      %dma_start3A_328 = arith.constant 0 : i32
      %dma_start3A_329 = tpu.memref_slice %arg9[%add3A_324, %dma_start3A_328] : memref<160x128xi32, #tpu.memory_space<vmem>> -> memref<1x128xi32, #tpu.memory_space<vmem>>
      %dma_start3A_330 = tpu.memref_squeeze %dma_start3A_329 : memref<1x128xi32, #tpu.memory_space<vmem>> -> memref<128xi32, #tpu.memory_space<vmem>>
      %dma_start3A_331 = arith.constant 0 : i32
      %dma_start3A_332 = tpu.memref_slice %arg6[%dma_start3A_331] : memref<104857600xf32, #tpu.memory_space<hbm>> -> memref<104857600xf32, #tpu.memory_space<hbm>>
      tpu.enqueue_indirect_dma source(%dma_start3A_327 : memref<128xf32, #tpu.memory_space<vmem>>) target(%dma_start3A_332 : memref<104857600xf32, #tpu.memory_space<hbm>>) offsets(%dma_start3A_330 : memref<128xi32, #tpu.memory_space<vmem>>) semaphore(%arg12 : memref<!tpu.dma_semaphore, #tpu.memory_space<semaphore_mem>>)
      %mul3A_333 = arith.constant 32 : i32
      %mul3A_334 = arith.muli %scan3A_14, %mul3A_333 : i32
      %add3A_335 = arith.constant 20 : i32
      %add3A_336 = arith.addi %mul3A_334, %add3A_335 : i32
      %mul3A_337 = arith.constant 32 : i32
      %mul3A_338 = arith.muli %scan3A_14, %mul3A_337 : i32
      %add3A_339 = arith.constant 20 : i32
      %add3A_340 = arith.addi %mul3A_338, %add3A_339 : i32
      %dma_start3A_341 = arith.constant 0 : i32
      %dma_start3A_342 = tpu.memref_slice %arg10[%add3A_336, %dma_start3A_341] : memref<160x128xf32, #tpu.memory_space<vmem>> -> memref<1x128xf32, #tpu.memory_space<vmem>>
      %dma_start3A_343 = tpu.memref_squeeze %dma_start3A_342 : memref<1x128xf32, #tpu.memory_space<vmem>> -> memref<128xf32, #tpu.memory_space<vmem>>
      %dma_start3A_344 = arith.constant 0 : i32
      %dma_start3A_345 = tpu.memref_slice %arg9[%add3A_340, %dma_start3A_344] : memref<160x128xi32, #tpu.memory_space<vmem>> -> memref<1x128xi32, #tpu.memory_space<vmem>>
      %dma_start3A_346 = tpu.memref_squeeze %dma_start3A_345 : memref<1x128xi32, #tpu.memory_space<vmem>> -> memref<128xi32, #tpu.memory_space<vmem>>
      %dma_start3A_347 = arith.constant 0 : i32
      %dma_start3A_348 = tpu.memref_slice %arg6[%dma_start3A_347] : memref<104857600xf32, #tpu.memory_space<hbm>> -> memref<104857600xf32, #tpu.memory_space<hbm>>
      tpu.enqueue_indirect_dma source(%dma_start3A_343 : memref<128xf32, #tpu.memory_space<vmem>>) target(%dma_start3A_348 : memref<104857600xf32, #tpu.memory_space<hbm>>) offsets(%dma_start3A_346 : memref<128xi32, #tpu.memory_space<vmem>>) semaphore(%arg12 : memref<!tpu.dma_semaphore, #tpu.memory_space<semaphore_mem>>)
      %mul3A_349 = arith.constant 32 : i32
      %mul3A_350 = arith.muli %scan3A_14, %mul3A_349 : i32
      %add3A_351 = arith.constant 21 : i32
      %add3A_352 = arith.addi %mul3A_350, %add3A_351 : i32
      %mul3A_353 = arith.constant 32 : i32
      %mul3A_354 = arith.muli %scan3A_14, %mul3A_353 : i32
      %add3A_355 = arith.constant 21 : i32
      %add3A_356 = arith.addi %mul3A_354, %add3A_355 : i32
      %dma_start3A_357 = arith.constant 0 : i32
      %dma_start3A_358 = tpu.memref_slice %arg10[%add3A_352, %dma_start3A_357] : memref<160x128xf32, #tpu.memory_space<vmem>> -> memref<1x128xf32, #tpu.memory_space<vmem>>
      %dma_start3A_359 = tpu.memref_squeeze %dma_start3A_358 : memref<1x128xf32, #tpu.memory_space<vmem>> -> memref<128xf32, #tpu.memory_space<vmem>>
      %dma_start3A_360 = arith.constant 0 : i32
      %dma_start3A_361 = tpu.memref_slice %arg9[%add3A_356, %dma_start3A_360] : memref<160x128xi32, #tpu.memory_space<vmem>> -> memref<1x128xi32, #tpu.memory_space<vmem>>
      %dma_start3A_362 = tpu.memref_squeeze %dma_start3A_361 : memref<1x128xi32, #tpu.memory_space<vmem>> -> memref<128xi32, #tpu.memory_space<vmem>>
      %dma_start3A_363 = arith.constant 0 : i32
      %dma_start3A_364 = tpu.memref_slice %arg6[%dma_start3A_363] : memref<104857600xf32, #tpu.memory_space<hbm>> -> memref<104857600xf32, #tpu.memory_space<hbm>>
      tpu.enqueue_indirect_dma source(%dma_start3A_359 : memref<128xf32, #tpu.memory_space<vmem>>) target(%dma_start3A_364 : memref<104857600xf32, #tpu.memory_space<hbm>>) offsets(%dma_start3A_362 : memref<128xi32, #tpu.memory_space<vmem>>) semaphore(%arg12 : memref<!tpu.dma_semaphore, #tpu.memory_space<semaphore_mem>>)
      %mul3A_365 = arith.constant 32 : i32
      %mul3A_366 = arith.muli %scan3A_14, %mul3A_365 : i32
      %add3A_367 = arith.constant 22 : i32
      %add3A_368 = arith.addi %mul3A_366, %add3A_367 : i32
      %mul3A_369 = arith.constant 32 : i32
      %mul3A_370 = arith.muli %scan3A_14, %mul3A_369 : i32
      %add3A_371 = arith.constant 22 : i32
      %add3A_372 = arith.addi %mul3A_370, %add3A_371 : i32
      %dma_start3A_373 = arith.constant 0 : i32
      %dma_start3A_374 = tpu.memref_slice %arg10[%add3A_368, %dma_start3A_373] : memref<160x128xf32, #tpu.memory_space<vmem>> -> memref<1x128xf32, #tpu.memory_space<vmem>>
      %dma_start3A_375 = tpu.memref_squeeze %dma_start3A_374 : memref<1x128xf32, #tpu.memory_space<vmem>> -> memref<128xf32, #tpu.memory_space<vmem>>
      %dma_start3A_376 = arith.constant 0 : i32
      %dma_start3A_377 = tpu.memref_slice %arg9[%add3A_372, %dma_start3A_376] : memref<160x128xi32, #tpu.memory_space<vmem>> -> memref<1x128xi32, #tpu.memory_space<vmem>>
      %dma_start3A_378 = tpu.memref_squeeze %dma_start3A_377 : memref<1x128xi32, #tpu.memory_space<vmem>> -> memref<128xi32, #tpu.memory_space<vmem>>
      %dma_start3A_379 = arith.constant 0 : i32
      %dma_start3A_380 = tpu.memref_slice %arg6[%dma_start3A_379] : memref<104857600xf32, #tpu.memory_space<hbm>> -> memref<104857600xf32, #tpu.memory_space<hbm>>
      tpu.enqueue_indirect_dma source(%dma_start3A_375 : memref<128xf32, #tpu.memory_space<vmem>>) target(%dma_start3A_380 : memref<104857600xf32, #tpu.memory_space<hbm>>) offsets(%dma_start3A_378 : memref<128xi32, #tpu.memory_space<vmem>>) semaphore(%arg12 : memref<!tpu.dma_semaphore, #tpu.memory_space<semaphore_mem>>)
      %mul3A_381 = arith.constant 32 : i32
      %mul3A_382 = arith.muli %scan3A_14, %mul3A_381 : i32
      %add3A_383 = arith.constant 23 : i32
      %add3A_384 = arith.addi %mul3A_382, %add3A_383 : i32
      %mul3A_385 = arith.constant 32 : i32
      %mul3A_386 = arith.muli %scan3A_14, %mul3A_385 : i32
      %add3A_387 = arith.constant 23 : i32
      %add3A_388 = arith.addi %mul3A_386, %add3A_387 : i32
      %dma_start3A_389 = arith.constant 0 : i32
      %dma_start3A_390 = tpu.memref_slice %arg10[%add3A_384, %dma_start3A_389] : memref<160x128xf32, #tpu.memory_space<vmem>> -> memref<1x128xf32, #tpu.memory_space<vmem>>
      %dma_start3A_391 = tpu.memref_squeeze %dma_start3A_390 : memref<1x128xf32, #tpu.memory_space<vmem>> -> memref<128xf32, #tpu.memory_space<vmem>>
      %dma_start3A_392 = arith.constant 0 : i32
      %dma_start3A_393 = tpu.memref_slice %arg9[%add3A_388, %dma_start3A_392] : memref<160x128xi32, #tpu.memory_space<vmem>> -> memref<1x128xi32, #tpu.memory_space<vmem>>
      %dma_start3A_394 = tpu.memref_squeeze %dma_start3A_393 : memref<1x128xi32, #tpu.memory_space<vmem>> -> memref<128xi32, #tpu.memory_space<vmem>>
      %dma_start3A_395 = arith.constant 0 : i32
      %dma_start3A_396 = tpu.memref_slice %arg6[%dma_start3A_395] : memref<104857600xf32, #tpu.memory_space<hbm>> -> memref<104857600xf32, #tpu.memory_space<hbm>>
      tpu.enqueue_indirect_dma source(%dma_start3A_391 : memref<128xf32, #tpu.memory_space<vmem>>) target(%dma_start3A_396 : memref<104857600xf32, #tpu.memory_space<hbm>>) offsets(%dma_start3A_394 : memref<128xi32, #tpu.memory_space<vmem>>) semaphore(%arg12 : memref<!tpu.dma_semaphore, #tpu.memory_space<semaphore_mem>>)
      %mul3A_397 = arith.constant 32 : i32
      %mul3A_398 = arith.muli %scan3A_14, %mul3A_397 : i32
      %add3A_399 = arith.constant 24 : i32
      %add3A_400 = arith.addi %mul3A_398, %add3A_399 : i32
      %mul3A_401 = arith.constant 32 : i32
      %mul3A_402 = arith.muli %scan3A_14, %mul3A_401 : i32
      %add3A_403 = arith.constant 24 : i32
      %add3A_404 = arith.addi %mul3A_402, %add3A_403 : i32
      %dma_start3A_405 = arith.constant 0 : i32
      %dma_start3A_406 = tpu.memref_slice %arg10[%add3A_400, %dma_start3A_405] : memref<160x128xf32, #tpu.memory_space<vmem>> -> memref<1x128xf32, #tpu.memory_space<vmem>>
      %dma_start3A_407 = tpu.memref_squeeze %dma_start3A_406 : memref<1x128xf32, #tpu.memory_space<vmem>> -> memref<128xf32, #tpu.memory_space<vmem>>
      %dma_start3A_408 = arith.constant 0 : i32
      %dma_start3A_409 = tpu.memref_slice %arg9[%add3A_404, %dma_start3A_408] : memref<160x128xi32, #tpu.memory_space<vmem>> -> memref<1x128xi32, #tpu.memory_space<vmem>>
      %dma_start3A_410 = tpu.memref_squeeze %dma_start3A_409 : memref<1x128xi32, #tpu.memory_space<vmem>> -> memref<128xi32, #tpu.memory_space<vmem>>
      %dma_start3A_411 = arith.constant 0 : i32
      %dma_start3A_412 = tpu.memref_slice %arg6[%dma_start3A_411] : memref<104857600xf32, #tpu.memory_space<hbm>> -> memref<104857600xf32, #tpu.memory_space<hbm>>
      tpu.enqueue_indirect_dma source(%dma_start3A_407 : memref<128xf32, #tpu.memory_space<vmem>>) target(%dma_start3A_412 : memref<104857600xf32, #tpu.memory_space<hbm>>) offsets(%dma_start3A_410 : memref<128xi32, #tpu.memory_space<vmem>>) semaphore(%arg12 : memref<!tpu.dma_semaphore, #tpu.memory_space<semaphore_mem>>)
      %mul3A_413 = arith.constant 32 : i32
      %mul3A_414 = arith.muli %scan3A_14, %mul3A_413 : i32
      %add3A_415 = arith.constant 25 : i32
      %add3A_416 = arith.addi %mul3A_414, %add3A_415 : i32
      %mul3A_417 = arith.constant 32 : i32
      %mul3A_418 = arith.muli %scan3A_14, %mul3A_417 : i32
      %add3A_419 = arith.constant 25 : i32
      %add3A_420 = arith.addi %mul3A_418, %add3A_419 : i32
      %dma_start3A_421 = arith.constant 0 : i32
      %dma_start3A_422 = tpu.memref_slice %arg10[%add3A_416, %dma_start3A_421] : memref<160x128xf32, #tpu.memory_space<vmem>> -> memref<1x128xf32, #tpu.memory_space<vmem>>
      %dma_start3A_423 = tpu.memref_squeeze %dma_start3A_422 : memref<1x128xf32, #tpu.memory_space<vmem>> -> memref<128xf32, #tpu.memory_space<vmem>>
      %dma_start3A_424 = arith.constant 0 : i32
      %dma_start3A_425 = tpu.memref_slice %arg9[%add3A_420, %dma_start3A_424] : memref<160x128xi32, #tpu.memory_space<vmem>> -> memref<1x128xi32, #tpu.memory_space<vmem>>
      %dma_start3A_426 = tpu.memref_squeeze %dma_start3A_425 : memref<1x128xi32, #tpu.memory_space<vmem>> -> memref<128xi32, #tpu.memory_space<vmem>>
      %dma_start3A_427 = arith.constant 0 : i32
      %dma_start3A_428 = tpu.memref_slice %arg6[%dma_start3A_427] : memref<104857600xf32, #tpu.memory_space<hbm>> -> memref<104857600xf32, #tpu.memory_space<hbm>>
      tpu.enqueue_indirect_dma source(%dma_start3A_423 : memref<128xf32, #tpu.memory_space<vmem>>) target(%dma_start3A_428 : memref<104857600xf32, #tpu.memory_space<hbm>>) offsets(%dma_start3A_426 : memref<128xi32, #tpu.memory_space<vmem>>) semaphore(%arg12 : memref<!tpu.dma_semaphore, #tpu.memory_space<semaphore_mem>>)
      %mul3A_429 = arith.constant 32 : i32
      %mul3A_430 = arith.muli %scan3A_14, %mul3A_429 : i32
      %add3A_431 = arith.constant 26 : i32
      %add3A_432 = arith.addi %mul3A_430, %add3A_431 : i32
      %mul3A_433 = arith.constant 32 : i32
      %mul3A_434 = arith.muli %scan3A_14, %mul3A_433 : i32
      %add3A_435 = arith.constant 26 : i32
      %add3A_436 = arith.addi %mul3A_434, %add3A_435 : i32
      %dma_start3A_437 = arith.constant 0 : i32
      %dma_start3A_438 = tpu.memref_slice %arg10[%add3A_432, %dma_start3A_437] : memref<160x128xf32, #tpu.memory_space<vmem>> -> memref<1x128xf32, #tpu.memory_space<vmem>>
      %dma_start3A_439 = tpu.memref_squeeze %dma_start3A_438 : memref<1x128xf32, #tpu.memory_space<vmem>> -> memref<128xf32, #tpu.memory_space<vmem>>
      %dma_start3A_440 = arith.constant 0 : i32
      %dma_start3A_441 = tpu.memref_slice %arg9[%add3A_436, %dma_start3A_440] : memref<160x128xi32, #tpu.memory_space<vmem>> -> memref<1x128xi32, #tpu.memory_space<vmem>>
      %dma_start3A_442 = tpu.memref_squeeze %dma_start3A_441 : memref<1x128xi32, #tpu.memory_space<vmem>> -> memref<128xi32, #tpu.memory_space<vmem>>
      %dma_start3A_443 = arith.constant 0 : i32
      %dma_start3A_444 = tpu.memref_slice %arg6[%dma_start3A_443] : memref<104857600xf32, #tpu.memory_space<hbm>> -> memref<104857600xf32, #tpu.memory_space<hbm>>
      tpu.enqueue_indirect_dma source(%dma_start3A_439 : memref<128xf32, #tpu.memory_space<vmem>>) target(%dma_start3A_444 : memref<104857600xf32, #tpu.memory_space<hbm>>) offsets(%dma_start3A_442 : memref<128xi32, #tpu.memory_space<vmem>>) semaphore(%arg12 : memref<!tpu.dma_semaphore, #tpu.memory_space<semaphore_mem>>)
      %mul3A_445 = arith.constant 32 : i32
      %mul3A_446 = arith.muli %scan3A_14, %mul3A_445 : i32
      %add3A_447 = arith.constant 27 : i32
      %add3A_448 = arith.addi %mul3A_446, %add3A_447 : i32
      %mul3A_449 = arith.constant 32 : i32
      %mul3A_450 = arith.muli %scan3A_14, %mul3A_449 : i32
      %add3A_451 = arith.constant 27 : i32
      %add3A_452 = arith.addi %mul3A_450, %add3A_451 : i32
      %dma_start3A_453 = arith.constant 0 : i32
      %dma_start3A_454 = tpu.memref_slice %arg10[%add3A_448, %dma_start3A_453] : memref<160x128xf32, #tpu.memory_space<vmem>> -> memref<1x128xf32, #tpu.memory_space<vmem>>
      %dma_start3A_455 = tpu.memref_squeeze %dma_start3A_454 : memref<1x128xf32, #tpu.memory_space<vmem>> -> memref<128xf32, #tpu.memory_space<vmem>>
      %dma_start3A_456 = arith.constant 0 : i32
      %dma_start3A_457 = tpu.memref_slice %arg9[%add3A_452, %dma_start3A_456] : memref<160x128xi32, #tpu.memory_space<vmem>> -> memref<1x128xi32, #tpu.memory_space<vmem>>
      %dma_start3A_458 = tpu.memref_squeeze %dma_start3A_457 : memref<1x128xi32, #tpu.memory_space<vmem>> -> memref<128xi32, #tpu.memory_space<vmem>>
      %dma_start3A_459 = arith.constant 0 : i32
      %dma_start3A_460 = tpu.memref_slice %arg6[%dma_start3A_459] : memref<104857600xf32, #tpu.memory_space<hbm>> -> memref<104857600xf32, #tpu.memory_space<hbm>>
      tpu.enqueue_indirect_dma source(%dma_start3A_455 : memref<128xf32, #tpu.memory_space<vmem>>) target(%dma_start3A_460 : memref<104857600xf32, #tpu.memory_space<hbm>>) offsets(%dma_start3A_458 : memref<128xi32, #tpu.memory_space<vmem>>) semaphore(%arg12 : memref<!tpu.dma_semaphore, #tpu.memory_space<semaphore_mem>>)
      %mul3A_461 = arith.constant 32 : i32
      %mul3A_462 = arith.muli %scan3A_14, %mul3A_461 : i32
      %add3A_463 = arith.constant 28 : i32
      %add3A_464 = arith.addi %mul3A_462, %add3A_463 : i32
      %mul3A_465 = arith.constant 32 : i32
      %mul3A_466 = arith.muli %scan3A_14, %mul3A_465 : i32
      %add3A_467 = arith.constant 28 : i32
      %add3A_468 = arith.addi %mul3A_466, %add3A_467 : i32
      %dma_start3A_469 = arith.constant 0 : i32
      %dma_start3A_470 = tpu.memref_slice %arg10[%add3A_464, %dma_start3A_469] : memref<160x128xf32, #tpu.memory_space<vmem>> -> memref<1x128xf32, #tpu.memory_space<vmem>>
      %dma_start3A_471 = tpu.memref_squeeze %dma_start3A_470 : memref<1x128xf32, #tpu.memory_space<vmem>> -> memref<128xf32, #tpu.memory_space<vmem>>
      %dma_start3A_472 = arith.constant 0 : i32
      %dma_start3A_473 = tpu.memref_slice %arg9[%add3A_468, %dma_start3A_472] : memref<160x128xi32, #tpu.memory_space<vmem>> -> memref<1x128xi32, #tpu.memory_space<vmem>>
      %dma_start3A_474 = tpu.memref_squeeze %dma_start3A_473 : memref<1x128xi32, #tpu.memory_space<vmem>> -> memref<128xi32, #tpu.memory_space<vmem>>
      %dma_start3A_475 = arith.constant 0 : i32
      %dma_start3A_476 = tpu.memref_slice %arg6[%dma_start3A_475] : memref<104857600xf32, #tpu.memory_space<hbm>> -> memref<104857600xf32, #tpu.memory_space<hbm>>
      tpu.enqueue_indirect_dma source(%dma_start3A_471 : memref<128xf32, #tpu.memory_space<vmem>>) target(%dma_start3A_476 : memref<104857600xf32, #tpu.memory_space<hbm>>) offsets(%dma_start3A_474 : memref<128xi32, #tpu.memory_space<vmem>>) semaphore(%arg12 : memref<!tpu.dma_semaphore, #tpu.memory_space<semaphore_mem>>)
      %mul3A_477 = arith.constant 32 : i32
      %mul3A_478 = arith.muli %scan3A_14, %mul3A_477 : i32
      %add3A_479 = arith.constant 29 : i32
      %add3A_480 = arith.addi %mul3A_478, %add3A_479 : i32
      %mul3A_481 = arith.constant 32 : i32
      %mul3A_482 = arith.muli %scan3A_14, %mul3A_481 : i32
      %add3A_483 = arith.constant 29 : i32
      %add3A_484 = arith.addi %mul3A_482, %add3A_483 : i32
      %dma_start3A_485 = arith.constant 0 : i32
      %dma_start3A_486 = tpu.memref_slice %arg10[%add3A_480, %dma_start3A_485] : memref<160x128xf32, #tpu.memory_space<vmem>> -> memref<1x128xf32, #tpu.memory_space<vmem>>
      %dma_start3A_487 = tpu.memref_squeeze %dma_start3A_486 : memref<1x128xf32, #tpu.memory_space<vmem>> -> memref<128xf32, #tpu.memory_space<vmem>>
      %dma_start3A_488 = arith.constant 0 : i32
      %dma_start3A_489 = tpu.memref_slice %arg9[%add3A_484, %dma_start3A_488] : memref<160x128xi32, #tpu.memory_space<vmem>> -> memref<1x128xi32, #tpu.memory_space<vmem>>
      %dma_start3A_490 = tpu.memref_squeeze %dma_start3A_489 : memref<1x128xi32, #tpu.memory_space<vmem>> -> memref<128xi32, #tpu.memory_space<vmem>>
      %dma_start3A_491 = arith.constant 0 : i32
      %dma_start3A_492 = tpu.memref_slice %arg6[%dma_start3A_491] : memref<104857600xf32, #tpu.memory_space<hbm>> -> memref<104857600xf32, #tpu.memory_space<hbm>>
      tpu.enqueue_indirect_dma source(%dma_start3A_487 : memref<128xf32, #tpu.memory_space<vmem>>) target(%dma_start3A_492 : memref<104857600xf32, #tpu.memory_space<hbm>>) offsets(%dma_start3A_490 : memref<128xi32, #tpu.memory_space<vmem>>) semaphore(%arg12 : memref<!tpu.dma_semaphore, #tpu.memory_space<semaphore_mem>>)
      %mul3A_493 = arith.constant 32 : i32
      %mul3A_494 = arith.muli %scan3A_14, %mul3A_493 : i32
      %add3A_495 = arith.constant 30 : i32
      %add3A_496 = arith.addi %mul3A_494, %add3A_495 : i32
      %mul3A_497 = arith.constant 32 : i32
      %mul3A_498 = arith.muli %scan3A_14, %mul3A_497 : i32
      %add3A_499 = arith.constant 30 : i32
      %add3A_500 = arith.addi %mul3A_498, %add3A_499 : i32
      %dma_start3A_501 = arith.constant 0 : i32
      %dma_start3A_502 = tpu.memref_slice %arg10[%add3A_496, %dma_start3A_501] : memref<160x128xf32, #tpu.memory_space<vmem>> -> memref<1x128xf32, #tpu.memory_space<vmem>>
      %dma_start3A_503 = tpu.memref_squeeze %dma_start3A_502 : memref<1x128xf32, #tpu.memory_space<vmem>> -> memref<128xf32, #tpu.memory_space<vmem>>
      %dma_start3A_504 = arith.constant 0 : i32
      %dma_start3A_505 = tpu.memref_slice %arg9[%add3A_500, %dma_start3A_504] : memref<160x128xi32, #tpu.memory_space<vmem>> -> memref<1x128xi32, #tpu.memory_space<vmem>>
      %dma_start3A_506 = tpu.memref_squeeze %dma_start3A_505 : memref<1x128xi32, #tpu.memory_space<vmem>> -> memref<128xi32, #tpu.memory_space<vmem>>
      %dma_start3A_507 = arith.constant 0 : i32
      %dma_start3A_508 = tpu.memref_slice %arg6[%dma_start3A_507] : memref<104857600xf32, #tpu.memory_space<hbm>> -> memref<104857600xf32, #tpu.memory_space<hbm>>
      tpu.enqueue_indirect_dma source(%dma_start3A_503 : memref<128xf32, #tpu.memory_space<vmem>>) target(%dma_start3A_508 : memref<104857600xf32, #tpu.memory_space<hbm>>) offsets(%dma_start3A_506 : memref<128xi32, #tpu.memory_space<vmem>>) semaphore(%arg12 : memref<!tpu.dma_semaphore, #tpu.memory_space<semaphore_mem>>)
      %mul3A_509 = arith.constant 32 : i32
      %mul3A_510 = arith.muli %scan3A_14, %mul3A_509 : i32
      %add3A_511 = arith.constant 31 : i32
      %add3A_512 = arith.addi %mul3A_510, %add3A_511 : i32
      %mul3A_513 = arith.constant 32 : i32
      %mul3A_514 = arith.muli %scan3A_14, %mul3A_513 : i32
      %add3A_515 = arith.constant 31 : i32
      %add3A_516 = arith.addi %mul3A_514, %add3A_515 : i32
      %dma_start3A_517 = arith.constant 0 : i32
      %dma_start3A_518 = tpu.memref_slice %arg10[%add3A_512, %dma_start3A_517] : memref<160x128xf32, #tpu.memory_space<vmem>> -> memref<1x128xf32, #tpu.memory_space<vmem>>
      %dma_start3A_519 = tpu.memref_squeeze %dma_start3A_518 : memref<1x128xf32, #tpu.memory_space<vmem>> -> memref<128xf32, #tpu.memory_space<vmem>>
      %dma_start3A_520 = arith.constant 0 : i32
      %dma_start3A_521 = tpu.memref_slice %arg9[%add3A_516, %dma_start3A_520] : memref<160x128xi32, #tpu.memory_space<vmem>> -> memref<1x128xi32, #tpu.memory_space<vmem>>
      %dma_start3A_522 = tpu.memref_squeeze %dma_start3A_521 : memref<1x128xi32, #tpu.memory_space<vmem>> -> memref<128xi32, #tpu.memory_space<vmem>>
      %dma_start3A_523 = arith.constant 0 : i32
      %dma_start3A_524 = tpu.memref_slice %arg6[%dma_start3A_523] : memref<104857600xf32, #tpu.memory_space<hbm>> -> memref<104857600xf32, #tpu.memory_space<hbm>>
      tpu.enqueue_indirect_dma source(%dma_start3A_519 : memref<128xf32, #tpu.memory_space<vmem>>) target(%dma_start3A_524 : memref<104857600xf32, #tpu.memory_space<hbm>>) offsets(%dma_start3A_522 : memref<128xi32, #tpu.memory_space<vmem>>) semaphore(%arg12 : memref<!tpu.dma_semaphore, #tpu.memory_space<semaphore_mem>>)
      %dma_wait3A = arith.constant 0 : i32
      %dma_wait3A_525 = tpu.memref_slice %arg10[%add3A_17, %dma_wait3A] : memref<160x128xf32, #tpu.memory_space<vmem>> -> memref<1x128xf32, #tpu.memory_space<vmem>>
      %dma_wait3A_526 = tpu.memref_squeeze %dma_wait3A_525 : memref<1x128xf32, #tpu.memory_space<vmem>> -> memref<128xf32, #tpu.memory_space<vmem>>
      %dma_wait3A_527 = arith.constant 0 : i32
      %dma_wait3A_528 = tpu.memref_slice %arg9[%add3A_21, %dma_wait3A_527] : memref<160x128xi32, #tpu.memory_space<vmem>> -> memref<1x128xi32, #tpu.memory_space<vmem>>
      %dma_wait3A_529 = tpu.memref_squeeze %dma_wait3A_528 : memref<1x128xi32, #tpu.memory_space<vmem>> -> memref<128xi32, #tpu.memory_space<vmem>>
      %dma_wait3A_530 = arith.constant 0 : i32
      %dma_wait3A_531 = tpu.memref_slice %arg6[%dma_wait3A_530] : memref<104857600xf32, #tpu.memory_space<hbm>> -> memref<104857600xf32, #tpu.memory_space<hbm>>
      tpu.wait_indirect_dma semaphore(%arg12 : memref<!tpu.dma_semaphore, #tpu.memory_space<semaphore_mem>>) src(%dma_wait3A_526 : memref<128xf32, #tpu.memory_space<vmem>>) dst(%dma_wait3A_531 : memref<104857600xf32, #tpu.memory_space<hbm>>)
      %dma_wait3A_532 = arith.constant 0 : i32
      %dma_wait3A_533 = tpu.memref_slice %arg10[%add3A_32, %dma_wait3A_532] : memref<160x128xf32, #tpu.memory_space<vmem>> -> memref<1x128xf32, #tpu.memory_space<vmem>>
      %dma_wait3A_534 = tpu.memref_squeeze %dma_wait3A_533 : memref<1x128xf32, #tpu.memory_space<vmem>> -> memref<128xf32, #tpu.memory_space<vmem>>
      %dma_wait3A_535 = arith.constant 0 : i32
      %dma_wait3A_536 = tpu.memref_slice %arg9[%add3A_36, %dma_wait3A_535] : memref<160x128xi32, #tpu.memory_space<vmem>> -> memref<1x128xi32, #tpu.memory_space<vmem>>
      %dma_wait3A_537 = tpu.memref_squeeze %dma_wait3A_536 : memref<1x128xi32, #tpu.memory_space<vmem>> -> memref<128xi32, #tpu.memory_space<vmem>>
      %dma_wait3A_538 = arith.constant 0 : i32
      %dma_wait3A_539 = tpu.memref_slice %arg6[%dma_wait3A_538] : memref<104857600xf32, #tpu.memory_space<hbm>> -> memref<104857600xf32, #tpu.memory_space<hbm>>
      tpu.wait_indirect_dma semaphore(%arg12 : memref<!tpu.dma_semaphore, #tpu.memory_space<semaphore_mem>>) src(%dma_wait3A_534 : memref<128xf32, #tpu.memory_space<vmem>>) dst(%dma_wait3A_539 : memref<104857600xf32, #tpu.memory_space<hbm>>)
      %dma_wait3A_540 = arith.constant 0 : i32
      %dma_wait3A_541 = tpu.memref_slice %arg10[%add3A_48, %dma_wait3A_540] : memref<160x128xf32, #tpu.memory_space<vmem>> -> memref<1x128xf32, #tpu.memory_space<vmem>>
      %dma_wait3A_542 = tpu.memref_squeeze %dma_wait3A_541 : memref<1x128xf32, #tpu.memory_space<vmem>> -> memref<128xf32, #tpu.memory_space<vmem>>
      %dma_wait3A_543 = arith.constant 0 : i32
      %dma_wait3A_544 = tpu.memref_slice %arg9[%add3A_52, %dma_wait3A_543] : memref<160x128xi32, #tpu.memory_space<vmem>> -> memref<1x128xi32, #tpu.memory_space<vmem>>
      %dma_wait3A_545 = tpu.memref_squeeze %dma_wait3A_544 : memref<1x128xi32, #tpu.memory_space<vmem>> -> memref<128xi32, #tpu.memory_space<vmem>>
      %dma_wait3A_546 = arith.constant 0 : i32
      %dma_wait3A_547 = tpu.memref_slice %arg6[%dma_wait3A_546] : memref<104857600xf32, #tpu.memory_space<hbm>> -> memref<104857600xf32, #tpu.memory_space<hbm>>
      tpu.wait_indirect_dma semaphore(%arg12 : memref<!tpu.dma_semaphore, #tpu.memory_space<semaphore_mem>>) src(%dma_wait3A_542 : memref<128xf32, #tpu.memory_space<vmem>>) dst(%dma_wait3A_547 : memref<104857600xf32, #tpu.memory_space<hbm>>)
      %dma_wait3A_548 = arith.constant 0 : i32
      %dma_wait3A_549 = tpu.memref_slice %arg10[%add3A_64, %dma_wait3A_548] : memref<160x128xf32, #tpu.memory_space<vmem>> -> memref<1x128xf32, #tpu.memory_space<vmem>>
      %dma_wait3A_550 = tpu.memref_squeeze %dma_wait3A_549 : memref<1x128xf32, #tpu.memory_space<vmem>> -> memref<128xf32, #tpu.memory_space<vmem>>
      %dma_wait3A_551 = arith.constant 0 : i32
      %dma_wait3A_552 = tpu.memref_slice %arg9[%add3A_68, %dma_wait3A_551] : memref<160x128xi32, #tpu.memory_space<vmem>> -> memref<1x128xi32, #tpu.memory_space<vmem>>
      %dma_wait3A_553 = tpu.memref_squeeze %dma_wait3A_552 : memref<1x128xi32, #tpu.memory_space<vmem>> -> memref<128xi32, #tpu.memory_space<vmem>>
      %dma_wait3A_554 = arith.constant 0 : i32
      %dma_wait3A_555 = tpu.memref_slice %arg6[%dma_wait3A_554] : memref<104857600xf32, #tpu.memory_space<hbm>> -> memref<104857600xf32, #tpu.memory_space<hbm>>
      tpu.wait_indirect_dma semaphore(%arg12 : memref<!tpu.dma_semaphore, #tpu.memory_space<semaphore_mem>>) src(%dma_wait3A_550 : memref<128xf32, #tpu.memory_space<vmem>>) dst(%dma_wait3A_555 : memref<104857600xf32, #tpu.memory_space<hbm>>)
      %dma_wait3A_556 = arith.constant 0 : i32
      %dma_wait3A_557 = tpu.memref_slice %arg10[%add3A_80, %dma_wait3A_556] : memref<160x128xf32, #tpu.memory_space<vmem>> -> memref<1x128xf32, #tpu.memory_space<vmem>>
      %dma_wait3A_558 = tpu.memref_squeeze %dma_wait3A_557 : memref<1x128xf32, #tpu.memory_space<vmem>> -> memref<128xf32, #tpu.memory_space<vmem>>
      %dma_wait3A_559 = arith.constant 0 : i32
      %dma_wait3A_560 = tpu.memref_slice %arg9[%add3A_84, %dma_wait3A_559] : memref<160x128xi32, #tpu.memory_space<vmem>> -> memref<1x128xi32, #tpu.memory_space<vmem>>
      %dma_wait3A_561 = tpu.memref_squeeze %dma_wait3A_560 : memref<1x128xi32, #tpu.memory_space<vmem>> -> memref<128xi32, #tpu.memory_space<vmem>>
      %dma_wait3A_562 = arith.constant 0 : i32
      %dma_wait3A_563 = tpu.memref_slice %arg6[%dma_wait3A_562] : memref<104857600xf32, #tpu.memory_space<hbm>> -> memref<104857600xf32, #tpu.memory_space<hbm>>
      tpu.wait_indirect_dma semaphore(%arg12 : memref<!tpu.dma_semaphore, #tpu.memory_space<semaphore_mem>>) src(%dma_wait3A_558 : memref<128xf32, #tpu.memory_space<vmem>>) dst(%dma_wait3A_563 : memref<104857600xf32, #tpu.memory_space<hbm>>)
      %dma_wait3A_564 = arith.constant 0 : i32
      %dma_wait3A_565 = tpu.memref_slice %arg10[%add3A_96, %dma_wait3A_564] : memref<160x128xf32, #tpu.memory_space<vmem>> -> memref<1x128xf32, #tpu.memory_space<vmem>>
      %dma_wait3A_566 = tpu.memref_squeeze %dma_wait3A_565 : memref<1x128xf32, #tpu.memory_space<vmem>> -> memref<128xf32, #tpu.memory_space<vmem>>
      %dma_wait3A_567 = arith.constant 0 : i32
      %dma_wait3A_568 = tpu.memref_slice %arg9[%add3A_100, %dma_wait3A_567] : memref<160x128xi32, #tpu.memory_space<vmem>> -> memref<1x128xi32, #tpu.memory_space<vmem>>
      %dma_wait3A_569 = tpu.memref_squeeze %dma_wait3A_568 : memref<1x128xi32, #tpu.memory_space<vmem>> -> memref<128xi32, #tpu.memory_space<vmem>>
      %dma_wait3A_570 = arith.constant 0 : i32
      %dma_wait3A_571 = tpu.memref_slice %arg6[%dma_wait3A_570] : memref<104857600xf32, #tpu.memory_space<hbm>> -> memref<104857600xf32, #tpu.memory_space<hbm>>
      tpu.wait_indirect_dma semaphore(%arg12 : memref<!tpu.dma_semaphore, #tpu.memory_space<semaphore_mem>>) src(%dma_wait3A_566 : memref<128xf32, #tpu.memory_space<vmem>>) dst(%dma_wait3A_571 : memref<104857600xf32, #tpu.memory_space<hbm>>)
      %dma_wait3A_572 = arith.constant 0 : i32
      %dma_wait3A_573 = tpu.memref_slice %arg10[%add3A_112, %dma_wait3A_572] : memref<160x128xf32, #tpu.memory_space<vmem>> -> memref<1x128xf32, #tpu.memory_space<vmem>>
      %dma_wait3A_574 = tpu.memref_squeeze %dma_wait3A_573 : memref<1x128xf32, #tpu.memory_space<vmem>> -> memref<128xf32, #tpu.memory_space<vmem>>
      %dma_wait3A_575 = arith.constant 0 : i32
      %dma_wait3A_576 = tpu.memref_slice %arg9[%add3A_116, %dma_wait3A_575] : memref<160x128xi32, #tpu.memory_space<vmem>> -> memref<1x128xi32, #tpu.memory_space<vmem>>
      %dma_wait3A_577 = tpu.memref_squeeze %dma_wait3A_576 : memref<1x128xi32, #tpu.memory_space<vmem>> -> memref<128xi32, #tpu.memory_space<vmem>>
      %dma_wait3A_578 = arith.constant 0 : i32
      %dma_wait3A_579 = tpu.memref_slice %arg6[%dma_wait3A_578] : memref<104857600xf32, #tpu.memory_space<hbm>> -> memref<104857600xf32, #tpu.memory_space<hbm>>
      tpu.wait_indirect_dma semaphore(%arg12 : memref<!tpu.dma_semaphore, #tpu.memory_space<semaphore_mem>>) src(%dma_wait3A_574 : memref<128xf32, #tpu.memory_space<vmem>>) dst(%dma_wait3A_579 : memref<104857600xf32, #tpu.memory_space<hbm>>)
      %dma_wait3A_580 = arith.constant 0 : i32
      %dma_wait3A_581 = tpu.memref_slice %arg10[%add3A_128, %dma_wait3A_580] : memref<160x128xf32, #tpu.memory_space<vmem>> -> memref<1x128xf32, #tpu.memory_space<vmem>>
      %dma_wait3A_582 = tpu.memref_squeeze %dma_wait3A_581 : memref<1x128xf32, #tpu.memory_space<vmem>> -> memref<128xf32, #tpu.memory_space<vmem>>
      %dma_wait3A_583 = arith.constant 0 : i32
      %dma_wait3A_584 = tpu.memref_slice %arg9[%add3A_132, %dma_wait3A_583] : memref<160x128xi32, #tpu.memory_space<vmem>> -> memref<1x128xi32, #tpu.memory_space<vmem>>
      %dma_wait3A_585 = tpu.memref_squeeze %dma_wait3A_584 : memref<1x128xi32, #tpu.memory_space<vmem>> -> memref<128xi32, #tpu.memory_space<vmem>>
      %dma_wait3A_586 = arith.constant 0 : i32
      %dma_wait3A_587 = tpu.memref_slice %arg6[%dma_wait3A_586] : memref<104857600xf32, #tpu.memory_space<hbm>> -> memref<104857600xf32, #tpu.memory_space<hbm>>
      tpu.wait_indirect_dma semaphore(%arg12 : memref<!tpu.dma_semaphore, #tpu.memory_space<semaphore_mem>>) src(%dma_wait3A_582 : memref<128xf32, #tpu.memory_space<vmem>>) dst(%dma_wait3A_587 : memref<104857600xf32, #tpu.memory_space<hbm>>)
      %dma_wait3A_588 = arith.constant 0 : i32
      %dma_wait3A_589 = tpu.memref_slice %arg10[%add3A_144, %dma_wait3A_588] : memref<160x128xf32, #tpu.memory_space<vmem>> -> memref<1x128xf32, #tpu.memory_space<vmem>>
      %dma_wait3A_590 = tpu.memref_squeeze %dma_wait3A_589 : memref<1x128xf32, #tpu.memory_space<vmem>> -> memref<128xf32, #tpu.memory_space<vmem>>
      %dma_wait3A_591 = arith.constant 0 : i32
      %dma_wait3A_592 = tpu.memref_slice %arg9[%add3A_148, %dma_wait3A_591] : memref<160x128xi32, #tpu.memory_space<vmem>> -> memref<1x128xi32, #tpu.memory_space<vmem>>
      %dma_wait3A_593 = tpu.memref_squeeze %dma_wait3A_592 : memref<1x128xi32, #tpu.memory_space<vmem>> -> memref<128xi32, #tpu.memory_space<vmem>>
      %dma_wait3A_594 = arith.constant 0 : i32
      %dma_wait3A_595 = tpu.memref_slice %arg6[%dma_wait3A_594] : memref<104857600xf32, #tpu.memory_space<hbm>> -> memref<104857600xf32, #tpu.memory_space<hbm>>
      tpu.wait_indirect_dma semaphore(%arg12 : memref<!tpu.dma_semaphore, #tpu.memory_space<semaphore_mem>>) src(%dma_wait3A_590 : memref<128xf32, #tpu.memory_space<vmem>>) dst(%dma_wait3A_595 : memref<104857600xf32, #tpu.memory_space<hbm>>)
      %dma_wait3A_596 = arith.constant 0 : i32
      %dma_wait3A_597 = tpu.memref_slice %arg10[%add3A_160, %dma_wait3A_596] : memref<160x128xf32, #tpu.memory_space<vmem>> -> memref<1x128xf32, #tpu.memory_space<vmem>>
      %dma_wait3A_598 = tpu.memref_squeeze %dma_wait3A_597 : memref<1x128xf32, #tpu.memory_space<vmem>> -> memref<128xf32, #tpu.memory_space<vmem>>
      %dma_wait3A_599 = arith.constant 0 : i32
      %dma_wait3A_600 = tpu.memref_slice %arg9[%add3A_164, %dma_wait3A_599] : memref<160x128xi32, #tpu.memory_space<vmem>> -> memref<1x128xi32, #tpu.memory_space<vmem>>
      %dma_wait3A_601 = tpu.memref_squeeze %dma_wait3A_600 : memref<1x128xi32, #tpu.memory_space<vmem>> -> memref<128xi32, #tpu.memory_space<vmem>>
      %dma_wait3A_602 = arith.constant 0 : i32
      %dma_wait3A_603 = tpu.memref_slice %arg6[%dma_wait3A_602] : memref<104857600xf32, #tpu.memory_space<hbm>> -> memref<104857600xf32, #tpu.memory_space<hbm>>
      tpu.wait_indirect_dma semaphore(%arg12 : memref<!tpu.dma_semaphore, #tpu.memory_space<semaphore_mem>>) src(%dma_wait3A_598 : memref<128xf32, #tpu.memory_space<vmem>>) dst(%dma_wait3A_603 : memref<104857600xf32, #tpu.memory_space<hbm>>)
      %dma_wait3A_604 = arith.constant 0 : i32
      %dma_wait3A_605 = tpu.memref_slice %arg10[%add3A_176, %dma_wait3A_604] : memref<160x128xf32, #tpu.memory_space<vmem>> -> memref<1x128xf32, #tpu.memory_space<vmem>>
      %dma_wait3A_606 = tpu.memref_squeeze %dma_wait3A_605 : memref<1x128xf32, #tpu.memory_space<vmem>> -> memref<128xf32, #tpu.memory_space<vmem>>
      %dma_wait3A_607 = arith.constant 0 : i32
      %dma_wait3A_608 = tpu.memref_slice %arg9[%add3A_180, %dma_wait3A_607] : memref<160x128xi32, #tpu.memory_space<vmem>> -> memref<1x128xi32, #tpu.memory_space<vmem>>
      %dma_wait3A_609 = tpu.memref_squeeze %dma_wait3A_608 : memref<1x128xi32, #tpu.memory_space<vmem>> -> memref<128xi32, #tpu.memory_space<vmem>>
      %dma_wait3A_610 = arith.constant 0 : i32
      %dma_wait3A_611 = tpu.memref_slice %arg6[%dma_wait3A_610] : memref<104857600xf32, #tpu.memory_space<hbm>> -> memref<104857600xf32, #tpu.memory_space<hbm>>
      tpu.wait_indirect_dma semaphore(%arg12 : memref<!tpu.dma_semaphore, #tpu.memory_space<semaphore_mem>>) src(%dma_wait3A_606 : memref<128xf32, #tpu.memory_space<vmem>>) dst(%dma_wait3A_611 : memref<104857600xf32, #tpu.memory_space<hbm>>)
      %dma_wait3A_612 = arith.constant 0 : i32
      %dma_wait3A_613 = tpu.memref_slice %arg10[%add3A_192, %dma_wait3A_612] : memref<160x128xf32, #tpu.memory_space<vmem>> -> memref<1x128xf32, #tpu.memory_space<vmem>>
      %dma_wait3A_614 = tpu.memref_squeeze %dma_wait3A_613 : memref<1x128xf32, #tpu.memory_space<vmem>> -> memref<128xf32, #tpu.memory_space<vmem>>
      %dma_wait3A_615 = arith.constant 0 : i32
      %dma_wait3A_616 = tpu.memref_slice %arg9[%add3A_196, %dma_wait3A_615] : memref<160x128xi32, #tpu.memory_space<vmem>> -> memref<1x128xi32, #tpu.memory_space<vmem>>
      %dma_wait3A_617 = tpu.memref_squeeze %dma_wait3A_616 : memref<1x128xi32, #tpu.memory_space<vmem>> -> memref<128xi32, #tpu.memory_space<vmem>>
      %dma_wait3A_618 = arith.constant 0 : i32
      %dma_wait3A_619 = tpu.memref_slice %arg6[%dma_wait3A_618] : memref<104857600xf32, #tpu.memory_space<hbm>> -> memref<104857600xf32, #tpu.memory_space<hbm>>
      tpu.wait_indirect_dma semaphore(%arg12 : memref<!tpu.dma_semaphore, #tpu.memory_space<semaphore_mem>>) src(%dma_wait3A_614 : memref<128xf32, #tpu.memory_space<vmem>>) dst(%dma_wait3A_619 : memref<104857600xf32, #tpu.memory_space<hbm>>)
      %dma_wait3A_620 = arith.constant 0 : i32
      %dma_wait3A_621 = tpu.memref_slice %arg10[%add3A_208, %dma_wait3A_620] : memref<160x128xf32, #tpu.memory_space<vmem>> -> memref<1x128xf32, #tpu.memory_space<vmem>>
      %dma_wait3A_622 = tpu.memref_squeeze %dma_wait3A_621 : memref<1x128xf32, #tpu.memory_space<vmem>> -> memref<128xf32, #tpu.memory_space<vmem>>
      %dma_wait3A_623 = arith.constant 0 : i32
      %dma_wait3A_624 = tpu.memref_slice %arg9[%add3A_212, %dma_wait3A_623] : memref<160x128xi32, #tpu.memory_space<vmem>> -> memref<1x128xi32, #tpu.memory_space<vmem>>
      %dma_wait3A_625 = tpu.memref_squeeze %dma_wait3A_624 : memref<1x128xi32, #tpu.memory_space<vmem>> -> memref<128xi32, #tpu.memory_space<vmem>>
      %dma_wait3A_626 = arith.constant 0 : i32
      %dma_wait3A_627 = tpu.memref_slice %arg6[%dma_wait3A_626] : memref<104857600xf32, #tpu.memory_space<hbm>> -> memref<104857600xf32, #tpu.memory_space<hbm>>
      tpu.wait_indirect_dma semaphore(%arg12 : memref<!tpu.dma_semaphore, #tpu.memory_space<semaphore_mem>>) src(%dma_wait3A_622 : memref<128xf32, #tpu.memory_space<vmem>>) dst(%dma_wait3A_627 : memref<104857600xf32, #tpu.memory_space<hbm>>)
      %dma_wait3A_628 = arith.constant 0 : i32
      %dma_wait3A_629 = tpu.memref_slice %arg10[%add3A_224, %dma_wait3A_628] : memref<160x128xf32, #tpu.memory_space<vmem>> -> memref<1x128xf32, #tpu.memory_space<vmem>>
      %dma_wait3A_630 = tpu.memref_squeeze %dma_wait3A_629 : memref<1x128xf32, #tpu.memory_space<vmem>> -> memref<128xf32, #tpu.memory_space<vmem>>
      %dma_wait3A_631 = arith.constant 0 : i32
      %dma_wait3A_632 = tpu.memref_slice %arg9[%add3A_228, %dma_wait3A_631] : memref<160x128xi32, #tpu.memory_space<vmem>> -> memref<1x128xi32, #tpu.memory_space<vmem>>
      %dma_wait3A_633 = tpu.memref_squeeze %dma_wait3A_632 : memref<1x128xi32, #tpu.memory_space<vmem>> -> memref<128xi32, #tpu.memory_space<vmem>>
      %dma_wait3A_634 = arith.constant 0 : i32
      %dma_wait3A_635 = tpu.memref_slice %arg6[%dma_wait3A_634] : memref<104857600xf32, #tpu.memory_space<hbm>> -> memref<104857600xf32, #tpu.memory_space<hbm>>
      tpu.wait_indirect_dma semaphore(%arg12 : memref<!tpu.dma_semaphore, #tpu.memory_space<semaphore_mem>>) src(%dma_wait3A_630 : memref<128xf32, #tpu.memory_space<vmem>>) dst(%dma_wait3A_635 : memref<104857600xf32, #tpu.memory_space<hbm>>)
      %dma_wait3A_636 = arith.constant 0 : i32
      %dma_wait3A_637 = tpu.memref_slice %arg10[%add3A_240, %dma_wait3A_636] : memref<160x128xf32, #tpu.memory_space<vmem>> -> memref<1x128xf32, #tpu.memory_space<vmem>>
      %dma_wait3A_638 = tpu.memref_squeeze %dma_wait3A_637 : memref<1x128xf32, #tpu.memory_space<vmem>> -> memref<128xf32, #tpu.memory_space<vmem>>
      %dma_wait3A_639 = arith.constant 0 : i32
      %dma_wait3A_640 = tpu.memref_slice %arg9[%add3A_244, %dma_wait3A_639] : memref<160x128xi32, #tpu.memory_space<vmem>> -> memref<1x128xi32, #tpu.memory_space<vmem>>
      %dma_wait3A_641 = tpu.memref_squeeze %dma_wait3A_640 : memref<1x128xi32, #tpu.memory_space<vmem>> -> memref<128xi32, #tpu.memory_space<vmem>>
      %dma_wait3A_642 = arith.constant 0 : i32
      %dma_wait3A_643 = tpu.memref_slice %arg6[%dma_wait3A_642] : memref<104857600xf32, #tpu.memory_space<hbm>> -> memref<104857600xf32, #tpu.memory_space<hbm>>
      tpu.wait_indirect_dma semaphore(%arg12 : memref<!tpu.dma_semaphore, #tpu.memory_space<semaphore_mem>>) src(%dma_wait3A_638 : memref<128xf32, #tpu.memory_space<vmem>>) dst(%dma_wait3A_643 : memref<104857600xf32, #tpu.memory_space<hbm>>)
      %dma_wait3A_644 = arith.constant 0 : i32
      %dma_wait3A_645 = tpu.memref_slice %arg10[%add3A_256, %dma_wait3A_644] : memref<160x128xf32, #tpu.memory_space<vmem>> -> memref<1x128xf32, #tpu.memory_space<vmem>>
      %dma_wait3A_646 = tpu.memref_squeeze %dma_wait3A_645 : memref<1x128xf32, #tpu.memory_space<vmem>> -> memref<128xf32, #tpu.memory_space<vmem>>
      %dma_wait3A_647 = arith.constant 0 : i32
      %dma_wait3A_648 = tpu.memref_slice %arg9[%add3A_260, %dma_wait3A_647] : memref<160x128xi32, #tpu.memory_space<vmem>> -> memref<1x128xi32, #tpu.memory_space<vmem>>
      %dma_wait3A_649 = tpu.memref_squeeze %dma_wait3A_648 : memref<1x128xi32, #tpu.memory_space<vmem>> -> memref<128xi32, #tpu.memory_space<vmem>>
      %dma_wait3A_650 = arith.constant 0 : i32
      %dma_wait3A_651 = tpu.memref_slice %arg6[%dma_wait3A_650] : memref<104857600xf32, #tpu.memory_space<hbm>> -> memref<104857600xf32, #tpu.memory_space<hbm>>
      tpu.wait_indirect_dma semaphore(%arg12 : memref<!tpu.dma_semaphore, #tpu.memory_space<semaphore_mem>>) src(%dma_wait3A_646 : memref<128xf32, #tpu.memory_space<vmem>>) dst(%dma_wait3A_651 : memref<104857600xf32, #tpu.memory_space<hbm>>)
      %dma_wait3A_652 = arith.constant 0 : i32
      %dma_wait3A_653 = tpu.memref_slice %arg10[%add3A_272, %dma_wait3A_652] : memref<160x128xf32, #tpu.memory_space<vmem>> -> memref<1x128xf32, #tpu.memory_space<vmem>>
      %dma_wait3A_654 = tpu.memref_squeeze %dma_wait3A_653 : memref<1x128xf32, #tpu.memory_space<vmem>> -> memref<128xf32, #tpu.memory_space<vmem>>
      %dma_wait3A_655 = arith.constant 0 : i32
      %dma_wait3A_656 = tpu.memref_slice %arg9[%add3A_276, %dma_wait3A_655] : memref<160x128xi32, #tpu.memory_space<vmem>> -> memref<1x128xi32, #tpu.memory_space<vmem>>
      %dma_wait3A_657 = tpu.memref_squeeze %dma_wait3A_656 : memref<1x128xi32, #tpu.memory_space<vmem>> -> memref<128xi32, #tpu.memory_space<vmem>>
      %dma_wait3A_658 = arith.constant 0 : i32
      %dma_wait3A_659 = tpu.memref_slice %arg6[%dma_wait3A_658] : memref<104857600xf32, #tpu.memory_space<hbm>> -> memref<104857600xf32, #tpu.memory_space<hbm>>
      tpu.wait_indirect_dma semaphore(%arg12 : memref<!tpu.dma_semaphore, #tpu.memory_space<semaphore_mem>>) src(%dma_wait3A_654 : memref<128xf32, #tpu.memory_space<vmem>>) dst(%dma_wait3A_659 : memref<104857600xf32, #tpu.memory_space<hbm>>)
      %dma_wait3A_660 = arith.constant 0 : i32
      %dma_wait3A_661 = tpu.memref_slice %arg10[%add3A_288, %dma_wait3A_660] : memref<160x128xf32, #tpu.memory_space<vmem>> -> memref<1x128xf32, #tpu.memory_space<vmem>>
      %dma_wait3A_662 = tpu.memref_squeeze %dma_wait3A_661 : memref<1x128xf32, #tpu.memory_space<vmem>> -> memref<128xf32, #tpu.memory_space<vmem>>
      %dma_wait3A_663 = arith.constant 0 : i32
      %dma_wait3A_664 = tpu.memref_slice %arg9[%add3A_292, %dma_wait3A_663] : memref<160x128xi32, #tpu.memory_space<vmem>> -> memref<1x128xi32, #tpu.memory_space<vmem>>
      %dma_wait3A_665 = tpu.memref_squeeze %dma_wait3A_664 : memref<1x128xi32, #tpu.memory_space<vmem>> -> memref<128xi32, #tpu.memory_space<vmem>>
      %dma_wait3A_666 = arith.constant 0 : i32
      %dma_wait3A_667 = tpu.memref_slice %arg6[%dma_wait3A_666] : memref<104857600xf32, #tpu.memory_space<hbm>> -> memref<104857600xf32, #tpu.memory_space<hbm>>
      tpu.wait_indirect_dma semaphore(%arg12 : memref<!tpu.dma_semaphore, #tpu.memory_space<semaphore_mem>>) src(%dma_wait3A_662 : memref<128xf32, #tpu.memory_space<vmem>>) dst(%dma_wait3A_667 : memref<104857600xf32, #tpu.memory_space<hbm>>)
      %dma_wait3A_668 = arith.constant 0 : i32
      %dma_wait3A_669 = tpu.memref_slice %arg10[%add3A_304, %dma_wait3A_668] : memref<160x128xf32, #tpu.memory_space<vmem>> -> memref<1x128xf32, #tpu.memory_space<vmem>>
      %dma_wait3A_670 = tpu.memref_squeeze %dma_wait3A_669 : memref<1x128xf32, #tpu.memory_space<vmem>> -> memref<128xf32, #tpu.memory_space<vmem>>
      %dma_wait3A_671 = arith.constant 0 : i32
      %dma_wait3A_672 = tpu.memref_slice %arg9[%add3A_308, %dma_wait3A_671] : memref<160x128xi32, #tpu.memory_space<vmem>> -> memref<1x128xi32, #tpu.memory_space<vmem>>
      %dma_wait3A_673 = tpu.memref_squeeze %dma_wait3A_672 : memref<1x128xi32, #tpu.memory_space<vmem>> -> memref<128xi32, #tpu.memory_space<vmem>>
      %dma_wait3A_674 = arith.constant 0 : i32
      %dma_wait3A_675 = tpu.memref_slice %arg6[%dma_wait3A_674] : memref<104857600xf32, #tpu.memory_space<hbm>> -> memref<104857600xf32, #tpu.memory_space<hbm>>
      tpu.wait_indirect_dma semaphore(%arg12 : memref<!tpu.dma_semaphore, #tpu.memory_space<semaphore_mem>>) src(%dma_wait3A_670 : memref<128xf32, #tpu.memory_space<vmem>>) dst(%dma_wait3A_675 : memref<104857600xf32, #tpu.memory_space<hbm>>)
      %dma_wait3A_676 = arith.constant 0 : i32
      %dma_wait3A_677 = tpu.memref_slice %arg10[%add3A_320, %dma_wait3A_676] : memref<160x128xf32, #tpu.memory_space<vmem>> -> memref<1x128xf32, #tpu.memory_space<vmem>>
      %dma_wait3A_678 = tpu.memref_squeeze %dma_wait3A_677 : memref<1x128xf32, #tpu.memory_space<vmem>> -> memref<128xf32, #tpu.memory_space<vmem>>
      %dma_wait3A_679 = arith.constant 0 : i32
      %dma_wait3A_680 = tpu.memref_slice %arg9[%add3A_324, %dma_wait3A_679] : memref<160x128xi32, #tpu.memory_space<vmem>> -> memref<1x128xi32, #tpu.memory_space<vmem>>
      %dma_wait3A_681 = tpu.memref_squeeze %dma_wait3A_680 : memref<1x128xi32, #tpu.memory_space<vmem>> -> memref<128xi32, #tpu.memory_space<vmem>>
      %dma_wait3A_682 = arith.constant 0 : i32
      %dma_wait3A_683 = tpu.memref_slice %arg6[%dma_wait3A_682] : memref<104857600xf32, #tpu.memory_space<hbm>> -> memref<104857600xf32, #tpu.memory_space<hbm>>
      tpu.wait_indirect_dma semaphore(%arg12 : memref<!tpu.dma_semaphore, #tpu.memory_space<semaphore_mem>>) src(%dma_wait3A_678 : memref<128xf32, #tpu.memory_space<vmem>>) dst(%dma_wait3A_683 : memref<104857600xf32, #tpu.memory_space<hbm>>)
      %dma_wait3A_684 = arith.constant 0 : i32
      %dma_wait3A_685 = tpu.memref_slice %arg10[%add3A_336, %dma_wait3A_684] : memref<160x128xf32, #tpu.memory_space<vmem>> -> memref<1x128xf32, #tpu.memory_space<vmem>>
      %dma_wait3A_686 = tpu.memref_squeeze %dma_wait3A_685 : memref<1x128xf32, #tpu.memory_space<vmem>> -> memref<128xf32, #tpu.memory_space<vmem>>
      %dma_wait3A_687 = arith.constant 0 : i32
      %dma_wait3A_688 = tpu.memref_slice %arg9[%add3A_340, %dma_wait3A_687] : memref<160x128xi32, #tpu.memory_space<vmem>> -> memref<1x128xi32, #tpu.memory_space<vmem>>
      %dma_wait3A_689 = tpu.memref_squeeze %dma_wait3A_688 : memref<1x128xi32, #tpu.memory_space<vmem>> -> memref<128xi32, #tpu.memory_space<vmem>>
      %dma_wait3A_690 = arith.constant 0 : i32
      %dma_wait3A_691 = tpu.memref_slice %arg6[%dma_wait3A_690] : memref<104857600xf32, #tpu.memory_space<hbm>> -> memref<104857600xf32, #tpu.memory_space<hbm>>
      tpu.wait_indirect_dma semaphore(%arg12 : memref<!tpu.dma_semaphore, #tpu.memory_space<semaphore_mem>>) src(%dma_wait3A_686 : memref<128xf32, #tpu.memory_space<vmem>>) dst(%dma_wait3A_691 : memref<104857600xf32, #tpu.memory_space<hbm>>)
      %dma_wait3A_692 = arith.constant 0 : i32
      %dma_wait3A_693 = tpu.memref_slice %arg10[%add3A_352, %dma_wait3A_692] : memref<160x128xf32, #tpu.memory_space<vmem>> -> memref<1x128xf32, #tpu.memory_space<vmem>>
      %dma_wait3A_694 = tpu.memref_squeeze %dma_wait3A_693 : memref<1x128xf32, #tpu.memory_space<vmem>> -> memref<128xf32, #tpu.memory_space<vmem>>
      %dma_wait3A_695 = arith.constant 0 : i32
      %dma_wait3A_696 = tpu.memref_slice %arg9[%add3A_356, %dma_wait3A_695] : memref<160x128xi32, #tpu.memory_space<vmem>> -> memref<1x128xi32, #tpu.memory_space<vmem>>
      %dma_wait3A_697 = tpu.memref_squeeze %dma_wait3A_696 : memref<1x128xi32, #tpu.memory_space<vmem>> -> memref<128xi32, #tpu.memory_space<vmem>>
      %dma_wait3A_698 = arith.constant 0 : i32
      %dma_wait3A_699 = tpu.memref_slice %arg6[%dma_wait3A_698] : memref<104857600xf32, #tpu.memory_space<hbm>> -> memref<104857600xf32, #tpu.memory_space<hbm>>
      tpu.wait_indirect_dma semaphore(%arg12 : memref<!tpu.dma_semaphore, #tpu.memory_space<semaphore_mem>>) src(%dma_wait3A_694 : memref<128xf32, #tpu.memory_space<vmem>>) dst(%dma_wait3A_699 : memref<104857600xf32, #tpu.memory_space<hbm>>)
      %dma_wait3A_700 = arith.constant 0 : i32
      %dma_wait3A_701 = tpu.memref_slice %arg10[%add3A_368, %dma_wait3A_700] : memref<160x128xf32, #tpu.memory_space<vmem>> -> memref<1x128xf32, #tpu.memory_space<vmem>>
      %dma_wait3A_702 = tpu.memref_squeeze %dma_wait3A_701 : memref<1x128xf32, #tpu.memory_space<vmem>> -> memref<128xf32, #tpu.memory_space<vmem>>
      %dma_wait3A_703 = arith.constant 0 : i32
      %dma_wait3A_704 = tpu.memref_slice %arg9[%add3A_372, %dma_wait3A_703] : memref<160x128xi32, #tpu.memory_space<vmem>> -> memref<1x128xi32, #tpu.memory_space<vmem>>
      %dma_wait3A_705 = tpu.memref_squeeze %dma_wait3A_704 : memref<1x128xi32, #tpu.memory_space<vmem>> -> memref<128xi32, #tpu.memory_space<vmem>>
      %dma_wait3A_706 = arith.constant 0 : i32
      %dma_wait3A_707 = tpu.memref_slice %arg6[%dma_wait3A_706] : memref<104857600xf32, #tpu.memory_space<hbm>> -> memref<104857600xf32, #tpu.memory_space<hbm>>
      tpu.wait_indirect_dma semaphore(%arg12 : memref<!tpu.dma_semaphore, #tpu.memory_space<semaphore_mem>>) src(%dma_wait3A_702 : memref<128xf32, #tpu.memory_space<vmem>>) dst(%dma_wait3A_707 : memref<104857600xf32, #tpu.memory_space<hbm>>)
      %dma_wait3A_708 = arith.constant 0 : i32
      %dma_wait3A_709 = tpu.memref_slice %arg10[%add3A_384, %dma_wait3A_708] : memref<160x128xf32, #tpu.memory_space<vmem>> -> memref<1x128xf32, #tpu.memory_space<vmem>>
      %dma_wait3A_710 = tpu.memref_squeeze %dma_wait3A_709 : memref<1x128xf32, #tpu.memory_space<vmem>> -> memref<128xf32, #tpu.memory_space<vmem>>
      %dma_wait3A_711 = arith.constant 0 : i32
      %dma_wait3A_712 = tpu.memref_slice %arg9[%add3A_388, %dma_wait3A_711] : memref<160x128xi32, #tpu.memory_space<vmem>> -> memref<1x128xi32, #tpu.memory_space<vmem>>
      %dma_wait3A_713 = tpu.memref_squeeze %dma_wait3A_712 : memref<1x128xi32, #tpu.memory_space<vmem>> -> memref<128xi32, #tpu.memory_space<vmem>>
      %dma_wait3A_714 = arith.constant 0 : i32
      %dma_wait3A_715 = tpu.memref_slice %arg6[%dma_wait3A_714] : memref<104857600xf32, #tpu.memory_space<hbm>> -> memref<104857600xf32, #tpu.memory_space<hbm>>
      tpu.wait_indirect_dma semaphore(%arg12 : memref<!tpu.dma_semaphore, #tpu.memory_space<semaphore_mem>>) src(%dma_wait3A_710 : memref<128xf32, #tpu.memory_space<vmem>>) dst(%dma_wait3A_715 : memref<104857600xf32, #tpu.memory_space<hbm>>)
      %dma_wait3A_716 = arith.constant 0 : i32
      %dma_wait3A_717 = tpu.memref_slice %arg10[%add3A_400, %dma_wait3A_716] : memref<160x128xf32, #tpu.memory_space<vmem>> -> memref<1x128xf32, #tpu.memory_space<vmem>>
      %dma_wait3A_718 = tpu.memref_squeeze %dma_wait3A_717 : memref<1x128xf32, #tpu.memory_space<vmem>> -> memref<128xf32, #tpu.memory_space<vmem>>
      %dma_wait3A_719 = arith.constant 0 : i32
      %dma_wait3A_720 = tpu.memref_slice %arg9[%add3A_404, %dma_wait3A_719] : memref<160x128xi32, #tpu.memory_space<vmem>> -> memref<1x128xi32, #tpu.memory_space<vmem>>
      %dma_wait3A_721 = tpu.memref_squeeze %dma_wait3A_720 : memref<1x128xi32, #tpu.memory_space<vmem>> -> memref<128xi32, #tpu.memory_space<vmem>>
      %dma_wait3A_722 = arith.constant 0 : i32
      %dma_wait3A_723 = tpu.memref_slice %arg6[%dma_wait3A_722] : memref<104857600xf32, #tpu.memory_space<hbm>> -> memref<104857600xf32, #tpu.memory_space<hbm>>
      tpu.wait_indirect_dma semaphore(%arg12 : memref<!tpu.dma_semaphore, #tpu.memory_space<semaphore_mem>>) src(%dma_wait3A_718 : memref<128xf32, #tpu.memory_space<vmem>>) dst(%dma_wait3A_723 : memref<104857600xf32, #tpu.memory_space<hbm>>)
      %dma_wait3A_724 = arith.constant 0 : i32
      %dma_wait3A_725 = tpu.memref_slice %arg10[%add3A_416, %dma_wait3A_724] : memref<160x128xf32, #tpu.memory_space<vmem>> -> memref<1x128xf32, #tpu.memory_space<vmem>>
      %dma_wait3A_726 = tpu.memref_squeeze %dma_wait3A_725 : memref<1x128xf32, #tpu.memory_space<vmem>> -> memref<128xf32, #tpu.memory_space<vmem>>
      %dma_wait3A_727 = arith.constant 0 : i32
      %dma_wait3A_728 = tpu.memref_slice %arg9[%add3A_420, %dma_wait3A_727] : memref<160x128xi32, #tpu.memory_space<vmem>> -> memref<1x128xi32, #tpu.memory_space<vmem>>
      %dma_wait3A_729 = tpu.memref_squeeze %dma_wait3A_728 : memref<1x128xi32, #tpu.memory_space<vmem>> -> memref<128xi32, #tpu.memory_space<vmem>>
      %dma_wait3A_730 = arith.constant 0 : i32
      %dma_wait3A_731 = tpu.memref_slice %arg6[%dma_wait3A_730] : memref<104857600xf32, #tpu.memory_space<hbm>> -> memref<104857600xf32, #tpu.memory_space<hbm>>
      tpu.wait_indirect_dma semaphore(%arg12 : memref<!tpu.dma_semaphore, #tpu.memory_space<semaphore_mem>>) src(%dma_wait3A_726 : memref<128xf32, #tpu.memory_space<vmem>>) dst(%dma_wait3A_731 : memref<104857600xf32, #tpu.memory_space<hbm>>)
      %dma_wait3A_732 = arith.constant 0 : i32
      %dma_wait3A_733 = tpu.memref_slice %arg10[%add3A_432, %dma_wait3A_732] : memref<160x128xf32, #tpu.memory_space<vmem>> -> memref<1x128xf32, #tpu.memory_space<vmem>>
      %dma_wait3A_734 = tpu.memref_squeeze %dma_wait3A_733 : memref<1x128xf32, #tpu.memory_space<vmem>> -> memref<128xf32, #tpu.memory_space<vmem>>
      %dma_wait3A_735 = arith.constant 0 : i32
      %dma_wait3A_736 = tpu.memref_slice %arg9[%add3A_436, %dma_wait3A_735] : memref<160x128xi32, #tpu.memory_space<vmem>> -> memref<1x128xi32, #tpu.memory_space<vmem>>
      %dma_wait3A_737 = tpu.memref_squeeze %dma_wait3A_736 : memref<1x128xi32, #tpu.memory_space<vmem>> -> memref<128xi32, #tpu.memory_space<vmem>>
      %dma_wait3A_738 = arith.constant 0 : i32
      %dma_wait3A_739 = tpu.memref_slice %arg6[%dma_wait3A_738] : memref<104857600xf32, #tpu.memory_space<hbm>> -> memref<104857600xf32, #tpu.memory_space<hbm>>
      tpu.wait_indirect_dma semaphore(%arg12 : memref<!tpu.dma_semaphore, #tpu.memory_space<semaphore_mem>>) src(%dma_wait3A_734 : memref<128xf32, #tpu.memory_space<vmem>>) dst(%dma_wait3A_739 : memref<104857600xf32, #tpu.memory_space<hbm>>)
      %dma_wait3A_740 = arith.constant 0 : i32
      %dma_wait3A_741 = tpu.memref_slice %arg10[%add3A_448, %dma_wait3A_740] : memref<160x128xf32, #tpu.memory_space<vmem>> -> memref<1x128xf32, #tpu.memory_space<vmem>>
      %dma_wait3A_742 = tpu.memref_squeeze %dma_wait3A_741 : memref<1x128xf32, #tpu.memory_space<vmem>> -> memref<128xf32, #tpu.memory_space<vmem>>
      %dma_wait3A_743 = arith.constant 0 : i32
      %dma_wait3A_744 = tpu.memref_slice %arg9[%add3A_452, %dma_wait3A_743] : memref<160x128xi32, #tpu.memory_space<vmem>> -> memref<1x128xi32, #tpu.memory_space<vmem>>
      %dma_wait3A_745 = tpu.memref_squeeze %dma_wait3A_744 : memref<1x128xi32, #tpu.memory_space<vmem>> -> memref<128xi32, #tpu.memory_space<vmem>>
      %dma_wait3A_746 = arith.constant 0 : i32
      %dma_wait3A_747 = tpu.memref_slice %arg6[%dma_wait3A_746] : memref<104857600xf32, #tpu.memory_space<hbm>> -> memref<104857600xf32, #tpu.memory_space<hbm>>
      tpu.wait_indirect_dma semaphore(%arg12 : memref<!tpu.dma_semaphore, #tpu.memory_space<semaphore_mem>>) src(%dma_wait3A_742 : memref<128xf32, #tpu.memory_space<vmem>>) dst(%dma_wait3A_747 : memref<104857600xf32, #tpu.memory_space<hbm>>)
      %dma_wait3A_748 = arith.constant 0 : i32
      %dma_wait3A_749 = tpu.memref_slice %arg10[%add3A_464, %dma_wait3A_748] : memref<160x128xf32, #tpu.memory_space<vmem>> -> memref<1x128xf32, #tpu.memory_space<vmem>>
      %dma_wait3A_750 = tpu.memref_squeeze %dma_wait3A_749 : memref<1x128xf32, #tpu.memory_space<vmem>> -> memref<128xf32, #tpu.memory_space<vmem>>
      %dma_wait3A_751 = arith.constant 0 : i32
      %dma_wait3A_752 = tpu.memref_slice %arg9[%add3A_468, %dma_wait3A_751] : memref<160x128xi32, #tpu.memory_space<vmem>> -> memref<1x128xi32, #tpu.memory_space<vmem>>
      %dma_wait3A_753 = tpu.memref_squeeze %dma_wait3A_752 : memref<1x128xi32, #tpu.memory_space<vmem>> -> memref<128xi32, #tpu.memory_space<vmem>>
      %dma_wait3A_754 = arith.constant 0 : i32
      %dma_wait3A_755 = tpu.memref_slice %arg6[%dma_wait3A_754] : memref<104857600xf32, #tpu.memory_space<hbm>> -> memref<104857600xf32, #tpu.memory_space<hbm>>
      tpu.wait_indirect_dma semaphore(%arg12 : memref<!tpu.dma_semaphore, #tpu.memory_space<semaphore_mem>>) src(%dma_wait3A_750 : memref<128xf32, #tpu.memory_space<vmem>>) dst(%dma_wait3A_755 : memref<104857600xf32, #tpu.memory_space<hbm>>)
      %dma_wait3A_756 = arith.constant 0 : i32
      %dma_wait3A_757 = tpu.memref_slice %arg10[%add3A_480, %dma_wait3A_756] : memref<160x128xf32, #tpu.memory_space<vmem>> -> memref<1x128xf32, #tpu.memory_space<vmem>>
      %dma_wait3A_758 = tpu.memref_squeeze %dma_wait3A_757 : memref<1x128xf32, #tpu.memory_space<vmem>> -> memref<128xf32, #tpu.memory_space<vmem>>
      %dma_wait3A_759 = arith.constant 0 : i32
      %dma_wait3A_760 = tpu.memref_slice %arg9[%add3A_484, %dma_wait3A_759] : memref<160x128xi32, #tpu.memory_space<vmem>> -> memref<1x128xi32, #tpu.memory_space<vmem>>
      %dma_wait3A_761 = tpu.memref_squeeze %dma_wait3A_760 : memref<1x128xi32, #tpu.memory_space<vmem>> -> memref<128xi32, #tpu.memory_space<vmem>>
      %dma_wait3A_762 = arith.constant 0 : i32
      %dma_wait3A_763 = tpu.memref_slice %arg6[%dma_wait3A_762] : memref<104857600xf32, #tpu.memory_space<hbm>> -> memref<104857600xf32, #tpu.memory_space<hbm>>
      tpu.wait_indirect_dma semaphore(%arg12 : memref<!tpu.dma_semaphore, #tpu.memory_space<semaphore_mem>>) src(%dma_wait3A_758 : memref<128xf32, #tpu.memory_space<vmem>>) dst(%dma_wait3A_763 : memref<104857600xf32, #tpu.memory_space<hbm>>)
      %dma_wait3A_764 = arith.constant 0 : i32
      %dma_wait3A_765 = tpu.memref_slice %arg10[%add3A_496, %dma_wait3A_764] : memref<160x128xf32, #tpu.memory_space<vmem>> -> memref<1x128xf32, #tpu.memory_space<vmem>>
      %dma_wait3A_766 = tpu.memref_squeeze %dma_wait3A_765 : memref<1x128xf32, #tpu.memory_space<vmem>> -> memref<128xf32, #tpu.memory_space<vmem>>
      %dma_wait3A_767 = arith.constant 0 : i32
      %dma_wait3A_768 = tpu.memref_slice %arg9[%add3A_500, %dma_wait3A_767] : memref<160x128xi32, #tpu.memory_space<vmem>> -> memref<1x128xi32, #tpu.memory_space<vmem>>
      %dma_wait3A_769 = tpu.memref_squeeze %dma_wait3A_768 : memref<1x128xi32, #tpu.memory_space<vmem>> -> memref<128xi32, #tpu.memory_space<vmem>>
      %dma_wait3A_770 = arith.constant 0 : i32
      %dma_wait3A_771 = tpu.memref_slice %arg6[%dma_wait3A_770] : memref<104857600xf32, #tpu.memory_space<hbm>> -> memref<104857600xf32, #tpu.memory_space<hbm>>
      tpu.wait_indirect_dma semaphore(%arg12 : memref<!tpu.dma_semaphore, #tpu.memory_space<semaphore_mem>>) src(%dma_wait3A_766 : memref<128xf32, #tpu.memory_space<vmem>>) dst(%dma_wait3A_771 : memref<104857600xf32, #tpu.memory_space<hbm>>)
      %dma_wait3A_772 = arith.constant 0 : i32
      %dma_wait3A_773 = tpu.memref_slice %arg10[%add3A_512, %dma_wait3A_772] : memref<160x128xf32, #tpu.memory_space<vmem>> -> memref<1x128xf32, #tpu.memory_space<vmem>>
      %dma_wait3A_774 = tpu.memref_squeeze %dma_wait3A_773 : memref<1x128xf32, #tpu.memory_space<vmem>> -> memref<128xf32, #tpu.memory_space<vmem>>
      %dma_wait3A_775 = arith.constant 0 : i32
      %dma_wait3A_776 = tpu.memref_slice %arg9[%add3A_516, %dma_wait3A_775] : memref<160x128xi32, #tpu.memory_space<vmem>> -> memref<1x128xi32, #tpu.memory_space<vmem>>
      %dma_wait3A_777 = tpu.memref_squeeze %dma_wait3A_776 : memref<1x128xi32, #tpu.memory_space<vmem>> -> memref<128xi32, #tpu.memory_space<vmem>>
      %dma_wait3A_778 = arith.constant 0 : i32
      %dma_wait3A_779 = tpu.memref_slice %arg6[%dma_wait3A_778] : memref<104857600xf32, #tpu.memory_space<hbm>> -> memref<104857600xf32, #tpu.memory_space<hbm>>
      tpu.wait_indirect_dma semaphore(%arg12 : memref<!tpu.dma_semaphore, #tpu.memory_space<semaphore_mem>>) src(%dma_wait3A_774 : memref<128xf32, #tpu.memory_space<vmem>>) dst(%dma_wait3A_779 : memref<104857600xf32, #tpu.memory_space<hbm>>)
    }
    %scan3A_13 = arith.constant 5 : i32
    return
  }
}

module attributes {stable_mosaic.version = 14 : i64} {
  func.func @_k1_body(%arg0: i32, %arg1: memref<1024x256xf32, #tpu.memory_space<vmem>>, %arg2: memref<256x1024xf32, #tpu.memory_space<vmem>>, %arg3: memref<8x128xf32, #tpu.memory_space<vmem>>, %arg4: memref<8x128xf32, #tpu.memory_space<vmem>>, %arg5: memref<1024x2048xbf16, #tpu.memory_space<vmem>>, %arg6: memref<8x1024xf32, #tpu.memory_space<vmem>>, %arg7: memref<1024x8xf32, #tpu.memory_space<vmem>>) attributes {dimension_semantics = [#tpu.dimension_semantics<arbitrary>], iteration_bounds = array<i64: 10>, scalar_prefetch = 0 : i64, scratch_operands = 0 : i64, tpu.core_type = #tpu.core_type<tc>, window_params = [{transform_indices = @transform_0, window_bounds = array<i64: 1024, 256>}, {pipeline_mode = #tpu.pipeline_mode<synchronous>, transform_indices = @transform_1, window_bounds = array<i64: 256, 1024>}, {pipeline_mode = #tpu.pipeline_mode<synchronous>, transform_indices = @transform_2, window_bounds = array<i64: 8, 128>}, {pipeline_mode = #tpu.pipeline_mode<synchronous>, transform_indices = @transform_3, window_bounds = array<i64: 8, 128>}, {transform_indices = @transform_4, window_bounds = array<i64: 1024, 2048>}, {transform_indices = @transform_5, window_bounds = array<i64: 8, 1024>}, {transform_indices = @transform_6, window_bounds = array<i64: 1024, 8>}]} {
    %get3A = arith.constant 0 : index
    %get3A_0 = arith.constant 0 : index
    %get3A_1 = vector.load %arg1[%get3A, %get3A_0] : memref<1024x256xf32, #tpu.memory_space<vmem>>, vector<1024x256xf32>
    %reduce_sum3A = arith.constant dense<0.000000e+00> : vector<1024xf32>
    %reduce_sum3A_2 = vector.multi_reduction <add>, %get3A_1, %reduce_sum3A [1] : vector<1024x256xf32> to vector<1024xf32>
    %broadcast_in_dim3A = vector.shape_cast %reduce_sum3A_2 : vector<1024xf32> to vector<1024x1xf32>
    %max3A = arith.constant 1.000000e+00 : f32
    %max3A_3 = vector.broadcast %max3A : f32 to vector<1024x1xf32>
    %max3A_4 = arith.maximumf %broadcast_in_dim3A, %max3A_3 : vector<1024x1xf32>
    %div3A = vector.broadcast %max3A_4 : vector<1024x1xf32> to vector<1024x256xf32>
    %div3A_5 = arith.divf %get3A_1, %div3A : vector<1024x256xf32>
    %get3A_6 = arith.constant 0 : index
    %get3A_7 = arith.constant 0 : index
    %get3A_8 = vector.load %arg2[%get3A_6, %get3A_7] : memref<256x1024xf32, #tpu.memory_space<vmem>>, vector<256x1024xf32>
    %dot_general3A = arith.constant dense<0.000000e+00> : vector<1024x1024xf32>
    %dot_general3A_9 = tpu.matmul %div3A_5, %get3A_8, %dot_general3A {dimension_numbers = #tpu.dot_dimension_numbers<[1], [0], [0], [1], [0, 0, 1, 1], [], []>, transpose_lhs_hint = false} : vector<1024x256xf32>, vector<256x1024xf32>, vector<1024x1024xf32> -> vector<1024x1024xf32>
    %slice3A = vector.extract_strided_slice %dot_general3A_9 {offsets = [0, 0], sizes = [1024, 128], strides = [1, 1]} : vector<1024x1024xf32> to vector<1024x128xf32>
    %convert_element_type3A = arith.truncf %slice3A : vector<1024x128xf32> to vector<1024x128xbf16>
    %broadcast_in_dim3A_10 = arith.constant 1.000000e+00 : bf16
    %broadcast_in_dim3A_11 = vector.broadcast %broadcast_in_dim3A_10 : bf16 to vector<1024x1xbf16>
    %broadcast_in_dim3A_12 = arith.constant 0.000000e+00 : bf16
    %broadcast_in_dim3A_13 = vector.broadcast %broadcast_in_dim3A_12 : bf16 to vector<1024x127xbf16>
    %get3A_14 = arith.constant 0 : index
    %get3A_15 = arith.constant 0 : index
    %get3A_16 = vector.load %arg3[%get3A_14, %get3A_15] : memref<8x128xf32, #tpu.memory_space<vmem>>, vector<1x128xf32>
    %dot_general3A_17 = arith.constant dense<0.000000e+00> : vector<1x1024xf32>
    %dot_general3A_18 = tpu.matmul %get3A_16, %slice3A, %dot_general3A_17 {dimension_numbers = #tpu.dot_dimension_numbers<[1], [1], [0], [0], [0, 0, 1, 0], [], []>, transpose_lhs_hint = false} : vector<1x128xf32>, vector<1024x128xf32>, vector<1x1024xf32> -> vector<1x1024xf32>
    %get3A_19 = arith.constant 0 : index
    %get3A_20 = arith.constant 0 : index
    %get3A_21 = vector.load %arg4[%get3A_19, %get3A_20] : memref<8x128xf32, #tpu.memory_space<vmem>>, vector<1x128xf32>
    %mul3A = vector.broadcast %get3A_21 : vector<1x128xf32> to vector<1024x128xf32>
    %mul3A_22 = arith.mulf %slice3A, %mul3A : vector<1024x128xf32>
    %reduce_sum3A_23 = arith.constant dense<0.000000e+00> : vector<1024xf32>
    %reduce_sum3A_24 = vector.multi_reduction <add>, %mul3A_22, %reduce_sum3A_23 [1] : vector<1024x128xf32> to vector<1024xf32>
    %broadcast_in_dim3A_25 = vector.shape_cast %reduce_sum3A_24 : vector<1024xf32> to vector<1024x1xf32>
    %slice3A_26 = vector.extract_strided_slice %dot_general3A_9 {offsets = [0, 128], sizes = [1024, 128], strides = [1, 1]} : vector<1024x1024xf32> to vector<1024x128xf32>
    %convert_element_type3A_27 = arith.truncf %slice3A_26 : vector<1024x128xf32> to vector<1024x128xbf16>
    %broadcast_in_dim3A_28 = arith.constant 1.000000e+00 : bf16
    %broadcast_in_dim3A_29 = vector.broadcast %broadcast_in_dim3A_28 : bf16 to vector<1024x1xbf16>
    %broadcast_in_dim3A_30 = arith.constant 0.000000e+00 : bf16
    %broadcast_in_dim3A_31 = vector.broadcast %broadcast_in_dim3A_30 : bf16 to vector<1024x127xbf16>
    %get3A_32 = arith.constant 1 : index
    %get3A_33 = arith.constant 0 : index
    %get3A_34 = vector.load %arg3[%get3A_32, %get3A_33] : memref<8x128xf32, #tpu.memory_space<vmem>>, vector<1x128xf32>
    %dot_general3A_35 = arith.constant dense<0.000000e+00> : vector<1x1024xf32>
    %dot_general3A_36 = tpu.matmul %get3A_34, %slice3A_26, %dot_general3A_35 {dimension_numbers = #tpu.dot_dimension_numbers<[1], [1], [0], [0], [0, 0, 1, 0], [], []>, transpose_lhs_hint = false} : vector<1x128xf32>, vector<1024x128xf32>, vector<1x1024xf32> -> vector<1x1024xf32>
    %get3A_37 = arith.constant 1 : index
    %get3A_38 = arith.constant 0 : index
    %get3A_39 = vector.load %arg4[%get3A_37, %get3A_38] : memref<8x128xf32, #tpu.memory_space<vmem>>, vector<1x128xf32>
    %mul3A_40 = vector.broadcast %get3A_39 : vector<1x128xf32> to vector<1024x128xf32>
    %mul3A_41 = arith.mulf %slice3A_26, %mul3A_40 : vector<1024x128xf32>
    %reduce_sum3A_42 = arith.constant dense<0.000000e+00> : vector<1024xf32>
    %reduce_sum3A_43 = vector.multi_reduction <add>, %mul3A_41, %reduce_sum3A_42 [1] : vector<1024x128xf32> to vector<1024xf32>
    %broadcast_in_dim3A_44 = vector.shape_cast %reduce_sum3A_43 : vector<1024xf32> to vector<1024x1xf32>
    %slice3A_45 = vector.extract_strided_slice %dot_general3A_9 {offsets = [0, 256], sizes = [1024, 128], strides = [1, 1]} : vector<1024x1024xf32> to vector<1024x128xf32>
    %convert_element_type3A_46 = arith.truncf %slice3A_45 : vector<1024x128xf32> to vector<1024x128xbf16>
    %broadcast_in_dim3A_47 = arith.constant 1.000000e+00 : bf16
    %broadcast_in_dim3A_48 = vector.broadcast %broadcast_in_dim3A_47 : bf16 to vector<1024x1xbf16>
    %broadcast_in_dim3A_49 = arith.constant 0.000000e+00 : bf16
    %broadcast_in_dim3A_50 = vector.broadcast %broadcast_in_dim3A_49 : bf16 to vector<1024x127xbf16>
    %get3A_51 = arith.constant 2 : index
    %get3A_52 = arith.constant 0 : index
    %get3A_53 = vector.load %arg3[%get3A_51, %get3A_52] : memref<8x128xf32, #tpu.memory_space<vmem>>, vector<1x128xf32>
    %dot_general3A_54 = arith.constant dense<0.000000e+00> : vector<1x1024xf32>
    %dot_general3A_55 = tpu.matmul %get3A_53, %slice3A_45, %dot_general3A_54 {dimension_numbers = #tpu.dot_dimension_numbers<[1], [1], [0], [0], [0, 0, 1, 0], [], []>, transpose_lhs_hint = false} : vector<1x128xf32>, vector<1024x128xf32>, vector<1x1024xf32> -> vector<1x1024xf32>
    %get3A_56 = arith.constant 2 : index
    %get3A_57 = arith.constant 0 : index
    %get3A_58 = vector.load %arg4[%get3A_56, %get3A_57] : memref<8x128xf32, #tpu.memory_space<vmem>>, vector<1x128xf32>
    %mul3A_59 = vector.broadcast %get3A_58 : vector<1x128xf32> to vector<1024x128xf32>
    %mul3A_60 = arith.mulf %slice3A_45, %mul3A_59 : vector<1024x128xf32>
    %reduce_sum3A_61 = arith.constant dense<0.000000e+00> : vector<1024xf32>
    %reduce_sum3A_62 = vector.multi_reduction <add>, %mul3A_60, %reduce_sum3A_61 [1] : vector<1024x128xf32> to vector<1024xf32>
    %broadcast_in_dim3A_63 = vector.shape_cast %reduce_sum3A_62 : vector<1024xf32> to vector<1024x1xf32>
    %slice3A_64 = vector.extract_strided_slice %dot_general3A_9 {offsets = [0, 384], sizes = [1024, 128], strides = [1, 1]} : vector<1024x1024xf32> to vector<1024x128xf32>
    %convert_element_type3A_65 = arith.truncf %slice3A_64 : vector<1024x128xf32> to vector<1024x128xbf16>
    %broadcast_in_dim3A_66 = arith.constant 1.000000e+00 : bf16
    %broadcast_in_dim3A_67 = vector.broadcast %broadcast_in_dim3A_66 : bf16 to vector<1024x1xbf16>
    %broadcast_in_dim3A_68 = arith.constant 0.000000e+00 : bf16
    %broadcast_in_dim3A_69 = vector.broadcast %broadcast_in_dim3A_68 : bf16 to vector<1024x127xbf16>
    %get3A_70 = arith.constant 3 : index
    %get3A_71 = arith.constant 0 : index
    %get3A_72 = vector.load %arg3[%get3A_70, %get3A_71] : memref<8x128xf32, #tpu.memory_space<vmem>>, vector<1x128xf32>
    %dot_general3A_73 = arith.constant dense<0.000000e+00> : vector<1x1024xf32>
    %dot_general3A_74 = tpu.matmul %get3A_72, %slice3A_64, %dot_general3A_73 {dimension_numbers = #tpu.dot_dimension_numbers<[1], [1], [0], [0], [0, 0, 1, 0], [], []>, transpose_lhs_hint = false} : vector<1x128xf32>, vector<1024x128xf32>, vector<1x1024xf32> -> vector<1x1024xf32>
    %get3A_75 = arith.constant 3 : index
    %get3A_76 = arith.constant 0 : index
    %get3A_77 = vector.load %arg4[%get3A_75, %get3A_76] : memref<8x128xf32, #tpu.memory_space<vmem>>, vector<1x128xf32>
    %mul3A_78 = vector.broadcast %get3A_77 : vector<1x128xf32> to vector<1024x128xf32>
    %mul3A_79 = arith.mulf %slice3A_64, %mul3A_78 : vector<1024x128xf32>
    %reduce_sum3A_80 = arith.constant dense<0.000000e+00> : vector<1024xf32>
    %reduce_sum3A_81 = vector.multi_reduction <add>, %mul3A_79, %reduce_sum3A_80 [1] : vector<1024x128xf32> to vector<1024xf32>
    %broadcast_in_dim3A_82 = vector.shape_cast %reduce_sum3A_81 : vector<1024xf32> to vector<1024x1xf32>
    %slice3A_83 = vector.extract_strided_slice %dot_general3A_9 {offsets = [0, 512], sizes = [1024, 128], strides = [1, 1]} : vector<1024x1024xf32> to vector<1024x128xf32>
    %convert_element_type3A_84 = arith.truncf %slice3A_83 : vector<1024x128xf32> to vector<1024x128xbf16>
    %broadcast_in_dim3A_85 = arith.constant 1.000000e+00 : bf16
    %broadcast_in_dim3A_86 = vector.broadcast %broadcast_in_dim3A_85 : bf16 to vector<1024x1xbf16>
    %broadcast_in_dim3A_87 = arith.constant 0.000000e+00 : bf16
    %broadcast_in_dim3A_88 = vector.broadcast %broadcast_in_dim3A_87 : bf16 to vector<1024x127xbf16>
    %get3A_89 = arith.constant 4 : index
    %get3A_90 = arith.constant 0 : index
    %get3A_91 = vector.load %arg3[%get3A_89, %get3A_90] : memref<8x128xf32, #tpu.memory_space<vmem>>, vector<1x128xf32>
    %dot_general3A_92 = arith.constant dense<0.000000e+00> : vector<1x1024xf32>
    %dot_general3A_93 = tpu.matmul %get3A_91, %slice3A_83, %dot_general3A_92 {dimension_numbers = #tpu.dot_dimension_numbers<[1], [1], [0], [0], [0, 0, 1, 0], [], []>, transpose_lhs_hint = false} : vector<1x128xf32>, vector<1024x128xf32>, vector<1x1024xf32> -> vector<1x1024xf32>
    %get3A_94 = arith.constant 4 : index
    %get3A_95 = arith.constant 0 : index
    %get3A_96 = vector.load %arg4[%get3A_94, %get3A_95] : memref<8x128xf32, #tpu.memory_space<vmem>>, vector<1x128xf32>
    %mul3A_97 = vector.broadcast %get3A_96 : vector<1x128xf32> to vector<1024x128xf32>
    %mul3A_98 = arith.mulf %slice3A_83, %mul3A_97 : vector<1024x128xf32>
    %reduce_sum3A_99 = arith.constant dense<0.000000e+00> : vector<1024xf32>
    %reduce_sum3A_100 = vector.multi_reduction <add>, %mul3A_98, %reduce_sum3A_99 [1] : vector<1024x128xf32> to vector<1024xf32>
    %broadcast_in_dim3A_101 = vector.shape_cast %reduce_sum3A_100 : vector<1024xf32> to vector<1024x1xf32>
    %slice3A_102 = vector.extract_strided_slice %dot_general3A_9 {offsets = [0, 640], sizes = [1024, 128], strides = [1, 1]} : vector<1024x1024xf32> to vector<1024x128xf32>
    %convert_element_type3A_103 = arith.truncf %slice3A_102 : vector<1024x128xf32> to vector<1024x128xbf16>
    %broadcast_in_dim3A_104 = arith.constant 1.000000e+00 : bf16
    %broadcast_in_dim3A_105 = vector.broadcast %broadcast_in_dim3A_104 : bf16 to vector<1024x1xbf16>
    %broadcast_in_dim3A_106 = arith.constant 0.000000e+00 : bf16
    %broadcast_in_dim3A_107 = vector.broadcast %broadcast_in_dim3A_106 : bf16 to vector<1024x127xbf16>
    %get3A_108 = arith.constant 5 : index
    %get3A_109 = arith.constant 0 : index
    %get3A_110 = vector.load %arg3[%get3A_108, %get3A_109] : memref<8x128xf32, #tpu.memory_space<vmem>>, vector<1x128xf32>
    %dot_general3A_111 = arith.constant dense<0.000000e+00> : vector<1x1024xf32>
    %dot_general3A_112 = tpu.matmul %get3A_110, %slice3A_102, %dot_general3A_111 {dimension_numbers = #tpu.dot_dimension_numbers<[1], [1], [0], [0], [0, 0, 1, 0], [], []>, transpose_lhs_hint = false} : vector<1x128xf32>, vector<1024x128xf32>, vector<1x1024xf32> -> vector<1x1024xf32>
    %get3A_113 = arith.constant 5 : index
    %get3A_114 = arith.constant 0 : index
    %get3A_115 = vector.load %arg4[%get3A_113, %get3A_114] : memref<8x128xf32, #tpu.memory_space<vmem>>, vector<1x128xf32>
    %mul3A_116 = vector.broadcast %get3A_115 : vector<1x128xf32> to vector<1024x128xf32>
    %mul3A_117 = arith.mulf %slice3A_102, %mul3A_116 : vector<1024x128xf32>
    %reduce_sum3A_118 = arith.constant dense<0.000000e+00> : vector<1024xf32>
    %reduce_sum3A_119 = vector.multi_reduction <add>, %mul3A_117, %reduce_sum3A_118 [1] : vector<1024x128xf32> to vector<1024xf32>
    %broadcast_in_dim3A_120 = vector.shape_cast %reduce_sum3A_119 : vector<1024xf32> to vector<1024x1xf32>
    %slice3A_121 = vector.extract_strided_slice %dot_general3A_9 {offsets = [0, 768], sizes = [1024, 128], strides = [1, 1]} : vector<1024x1024xf32> to vector<1024x128xf32>
    %convert_element_type3A_122 = arith.truncf %slice3A_121 : vector<1024x128xf32> to vector<1024x128xbf16>
    %broadcast_in_dim3A_123 = arith.constant 1.000000e+00 : bf16
    %broadcast_in_dim3A_124 = vector.broadcast %broadcast_in_dim3A_123 : bf16 to vector<1024x1xbf16>
    %broadcast_in_dim3A_125 = arith.constant 0.000000e+00 : bf16
    %broadcast_in_dim3A_126 = vector.broadcast %broadcast_in_dim3A_125 : bf16 to vector<1024x127xbf16>
    %get3A_127 = arith.constant 6 : index
    %get3A_128 = arith.constant 0 : index
    %get3A_129 = vector.load %arg3[%get3A_127, %get3A_128] : memref<8x128xf32, #tpu.memory_space<vmem>>, vector<1x128xf32>
    %dot_general3A_130 = arith.constant dense<0.000000e+00> : vector<1x1024xf32>
    %dot_general3A_131 = tpu.matmul %get3A_129, %slice3A_121, %dot_general3A_130 {dimension_numbers = #tpu.dot_dimension_numbers<[1], [1], [0], [0], [0, 0, 1, 0], [], []>, transpose_lhs_hint = false} : vector<1x128xf32>, vector<1024x128xf32>, vector<1x1024xf32> -> vector<1x1024xf32>
    %get3A_132 = arith.constant 6 : index
    %get3A_133 = arith.constant 0 : index
    %get3A_134 = vector.load %arg4[%get3A_132, %get3A_133] : memref<8x128xf32, #tpu.memory_space<vmem>>, vector<1x128xf32>
    %mul3A_135 = vector.broadcast %get3A_134 : vector<1x128xf32> to vector<1024x128xf32>
    %mul3A_136 = arith.mulf %slice3A_121, %mul3A_135 : vector<1024x128xf32>
    %reduce_sum3A_137 = arith.constant dense<0.000000e+00> : vector<1024xf32>
    %reduce_sum3A_138 = vector.multi_reduction <add>, %mul3A_136, %reduce_sum3A_137 [1] : vector<1024x128xf32> to vector<1024xf32>
    %broadcast_in_dim3A_139 = vector.shape_cast %reduce_sum3A_138 : vector<1024xf32> to vector<1024x1xf32>
    %slice3A_140 = vector.extract_strided_slice %dot_general3A_9 {offsets = [0, 896], sizes = [1024, 128], strides = [1, 1]} : vector<1024x1024xf32> to vector<1024x128xf32>
    %convert_element_type3A_141 = arith.truncf %slice3A_140 : vector<1024x128xf32> to vector<1024x128xbf16>
    %broadcast_in_dim3A_142 = arith.constant 1.000000e+00 : bf16
    %broadcast_in_dim3A_143 = vector.broadcast %broadcast_in_dim3A_142 : bf16 to vector<1024x1xbf16>
    %broadcast_in_dim3A_144 = arith.constant 0.000000e+00 : bf16
    %broadcast_in_dim3A_145 = vector.broadcast %broadcast_in_dim3A_144 : bf16 to vector<1024x127xbf16>
    %get3A_146 = arith.constant 7 : index
    %get3A_147 = arith.constant 0 : index
    %get3A_148 = vector.load %arg3[%get3A_146, %get3A_147] : memref<8x128xf32, #tpu.memory_space<vmem>>, vector<1x128xf32>
    %dot_general3A_149 = arith.constant dense<0.000000e+00> : vector<1x1024xf32>
    %dot_general3A_150 = tpu.matmul %get3A_148, %slice3A_140, %dot_general3A_149 {dimension_numbers = #tpu.dot_dimension_numbers<[1], [1], [0], [0], [0, 0, 1, 0], [], []>, transpose_lhs_hint = false} : vector<1x128xf32>, vector<1024x128xf32>, vector<1x1024xf32> -> vector<1x1024xf32>
    %get3A_151 = arith.constant 7 : index
    %get3A_152 = arith.constant 0 : index
    %get3A_153 = vector.load %arg4[%get3A_151, %get3A_152] : memref<8x128xf32, #tpu.memory_space<vmem>>, vector<1x128xf32>
    %mul3A_154 = vector.broadcast %get3A_153 : vector<1x128xf32> to vector<1024x128xf32>
    %mul3A_155 = arith.mulf %slice3A_140, %mul3A_154 : vector<1024x128xf32>
    %reduce_sum3A_156 = arith.constant dense<0.000000e+00> : vector<1024xf32>
    %reduce_sum3A_157 = vector.multi_reduction <add>, %mul3A_155, %reduce_sum3A_156 [1] : vector<1024x128xf32> to vector<1024xf32>
    %broadcast_in_dim3A_158 = vector.shape_cast %reduce_sum3A_157 : vector<1024xf32> to vector<1024x1xf32>
    %concatenate3A = tpu.concatenate %convert_element_type3A, %broadcast_in_dim3A_11, %broadcast_in_dim3A_13, %convert_element_type3A_27, %broadcast_in_dim3A_29, %broadcast_in_dim3A_31, %convert_element_type3A_46, %broadcast_in_dim3A_48, %broadcast_in_dim3A_50, %convert_element_type3A_65, %broadcast_in_dim3A_67, %broadcast_in_dim3A_69, %convert_element_type3A_84, %broadcast_in_dim3A_86, %broadcast_in_dim3A_88, %convert_element_type3A_103, %broadcast_in_dim3A_105, %broadcast_in_dim3A_107, %convert_element_type3A_122, %broadcast_in_dim3A_124, %broadcast_in_dim3A_126, %convert_element_type3A_141, %broadcast_in_dim3A_143, %broadcast_in_dim3A_145 in 1 : vector<1024x128xbf16>, vector<1024x1xbf16>, vector<1024x127xbf16>, vector<1024x128xbf16>, vector<1024x1xbf16>, vector<1024x127xbf16>, vector<1024x128xbf16>, vector<1024x1xbf16>, vector<1024x127xbf16>, vector<1024x128xbf16>, vector<1024x1xbf16>, vector<1024x127xbf16>, vector<1024x128xbf16>, vector<1024x1xbf16>, vector<1024x127xbf16>, vector<1024x128xbf16>, vector<1024x1xbf16>, vector<1024x127xbf16>, vector<1024x128xbf16>, vector<1024x1xbf16>, vector<1024x127xbf16>, vector<1024x128xbf16>, vector<1024x1xbf16>, vector<1024x127xbf16> -> vector<1024x2048xbf16>
    %swap3A = arith.constant 0 : index
    %swap3A_159 = arith.constant 0 : index
    %swap3A_160 = vector.load %arg5[%swap3A, %swap3A_159] : memref<1024x2048xbf16, #tpu.memory_space<vmem>>, vector<1024x2048xbf16>
    tpu.vector_store %arg5[%swap3A, %swap3A_159], %concatenate3A {strides = array<i32>} : memref<1024x2048xbf16, #tpu.memory_space<vmem>>, vector<1024x2048xbf16>,
    %concatenate3A_161 = tpu.concatenate %dot_general3A_18, %dot_general3A_36, %dot_general3A_55, %dot_general3A_74, %dot_general3A_93, %dot_general3A_112, %dot_general3A_131, %dot_general3A_150 in 0 : vector<1x1024xf32>, vector<1x1024xf32>, vector<1x1024xf32>, vector<1x1024xf32>, vector<1x1024xf32>, vector<1x1024xf32>, vector<1x1024xf32>, vector<1x1024xf32> -> vector<8x1024xf32>
    %swap3A_162 = arith.constant 0 : index
    %swap3A_163 = arith.constant 0 : index
    %swap3A_164 = vector.load %arg6[%swap3A_162, %swap3A_163] : memref<8x1024xf32, #tpu.memory_space<vmem>>, vector<8x1024xf32>
    tpu.vector_store %arg6[%swap3A_162, %swap3A_163], %concatenate3A_161 {strides = array<i32>} : memref<8x1024xf32, #tpu.memory_space<vmem>>, vector<8x1024xf32>,
    %concatenate3A_165 = tpu.concatenate %broadcast_in_dim3A_25, %broadcast_in_dim3A_44, %broadcast_in_dim3A_63, %broadcast_in_dim3A_82, %broadcast_in_dim3A_101, %broadcast_in_dim3A_120, %broadcast_in_dim3A_139, %broadcast_in_dim3A_158 in 1 : vector<1024x1xf32>, vector<1024x1xf32>, vector<1024x1xf32>, vector<1024x1xf32>, vector<1024x1xf32>, vector<1024x1xf32>, vector<1024x1xf32>, vector<1024x1xf32> -> vector<1024x8xf32>
    %swap3A_166 = arith.constant 0 : index
    %swap3A_167 = arith.constant 0 : index
    %swap3A_168 = vector.load %arg7[%swap3A_166, %swap3A_167] : memref<1024x8xf32, #tpu.memory_space<vmem>>, vector<1024x8xf32>
    tpu.vector_store %arg7[%swap3A_166, %swap3A_167], %concatenate3A_165 {strides = array<i32>} : memref<1024x8xf32, #tpu.memory_space<vmem>>, vector<1024x8xf32>,
    return
  }
  func.func @transform_0(%arg0: i32) -> (i32, i32) {
    %c0_i32 = arith.constant 0 : i32
    %c0_i32_0 = arith.constant 0 : i32
    return %arg0, %c0_i32 : i32, i32
  }
  func.func @transform_1(%arg0: i32) -> (i32, i32) {
    %c0_i32 = arith.constant 0 : i32
    %c0_i32_0 = arith.constant 0 : i32
    %c0_i32_1 = arith.constant 0 : i32
    return %c0_i32, %c0_i32_0 : i32, i32
  }
  func.func @transform_2(%arg0: i32) -> (i32, i32) {
    %c0_i32 = arith.constant 0 : i32
    %c0_i32_0 = arith.constant 0 : i32
    %c0_i32_1 = arith.constant 0 : i32
    return %c0_i32, %c0_i32_0 : i32, i32
  }
  func.func @transform_3(%arg0: i32) -> (i32, i32) {
    %c0_i32 = arith.constant 0 : i32
    %c0_i32_0 = arith.constant 0 : i32
    %c0_i32_1 = arith.constant 0 : i32
    return %c0_i32, %c0_i32_0 : i32, i32
  }
  func.func @transform_4(%arg0: i32) -> (i32, i32) {
    %c0_i32 = arith.constant 0 : i32
    %c0_i32_0 = arith.constant 0 : i32
    return %arg0, %c0_i32 : i32, i32
  }
  func.func @transform_5(%arg0: i32) -> (i32, i32) {
    %c0_i32 = arith.constant 0 : i32
    %c0_i32_0 = arith.constant 0 : i32
    return %c0_i32, %arg0 : i32, i32
  }
  func.func @transform_6(%arg0: i32) -> (i32, i32) {
    %c0_i32 = arith.constant 0 : i32
    %c0_i32_0 = arith.constant 0 : i32
    return %arg0, %c0_i32 : i32, i32
  }
}

module attributes {stable_mosaic.version = 14 : i64} {
  func.func @_k2_body(%arg0: i32, %arg1: i32, %arg2: memref<1024x512xf32, #tpu.memory_space<vmem>>, %arg3: memref<512x2048xbf16, #tpu.memory_space<vmem>>, %arg4: memref<8x10240xf32, #tpu.memory_space<vmem>>, %arg5: memref<1024x8xf32, #tpu.memory_space<vmem>>, %arg6: memref<1024x40xf32, #tpu.memory_space<vmem>>, %arg7: memref<1x40xf32, #tpu.memory_space<vmem>>, %arg8: memref<40x1xf32, #tpu.memory_space<vmem>>, %arg9: memref<1024x1024xf32, #tpu.memory_space<vmem>>, %arg10: memref<1024x64xbf16, #tpu.memory_space<vmem>>, %arg11: memref<1x1024xf32, #tpu.memory_space<vmem>>, %arg12: memref<1024x1xf32, #tpu.memory_space<vmem>>, %arg13: memref<1024x2048xf32, #tpu.memory_space<vmem>>, %arg14: memref<1x8xf32, #tpu.memory_space<vmem>>, %arg15: memref<1024x8xbf16, #tpu.memory_space<vmem>>, %arg16: memref<1024x8xbf16, #tpu.memory_space<vmem>>) attributes {dimension_semantics = [#tpu.dimension_semantics<parallel>, #tpu.dimension_semantics<arbitrary>], iteration_bounds = array<i64: 10, 20>, scalar_prefetch = 0 : i64, scratch_operands = 4 : i64, tpu.core_type = #tpu.core_type<tc>, window_params = [{transform_indices = @transform_0, window_bounds = array<i64: 1024, 512>}, {transform_indices = @transform_1, window_bounds = array<i64: 512, 2048>}, {pipeline_mode = #tpu.pipeline_mode<synchronous>, transform_indices = @transform_2, window_bounds = array<i64: 8, 10240>}, {transform_indices = @transform_3, window_bounds = array<i64: 1024, 8>}, {pipeline_mode = #tpu.pipeline_mode<synchronous>, transform_indices = @transform_4, window_bounds = array<i64: 1024, 40>}, {pipeline_mode = #tpu.pipeline_mode<synchronous>, transform_indices = @transform_5, window_bounds = array<i64: 1, 40>}, {pipeline_mode = #tpu.pipeline_mode<synchronous>, transform_indices = @transform_6, window_bounds = array<i64: 40, 1>}, {transform_indices = @transform_7, window_bounds = array<i64: 1024, 1024>}, {transform_indices = @transform_8, window_bounds = array<i64: 1024, 64>}, {transform_indices = @transform_9, window_bounds = array<i64: 1, 1024>}, {transform_indices = @transform_10, window_bounds = array<i64: 1024, 1>}]} {
    %eq3A = arith.constant 0 : i32
    %eq3A_0 = arith.cmpi eq, %arg1, %eq3A : i32
    %convert_element_type3A = arith.extui %eq3A_0 : i1 to i32
    %cond3A = arith.constant 0 : i32
    %cond3A_1 = arith.cmpi ne, %convert_element_type3A, %cond3A : i32
    scf.if %cond3A_1 {
      %broadcast_in_dim3A_360 = arith.constant 0.000000e+00 : f32
      %broadcast_in_dim3A_361 = vector.broadcast %broadcast_in_dim3A_360 : f32 to vector<1024x2048xf32>
      %swap3A_362 = arith.constant 0 : index
      %swap3A_363 = arith.constant 0 : index
      %swap3A_364 = vector.load %arg13[%swap3A_362, %swap3A_363] : memref<1024x2048xf32, #tpu.memory_space<vmem>>, vector<1024x2048xf32>
      tpu.vector_store %arg13[%swap3A_362, %swap3A_363], %broadcast_in_dim3A_361 {strides = array<i32>} : memref<1024x2048xf32, #tpu.memory_space<vmem>>, vector<1024x2048xf32>,
      %get3A_365 = arith.constant 0 : index
      %get3A_366 = arith.constant 0 : index
      %get3A_367 = vector.load %arg4[%get3A_365, %get3A_366] : memref<8x10240xf32, #tpu.memory_space<vmem>>, vector<1x10240xf32>
      %reduce_max3A = arith.constant dense<0xFF800000> : vector<1xf32>
      %reduce_max3A_368 = vector.multi_reduction <maximumf>, %get3A_367, %reduce_max3A [1] : vector<1x10240xf32> to vector<1xf32>
      %broadcast_in_dim3A_369 = vector.shape_cast %reduce_max3A_368 : vector<1xf32> to vector<1x1xf32>
      %get3A_370 = arith.constant 1 : index
      %get3A_371 = arith.constant 0 : index
      %get3A_372 = vector.load %arg4[%get3A_370, %get3A_371] : memref<8x10240xf32, #tpu.memory_space<vmem>>, vector<1x10240xf32>
      %reduce_max3A_373 = arith.constant dense<0xFF800000> : vector<1xf32>
      %reduce_max3A_374 = vector.multi_reduction <maximumf>, %get3A_372, %reduce_max3A_373 [1] : vector<1x10240xf32> to vector<1xf32>
      %broadcast_in_dim3A_375 = vector.shape_cast %reduce_max3A_374 : vector<1xf32> to vector<1x1xf32>
      %get3A_376 = arith.constant 2 : index
      %get3A_377 = arith.constant 0 : index
      %get3A_378 = vector.load %arg4[%get3A_376, %get3A_377] : memref<8x10240xf32, #tpu.memory_space<vmem>>, vector<1x10240xf32>
      %reduce_max3A_379 = arith.constant dense<0xFF800000> : vector<1xf32>
      %reduce_max3A_380 = vector.multi_reduction <maximumf>, %get3A_378, %reduce_max3A_379 [1] : vector<1x10240xf32> to vector<1xf32>
      %broadcast_in_dim3A_381 = vector.shape_cast %reduce_max3A_380 : vector<1xf32> to vector<1x1xf32>
      %get3A_382 = arith.constant 3 : index
      %get3A_383 = arith.constant 0 : index
      %get3A_384 = vector.load %arg4[%get3A_382, %get3A_383] : memref<8x10240xf32, #tpu.memory_space<vmem>>, vector<1x10240xf32>
      %reduce_max3A_385 = arith.constant dense<0xFF800000> : vector<1xf32>
      %reduce_max3A_386 = vector.multi_reduction <maximumf>, %get3A_384, %reduce_max3A_385 [1] : vector<1x10240xf32> to vector<1xf32>
      %broadcast_in_dim3A_387 = vector.shape_cast %reduce_max3A_386 : vector<1xf32> to vector<1x1xf32>
      %get3A_388 = arith.constant 4 : index
      %get3A_389 = arith.constant 0 : index
      %get3A_390 = vector.load %arg4[%get3A_388, %get3A_389] : memref<8x10240xf32, #tpu.memory_space<vmem>>, vector<1x10240xf32>
      %reduce_max3A_391 = arith.constant dense<0xFF800000> : vector<1xf32>
      %reduce_max3A_392 = vector.multi_reduction <maximumf>, %get3A_390, %reduce_max3A_391 [1] : vector<1x10240xf32> to vector<1xf32>
      %broadcast_in_dim3A_393 = vector.shape_cast %reduce_max3A_392 : vector<1xf32> to vector<1x1xf32>
      %get3A_394 = arith.constant 5 : index
      %get3A_395 = arith.constant 0 : index
      %get3A_396 = vector.load %arg4[%get3A_394, %get3A_395] : memref<8x10240xf32, #tpu.memory_space<vmem>>, vector<1x10240xf32>
      %reduce_max3A_397 = arith.constant dense<0xFF800000> : vector<1xf32>
      %reduce_max3A_398 = vector.multi_reduction <maximumf>, %get3A_396, %reduce_max3A_397 [1] : vector<1x10240xf32> to vector<1xf32>
      %broadcast_in_dim3A_399 = vector.shape_cast %reduce_max3A_398 : vector<1xf32> to vector<1x1xf32>
      %get3A_400 = arith.constant 6 : index
      %get3A_401 = arith.constant 0 : index
      %get3A_402 = vector.load %arg4[%get3A_400, %get3A_401] : memref<8x10240xf32, #tpu.memory_space<vmem>>, vector<1x10240xf32>
      %reduce_max3A_403 = arith.constant dense<0xFF800000> : vector<1xf32>
      %reduce_max3A_404 = vector.multi_reduction <maximumf>, %get3A_402, %reduce_max3A_403 [1] : vector<1x10240xf32> to vector<1xf32>
      %broadcast_in_dim3A_405 = vector.shape_cast %reduce_max3A_404 : vector<1xf32> to vector<1x1xf32>
      %get3A_406 = arith.constant 7 : index
      %get3A_407 = arith.constant 0 : index
      %get3A_408 = vector.load %arg4[%get3A_406, %get3A_407] : memref<8x10240xf32, #tpu.memory_space<vmem>>, vector<1x10240xf32>
      %reduce_max3A_409 = arith.constant dense<0xFF800000> : vector<1xf32>
      %reduce_max3A_410 = vector.multi_reduction <maximumf>, %get3A_408, %reduce_max3A_409 [1] : vector<1x10240xf32> to vector<1xf32>
      %broadcast_in_dim3A_411 = vector.shape_cast %reduce_max3A_410 : vector<1xf32> to vector<1x1xf32>
      %concatenate3A = tpu.concatenate %broadcast_in_dim3A_369, %broadcast_in_dim3A_375, %broadcast_in_dim3A_381, %broadcast_in_dim3A_387, %broadcast_in_dim3A_393, %broadcast_in_dim3A_399, %broadcast_in_dim3A_405, %broadcast_in_dim3A_411 in 1 : vector<1x1xf32>, vector<1x1xf32>, vector<1x1xf32>, vector<1x1xf32>, vector<1x1xf32>, vector<1x1xf32>, vector<1x1xf32>, vector<1x1xf32> -> vector<1x8xf32>
      %swap3A_412 = arith.constant 0 : index
      %swap3A_413 = arith.constant 0 : index
      %swap3A_414 = vector.load %arg14[%swap3A_412, %swap3A_413] : memref<1x8xf32, #tpu.memory_space<vmem>>, vector<1x8xf32>
      tpu.vector_store %arg14[%swap3A_412, %swap3A_413], %concatenate3A {strides = array<i32>} : memref<1x8xf32, #tpu.memory_space<vmem>>, vector<1x8xf32>,
      %get3A_415 = arith.constant 0 : index
      %get3A_416 = arith.constant 0 : index
      %get3A_417 = vector.load %arg5[%get3A_415, %get3A_416] : memref<1024x8xf32, #tpu.memory_space<vmem>>, vector<1024x1xf32>
      %slice3A = vector.extract_strided_slice %concatenate3A {offsets = [0, 0], sizes = [1, 1], strides = [1, 1]} : vector<1x8xf32> to vector<1x1xf32>
      %add3A_418 = vector.broadcast %slice3A : vector<1x1xf32> to vector<1024x1xf32>
      %add3A_419 = arith.addf %get3A_417, %add3A_418 : vector<1024x1xf32>
      %gt3A = arith.constant 0.000000e+00 : f32
      %gt3A_420 = vector.broadcast %gt3A : f32 to vector<1024x1xf32>
      %gt3A_421 = arith.cmpf ogt, %add3A_419, %gt3A_420 : vector<1024x1xf32>
      %mul3A_422 = arith.constant 2.000000e-01 : f32
      %mul3A_423 = vector.broadcast %mul3A_422 : f32 to vector<1024x1xf32>
      %mul3A_424 = arith.mulf %mul3A_423, %add3A_419 : vector<1024x1xf32>
      %select_n3A_425 = arith.select %gt3A_421, %add3A_419, %mul3A_424 : vector<1024x1xi1>, vector<1024x1xf32>
      %sub3A_426 = arith.subf %add3A_419, %select_n3A_425 : vector<1024x1xf32>
      %exp3A_427 = math.exp %sub3A_426 : vector<1024x1xf32>
      %convert_element_type3A_428 = arith.truncf %exp3A_427 : vector<1024x1xf32> to vector<1024x1xbf16>
      %swap3A_429 = arith.constant 0 : index
      %swap3A_430 = arith.constant 0 : index
      %swap3A_431 = vector.load %arg15[%swap3A_429, %swap3A_430] : memref<1024x8xbf16, #tpu.memory_space<vmem>>, vector<1024x1xbf16>
      tpu.vector_store %arg15[%swap3A_429, %swap3A_430], %convert_element_type3A_428 {strides = array<i32>} : memref<1024x8xbf16, #tpu.memory_space<vmem>>, vector<1024x1xbf16>,
      %mul3A_432 = arith.constant 2.000000e-01 : f32
      %mul3A_433 = vector.broadcast %mul3A_432 : f32 to vector<1024x1xf32>
      %mul3A_434 = arith.mulf %mul3A_433, %add3A_419 : vector<1024x1xf32>
      %sub3A_435 = arith.subf %mul3A_434, %select_n3A_425 : vector<1024x1xf32>
      %exp3A_436 = math.exp %sub3A_435 : vector<1024x1xf32>
      %convert_element_type3A_437 = arith.truncf %exp3A_436 : vector<1024x1xf32> to vector<1024x1xbf16>
      %swap3A_438 = arith.constant 0 : index
      %swap3A_439 = arith.constant 0 : index
      %swap3A_440 = vector.load %arg16[%swap3A_438, %swap3A_439] : memref<1024x8xbf16, #tpu.memory_space<vmem>>, vector<1024x1xbf16>
      tpu.vector_store %arg16[%swap3A_438, %swap3A_439], %convert_element_type3A_437 {strides = array<i32>} : memref<1024x8xbf16, #tpu.memory_space<vmem>>, vector<1024x1xbf16>,
      %get3A_441 = arith.constant 0 : index
      %get3A_442 = arith.constant 1 : index
      %get3A_443 = vector.load %arg5[%get3A_441, %get3A_442] : memref<1024x8xf32, #tpu.memory_space<vmem>>, vector<1024x1xf32>
      %slice3A_444 = vector.extract_strided_slice %concatenate3A {offsets = [0, 1], sizes = [1, 1], strides = [1, 1]} : vector<1x8xf32> to vector<1x1xf32>
      %add3A_445 = vector.broadcast %slice3A_444 : vector<1x1xf32> to vector<1024x1xf32>
      %add3A_446 = arith.addf %get3A_443, %add3A_445 : vector<1024x1xf32>
      %gt3A_447 = arith.constant 0.000000e+00 : f32
      %gt3A_448 = vector.broadcast %gt3A_447 : f32 to vector<1024x1xf32>
      %gt3A_449 = arith.cmpf ogt, %add3A_446, %gt3A_448 : vector<1024x1xf32>
      %mul3A_450 = arith.constant 2.000000e-01 : f32
      %mul3A_451 = vector.broadcast %mul3A_450 : f32 to vector<1024x1xf32>
      %mul3A_452 = arith.mulf %mul3A_451, %add3A_446 : vector<1024x1xf32>
      %select_n3A_453 = arith.select %gt3A_449, %add3A_446, %mul3A_452 : vector<1024x1xi1>, vector<1024x1xf32>
      %sub3A_454 = arith.subf %add3A_446, %select_n3A_453 : vector<1024x1xf32>
      %exp3A_455 = math.exp %sub3A_454 : vector<1024x1xf32>
      %convert_element_type3A_456 = arith.truncf %exp3A_455 : vector<1024x1xf32> to vector<1024x1xbf16>
      %swap3A_457 = arith.constant 0 : index
      %swap3A_458 = arith.constant 1 : index
      %swap3A_459 = vector.load %arg15[%swap3A_457, %swap3A_458] : memref<1024x8xbf16, #tpu.memory_space<vmem>>, vector<1024x1xbf16>
      tpu.vector_store %arg15[%swap3A_457, %swap3A_458], %convert_element_type3A_456 {strides = array<i32>} : memref<1024x8xbf16, #tpu.memory_space<vmem>>, vector<1024x1xbf16>,
      %mul3A_460 = arith.constant 2.000000e-01 : f32
      %mul3A_461 = vector.broadcast %mul3A_460 : f32 to vector<1024x1xf32>
      %mul3A_462 = arith.mulf %mul3A_461, %add3A_446 : vector<1024x1xf32>
      %sub3A_463 = arith.subf %mul3A_462, %select_n3A_453 : vector<1024x1xf32>
      %exp3A_464 = math.exp %sub3A_463 : vector<1024x1xf32>
      %convert_element_type3A_465 = arith.truncf %exp3A_464 : vector<1024x1xf32> to vector<1024x1xbf16>
      %swap3A_466 = arith.constant 0 : index
      %swap3A_467 = arith.constant 1 : index
      %swap3A_468 = vector.load %arg16[%swap3A_466, %swap3A_467] : memref<1024x8xbf16, #tpu.memory_space<vmem>>, vector<1024x1xbf16>
      tpu.vector_store %arg16[%swap3A_466, %swap3A_467], %convert_element_type3A_465 {strides = array<i32>} : memref<1024x8xbf16, #tpu.memory_space<vmem>>, vector<1024x1xbf16>,
      %get3A_469 = arith.constant 0 : index
      %get3A_470 = arith.constant 2 : index
      %get3A_471 = vector.load %arg5[%get3A_469, %get3A_470] : memref<1024x8xf32, #tpu.memory_space<vmem>>, vector<1024x1xf32>
      %slice3A_472 = vector.extract_strided_slice %concatenate3A {offsets = [0, 2], sizes = [1, 1], strides = [1, 1]} : vector<1x8xf32> to vector<1x1xf32>
      %add3A_473 = vector.broadcast %slice3A_472 : vector<1x1xf32> to vector<1024x1xf32>
      %add3A_474 = arith.addf %get3A_471, %add3A_473 : vector<1024x1xf32>
      %gt3A_475 = arith.constant 0.000000e+00 : f32
      %gt3A_476 = vector.broadcast %gt3A_475 : f32 to vector<1024x1xf32>
      %gt3A_477 = arith.cmpf ogt, %add3A_474, %gt3A_476 : vector<1024x1xf32>
      %mul3A_478 = arith.constant 2.000000e-01 : f32
      %mul3A_479 = vector.broadcast %mul3A_478 : f32 to vector<1024x1xf32>
      %mul3A_480 = arith.mulf %mul3A_479, %add3A_474 : vector<1024x1xf32>
      %select_n3A_481 = arith.select %gt3A_477, %add3A_474, %mul3A_480 : vector<1024x1xi1>, vector<1024x1xf32>
      %sub3A_482 = arith.subf %add3A_474, %select_n3A_481 : vector<1024x1xf32>
      %exp3A_483 = math.exp %sub3A_482 : vector<1024x1xf32>
      %convert_element_type3A_484 = arith.truncf %exp3A_483 : vector<1024x1xf32> to vector<1024x1xbf16>
      %swap3A_485 = arith.constant 0 : index
      %swap3A_486 = arith.constant 2 : index
      %swap3A_487 = vector.load %arg15[%swap3A_485, %swap3A_486] : memref<1024x8xbf16, #tpu.memory_space<vmem>>, vector<1024x1xbf16>
      tpu.vector_store %arg15[%swap3A_485, %swap3A_486], %convert_element_type3A_484 {strides = array<i32>} : memref<1024x8xbf16, #tpu.memory_space<vmem>>, vector<1024x1xbf16>,
      %mul3A_488 = arith.constant 2.000000e-01 : f32
      %mul3A_489 = vector.broadcast %mul3A_488 : f32 to vector<1024x1xf32>
      %mul3A_490 = arith.mulf %mul3A_489, %add3A_474 : vector<1024x1xf32>
      %sub3A_491 = arith.subf %mul3A_490, %select_n3A_481 : vector<1024x1xf32>
      %exp3A_492 = math.exp %sub3A_491 : vector<1024x1xf32>
      %convert_element_type3A_493 = arith.truncf %exp3A_492 : vector<1024x1xf32> to vector<1024x1xbf16>
      %swap3A_494 = arith.constant 0 : index
      %swap3A_495 = arith.constant 2 : index
      %swap3A_496 = vector.load %arg16[%swap3A_494, %swap3A_495] : memref<1024x8xbf16, #tpu.memory_space<vmem>>, vector<1024x1xbf16>
      tpu.vector_store %arg16[%swap3A_494, %swap3A_495], %convert_element_type3A_493 {strides = array<i32>} : memref<1024x8xbf16, #tpu.memory_space<vmem>>, vector<1024x1xbf16>,
      %get3A_497 = arith.constant 0 : index
      %get3A_498 = arith.constant 3 : index
      %get3A_499 = vector.load %arg5[%get3A_497, %get3A_498] : memref<1024x8xf32, #tpu.memory_space<vmem>>, vector<1024x1xf32>
      %slice3A_500 = vector.extract_strided_slice %concatenate3A {offsets = [0, 3], sizes = [1, 1], strides = [1, 1]} : vector<1x8xf32> to vector<1x1xf32>
      %add3A_501 = vector.broadcast %slice3A_500 : vector<1x1xf32> to vector<1024x1xf32>
      %add3A_502 = arith.addf %get3A_499, %add3A_501 : vector<1024x1xf32>
      %gt3A_503 = arith.constant 0.000000e+00 : f32
      %gt3A_504 = vector.broadcast %gt3A_503 : f32 to vector<1024x1xf32>
      %gt3A_505 = arith.cmpf ogt, %add3A_502, %gt3A_504 : vector<1024x1xf32>
      %mul3A_506 = arith.constant 2.000000e-01 : f32
      %mul3A_507 = vector.broadcast %mul3A_506 : f32 to vector<1024x1xf32>
      %mul3A_508 = arith.mulf %mul3A_507, %add3A_502 : vector<1024x1xf32>
      %select_n3A_509 = arith.select %gt3A_505, %add3A_502, %mul3A_508 : vector<1024x1xi1>, vector<1024x1xf32>
      %sub3A_510 = arith.subf %add3A_502, %select_n3A_509 : vector<1024x1xf32>
      %exp3A_511 = math.exp %sub3A_510 : vector<1024x1xf32>
      %convert_element_type3A_512 = arith.truncf %exp3A_511 : vector<1024x1xf32> to vector<1024x1xbf16>
      %swap3A_513 = arith.constant 0 : index
      %swap3A_514 = arith.constant 3 : index
      %swap3A_515 = vector.load %arg15[%swap3A_513, %swap3A_514] : memref<1024x8xbf16, #tpu.memory_space<vmem>>, vector<1024x1xbf16>
      tpu.vector_store %arg15[%swap3A_513, %swap3A_514], %convert_element_type3A_512 {strides = array<i32>} : memref<1024x8xbf16, #tpu.memory_space<vmem>>, vector<1024x1xbf16>,
      %mul3A_516 = arith.constant 2.000000e-01 : f32
      %mul3A_517 = vector.broadcast %mul3A_516 : f32 to vector<1024x1xf32>
      %mul3A_518 = arith.mulf %mul3A_517, %add3A_502 : vector<1024x1xf32>
      %sub3A_519 = arith.subf %mul3A_518, %select_n3A_509 : vector<1024x1xf32>
      %exp3A_520 = math.exp %sub3A_519 : vector<1024x1xf32>
      %convert_element_type3A_521 = arith.truncf %exp3A_520 : vector<1024x1xf32> to vector<1024x1xbf16>
      %swap3A_522 = arith.constant 0 : index
      %swap3A_523 = arith.constant 3 : index
      %swap3A_524 = vector.load %arg16[%swap3A_522, %swap3A_523] : memref<1024x8xbf16, #tpu.memory_space<vmem>>, vector<1024x1xbf16>
      tpu.vector_store %arg16[%swap3A_522, %swap3A_523], %convert_element_type3A_521 {strides = array<i32>} : memref<1024x8xbf16, #tpu.memory_space<vmem>>, vector<1024x1xbf16>,
      %get3A_525 = arith.constant 0 : index
      %get3A_526 = arith.constant 4 : index
      %get3A_527 = vector.load %arg5[%get3A_525, %get3A_526] : memref<1024x8xf32, #tpu.memory_space<vmem>>, vector<1024x1xf32>
      %slice3A_528 = vector.extract_strided_slice %concatenate3A {offsets = [0, 4], sizes = [1, 1], strides = [1, 1]} : vector<1x8xf32> to vector<1x1xf32>
      %add3A_529 = vector.broadcast %slice3A_528 : vector<1x1xf32> to vector<1024x1xf32>
      %add3A_530 = arith.addf %get3A_527, %add3A_529 : vector<1024x1xf32>
      %gt3A_531 = arith.constant 0.000000e+00 : f32
      %gt3A_532 = vector.broadcast %gt3A_531 : f32 to vector<1024x1xf32>
      %gt3A_533 = arith.cmpf ogt, %add3A_530, %gt3A_532 : vector<1024x1xf32>
      %mul3A_534 = arith.constant 2.000000e-01 : f32
      %mul3A_535 = vector.broadcast %mul3A_534 : f32 to vector<1024x1xf32>
      %mul3A_536 = arith.mulf %mul3A_535, %add3A_530 : vector<1024x1xf32>
      %select_n3A_537 = arith.select %gt3A_533, %add3A_530, %mul3A_536 : vector<1024x1xi1>, vector<1024x1xf32>
      %sub3A_538 = arith.subf %add3A_530, %select_n3A_537 : vector<1024x1xf32>
      %exp3A_539 = math.exp %sub3A_538 : vector<1024x1xf32>
      %convert_element_type3A_540 = arith.truncf %exp3A_539 : vector<1024x1xf32> to vector<1024x1xbf16>
      %swap3A_541 = arith.constant 0 : index
      %swap3A_542 = arith.constant 4 : index
      %swap3A_543 = vector.load %arg15[%swap3A_541, %swap3A_542] : memref<1024x8xbf16, #tpu.memory_space<vmem>>, vector<1024x1xbf16>
      tpu.vector_store %arg15[%swap3A_541, %swap3A_542], %convert_element_type3A_540 {strides = array<i32>} : memref<1024x8xbf16, #tpu.memory_space<vmem>>, vector<1024x1xbf16>,
      %mul3A_544 = arith.constant 2.000000e-01 : f32
      %mul3A_545 = vector.broadcast %mul3A_544 : f32 to vector<1024x1xf32>
      %mul3A_546 = arith.mulf %mul3A_545, %add3A_530 : vector<1024x1xf32>
      %sub3A_547 = arith.subf %mul3A_546, %select_n3A_537 : vector<1024x1xf32>
      %exp3A_548 = math.exp %sub3A_547 : vector<1024x1xf32>
      %convert_element_type3A_549 = arith.truncf %exp3A_548 : vector<1024x1xf32> to vector<1024x1xbf16>
      %swap3A_550 = arith.constant 0 : index
      %swap3A_551 = arith.constant 4 : index
      %swap3A_552 = vector.load %arg16[%swap3A_550, %swap3A_551] : memref<1024x8xbf16, #tpu.memory_space<vmem>>, vector<1024x1xbf16>
      tpu.vector_store %arg16[%swap3A_550, %swap3A_551], %convert_element_type3A_549 {strides = array<i32>} : memref<1024x8xbf16, #tpu.memory_space<vmem>>, vector<1024x1xbf16>,
      %get3A_553 = arith.constant 0 : index
      %get3A_554 = arith.constant 5 : index
      %get3A_555 = vector.load %arg5[%get3A_553, %get3A_554] : memref<1024x8xf32, #tpu.memory_space<vmem>>, vector<1024x1xf32>
      %slice3A_556 = vector.extract_strided_slice %concatenate3A {offsets = [0, 5], sizes = [1, 1], strides = [1, 1]} : vector<1x8xf32> to vector<1x1xf32>
      %add3A_557 = vector.broadcast %slice3A_556 : vector<1x1xf32> to vector<1024x1xf32>
      %add3A_558 = arith.addf %get3A_555, %add3A_557 : vector<1024x1xf32>
      %gt3A_559 = arith.constant 0.000000e+00 : f32
      %gt3A_560 = vector.broadcast %gt3A_559 : f32 to vector<1024x1xf32>
      %gt3A_561 = arith.cmpf ogt, %add3A_558, %gt3A_560 : vector<1024x1xf32>
      %mul3A_562 = arith.constant 2.000000e-01 : f32
      %mul3A_563 = vector.broadcast %mul3A_562 : f32 to vector<1024x1xf32>
      %mul3A_564 = arith.mulf %mul3A_563, %add3A_558 : vector<1024x1xf32>
      %select_n3A_565 = arith.select %gt3A_561, %add3A_558, %mul3A_564 : vector<1024x1xi1>, vector<1024x1xf32>
      %sub3A_566 = arith.subf %add3A_558, %select_n3A_565 : vector<1024x1xf32>
      %exp3A_567 = math.exp %sub3A_566 : vector<1024x1xf32>
      %convert_element_type3A_568 = arith.truncf %exp3A_567 : vector<1024x1xf32> to vector<1024x1xbf16>
      %swap3A_569 = arith.constant 0 : index
      %swap3A_570 = arith.constant 5 : index
      %swap3A_571 = vector.load %arg15[%swap3A_569, %swap3A_570] : memref<1024x8xbf16, #tpu.memory_space<vmem>>, vector<1024x1xbf16>
      tpu.vector_store %arg15[%swap3A_569, %swap3A_570], %convert_element_type3A_568 {strides = array<i32>} : memref<1024x8xbf16, #tpu.memory_space<vmem>>, vector<1024x1xbf16>,
      %mul3A_572 = arith.constant 2.000000e-01 : f32
      %mul3A_573 = vector.broadcast %mul3A_572 : f32 to vector<1024x1xf32>
      %mul3A_574 = arith.mulf %mul3A_573, %add3A_558 : vector<1024x1xf32>
      %sub3A_575 = arith.subf %mul3A_574, %select_n3A_565 : vector<1024x1xf32>
      %exp3A_576 = math.exp %sub3A_575 : vector<1024x1xf32>
      %convert_element_type3A_577 = arith.truncf %exp3A_576 : vector<1024x1xf32> to vector<1024x1xbf16>
      %swap3A_578 = arith.constant 0 : index
      %swap3A_579 = arith.constant 5 : index
      %swap3A_580 = vector.load %arg16[%swap3A_578, %swap3A_579] : memref<1024x8xbf16, #tpu.memory_space<vmem>>, vector<1024x1xbf16>
      tpu.vector_store %arg16[%swap3A_578, %swap3A_579], %convert_element_type3A_577 {strides = array<i32>} : memref<1024x8xbf16, #tpu.memory_space<vmem>>, vector<1024x1xbf16>,
      %get3A_581 = arith.constant 0 : index
      %get3A_582 = arith.constant 6 : index
      %get3A_583 = vector.load %arg5[%get3A_581, %get3A_582] : memref<1024x8xf32, #tpu.memory_space<vmem>>, vector<1024x1xf32>
      %slice3A_584 = vector.extract_strided_slice %concatenate3A {offsets = [0, 6], sizes = [1, 1], strides = [1, 1]} : vector<1x8xf32> to vector<1x1xf32>
      %add3A_585 = vector.broadcast %slice3A_584 : vector<1x1xf32> to vector<1024x1xf32>
      %add3A_586 = arith.addf %get3A_583, %add3A_585 : vector<1024x1xf32>
      %gt3A_587 = arith.constant 0.000000e+00 : f32
      %gt3A_588 = vector.broadcast %gt3A_587 : f32 to vector<1024x1xf32>
      %gt3A_589 = arith.cmpf ogt, %add3A_586, %gt3A_588 : vector<1024x1xf32>
      %mul3A_590 = arith.constant 2.000000e-01 : f32
      %mul3A_591 = vector.broadcast %mul3A_590 : f32 to vector<1024x1xf32>
      %mul3A_592 = arith.mulf %mul3A_591, %add3A_586 : vector<1024x1xf32>
      %select_n3A_593 = arith.select %gt3A_589, %add3A_586, %mul3A_592 : vector<1024x1xi1>, vector<1024x1xf32>
      %sub3A_594 = arith.subf %add3A_586, %select_n3A_593 : vector<1024x1xf32>
      %exp3A_595 = math.exp %sub3A_594 : vector<1024x1xf32>
      %convert_element_type3A_596 = arith.truncf %exp3A_595 : vector<1024x1xf32> to vector<1024x1xbf16>
      %swap3A_597 = arith.constant 0 : index
      %swap3A_598 = arith.constant 6 : index
      %swap3A_599 = vector.load %arg15[%swap3A_597, %swap3A_598] : memref<1024x8xbf16, #tpu.memory_space<vmem>>, vector<1024x1xbf16>
      tpu.vector_store %arg15[%swap3A_597, %swap3A_598], %convert_element_type3A_596 {strides = array<i32>} : memref<1024x8xbf16, #tpu.memory_space<vmem>>, vector<1024x1xbf16>,
      %mul3A_600 = arith.constant 2.000000e-01 : f32
      %mul3A_601 = vector.broadcast %mul3A_600 : f32 to vector<1024x1xf32>
      %mul3A_602 = arith.mulf %mul3A_601, %add3A_586 : vector<1024x1xf32>
      %sub3A_603 = arith.subf %mul3A_602, %select_n3A_593 : vector<1024x1xf32>
      %exp3A_604 = math.exp %sub3A_603 : vector<1024x1xf32>
      %convert_element_type3A_605 = arith.truncf %exp3A_604 : vector<1024x1xf32> to vector<1024x1xbf16>
      %swap3A_606 = arith.constant 0 : index
      %swap3A_607 = arith.constant 6 : index
      %swap3A_608 = vector.load %arg16[%swap3A_606, %swap3A_607] : memref<1024x8xbf16, #tpu.memory_space<vmem>>, vector<1024x1xbf16>
      tpu.vector_store %arg16[%swap3A_606, %swap3A_607], %convert_element_type3A_605 {strides = array<i32>} : memref<1024x8xbf16, #tpu.memory_space<vmem>>, vector<1024x1xbf16>,
      %get3A_609 = arith.constant 0 : index
      %get3A_610 = arith.constant 7 : index
      %get3A_611 = vector.load %arg5[%get3A_609, %get3A_610] : memref<1024x8xf32, #tpu.memory_space<vmem>>, vector<1024x1xf32>
      %slice3A_612 = vector.extract_strided_slice %concatenate3A {offsets = [0, 7], sizes = [1, 1], strides = [1, 1]} : vector<1x8xf32> to vector<1x1xf32>
      %add3A_613 = vector.broadcast %slice3A_612 : vector<1x1xf32> to vector<1024x1xf32>
      %add3A_614 = arith.addf %get3A_611, %add3A_613 : vector<1024x1xf32>
      %gt3A_615 = arith.constant 0.000000e+00 : f32
      %gt3A_616 = vector.broadcast %gt3A_615 : f32 to vector<1024x1xf32>
      %gt3A_617 = arith.cmpf ogt, %add3A_614, %gt3A_616 : vector<1024x1xf32>
      %mul3A_618 = arith.constant 2.000000e-01 : f32
      %mul3A_619 = vector.broadcast %mul3A_618 : f32 to vector<1024x1xf32>
      %mul3A_620 = arith.mulf %mul3A_619, %add3A_614 : vector<1024x1xf32>
      %select_n3A_621 = arith.select %gt3A_617, %add3A_614, %mul3A_620 : vector<1024x1xi1>, vector<1024x1xf32>
      %sub3A_622 = arith.subf %add3A_614, %select_n3A_621 : vector<1024x1xf32>
      %exp3A_623 = math.exp %sub3A_622 : vector<1024x1xf32>
      %convert_element_type3A_624 = arith.truncf %exp3A_623 : vector<1024x1xf32> to vector<1024x1xbf16>
      %swap3A_625 = arith.constant 0 : index
      %swap3A_626 = arith.constant 7 : index
      %swap3A_627 = vector.load %arg15[%swap3A_625, %swap3A_626] : memref<1024x8xbf16, #tpu.memory_space<vmem>>, vector<1024x1xbf16>
      tpu.vector_store %arg15[%swap3A_625, %swap3A_626], %convert_element_type3A_624 {strides = array<i32>} : memref<1024x8xbf16, #tpu.memory_space<vmem>>, vector<1024x1xbf16>,
      %mul3A_628 = arith.constant 2.000000e-01 : f32
      %mul3A_629 = vector.broadcast %mul3A_628 : f32 to vector<1024x1xf32>
      %mul3A_630 = arith.mulf %mul3A_629, %add3A_614 : vector<1024x1xf32>
      %sub3A_631 = arith.subf %mul3A_630, %select_n3A_621 : vector<1024x1xf32>
      %exp3A_632 = math.exp %sub3A_631 : vector<1024x1xf32>
      %convert_element_type3A_633 = arith.truncf %exp3A_632 : vector<1024x1xf32> to vector<1024x1xbf16>
      %swap3A_634 = arith.constant 0 : index
      %swap3A_635 = arith.constant 7 : index
      %swap3A_636 = vector.load %arg16[%swap3A_634, %swap3A_635] : memref<1024x8xbf16, #tpu.memory_space<vmem>>, vector<1024x1xbf16>
      tpu.vector_store %arg16[%swap3A_634, %swap3A_635], %convert_element_type3A_633 {strides = array<i32>} : memref<1024x8xbf16, #tpu.memory_space<vmem>>, vector<1024x1xbf16>,
    } else {
    }
    %iota3A = tpu.iota {dimensions = array<i32: 0>} : vector<1024x512xi32>
    %mul3A = arith.constant 1024 : i32
    %mul3A_2 = arith.muli %arg0, %mul3A : i32
    %add3A = vector.broadcast %mul3A_2 : i32 to vector<1024x512xi32>
    %add3A_3 = arith.addi %iota3A, %add3A : vector<1024x512xi32>
    %iota3A_4 = tpu.iota {dimensions = array<i32: 1>} : vector<1024x512xi32>
    %mul3A_5 = arith.constant 512 : i32
    %mul3A_6 = arith.muli %arg1, %mul3A_5 : i32
    %add3A_7 = vector.broadcast %mul3A_6 : i32 to vector<1024x512xi32>
    %add3A_8 = arith.addi %iota3A_4, %add3A_7 : vector<1024x512xi32>
    %get3A = arith.constant 0 : index
    %get3A_9 = arith.constant 0 : index
    %get3A_10 = vector.load %arg2[%get3A, %get3A_9] : memref<1024x512xf32, #tpu.memory_space<vmem>>, vector<1024x512xf32>
    %eq3A_11 = arith.cmpi eq, %add3A_3, %add3A_8 : vector<1024x512xi32>
    %jit3A = arith.constant 1.000000e+00 : f32
    %jit3A_12 = arith.constant 0.000000e+00 : f32
    %broadcast_in_dim3A = vector.broadcast %jit3A : f32 to vector<1024x512xf32>
    %broadcast_in_dim3A_13 = vector.broadcast %jit3A_12 : f32 to vector<1024x512xf32>
    %select_n3A = arith.select %eq3A_11, %broadcast_in_dim3A, %broadcast_in_dim3A_13 : vector<1024x512xi1>, vector<1024x512xf32>
    %add3A_14 = arith.addf %get3A_10, %select_n3A : vector<1024x512xf32>
    %convert_element_type3A_15 = arith.truncf %add3A_14 : vector<1024x512xf32> to vector<1024x512xbf16>
    %get3A_16 = arith.constant 0 : index
    %get3A_17 = arith.constant 0 : index
    %get3A_18 = vector.load %arg14[%get3A_16, %get3A_17] : memref<1x8xf32, #tpu.memory_space<vmem>>, vector<1x1xf32>
    %mul3A_19 = arith.constant 512 : i32
    %mul3A_20 = arith.muli %arg1, %mul3A_19 : i32
    %get3A_21 = arith.constant 0 : index
    %get3A_22 = arith.index_cast %mul3A_20 : i32 to index
    %get3A_23 = vector.load %arg4[%get3A_21, %get3A_22] : memref<8x10240xf32, #tpu.memory_space<vmem>>, vector<1x512xf32>
    %sub3A = vector.broadcast %get3A_18 : vector<1x1xf32> to vector<1x512xf32>
    %sub3A_24 = arith.subf %get3A_23, %sub3A : vector<1x512xf32>
    %exp3A = math.exp %sub3A_24 : vector<1x512xf32>
    %convert_element_type3A_25 = arith.truncf %exp3A : vector<1x512xf32> to vector<1x512xbf16>
    %mul3A_26 = arith.constant 2.000000e-01 : f32
    %mul3A_27 = vector.broadcast %mul3A_26 : f32 to vector<1x512xf32>
    %mul3A_28 = arith.mulf %mul3A_27, %sub3A_24 : vector<1x512xf32>
    %exp3A_29 = math.exp %mul3A_28 : vector<1x512xf32>
    %convert_element_type3A_30 = arith.truncf %exp3A_29 : vector<1x512xf32> to vector<1x512xbf16>
    %get3A_31 = arith.constant 0 : index
    %get3A_32 = arith.constant 0 : index
    %get3A_33 = vector.load %arg15[%get3A_31, %get3A_32] : memref<1024x8xbf16, #tpu.memory_space<vmem>>, vector<1024x1xbf16>
    %mul3A_34 = vector.broadcast %get3A_33 : vector<1024x1xbf16> to vector<1024x512xbf16>
    %mul3A_35 = vector.broadcast %convert_element_type3A_25 : vector<1x512xbf16> to vector<1024x512xbf16>
    %mul3A_36 = arith.mulf %mul3A_34, %mul3A_35 : vector<1024x512xbf16>
    %get3A_37 = arith.constant 0 : index
    %get3A_38 = arith.constant 0 : index
    %get3A_39 = vector.load %arg16[%get3A_37, %get3A_38] : memref<1024x8xbf16, #tpu.memory_space<vmem>>, vector<1024x1xbf16>
    %mul3A_40 = vector.broadcast %get3A_39 : vector<1024x1xbf16> to vector<1024x512xbf16>
    %mul3A_41 = vector.broadcast %convert_element_type3A_30 : vector<1x512xbf16> to vector<1024x512xbf16>
    %mul3A_42 = arith.mulf %mul3A_40, %mul3A_41 : vector<1024x512xbf16>
    %max3A = arith.maximumf %mul3A_36, %mul3A_42 : vector<1024x512xbf16>
    %mul3A_43 = arith.mulf %convert_element_type3A_15, %max3A : vector<1024x512xbf16>
    %get3A_44 = arith.constant 0 : index
    %get3A_45 = arith.constant 0 : index
    %get3A_46 = vector.load %arg13[%get3A_44, %get3A_45] : memref<1024x2048xf32, #tpu.memory_space<vmem>>, vector<1024x256xf32>
    %get3A_47 = arith.constant 0 : index
    %get3A_48 = arith.constant 0 : index
    %get3A_49 = vector.load %arg3[%get3A_47, %get3A_48] : memref<512x2048xbf16, #tpu.memory_space<vmem>>, vector<512x256xbf16>
    %dot_general3A = arith.constant dense<0.000000e+00> : vector<1024x256xf32>
    %dot_general3A_50 = tpu.matmul %mul3A_43, %get3A_49, %dot_general3A {dimension_numbers = #tpu.dot_dimension_numbers<[1], [0], [0], [1], [0, 0, 1, 1], [], []>, transpose_lhs_hint = false} : vector<1024x512xbf16>, vector<512x256xbf16>, vector<1024x256xf32> -> vector<1024x256xf32>
    %add3A_51 = arith.addf %get3A_46, %dot_general3A_50 : vector<1024x256xf32>
    %swap3A = arith.constant 0 : index
    %swap3A_52 = arith.constant 0 : index
    %swap3A_53 = vector.load %arg13[%swap3A, %swap3A_52] : memref<1024x2048xf32, #tpu.memory_space<vmem>>, vector<1024x256xf32>
    tpu.vector_store %arg13[%swap3A, %swap3A_52], %add3A_51 {strides = array<i32>} : memref<1024x2048xf32, #tpu.memory_space<vmem>>, vector<1024x256xf32>,
    %get3A_54 = arith.constant 0 : index
    %get3A_55 = arith.constant 1 : index
    %get3A_56 = vector.load %arg14[%get3A_54, %get3A_55] : memref<1x8xf32, #tpu.memory_space<vmem>>, vector<1x1xf32>
    %mul3A_57 = arith.constant 512 : i32
    %mul3A_58 = arith.muli %arg1, %mul3A_57 : i32
    %get3A_59 = arith.constant 1 : index
    %get3A_60 = arith.index_cast %mul3A_58 : i32 to index
    %get3A_61 = vector.load %arg4[%get3A_59, %get3A_60] : memref<8x10240xf32, #tpu.memory_space<vmem>>, vector<1x512xf32>
    %sub3A_62 = vector.broadcast %get3A_56 : vector<1x1xf32> to vector<1x512xf32>
    %sub3A_63 = arith.subf %get3A_61, %sub3A_62 : vector<1x512xf32>
    %exp3A_64 = math.exp %sub3A_63 : vector<1x512xf32>
    %convert_element_type3A_65 = arith.truncf %exp3A_64 : vector<1x512xf32> to vector<1x512xbf16>
    %mul3A_66 = arith.constant 2.000000e-01 : f32
    %mul3A_67 = vector.broadcast %mul3A_66 : f32 to vector<1x512xf32>
    %mul3A_68 = arith.mulf %mul3A_67, %sub3A_63 : vector<1x512xf32>
    %exp3A_69 = math.exp %mul3A_68 : vector<1x512xf32>
    %convert_element_type3A_70 = arith.truncf %exp3A_69 : vector<1x512xf32> to vector<1x512xbf16>
    %get3A_71 = arith.constant 0 : index
    %get3A_72 = arith.constant 1 : index
    %get3A_73 = vector.load %arg15[%get3A_71, %get3A_72] : memref<1024x8xbf16, #tpu.memory_space<vmem>>, vector<1024x1xbf16>
    %mul3A_74 = vector.broadcast %get3A_73 : vector<1024x1xbf16> to vector<1024x512xbf16>
    %mul3A_75 = vector.broadcast %convert_element_type3A_65 : vector<1x512xbf16> to vector<1024x512xbf16>
    %mul3A_76 = arith.mulf %mul3A_74, %mul3A_75 : vector<1024x512xbf16>
    %get3A_77 = arith.constant 0 : index
    %get3A_78 = arith.constant 1 : index
    %get3A_79 = vector.load %arg16[%get3A_77, %get3A_78] : memref<1024x8xbf16, #tpu.memory_space<vmem>>, vector<1024x1xbf16>
    %mul3A_80 = vector.broadcast %get3A_79 : vector<1024x1xbf16> to vector<1024x512xbf16>
    %mul3A_81 = vector.broadcast %convert_element_type3A_70 : vector<1x512xbf16> to vector<1024x512xbf16>
    %mul3A_82 = arith.mulf %mul3A_80, %mul3A_81 : vector<1024x512xbf16>
    %max3A_83 = arith.maximumf %mul3A_76, %mul3A_82 : vector<1024x512xbf16>
    %mul3A_84 = arith.mulf %convert_element_type3A_15, %max3A_83 : vector<1024x512xbf16>
    %get3A_85 = arith.constant 0 : index
    %get3A_86 = arith.constant 256 : index
    %get3A_87 = vector.load %arg13[%get3A_85, %get3A_86] : memref<1024x2048xf32, #tpu.memory_space<vmem>>, vector<1024x256xf32>
    %get3A_88 = arith.constant 0 : index
    %get3A_89 = arith.constant 256 : index
    %get3A_90 = vector.load %arg3[%get3A_88, %get3A_89] : memref<512x2048xbf16, #tpu.memory_space<vmem>>, vector<512x256xbf16>
    %dot_general3A_91 = arith.constant dense<0.000000e+00> : vector<1024x256xf32>
    %dot_general3A_92 = tpu.matmul %mul3A_84, %get3A_90, %dot_general3A_91 {dimension_numbers = #tpu.dot_dimension_numbers<[1], [0], [0], [1], [0, 0, 1, 1], [], []>, transpose_lhs_hint = false} : vector<1024x512xbf16>, vector<512x256xbf16>, vector<1024x256xf32> -> vector<1024x256xf32>
    %add3A_93 = arith.addf %get3A_87, %dot_general3A_92 : vector<1024x256xf32>
    %swap3A_94 = arith.constant 0 : index
    %swap3A_95 = arith.constant 256 : index
    %swap3A_96 = vector.load %arg13[%swap3A_94, %swap3A_95] : memref<1024x2048xf32, #tpu.memory_space<vmem>>, vector<1024x256xf32>
    tpu.vector_store %arg13[%swap3A_94, %swap3A_95], %add3A_93 {strides = array<i32>} : memref<1024x2048xf32, #tpu.memory_space<vmem>>, vector<1024x256xf32>,
    %get3A_97 = arith.constant 0 : index
    %get3A_98 = arith.constant 2 : index
    %get3A_99 = vector.load %arg14[%get3A_97, %get3A_98] : memref<1x8xf32, #tpu.memory_space<vmem>>, vector<1x1xf32>
    %mul3A_100 = arith.constant 512 : i32
    %mul3A_101 = arith.muli %arg1, %mul3A_100 : i32
    %get3A_102 = arith.constant 2 : index
    %get3A_103 = arith.index_cast %mul3A_101 : i32 to index
    %get3A_104 = vector.load %arg4[%get3A_102, %get3A_103] : memref<8x10240xf32, #tpu.memory_space<vmem>>, vector<1x512xf32>
    %sub3A_105 = vector.broadcast %get3A_99 : vector<1x1xf32> to vector<1x512xf32>
    %sub3A_106 = arith.subf %get3A_104, %sub3A_105 : vector<1x512xf32>
    %exp3A_107 = math.exp %sub3A_106 : vector<1x512xf32>
    %convert_element_type3A_108 = arith.truncf %exp3A_107 : vector<1x512xf32> to vector<1x512xbf16>
    %mul3A_109 = arith.constant 2.000000e-01 : f32
    %mul3A_110 = vector.broadcast %mul3A_109 : f32 to vector<1x512xf32>
    %mul3A_111 = arith.mulf %mul3A_110, %sub3A_106 : vector<1x512xf32>
    %exp3A_112 = math.exp %mul3A_111 : vector<1x512xf32>
    %convert_element_type3A_113 = arith.truncf %exp3A_112 : vector<1x512xf32> to vector<1x512xbf16>
    %get3A_114 = arith.constant 0 : index
    %get3A_115 = arith.constant 2 : index
    %get3A_116 = vector.load %arg15[%get3A_114, %get3A_115] : memref<1024x8xbf16, #tpu.memory_space<vmem>>, vector<1024x1xbf16>
    %mul3A_117 = vector.broadcast %get3A_116 : vector<1024x1xbf16> to vector<1024x512xbf16>
    %mul3A_118 = vector.broadcast %convert_element_type3A_108 : vector<1x512xbf16> to vector<1024x512xbf16>
    %mul3A_119 = arith.mulf %mul3A_117, %mul3A_118 : vector<1024x512xbf16>
    %get3A_120 = arith.constant 0 : index
    %get3A_121 = arith.constant 2 : index
    %get3A_122 = vector.load %arg16[%get3A_120, %get3A_121] : memref<1024x8xbf16, #tpu.memory_space<vmem>>, vector<1024x1xbf16>
    %mul3A_123 = vector.broadcast %get3A_122 : vector<1024x1xbf16> to vector<1024x512xbf16>
    %mul3A_124 = vector.broadcast %convert_element_type3A_113 : vector<1x512xbf16> to vector<1024x512xbf16>
    %mul3A_125 = arith.mulf %mul3A_123, %mul3A_124 : vector<1024x512xbf16>
    %max3A_126 = arith.maximumf %mul3A_119, %mul3A_125 : vector<1024x512xbf16>
    %mul3A_127 = arith.mulf %convert_element_type3A_15, %max3A_126 : vector<1024x512xbf16>
    %get3A_128 = arith.constant 0 : index
    %get3A_129 = arith.constant 512 : index
    %get3A_130 = vector.load %arg13[%get3A_128, %get3A_129] : memref<1024x2048xf32, #tpu.memory_space<vmem>>, vector<1024x256xf32>
    %get3A_131 = arith.constant 0 : index
    %get3A_132 = arith.constant 512 : index
    %get3A_133 = vector.load %arg3[%get3A_131, %get3A_132] : memref<512x2048xbf16, #tpu.memory_space<vmem>>, vector<512x256xbf16>
    %dot_general3A_134 = arith.constant dense<0.000000e+00> : vector<1024x256xf32>
    %dot_general3A_135 = tpu.matmul %mul3A_127, %get3A_133, %dot_general3A_134 {dimension_numbers = #tpu.dot_dimension_numbers<[1], [0], [0], [1], [0, 0, 1, 1], [], []>, transpose_lhs_hint = false} : vector<1024x512xbf16>, vector<512x256xbf16>, vector<1024x256xf32> -> vector<1024x256xf32>
    %add3A_136 = arith.addf %get3A_130, %dot_general3A_135 : vector<1024x256xf32>
    %swap3A_137 = arith.constant 0 : index
    %swap3A_138 = arith.constant 512 : index
    %swap3A_139 = vector.load %arg13[%swap3A_137, %swap3A_138] : memref<1024x2048xf32, #tpu.memory_space<vmem>>, vector<1024x256xf32>
    tpu.vector_store %arg13[%swap3A_137, %swap3A_138], %add3A_136 {strides = array<i32>} : memref<1024x2048xf32, #tpu.memory_space<vmem>>, vector<1024x256xf32>,
    %get3A_140 = arith.constant 0 : index
    %get3A_141 = arith.constant 3 : index
    %get3A_142 = vector.load %arg14[%get3A_140, %get3A_141] : memref<1x8xf32, #tpu.memory_space<vmem>>, vector<1x1xf32>
    %mul3A_143 = arith.constant 512 : i32
    %mul3A_144 = arith.muli %arg1, %mul3A_143 : i32
    %get3A_145 = arith.constant 3 : index
    %get3A_146 = arith.index_cast %mul3A_144 : i32 to index
    %get3A_147 = vector.load %arg4[%get3A_145, %get3A_146] : memref<8x10240xf32, #tpu.memory_space<vmem>>, vector<1x512xf32>
    %sub3A_148 = vector.broadcast %get3A_142 : vector<1x1xf32> to vector<1x512xf32>
    %sub3A_149 = arith.subf %get3A_147, %sub3A_148 : vector<1x512xf32>
    %exp3A_150 = math.exp %sub3A_149 : vector<1x512xf32>
    %convert_element_type3A_151 = arith.truncf %exp3A_150 : vector<1x512xf32> to vector<1x512xbf16>
    %mul3A_152 = arith.constant 2.000000e-01 : f32
    %mul3A_153 = vector.broadcast %mul3A_152 : f32 to vector<1x512xf32>
    %mul3A_154 = arith.mulf %mul3A_153, %sub3A_149 : vector<1x512xf32>
    %exp3A_155 = math.exp %mul3A_154 : vector<1x512xf32>
    %convert_element_type3A_156 = arith.truncf %exp3A_155 : vector<1x512xf32> to vector<1x512xbf16>
    %get3A_157 = arith.constant 0 : index
    %get3A_158 = arith.constant 3 : index
    %get3A_159 = vector.load %arg15[%get3A_157, %get3A_158] : memref<1024x8xbf16, #tpu.memory_space<vmem>>, vector<1024x1xbf16>
    %mul3A_160 = vector.broadcast %get3A_159 : vector<1024x1xbf16> to vector<1024x512xbf16>
    %mul3A_161 = vector.broadcast %convert_element_type3A_151 : vector<1x512xbf16> to vector<1024x512xbf16>
    %mul3A_162 = arith.mulf %mul3A_160, %mul3A_161 : vector<1024x512xbf16>
    %get3A_163 = arith.constant 0 : index
    %get3A_164 = arith.constant 3 : index
    %get3A_165 = vector.load %arg16[%get3A_163, %get3A_164] : memref<1024x8xbf16, #tpu.memory_space<vmem>>, vector<1024x1xbf16>
    %mul3A_166 = vector.broadcast %get3A_165 : vector<1024x1xbf16> to vector<1024x512xbf16>
    %mul3A_167 = vector.broadcast %convert_element_type3A_156 : vector<1x512xbf16> to vector<1024x512xbf16>
    %mul3A_168 = arith.mulf %mul3A_166, %mul3A_167 : vector<1024x512xbf16>
    %max3A_169 = arith.maximumf %mul3A_162, %mul3A_168 : vector<1024x512xbf16>
    %mul3A_170 = arith.mulf %convert_element_type3A_15, %max3A_169 : vector<1024x512xbf16>
    %get3A_171 = arith.constant 0 : index
    %get3A_172 = arith.constant 768 : index
    %get3A_173 = vector.load %arg13[%get3A_171, %get3A_172] : memref<1024x2048xf32, #tpu.memory_space<vmem>>, vector<1024x256xf32>
    %get3A_174 = arith.constant 0 : index
    %get3A_175 = arith.constant 768 : index
    %get3A_176 = vector.load %arg3[%get3A_174, %get3A_175] : memref<512x2048xbf16, #tpu.memory_space<vmem>>, vector<512x256xbf16>
    %dot_general3A_177 = arith.constant dense<0.000000e+00> : vector<1024x256xf32>
    %dot_general3A_178 = tpu.matmul %mul3A_170, %get3A_176, %dot_general3A_177 {dimension_numbers = #tpu.dot_dimension_numbers<[1], [0], [0], [1], [0, 0, 1, 1], [], []>, transpose_lhs_hint = false} : vector<1024x512xbf16>, vector<512x256xbf16>, vector<1024x256xf32> -> vector<1024x256xf32>
    %add3A_179 = arith.addf %get3A_173, %dot_general3A_178 : vector<1024x256xf32>
    %swap3A_180 = arith.constant 0 : index
    %swap3A_181 = arith.constant 768 : index
    %swap3A_182 = vector.load %arg13[%swap3A_180, %swap3A_181] : memref<1024x2048xf32, #tpu.memory_space<vmem>>, vector<1024x256xf32>
    tpu.vector_store %arg13[%swap3A_180, %swap3A_181], %add3A_179 {strides = array<i32>} : memref<1024x2048xf32, #tpu.memory_space<vmem>>, vector<1024x256xf32>,
    %get3A_183 = arith.constant 0 : index
    %get3A_184 = arith.constant 4 : index
    %get3A_185 = vector.load %arg14[%get3A_183, %get3A_184] : memref<1x8xf32, #tpu.memory_space<vmem>>, vector<1x1xf32>
    %mul3A_186 = arith.constant 512 : i32
    %mul3A_187 = arith.muli %arg1, %mul3A_186 : i32
    %get3A_188 = arith.constant 4 : index
    %get3A_189 = arith.index_cast %mul3A_187 : i32 to index
    %get3A_190 = vector.load %arg4[%get3A_188, %get3A_189] : memref<8x10240xf32, #tpu.memory_space<vmem>>, vector<1x512xf32>
    %sub3A_191 = vector.broadcast %get3A_185 : vector<1x1xf32> to vector<1x512xf32>
    %sub3A_192 = arith.subf %get3A_190, %sub3A_191 : vector<1x512xf32>
    %exp3A_193 = math.exp %sub3A_192 : vector<1x512xf32>
    %convert_element_type3A_194 = arith.truncf %exp3A_193 : vector<1x512xf32> to vector<1x512xbf16>
    %mul3A_195 = arith.constant 2.000000e-01 : f32
    %mul3A_196 = vector.broadcast %mul3A_195 : f32 to vector<1x512xf32>
    %mul3A_197 = arith.mulf %mul3A_196, %sub3A_192 : vector<1x512xf32>
    %exp3A_198 = math.exp %mul3A_197 : vector<1x512xf32>
    %convert_element_type3A_199 = arith.truncf %exp3A_198 : vector<1x512xf32> to vector<1x512xbf16>
    %get3A_200 = arith.constant 0 : index
    %get3A_201 = arith.constant 4 : index
    %get3A_202 = vector.load %arg15[%get3A_200, %get3A_201] : memref<1024x8xbf16, #tpu.memory_space<vmem>>, vector<1024x1xbf16>
    %mul3A_203 = vector.broadcast %get3A_202 : vector<1024x1xbf16> to vector<1024x512xbf16>
    %mul3A_204 = vector.broadcast %convert_element_type3A_194 : vector<1x512xbf16> to vector<1024x512xbf16>
    %mul3A_205 = arith.mulf %mul3A_203, %mul3A_204 : vector<1024x512xbf16>
    %get3A_206 = arith.constant 0 : index
    %get3A_207 = arith.constant 4 : index
    %get3A_208 = vector.load %arg16[%get3A_206, %get3A_207] : memref<1024x8xbf16, #tpu.memory_space<vmem>>, vector<1024x1xbf16>
    %mul3A_209 = vector.broadcast %get3A_208 : vector<1024x1xbf16> to vector<1024x512xbf16>
    %mul3A_210 = vector.broadcast %convert_element_type3A_199 : vector<1x512xbf16> to vector<1024x512xbf16>
    %mul3A_211 = arith.mulf %mul3A_209, %mul3A_210 : vector<1024x512xbf16>
    %max3A_212 = arith.maximumf %mul3A_205, %mul3A_211 : vector<1024x512xbf16>
    %mul3A_213 = arith.mulf %convert_element_type3A_15, %max3A_212 : vector<1024x512xbf16>
    %get3A_214 = arith.constant 0 : index
    %get3A_215 = arith.constant 1024 : index
    %get3A_216 = vector.load %arg13[%get3A_214, %get3A_215] : memref<1024x2048xf32, #tpu.memory_space<vmem>>, vector<1024x256xf32>
    %get3A_217 = arith.constant 0 : index
    %get3A_218 = arith.constant 1024 : index
    %get3A_219 = vector.load %arg3[%get3A_217, %get3A_218] : memref<512x2048xbf16, #tpu.memory_space<vmem>>, vector<512x256xbf16>
    %dot_general3A_220 = arith.constant dense<0.000000e+00> : vector<1024x256xf32>
    %dot_general3A_221 = tpu.matmul %mul3A_213, %get3A_219, %dot_general3A_220 {dimension_numbers = #tpu.dot_dimension_numbers<[1], [0], [0], [1], [0, 0, 1, 1], [], []>, transpose_lhs_hint = false} : vector<1024x512xbf16>, vector<512x256xbf16>, vector<1024x256xf32> -> vector<1024x256xf32>
    %add3A_222 = arith.addf %get3A_216, %dot_general3A_221 : vector<1024x256xf32>
    %swap3A_223 = arith.constant 0 : index
    %swap3A_224 = arith.constant 1024 : index
    %swap3A_225 = vector.load %arg13[%swap3A_223, %swap3A_224] : memref<1024x2048xf32, #tpu.memory_space<vmem>>, vector<1024x256xf32>
    tpu.vector_store %arg13[%swap3A_223, %swap3A_224], %add3A_222 {strides = array<i32>} : memref<1024x2048xf32, #tpu.memory_space<vmem>>, vector<1024x256xf32>,
    %get3A_226 = arith.constant 0 : index
    %get3A_227 = arith.constant 5 : index
    %get3A_228 = vector.load %arg14[%get3A_226, %get3A_227] : memref<1x8xf32, #tpu.memory_space<vmem>>, vector<1x1xf32>
    %mul3A_229 = arith.constant 512 : i32
    %mul3A_230 = arith.muli %arg1, %mul3A_229 : i32
    %get3A_231 = arith.constant 5 : index
    %get3A_232 = arith.index_cast %mul3A_230 : i32 to index
    %get3A_233 = vector.load %arg4[%get3A_231, %get3A_232] : memref<8x10240xf32, #tpu.memory_space<vmem>>, vector<1x512xf32>
    %sub3A_234 = vector.broadcast %get3A_228 : vector<1x1xf32> to vector<1x512xf32>
    %sub3A_235 = arith.subf %get3A_233, %sub3A_234 : vector<1x512xf32>
    %exp3A_236 = math.exp %sub3A_235 : vector<1x512xf32>
    %convert_element_type3A_237 = arith.truncf %exp3A_236 : vector<1x512xf32> to vector<1x512xbf16>
    %mul3A_238 = arith.constant 2.000000e-01 : f32
    %mul3A_239 = vector.broadcast %mul3A_238 : f32 to vector<1x512xf32>
    %mul3A_240 = arith.mulf %mul3A_239, %sub3A_235 : vector<1x512xf32>
    %exp3A_241 = math.exp %mul3A_240 : vector<1x512xf32>
    %convert_element_type3A_242 = arith.truncf %exp3A_241 : vector<1x512xf32> to vector<1x512xbf16>
    %get3A_243 = arith.constant 0 : index
    %get3A_244 = arith.constant 5 : index
    %get3A_245 = vector.load %arg15[%get3A_243, %get3A_244] : memref<1024x8xbf16, #tpu.memory_space<vmem>>, vector<1024x1xbf16>
    %mul3A_246 = vector.broadcast %get3A_245 : vector<1024x1xbf16> to vector<1024x512xbf16>
    %mul3A_247 = vector.broadcast %convert_element_type3A_237 : vector<1x512xbf16> to vector<1024x512xbf16>
    %mul3A_248 = arith.mulf %mul3A_246, %mul3A_247 : vector<1024x512xbf16>
    %get3A_249 = arith.constant 0 : index
    %get3A_250 = arith.constant 5 : index
    %get3A_251 = vector.load %arg16[%get3A_249, %get3A_250] : memref<1024x8xbf16, #tpu.memory_space<vmem>>, vector<1024x1xbf16>
    %mul3A_252 = vector.broadcast %get3A_251 : vector<1024x1xbf16> to vector<1024x512xbf16>
    %mul3A_253 = vector.broadcast %convert_element_type3A_242 : vector<1x512xbf16> to vector<1024x512xbf16>
    %mul3A_254 = arith.mulf %mul3A_252, %mul3A_253 : vector<1024x512xbf16>
    %max3A_255 = arith.maximumf %mul3A_248, %mul3A_254 : vector<1024x512xbf16>
    %mul3A_256 = arith.mulf %convert_element_type3A_15, %max3A_255 : vector<1024x512xbf16>
    %get3A_257 = arith.constant 0 : index
    %get3A_258 = arith.constant 1280 : index
    %get3A_259 = vector.load %arg13[%get3A_257, %get3A_258] : memref<1024x2048xf32, #tpu.memory_space<vmem>>, vector<1024x256xf32>
    %get3A_260 = arith.constant 0 : index
    %get3A_261 = arith.constant 1280 : index
    %get3A_262 = vector.load %arg3[%get3A_260, %get3A_261] : memref<512x2048xbf16, #tpu.memory_space<vmem>>, vector<512x256xbf16>
    %dot_general3A_263 = arith.constant dense<0.000000e+00> : vector<1024x256xf32>
    %dot_general3A_264 = tpu.matmul %mul3A_256, %get3A_262, %dot_general3A_263 {dimension_numbers = #tpu.dot_dimension_numbers<[1], [0], [0], [1], [0, 0, 1, 1], [], []>, transpose_lhs_hint = false} : vector<1024x512xbf16>, vector<512x256xbf16>, vector<1024x256xf32> -> vector<1024x256xf32>
    %add3A_265 = arith.addf %get3A_259, %dot_general3A_264 : vector<1024x256xf32>
    %swap3A_266 = arith.constant 0 : index
    %swap3A_267 = arith.constant 1280 : index
    %swap3A_268 = vector.load %arg13[%swap3A_266, %swap3A_267] : memref<1024x2048xf32, #tpu.memory_space<vmem>>, vector<1024x256xf32>
    tpu.vector_store %arg13[%swap3A_266, %swap3A_267], %add3A_265 {strides = array<i32>} : memref<1024x2048xf32, #tpu.memory_space<vmem>>, vector<1024x256xf32>,
    %get3A_269 = arith.constant 0 : index
    %get3A_270 = arith.constant 6 : index
    %get3A_271 = vector.load %arg14[%get3A_269, %get3A_270] : memref<1x8xf32, #tpu.memory_space<vmem>>, vector<1x1xf32>
    %mul3A_272 = arith.constant 512 : i32
    %mul3A_273 = arith.muli %arg1, %mul3A_272 : i32
    %get3A_274 = arith.constant 6 : index
    %get3A_275 = arith.index_cast %mul3A_273 : i32 to index
    %get3A_276 = vector.load %arg4[%get3A_274, %get3A_275] : memref<8x10240xf32, #tpu.memory_space<vmem>>, vector<1x512xf32>
    %sub3A_277 = vector.broadcast %get3A_271 : vector<1x1xf32> to vector<1x512xf32>
    %sub3A_278 = arith.subf %get3A_276, %sub3A_277 : vector<1x512xf32>
    %exp3A_279 = math.exp %sub3A_278 : vector<1x512xf32>
    %convert_element_type3A_280 = arith.truncf %exp3A_279 : vector<1x512xf32> to vector<1x512xbf16>
    %mul3A_281 = arith.constant 2.000000e-01 : f32
    %mul3A_282 = vector.broadcast %mul3A_281 : f32 to vector<1x512xf32>
    %mul3A_283 = arith.mulf %mul3A_282, %sub3A_278 : vector<1x512xf32>
    %exp3A_284 = math.exp %mul3A_283 : vector<1x512xf32>
    %convert_element_type3A_285 = arith.truncf %exp3A_284 : vector<1x512xf32> to vector<1x512xbf16>
    %get3A_286 = arith.constant 0 : index
    %get3A_287 = arith.constant 6 : index
    %get3A_288 = vector.load %arg15[%get3A_286, %get3A_287] : memref<1024x8xbf16, #tpu.memory_space<vmem>>, vector<1024x1xbf16>
    %mul3A_289 = vector.broadcast %get3A_288 : vector<1024x1xbf16> to vector<1024x512xbf16>
    %mul3A_290 = vector.broadcast %convert_element_type3A_280 : vector<1x512xbf16> to vector<1024x512xbf16>
    %mul3A_291 = arith.mulf %mul3A_289, %mul3A_290 : vector<1024x512xbf16>
    %get3A_292 = arith.constant 0 : index
    %get3A_293 = arith.constant 6 : index
    %get3A_294 = vector.load %arg16[%get3A_292, %get3A_293] : memref<1024x8xbf16, #tpu.memory_space<vmem>>, vector<1024x1xbf16>
    %mul3A_295 = vector.broadcast %get3A_294 : vector<1024x1xbf16> to vector<1024x512xbf16>
    %mul3A_296 = vector.broadcast %convert_element_type3A_285 : vector<1x512xbf16> to vector<1024x512xbf16>
    %mul3A_297 = arith.mulf %mul3A_295, %mul3A_296 : vector<1024x512xbf16>
    %max3A_298 = arith.maximumf %mul3A_291, %mul3A_297 : vector<1024x512xbf16>
    %mul3A_299 = arith.mulf %convert_element_type3A_15, %max3A_298 : vector<1024x512xbf16>
    %get3A_300 = arith.constant 0 : index
    %get3A_301 = arith.constant 1536 : index
    %get3A_302 = vector.load %arg13[%get3A_300, %get3A_301] : memref<1024x2048xf32, #tpu.memory_space<vmem>>, vector<1024x256xf32>
    %get3A_303 = arith.constant 0 : index
    %get3A_304 = arith.constant 1536 : index
    %get3A_305 = vector.load %arg3[%get3A_303, %get3A_304] : memref<512x2048xbf16, #tpu.memory_space<vmem>>, vector<512x256xbf16>
    %dot_general3A_306 = arith.constant dense<0.000000e+00> : vector<1024x256xf32>
    %dot_general3A_307 = tpu.matmul %mul3A_299, %get3A_305, %dot_general3A_306 {dimension_numbers = #tpu.dot_dimension_numbers<[1], [0], [0], [1], [0, 0, 1, 1], [], []>, transpose_lhs_hint = false} : vector<1024x512xbf16>, vector<512x256xbf16>, vector<1024x256xf32> -> vector<1024x256xf32>
    %add3A_308 = arith.addf %get3A_302, %dot_general3A_307 : vector<1024x256xf32>
    %swap3A_309 = arith.constant 0 : index
    %swap3A_310 = arith.constant 1536 : index
    %swap3A_311 = vector.load %arg13[%swap3A_309, %swap3A_310] : memref<1024x2048xf32, #tpu.memory_space<vmem>>, vector<1024x256xf32>
    tpu.vector_store %arg13[%swap3A_309, %swap3A_310], %add3A_308 {strides = array<i32>} : memref<1024x2048xf32, #tpu.memory_space<vmem>>, vector<1024x256xf32>,
    %get3A_312 = arith.constant 0 : index
    %get3A_313 = arith.constant 7 : index
    %get3A_314 = vector.load %arg14[%get3A_312, %get3A_313] : memref<1x8xf32, #tpu.memory_space<vmem>>, vector<1x1xf32>
    %mul3A_315 = arith.constant 512 : i32
    %mul3A_316 = arith.muli %arg1, %mul3A_315 : i32
    %get3A_317 = arith.constant 7 : index
    %get3A_318 = arith.index_cast %mul3A_316 : i32 to index
    %get3A_319 = vector.load %arg4[%get3A_317, %get3A_318] : memref<8x10240xf32, #tpu.memory_space<vmem>>, vector<1x512xf32>
    %sub3A_320 = vector.broadcast %get3A_314 : vector<1x1xf32> to vector<1x512xf32>
    %sub3A_321 = arith.subf %get3A_319, %sub3A_320 : vector<1x512xf32>
    %exp3A_322 = math.exp %sub3A_321 : vector<1x512xf32>
    %convert_element_type3A_323 = arith.truncf %exp3A_322 : vector<1x512xf32> to vector<1x512xbf16>
    %mul3A_324 = arith.constant 2.000000e-01 : f32
    %mul3A_325 = vector.broadcast %mul3A_324 : f32 to vector<1x512xf32>
    %mul3A_326 = arith.mulf %mul3A_325, %sub3A_321 : vector<1x512xf32>
    %exp3A_327 = math.exp %mul3A_326 : vector<1x512xf32>
    %convert_element_type3A_328 = arith.truncf %exp3A_327 : vector<1x512xf32> to vector<1x512xbf16>
    %get3A_329 = arith.constant 0 : index
    %get3A_330 = arith.constant 7 : index
    %get3A_331 = vector.load %arg15[%get3A_329, %get3A_330] : memref<1024x8xbf16, #tpu.memory_space<vmem>>, vector<1024x1xbf16>
    %mul3A_332 = vector.broadcast %get3A_331 : vector<1024x1xbf16> to vector<1024x512xbf16>
    %mul3A_333 = vector.broadcast %convert_element_type3A_323 : vector<1x512xbf16> to vector<1024x512xbf16>
    %mul3A_334 = arith.mulf %mul3A_332, %mul3A_333 : vector<1024x512xbf16>
    %get3A_335 = arith.constant 0 : index
    %get3A_336 = arith.constant 7 : index
    %get3A_337 = vector.load %arg16[%get3A_335, %get3A_336] : memref<1024x8xbf16, #tpu.memory_space<vmem>>, vector<1024x1xbf16>
    %mul3A_338 = vector.broadcast %get3A_337 : vector<1024x1xbf16> to vector<1024x512xbf16>
    %mul3A_339 = vector.broadcast %convert_element_type3A_328 : vector<1x512xbf16> to vector<1024x512xbf16>
    %mul3A_340 = arith.mulf %mul3A_338, %mul3A_339 : vector<1024x512xbf16>
    %max3A_341 = arith.maximumf %mul3A_334, %mul3A_340 : vector<1024x512xbf16>
    %mul3A_342 = arith.mulf %convert_element_type3A_15, %max3A_341 : vector<1024x512xbf16>
    %get3A_343 = arith.constant 0 : index
    %get3A_344 = arith.constant 1792 : index
    %get3A_345 = vector.load %arg13[%get3A_343, %get3A_344] : memref<1024x2048xf32, #tpu.memory_space<vmem>>, vector<1024x256xf32>
    %get3A_346 = arith.constant 0 : index
    %get3A_347 = arith.constant 1792 : index
    %get3A_348 = vector.load %arg3[%get3A_346, %get3A_347] : memref<512x2048xbf16, #tpu.memory_space<vmem>>, vector<512x256xbf16>
    %dot_general3A_349 = arith.constant dense<0.000000e+00> : vector<1024x256xf32>
    %dot_general3A_350 = tpu.matmul %mul3A_342, %get3A_348, %dot_general3A_349 {dimension_numbers = #tpu.dot_dimension_numbers<[1], [0], [0], [1], [0, 0, 1, 1], [], []>, transpose_lhs_hint = false} : vector<1024x512xbf16>, vector<512x256xbf16>, vector<1024x256xf32> -> vector<1024x256xf32>
    %add3A_351 = arith.addf %get3A_345, %dot_general3A_350 : vector<1024x256xf32>
    %swap3A_352 = arith.constant 0 : index
    %swap3A_353 = arith.constant 1792 : index
    %swap3A_354 = vector.load %arg13[%swap3A_352, %swap3A_353] : memref<1024x2048xf32, #tpu.memory_space<vmem>>, vector<1024x256xf32>
    tpu.vector_store %arg13[%swap3A_352, %swap3A_353], %add3A_351 {strides = array<i32>} : memref<1024x2048xf32, #tpu.memory_space<vmem>>, vector<1024x256xf32>,
    %eq3A_355 = arith.constant 19 : i32
    %eq3A_356 = arith.cmpi eq, %arg1, %eq3A_355 : i32
    %convert_element_type3A_357 = arith.extui %eq3A_356 : i1 to i32
    %cond3A_358 = arith.constant 0 : i32
    %cond3A_359 = arith.cmpi ne, %convert_element_type3A_357, %cond3A_358 : i32
    scf.if %cond3A_359 {
      %get3A_360 = arith.constant 0 : index
      %get3A_361 = arith.constant 0 : index
      %get3A_362 = vector.load %arg13[%get3A_360, %get3A_361] : memref<1024x2048xf32, #tpu.memory_space<vmem>>, vector<1024x128xf32>
      %get3A_363 = arith.constant 0 : index
      %get3A_364 = arith.constant 128 : index
      %get3A_365 = vector.load %arg13[%get3A_363, %get3A_364] : memref<1024x2048xf32, #tpu.memory_space<vmem>>, vector<1024x1xf32>
      %add3A_366 = arith.constant 9.99999971E-10 : f32
      %add3A_367 = vector.broadcast %add3A_366 : f32 to vector<1024x1xf32>
      %add3A_368 = arith.addf %get3A_365, %add3A_367 : vector<1024x1xf32>
      %div3A = vector.broadcast %add3A_368 : vector<1024x1xf32> to vector<1024x128xf32>
      %div3A_369 = arith.divf %get3A_362, %div3A : vector<1024x128xf32>
      %gt3A = arith.constant 0.000000e+00 : f32
      %gt3A_370 = vector.broadcast %gt3A : f32 to vector<1024x128xf32>
      %gt3A_371 = arith.cmpf ogt, %div3A_369, %gt3A_370 : vector<1024x128xf32>
      %exp3A_372 = math.exp %div3A_369 : vector<1024x128xf32>
      %sub3A_373 = arith.constant 1.000000e+00 : f32
      %sub3A_374 = vector.broadcast %sub3A_373 : f32 to vector<1024x128xf32>
      %sub3A_375 = arith.subf %exp3A_372, %sub3A_374 : vector<1024x128xf32>
      %select_n3A_376 = arith.select %gt3A_371, %div3A_369, %sub3A_375 : vector<1024x128xi1>, vector<1024x128xf32>
      %get3A_377 = arith.constant 0 : index
      %get3A_378 = arith.constant 256 : index
      %get3A_379 = vector.load %arg13[%get3A_377, %get3A_378] : memref<1024x2048xf32, #tpu.memory_space<vmem>>, vector<1024x128xf32>
      %get3A_380 = arith.constant 0 : index
      %get3A_381 = arith.constant 384 : index
      %get3A_382 = vector.load %arg13[%get3A_380, %get3A_381] : memref<1024x2048xf32, #tpu.memory_space<vmem>>, vector<1024x1xf32>
      %add3A_383 = arith.constant 9.99999971E-10 : f32
      %add3A_384 = vector.broadcast %add3A_383 : f32 to vector<1024x1xf32>
      %add3A_385 = arith.addf %get3A_382, %add3A_384 : vector<1024x1xf32>
      %div3A_386 = vector.broadcast %add3A_385 : vector<1024x1xf32> to vector<1024x128xf32>
      %div3A_387 = arith.divf %get3A_379, %div3A_386 : vector<1024x128xf32>
      %gt3A_388 = arith.constant 0.000000e+00 : f32
      %gt3A_389 = vector.broadcast %gt3A_388 : f32 to vector<1024x128xf32>
      %gt3A_390 = arith.cmpf ogt, %div3A_387, %gt3A_389 : vector<1024x128xf32>
      %exp3A_391 = math.exp %div3A_387 : vector<1024x128xf32>
      %sub3A_392 = arith.constant 1.000000e+00 : f32
      %sub3A_393 = vector.broadcast %sub3A_392 : f32 to vector<1024x128xf32>
      %sub3A_394 = arith.subf %exp3A_391, %sub3A_393 : vector<1024x128xf32>
      %select_n3A_395 = arith.select %gt3A_390, %div3A_387, %sub3A_394 : vector<1024x128xi1>, vector<1024x128xf32>
      %get3A_396 = arith.constant 0 : index
      %get3A_397 = arith.constant 512 : index
      %get3A_398 = vector.load %arg13[%get3A_396, %get3A_397] : memref<1024x2048xf32, #tpu.memory_space<vmem>>, vector<1024x128xf32>
      %get3A_399 = arith.constant 0 : index
      %get3A_400 = arith.constant 640 : index
      %get3A_401 = vector.load %arg13[%get3A_399, %get3A_400] : memref<1024x2048xf32, #tpu.memory_space<vmem>>, vector<1024x1xf32>
      %add3A_402 = arith.constant 9.99999971E-10 : f32
      %add3A_403 = vector.broadcast %add3A_402 : f32 to vector<1024x1xf32>
      %add3A_404 = arith.addf %get3A_401, %add3A_403 : vector<1024x1xf32>
      %div3A_405 = vector.broadcast %add3A_404 : vector<1024x1xf32> to vector<1024x128xf32>
      %div3A_406 = arith.divf %get3A_398, %div3A_405 : vector<1024x128xf32>
      %gt3A_407 = arith.constant 0.000000e+00 : f32
      %gt3A_408 = vector.broadcast %gt3A_407 : f32 to vector<1024x128xf32>
      %gt3A_409 = arith.cmpf ogt, %div3A_406, %gt3A_408 : vector<1024x128xf32>
      %exp3A_410 = math.exp %div3A_406 : vector<1024x128xf32>
      %sub3A_411 = arith.constant 1.000000e+00 : f32
      %sub3A_412 = vector.broadcast %sub3A_411 : f32 to vector<1024x128xf32>
      %sub3A_413 = arith.subf %exp3A_410, %sub3A_412 : vector<1024x128xf32>
      %select_n3A_414 = arith.select %gt3A_409, %div3A_406, %sub3A_413 : vector<1024x128xi1>, vector<1024x128xf32>
      %get3A_415 = arith.constant 0 : index
      %get3A_416 = arith.constant 768 : index
      %get3A_417 = vector.load %arg13[%get3A_415, %get3A_416] : memref<1024x2048xf32, #tpu.memory_space<vmem>>, vector<1024x128xf32>
      %get3A_418 = arith.constant 0 : index
      %get3A_419 = arith.constant 896 : index
      %get3A_420 = vector.load %arg13[%get3A_418, %get3A_419] : memref<1024x2048xf32, #tpu.memory_space<vmem>>, vector<1024x1xf32>
      %add3A_421 = arith.constant 9.99999971E-10 : f32
      %add3A_422 = vector.broadcast %add3A_421 : f32 to vector<1024x1xf32>
      %add3A_423 = arith.addf %get3A_420, %add3A_422 : vector<1024x1xf32>
      %div3A_424 = vector.broadcast %add3A_423 : vector<1024x1xf32> to vector<1024x128xf32>
      %div3A_425 = arith.divf %get3A_417, %div3A_424 : vector<1024x128xf32>
      %gt3A_426 = arith.constant 0.000000e+00 : f32
      %gt3A_427 = vector.broadcast %gt3A_426 : f32 to vector<1024x128xf32>
      %gt3A_428 = arith.cmpf ogt, %div3A_425, %gt3A_427 : vector<1024x128xf32>
      %exp3A_429 = math.exp %div3A_425 : vector<1024x128xf32>
      %sub3A_430 = arith.constant 1.000000e+00 : f32
      %sub3A_431 = vector.broadcast %sub3A_430 : f32 to vector<1024x128xf32>
      %sub3A_432 = arith.subf %exp3A_429, %sub3A_431 : vector<1024x128xf32>
      %select_n3A_433 = arith.select %gt3A_428, %div3A_425, %sub3A_432 : vector<1024x128xi1>, vector<1024x128xf32>
      %get3A_434 = arith.constant 0 : index
      %get3A_435 = arith.constant 1024 : index
      %get3A_436 = vector.load %arg13[%get3A_434, %get3A_435] : memref<1024x2048xf32, #tpu.memory_space<vmem>>, vector<1024x128xf32>
      %get3A_437 = arith.constant 0 : index
      %get3A_438 = arith.constant 1152 : index
      %get3A_439 = vector.load %arg13[%get3A_437, %get3A_438] : memref<1024x2048xf32, #tpu.memory_space<vmem>>, vector<1024x1xf32>
      %add3A_440 = arith.constant 9.99999971E-10 : f32
      %add3A_441 = vector.broadcast %add3A_440 : f32 to vector<1024x1xf32>
      %add3A_442 = arith.addf %get3A_439, %add3A_441 : vector<1024x1xf32>
      %div3A_443 = vector.broadcast %add3A_442 : vector<1024x1xf32> to vector<1024x128xf32>
      %div3A_444 = arith.divf %get3A_436, %div3A_443 : vector<1024x128xf32>
      %gt3A_445 = arith.constant 0.000000e+00 : f32
      %gt3A_446 = vector.broadcast %gt3A_445 : f32 to vector<1024x128xf32>
      %gt3A_447 = arith.cmpf ogt, %div3A_444, %gt3A_446 : vector<1024x128xf32>
      %exp3A_448 = math.exp %div3A_444 : vector<1024x128xf32>
      %sub3A_449 = arith.constant 1.000000e+00 : f32
      %sub3A_450 = vector.broadcast %sub3A_449 : f32 to vector<1024x128xf32>
      %sub3A_451 = arith.subf %exp3A_448, %sub3A_450 : vector<1024x128xf32>
      %select_n3A_452 = arith.select %gt3A_447, %div3A_444, %sub3A_451 : vector<1024x128xi1>, vector<1024x128xf32>
      %get3A_453 = arith.constant 0 : index
      %get3A_454 = arith.constant 1280 : index
      %get3A_455 = vector.load %arg13[%get3A_453, %get3A_454] : memref<1024x2048xf32, #tpu.memory_space<vmem>>, vector<1024x128xf32>
      %get3A_456 = arith.constant 0 : index
      %get3A_457 = arith.constant 1408 : index
      %get3A_458 = vector.load %arg13[%get3A_456, %get3A_457] : memref<1024x2048xf32, #tpu.memory_space<vmem>>, vector<1024x1xf32>
      %add3A_459 = arith.constant 9.99999971E-10 : f32
      %add3A_460 = vector.broadcast %add3A_459 : f32 to vector<1024x1xf32>
      %add3A_461 = arith.addf %get3A_458, %add3A_460 : vector<1024x1xf32>
      %div3A_462 = vector.broadcast %add3A_461 : vector<1024x1xf32> to vector<1024x128xf32>
      %div3A_463 = arith.divf %get3A_455, %div3A_462 : vector<1024x128xf32>
      %gt3A_464 = arith.constant 0.000000e+00 : f32
      %gt3A_465 = vector.broadcast %gt3A_464 : f32 to vector<1024x128xf32>
      %gt3A_466 = arith.cmpf ogt, %div3A_463, %gt3A_465 : vector<1024x128xf32>
      %exp3A_467 = math.exp %div3A_463 : vector<1024x128xf32>
      %sub3A_468 = arith.constant 1.000000e+00 : f32
      %sub3A_469 = vector.broadcast %sub3A_468 : f32 to vector<1024x128xf32>
      %sub3A_470 = arith.subf %exp3A_467, %sub3A_469 : vector<1024x128xf32>
      %select_n3A_471 = arith.select %gt3A_466, %div3A_463, %sub3A_470 : vector<1024x128xi1>, vector<1024x128xf32>
      %get3A_472 = arith.constant 0 : index
      %get3A_473 = arith.constant 1536 : index
      %get3A_474 = vector.load %arg13[%get3A_472, %get3A_473] : memref<1024x2048xf32, #tpu.memory_space<vmem>>, vector<1024x128xf32>
      %get3A_475 = arith.constant 0 : index
      %get3A_476 = arith.constant 1664 : index
      %get3A_477 = vector.load %arg13[%get3A_475, %get3A_476] : memref<1024x2048xf32, #tpu.memory_space<vmem>>, vector<1024x1xf32>
      %add3A_478 = arith.constant 9.99999971E-10 : f32
      %add3A_479 = vector.broadcast %add3A_478 : f32 to vector<1024x1xf32>
      %add3A_480 = arith.addf %get3A_477, %add3A_479 : vector<1024x1xf32>
      %div3A_481 = vector.broadcast %add3A_480 : vector<1024x1xf32> to vector<1024x128xf32>
      %div3A_482 = arith.divf %get3A_474, %div3A_481 : vector<1024x128xf32>
      %gt3A_483 = arith.constant 0.000000e+00 : f32
      %gt3A_484 = vector.broadcast %gt3A_483 : f32 to vector<1024x128xf32>
      %gt3A_485 = arith.cmpf ogt, %div3A_482, %gt3A_484 : vector<1024x128xf32>
      %exp3A_486 = math.exp %div3A_482 : vector<1024x128xf32>
      %sub3A_487 = arith.constant 1.000000e+00 : f32
      %sub3A_488 = vector.broadcast %sub3A_487 : f32 to vector<1024x128xf32>
      %sub3A_489 = arith.subf %exp3A_486, %sub3A_488 : vector<1024x128xf32>
      %select_n3A_490 = arith.select %gt3A_485, %div3A_482, %sub3A_489 : vector<1024x128xi1>, vector<1024x128xf32>
      %get3A_491 = arith.constant 0 : index
      %get3A_492 = arith.constant 1792 : index
      %get3A_493 = vector.load %arg13[%get3A_491, %get3A_492] : memref<1024x2048xf32, #tpu.memory_space<vmem>>, vector<1024x128xf32>
      %get3A_494 = arith.constant 0 : index
      %get3A_495 = arith.constant 1920 : index
      %get3A_496 = vector.load %arg13[%get3A_494, %get3A_495] : memref<1024x2048xf32, #tpu.memory_space<vmem>>, vector<1024x1xf32>
      %add3A_497 = arith.constant 9.99999971E-10 : f32
      %add3A_498 = vector.broadcast %add3A_497 : f32 to vector<1024x1xf32>
      %add3A_499 = arith.addf %get3A_496, %add3A_498 : vector<1024x1xf32>
      %div3A_500 = vector.broadcast %add3A_499 : vector<1024x1xf32> to vector<1024x128xf32>
      %div3A_501 = arith.divf %get3A_493, %div3A_500 : vector<1024x128xf32>
      %gt3A_502 = arith.constant 0.000000e+00 : f32
      %gt3A_503 = vector.broadcast %gt3A_502 : f32 to vector<1024x128xf32>
      %gt3A_504 = arith.cmpf ogt, %div3A_501, %gt3A_503 : vector<1024x128xf32>
      %exp3A_505 = math.exp %div3A_501 : vector<1024x128xf32>
      %sub3A_506 = arith.constant 1.000000e+00 : f32
      %sub3A_507 = vector.broadcast %sub3A_506 : f32 to vector<1024x128xf32>
      %sub3A_508 = arith.subf %exp3A_505, %sub3A_507 : vector<1024x128xf32>
      %select_n3A_509 = arith.select %gt3A_504, %div3A_501, %sub3A_508 : vector<1024x128xi1>, vector<1024x128xf32>
      %concatenate3A = tpu.concatenate %select_n3A_376, %select_n3A_395, %select_n3A_414, %select_n3A_433, %select_n3A_452, %select_n3A_471, %select_n3A_490, %select_n3A_509 in 1 : vector<1024x128xf32>, vector<1024x128xf32>, vector<1024x128xf32>, vector<1024x128xf32>, vector<1024x128xf32>, vector<1024x128xf32>, vector<1024x128xf32>, vector<1024x128xf32> -> vector<1024x1024xf32>
      %swap3A_510 = arith.constant 0 : index
      %swap3A_511 = arith.constant 0 : index
      %swap3A_512 = vector.load %arg9[%swap3A_510, %swap3A_511] : memref<1024x1024xf32, #tpu.memory_space<vmem>>, vector<1024x1024xf32>
      tpu.vector_store %arg9[%swap3A_510, %swap3A_511], %concatenate3A {strides = array<i32>} : memref<1024x1024xf32, #tpu.memory_space<vmem>>, vector<1024x1024xf32>,
      %get3A_513 = arith.constant 0 : index
      %get3A_514 = arith.constant 0 : index
      %get3A_515 = vector.load %arg6[%get3A_513, %get3A_514] : memref<1024x40xf32, #tpu.memory_space<vmem>>, vector<1024x40xf32>
      %dot_general3A_516 = arith.constant dense<0.000000e+00> : vector<1024x40xf32>
      %dot_general3A_517 = tpu.matmul %concatenate3A, %get3A_515, %dot_general3A_516 {dimension_numbers = #tpu.dot_dimension_numbers<[1], [0], [0], [1], [0, 0, 1, 1], [], []>, transpose_lhs_hint = false} : vector<1024x1024xf32>, vector<1024x40xf32>, vector<1024x40xf32> -> vector<1024x40xf32>
      %convert_element_type3A_518 = arith.truncf %dot_general3A_517 : vector<1024x40xf32> to vector<1024x40xbf16>
      %broadcast_in_dim3A_519 = arith.constant 1.000000e+00 : bf16
      %broadcast_in_dim3A_520 = vector.broadcast %broadcast_in_dim3A_519 : bf16 to vector<1024x1xbf16>
      %broadcast_in_dim3A_521 = arith.constant 0.000000e+00 : bf16
      %broadcast_in_dim3A_522 = vector.broadcast %broadcast_in_dim3A_521 : bf16 to vector<1024x23xbf16>
      %concatenate3A_523 = tpu.concatenate %convert_element_type3A_518, %broadcast_in_dim3A_520, %broadcast_in_dim3A_522 in 1 : vector<1024x40xbf16>, vector<1024x1xbf16>, vector<1024x23xbf16> -> vector<1024x64xbf16>
      %swap3A_524 = arith.constant 0 : index
      %swap3A_525 = arith.constant 0 : index
      %swap3A_526 = vector.load %arg10[%swap3A_524, %swap3A_525] : memref<1024x64xbf16, #tpu.memory_space<vmem>>, vector<1024x64xbf16>
      tpu.vector_store %arg10[%swap3A_524, %swap3A_525], %concatenate3A_523 {strides = array<i32>} : memref<1024x64xbf16, #tpu.memory_space<vmem>>, vector<1024x64xbf16>,
      %get3A_527 = arith.constant 0 : index
      %get3A_528 = arith.constant 0 : index
      %get3A_529 = vector.load %arg7[%get3A_527, %get3A_528] : memref<1x40xf32, #tpu.memory_space<vmem>>, vector<1x40xf32>
      %dot_general3A_530 = arith.constant dense<0.000000e+00> : vector<1x1024xf32>
      %dot_general3A_531 = tpu.matmul %get3A_529, %dot_general3A_517, %dot_general3A_530 {dimension_numbers = #tpu.dot_dimension_numbers<[1], [1], [0], [0], [0, 0, 1, 0], [], []>, transpose_lhs_hint = false} : vector<1x40xf32>, vector<1024x40xf32>, vector<1x1024xf32> -> vector<1x1024xf32>
      %swap3A_532 = arith.constant 0 : index
      %swap3A_533 = arith.constant 0 : index
      %swap3A_534 = vector.load %arg11[%swap3A_532, %swap3A_533] : memref<1x1024xf32, #tpu.memory_space<vmem>>, vector<1x1024xf32>
      tpu.vector_store %arg11[%swap3A_532, %swap3A_533], %dot_general3A_531 {strides = array<i32>} : memref<1x1024xf32, #tpu.memory_space<vmem>>, vector<1x1024xf32>,
      %get3A_535 = arith.constant 0 : index
      %get3A_536 = arith.constant 0 : index
      %get3A_537 = vector.load %arg8[%get3A_535, %get3A_536] : memref<40x1xf32, #tpu.memory_space<vmem>>, vector<40x1xf32>
      %dot_general3A_538 = arith.constant dense<0.000000e+00> : vector<1024x1xf32>
      %dot_general3A_539 = tpu.matmul %dot_general3A_517, %get3A_537, %dot_general3A_538 {dimension_numbers = #tpu.dot_dimension_numbers<[1], [0], [0], [1], [0, 0, 1, 1], [], []>, transpose_lhs_hint = false} : vector<1024x40xf32>, vector<40x1xf32>, vector<1024x1xf32> -> vector<1024x1xf32>
      %swap3A_540 = arith.constant 0 : index
      %swap3A_541 = arith.constant 0 : index
      %swap3A_542 = vector.load %arg12[%swap3A_540, %swap3A_541] : memref<1024x1xf32, #tpu.memory_space<vmem>>, vector<1024x1xf32>
      tpu.vector_store %arg12[%swap3A_540, %swap3A_541], %dot_general3A_539 {strides = array<i32>} : memref<1024x1xf32, #tpu.memory_space<vmem>>, vector<1024x1xf32>,
    } else {
    }
    return
  }
  func.func @transform_0(%arg0: i32, %arg1: i32) -> (i32, i32) {
    %c0_i32 = arith.constant 0 : i32
    return %arg0, %arg1 : i32, i32
  }
  func.func @transform_1(%arg0: i32, %arg1: i32) -> (i32, i32) {
    %c0_i32 = arith.constant 0 : i32
    %c0_i32_0 = arith.constant 0 : i32
    return %arg1, %c0_i32 : i32, i32
  }
  func.func @transform_2(%arg0: i32, %arg1: i32) -> (i32, i32) {
    %c0_i32 = arith.constant 0 : i32
    %c0_i32_0 = arith.constant 0 : i32
    %c0_i32_1 = arith.constant 0 : i32
    return %c0_i32, %c0_i32_0 : i32, i32
  }
  func.func @transform_3(%arg0: i32, %arg1: i32) -> (i32, i32) {
    %c0_i32 = arith.constant 0 : i32
    %c0_i32_0 = arith.constant 0 : i32
    return %arg0, %c0_i32 : i32, i32
  }
  func.func @transform_4(%arg0: i32, %arg1: i32) -> (i32, i32) {
    %c0_i32 = arith.constant 0 : i32
    %c0_i32_0 = arith.constant 0 : i32
    %c0_i32_1 = arith.constant 0 : i32
    return %c0_i32, %c0_i32_0 : i32, i32
  }
  func.func @transform_5(%arg0: i32, %arg1: i32) -> (i32, i32) {
    %c0_i32 = arith.constant 0 : i32
    %c0_i32_0 = arith.constant 0 : i32
    %c0_i32_1 = arith.constant 0 : i32
    return %c0_i32, %c0_i32_0 : i32, i32
  }
  func.func @transform_6(%arg0: i32, %arg1: i32) -> (i32, i32) {
    %c0_i32 = arith.constant 0 : i32
    %c0_i32_0 = arith.constant 0 : i32
    %c0_i32_1 = arith.constant 0 : i32
    return %c0_i32, %c0_i32_0 : i32, i32
  }
  func.func @transform_7(%arg0: i32, %arg1: i32) -> (i32, i32) {
    %c0_i32 = arith.constant 0 : i32
    %c0_i32_0 = arith.constant 0 : i32
    return %arg0, %c0_i32 : i32, i32
  }
  func.func @transform_8(%arg0: i32, %arg1: i32) -> (i32, i32) {
    %c0_i32 = arith.constant 0 : i32
    %c0_i32_0 = arith.constant 0 : i32
    return %arg0, %c0_i32 : i32, i32
  }
  func.func @transform_9(%arg0: i32, %arg1: i32) -> (i32, i32) {
    %c0_i32 = arith.constant 0 : i32
    %c0_i32_0 = arith.constant 0 : i32
    return %c0_i32, %arg0 : i32, i32
  }
  func.func @transform_10(%arg0: i32, %arg1: i32) -> (i32, i32) {
    %c0_i32 = arith.constant 0 : i32
    %c0_i32_0 = arith.constant 0 : i32
    return %arg0, %c0_i32 : i32, i32
  }
}

module attributes {stable_mosaic.version = 14 : i64} {
  func.func @_k3_body(%arg0: i32, %arg1: i32, %arg2: memref<1024x512xf32, #tpu.memory_space<vmem>>, %arg3: memref<512x64xbf16, #tpu.memory_space<vmem>>, %arg4: memref<1x10240xf32, #tpu.memory_space<vmem>>, %arg5: memref<1024x1xf32, #tpu.memory_space<vmem>>, %arg6: memref<1024x40xf32, #tpu.memory_space<vmem>>, %arg7: memref<1024x64xf32, #tpu.memory_space<vmem>>, %arg8: memref<1x1xf32, #tpu.memory_space<vmem>>, %arg9: memref<1024x1xbf16, #tpu.memory_space<vmem>>, %arg10: memref<1024x1xbf16, #tpu.memory_space<vmem>>) attributes {dimension_semantics = [#tpu.dimension_semantics<parallel>, #tpu.dimension_semantics<arbitrary>], iteration_bounds = array<i64: 10, 20>, scalar_prefetch = 0 : i64, scratch_operands = 4 : i64, tpu.core_type = #tpu.core_type<tc>, window_params = [{transform_indices = @transform_0, window_bounds = array<i64: 1024, 512>}, {transform_indices = @transform_1, window_bounds = array<i64: 512, 64>}, {pipeline_mode = #tpu.pipeline_mode<synchronous>, transform_indices = @transform_2, window_bounds = array<i64: 1, 10240>}, {transform_indices = @transform_3, window_bounds = array<i64: 1024, 1>}, {transform_indices = @transform_4, window_bounds = array<i64: 1024, 40>}]} {
    %eq3A = arith.constant 0 : i32
    %eq3A_0 = arith.cmpi eq, %arg1, %eq3A : i32
    %convert_element_type3A = arith.extui %eq3A_0 : i1 to i32
    %cond3A = arith.constant 0 : i32
    %cond3A_1 = arith.cmpi ne, %convert_element_type3A, %cond3A : i32
    scf.if %cond3A_1 {
      %broadcast_in_dim3A_59 = arith.constant 0.000000e+00 : f32
      %broadcast_in_dim3A_60 = vector.broadcast %broadcast_in_dim3A_59 : f32 to vector<1024x64xf32>
      %swap3A_61 = arith.constant 0 : index
      %swap3A_62 = arith.constant 0 : index
      %swap3A_63 = vector.load %arg7[%swap3A_61, %swap3A_62] : memref<1024x64xf32, #tpu.memory_space<vmem>>, vector<1024x64xf32>
      tpu.vector_store %arg7[%swap3A_61, %swap3A_62], %broadcast_in_dim3A_60 {strides = array<i32>} : memref<1024x64xf32, #tpu.memory_space<vmem>>, vector<1024x64xf32>,
      %get3A_64 = arith.constant 0 : index
      %get3A_65 = arith.constant 0 : index
      %get3A_66 = vector.load %arg4[%get3A_64, %get3A_65] : memref<1x10240xf32, #tpu.memory_space<vmem>>, vector<1x10240xf32>
      %reduce_max3A = arith.constant dense<0xFF800000> : vector<1xf32>
      %reduce_max3A_67 = vector.multi_reduction <maximumf>, %get3A_66, %reduce_max3A [1] : vector<1x10240xf32> to vector<1xf32>
      %broadcast_in_dim3A_68 = vector.shape_cast %reduce_max3A_67 : vector<1xf32> to vector<1x1xf32>
      %swap3A_69 = arith.constant 0 : index
      %swap3A_70 = arith.constant 0 : index
      %swap3A_71 = vector.load %arg8[%swap3A_69, %swap3A_70] : memref<1x1xf32, #tpu.memory_space<vmem>>, vector<1x1xf32>
      tpu.vector_store %arg8[%swap3A_69, %swap3A_70], %broadcast_in_dim3A_68 {strides = array<i32>} : memref<1x1xf32, #tpu.memory_space<vmem>>, vector<1x1xf32>,
      %get3A_72 = arith.constant 0 : index
      %get3A_73 = arith.constant 0 : index
      %get3A_74 = vector.load %arg5[%get3A_72, %get3A_73] : memref<1024x1xf32, #tpu.memory_space<vmem>>, vector<1024x1xf32>
      %add3A_75 = vector.broadcast %broadcast_in_dim3A_68 : vector<1x1xf32> to vector<1024x1xf32>
      %add3A_76 = arith.addf %get3A_74, %add3A_75 : vector<1024x1xf32>
      %gt3A = arith.constant 0.000000e+00 : f32
      %gt3A_77 = vector.broadcast %gt3A : f32 to vector<1024x1xf32>
      %gt3A_78 = arith.cmpf ogt, %add3A_76, %gt3A_77 : vector<1024x1xf32>
      %mul3A_79 = arith.constant 2.000000e-01 : f32
      %mul3A_80 = vector.broadcast %mul3A_79 : f32 to vector<1024x1xf32>
      %mul3A_81 = arith.mulf %mul3A_80, %add3A_76 : vector<1024x1xf32>
      %select_n3A_82 = arith.select %gt3A_78, %add3A_76, %mul3A_81 : vector<1024x1xi1>, vector<1024x1xf32>
      %sub3A_83 = arith.subf %add3A_76, %select_n3A_82 : vector<1024x1xf32>
      %exp3A_84 = math.exp %sub3A_83 : vector<1024x1xf32>
      %convert_element_type3A_85 = arith.truncf %exp3A_84 : vector<1024x1xf32> to vector<1024x1xbf16>
      %swap3A_86 = arith.constant 0 : index
      %swap3A_87 = arith.constant 0 : index
      %swap3A_88 = vector.load %arg9[%swap3A_86, %swap3A_87] : memref<1024x1xbf16, #tpu.memory_space<vmem>>, vector<1024x1xbf16>
      tpu.vector_store %arg9[%swap3A_86, %swap3A_87], %convert_element_type3A_85 {strides = array<i32>} : memref<1024x1xbf16, #tpu.memory_space<vmem>>, vector<1024x1xbf16>,
      %mul3A_89 = arith.constant 2.000000e-01 : f32
      %mul3A_90 = vector.broadcast %mul3A_89 : f32 to vector<1024x1xf32>
      %mul3A_91 = arith.mulf %mul3A_90, %add3A_76 : vector<1024x1xf32>
      %sub3A_92 = arith.subf %mul3A_91, %select_n3A_82 : vector<1024x1xf32>
      %exp3A_93 = math.exp %sub3A_92 : vector<1024x1xf32>
      %convert_element_type3A_94 = arith.truncf %exp3A_93 : vector<1024x1xf32> to vector<1024x1xbf16>
      %swap3A_95 = arith.constant 0 : index
      %swap3A_96 = arith.constant 0 : index
      %swap3A_97 = vector.load %arg10[%swap3A_95, %swap3A_96] : memref<1024x1xbf16, #tpu.memory_space<vmem>>, vector<1024x1xbf16>
      tpu.vector_store %arg10[%swap3A_95, %swap3A_96], %convert_element_type3A_94 {strides = array<i32>} : memref<1024x1xbf16, #tpu.memory_space<vmem>>, vector<1024x1xbf16>,
    } else {
    }
    %iota3A = tpu.iota {dimensions = array<i32: 0>} : vector<1024x512xi32>
    %mul3A = arith.constant 1024 : i32
    %mul3A_2 = arith.muli %arg0, %mul3A : i32
    %add3A = vector.broadcast %mul3A_2 : i32 to vector<1024x512xi32>
    %add3A_3 = arith.addi %iota3A, %add3A : vector<1024x512xi32>
    %iota3A_4 = tpu.iota {dimensions = array<i32: 1>} : vector<1024x512xi32>
    %mul3A_5 = arith.constant 512 : i32
    %mul3A_6 = arith.muli %arg1, %mul3A_5 : i32
    %add3A_7 = vector.broadcast %mul3A_6 : i32 to vector<1024x512xi32>
    %add3A_8 = arith.addi %iota3A_4, %add3A_7 : vector<1024x512xi32>
    %get3A = arith.constant 0 : index
    %get3A_9 = arith.constant 0 : index
    %get3A_10 = vector.load %arg2[%get3A, %get3A_9] : memref<1024x512xf32, #tpu.memory_space<vmem>>, vector<1024x512xf32>
    %eq3A_11 = arith.cmpi eq, %add3A_3, %add3A_8 : vector<1024x512xi32>
    %jit3A = arith.constant 1.000000e+00 : f32
    %jit3A_12 = arith.constant 0.000000e+00 : f32
    %broadcast_in_dim3A = vector.broadcast %jit3A : f32 to vector<1024x512xf32>
    %broadcast_in_dim3A_13 = vector.broadcast %jit3A_12 : f32 to vector<1024x512xf32>
    %select_n3A = arith.select %eq3A_11, %broadcast_in_dim3A, %broadcast_in_dim3A_13 : vector<1024x512xi1>, vector<1024x512xf32>
    %add3A_14 = arith.addf %get3A_10, %select_n3A : vector<1024x512xf32>
    %convert_element_type3A_15 = arith.truncf %add3A_14 : vector<1024x512xf32> to vector<1024x512xbf16>
    %mul3A_16 = arith.constant 512 : i32
    %mul3A_17 = arith.muli %arg1, %mul3A_16 : i32
    %get3A_18 = arith.constant 0 : index
    %get3A_19 = arith.index_cast %mul3A_17 : i32 to index
    %get3A_20 = vector.load %arg4[%get3A_18, %get3A_19] : memref<1x10240xf32, #tpu.memory_space<vmem>>, vector<1x512xf32>
    %get3A_21 = arith.constant 0 : index
    %get3A_22 = arith.constant 0 : index
    %get3A_23 = vector.load %arg8[%get3A_21, %get3A_22] : memref<1x1xf32, #tpu.memory_space<vmem>>, vector<1x1xf32>
    %sub3A = vector.broadcast %get3A_23 : vector<1x1xf32> to vector<1x512xf32>
    %sub3A_24 = arith.subf %get3A_20, %sub3A : vector<1x512xf32>
    %exp3A = math.exp %sub3A_24 : vector<1x512xf32>
    %convert_element_type3A_25 = arith.truncf %exp3A : vector<1x512xf32> to vector<1x512xbf16>
    %mul3A_26 = arith.constant 2.000000e-01 : f32
    %mul3A_27 = vector.broadcast %mul3A_26 : f32 to vector<1x512xf32>
    %mul3A_28 = arith.mulf %mul3A_27, %sub3A_24 : vector<1x512xf32>
    %exp3A_29 = math.exp %mul3A_28 : vector<1x512xf32>
    %convert_element_type3A_30 = arith.truncf %exp3A_29 : vector<1x512xf32> to vector<1x512xbf16>
    %get3A_31 = arith.constant 0 : index
    %get3A_32 = arith.constant 0 : index
    %get3A_33 = vector.load %arg9[%get3A_31, %get3A_32] : memref<1024x1xbf16, #tpu.memory_space<vmem>>, vector<1024x1xbf16>
    %mul3A_34 = vector.broadcast %get3A_33 : vector<1024x1xbf16> to vector<1024x512xbf16>
    %mul3A_35 = vector.broadcast %convert_element_type3A_25 : vector<1x512xbf16> to vector<1024x512xbf16>
    %mul3A_36 = arith.mulf %mul3A_34, %mul3A_35 : vector<1024x512xbf16>
    %get3A_37 = arith.constant 0 : index
    %get3A_38 = arith.constant 0 : index
    %get3A_39 = vector.load %arg10[%get3A_37, %get3A_38] : memref<1024x1xbf16, #tpu.memory_space<vmem>>, vector<1024x1xbf16>
    %mul3A_40 = vector.broadcast %get3A_39 : vector<1024x1xbf16> to vector<1024x512xbf16>
    %mul3A_41 = vector.broadcast %convert_element_type3A_30 : vector<1x512xbf16> to vector<1024x512xbf16>
    %mul3A_42 = arith.mulf %mul3A_40, %mul3A_41 : vector<1024x512xbf16>
    %max3A = arith.maximumf %mul3A_36, %mul3A_42 : vector<1024x512xbf16>
    %mul3A_43 = arith.mulf %convert_element_type3A_15, %max3A : vector<1024x512xbf16>
    %get3A_44 = arith.constant 0 : index
    %get3A_45 = arith.constant 0 : index
    %get3A_46 = vector.load %arg7[%get3A_44, %get3A_45] : memref<1024x64xf32, #tpu.memory_space<vmem>>, vector<1024x64xf32>
    %get3A_47 = arith.constant 0 : index
    %get3A_48 = arith.constant 0 : index
    %get3A_49 = vector.load %arg3[%get3A_47, %get3A_48] : memref<512x64xbf16, #tpu.memory_space<vmem>>, vector<512x64xbf16>
    %dot_general3A = arith.constant dense<0.000000e+00> : vector<1024x64xf32>
    %dot_general3A_50 = tpu.matmul %mul3A_43, %get3A_49, %dot_general3A {dimension_numbers = #tpu.dot_dimension_numbers<[1], [0], [0], [1], [0, 0, 1, 1], [], []>, transpose_lhs_hint = false} : vector<1024x512xbf16>, vector<512x64xbf16>, vector<1024x64xf32> -> vector<1024x64xf32>
    %add3A_51 = arith.addf %get3A_46, %dot_general3A_50 : vector<1024x64xf32>
    %swap3A = arith.constant 0 : index
    %swap3A_52 = arith.constant 0 : index
    %swap3A_53 = vector.load %arg7[%swap3A, %swap3A_52] : memref<1024x64xf32, #tpu.memory_space<vmem>>, vector<1024x64xf32>
    tpu.vector_store %arg7[%swap3A, %swap3A_52], %add3A_51 {strides = array<i32>} : memref<1024x64xf32, #tpu.memory_space<vmem>>, vector<1024x64xf32>,
    %eq3A_54 = arith.constant 19 : i32
    %eq3A_55 = arith.cmpi eq, %arg1, %eq3A_54 : i32
    %convert_element_type3A_56 = arith.extui %eq3A_55 : i1 to i32
    %cond3A_57 = arith.constant 0 : i32
    %cond3A_58 = arith.cmpi ne, %convert_element_type3A_56, %cond3A_57 : i32
    scf.if %cond3A_58 {
      %get3A_59 = arith.constant 0 : index
      %get3A_60 = arith.constant 0 : index
      %get3A_61 = vector.load %arg7[%get3A_59, %get3A_60] : memref<1024x64xf32, #tpu.memory_space<vmem>>, vector<1024x40xf32>
      %get3A_62 = arith.constant 0 : index
      %get3A_63 = arith.constant 40 : index
      %get3A_64 = vector.load %arg7[%get3A_62, %get3A_63] : memref<1024x64xf32, #tpu.memory_space<vmem>>, vector<1024x1xf32>
      %add3A_65 = arith.constant 9.99999971E-10 : f32
      %add3A_66 = vector.broadcast %add3A_65 : f32 to vector<1024x1xf32>
      %add3A_67 = arith.addf %get3A_64, %add3A_66 : vector<1024x1xf32>
      %div3A = vector.broadcast %add3A_67 : vector<1024x1xf32> to vector<1024x40xf32>
      %div3A_68 = arith.divf %get3A_61, %div3A : vector<1024x40xf32>
      %reduce_max3A = arith.constant dense<0xFF800000> : vector<1024xf32>
      %reduce_max3A_69 = vector.multi_reduction <maximumf>, %div3A_68, %reduce_max3A [1] : vector<1024x40xf32> to vector<1024xf32>
      %broadcast_in_dim3A_70 = vector.shape_cast %reduce_max3A_69 : vector<1024xf32> to vector<1024x1xf32>
      %sub3A_71 = vector.broadcast %broadcast_in_dim3A_70 : vector<1024x1xf32> to vector<1024x40xf32>
      %sub3A_72 = arith.subf %div3A_68, %sub3A_71 : vector<1024x40xf32>
      %exp3A_73 = math.exp %sub3A_72 : vector<1024x40xf32>
      %reduce_sum3A = arith.constant dense<0.000000e+00> : vector<1024xf32>
      %reduce_sum3A_74 = vector.multi_reduction <add>, %exp3A_73, %reduce_sum3A [1] : vector<1024x40xf32> to vector<1024xf32>
      %broadcast_in_dim3A_75 = vector.shape_cast %reduce_sum3A_74 : vector<1024xf32> to vector<1024x1xf32>
      %log3A = math.log %broadcast_in_dim3A_75 : vector<1024x1xf32>
      %add3A_76 = arith.addf %broadcast_in_dim3A_70, %log3A : vector<1024x1xf32>
      %sub3A_77 = vector.broadcast %add3A_76 : vector<1024x1xf32> to vector<1024x40xf32>
      %sub3A_78 = arith.subf %div3A_68, %sub3A_77 : vector<1024x40xf32>
      %swap3A_79 = arith.constant 0 : index
      %swap3A_80 = arith.constant 0 : index
      %swap3A_81 = vector.load %arg6[%swap3A_79, %swap3A_80] : memref<1024x40xf32, #tpu.memory_space<vmem>>, vector<1024x40xf32>
      tpu.vector_store %arg6[%swap3A_79, %swap3A_80], %sub3A_78 {strides = array<i32>} : memref<1024x40xf32, #tpu.memory_space<vmem>>, vector<1024x40xf32>,
    } else {
    }
    return
  }
  func.func @transform_0(%arg0: i32, %arg1: i32) -> (i32, i32) {
    %c0_i32 = arith.constant 0 : i32
    return %arg0, %arg1 : i32, i32
  }
  func.func @transform_1(%arg0: i32, %arg1: i32) -> (i32, i32) {
    %c0_i32 = arith.constant 0 : i32
    %c0_i32_0 = arith.constant 0 : i32
    return %arg1, %c0_i32 : i32, i32
  }
  func.func @transform_2(%arg0: i32, %arg1: i32) -> (i32, i32) {
    %c0_i32 = arith.constant 0 : i32
    %c0_i32_0 = arith.constant 0 : i32
    %c0_i32_1 = arith.constant 0 : i32
    return %c0_i32, %c0_i32_0 : i32, i32
  }
  func.func @transform_3(%arg0: i32, %arg1: i32) -> (i32, i32) {
    %c0_i32 = arith.constant 0 : i32
    %c0_i32_0 = arith.constant 0 : i32
    return %arg0, %c0_i32 : i32, i32
  }
  func.func @transform_4(%arg0: i32, %arg1: i32) -> (i32, i32) {
    %c0_i32 = arith.constant 0 : i32
    %c0_i32_0 = arith.constant 0 : i32
    return %arg0, %c0_i32 : i32, i32
  }
}

</mosaic_0001>

<sc_bundles>
// kernel: kernel.6.cloned.1.call-start
scs
__scs_entry_jumppad:
0x0: {  	(pc) =	sbr.rel $0x88, $3  }
0x1: {  	(tag) =	ssettag $0x0;
	lr =	simm.s32 $0x1  }
0x2: {  	[smem:$0x3F99] =	sst lr;
	_ =	strace $0xD0000000  }
0x3: {  	_ = 	snop  }
0x4: {  	_ = 	snop  }
0x5: {  	_ = 	snop  }
0x6: {  	_ = 	snop  }
0x7: {  	_ = 	snop  }
__scs_overlays_trampoline_lowered:
0x8: {  	[smem:$0x3FA8] =	sst s0  }
0x9: {  	[smem:$0x3FA9] =	sst s1  }
0xa: {  	[smem:$0x3FAA] =	sst s2  }
0xb: {  	[smem:$0x3FAB] =	sst s3  }
0xc: {  	[smem:$0x3FAC] =	sst s4  }
0xd: {  	[smem:$0x3FAD] =	sst s5  }
0xe: {  	[smem:$0x3FAE] =	sst s6  }
0xf: {  	[smem:$0x3FAF] =	sst s7  }
0x10: {  	[smem:$0x3FB0] =	sst s8  }
0x11: {  	[smem:$0x3FB1] =	sst s9;
	s0 =	simm.s32 @!p0 $0x0  }
0x12: {  	s1 =	sld [smem:$0x3F97];
	s0 =	simm.s32 @p0 $0x1  }
0x13: {  	[smem:$0x3FB2] =	sst s0;
	s0 =	simm.s32 @!p1 $0x0  }
0x14: {  	s2 =	sld [smem:$0x3F96];
	s0 =	simm.s32 @p1 $0x1  }
0x15: {  	[smem:$0x3FB3] =	sst s0;
	s0 =	simm.s32 @!p2 $0x0  }
0x16: {  	s3 =	sld [smem:$0x3FDB];
	s0 =	simm.s32 @p2 $0x1  }
0x17: {  	s4 =	simm.s32 $0x1BF5;
	[smem:$0x3FB5] =	sst s0  }
0x18: {  	s0 =	sld [smem:$0x3F98];
	_ =	swait.ge [sflag:s4], $0x0  }
0x19: {  	s7 =	sld [smem:$0x3F99]  }
0x1a: {  	s8 =	sadd.s32 $0xFFFFE003, lr  }
0x1b: {  	s9 =	sadd.s32 $0xFFFFFEF7, lr;
	s5 =	simm.s32 $0xFFFFFFFF;
	p2 =	slt.u32 s8, $0xFFFFF086  }
0x1c: {  	p1 =	slt.u32 s9, $0xF7A;
	s5 =	simm.s32 @!p2 $0x0  }
0x1d: {  	s5 =	simm.s32 @p1 $0x1;
	p0 =	seq.s32 s7, s2  }
0x1e: {  	s7 =	smul.u32 @!p0 $0xF7A, s2;
	p2 =	seq.s32 @!p0 s5, $0x0  }
0x1f: {  	s9 =	smul.u32 $0xF7A, s1;
	s8 =	simm.s32 @!p0 $0x1BF5;
	p2 =	por !p2, p0  }
0x20: {  	[sflag:s8] =	ssyncset.s32 @!p0 $0xFFFFF086;
	s6 =	sadd.s32 @!p0 s3, s7;
	s7 =	simm.s32 @!p0 $0x108  }
0x21: {  	s3 =	sadd.s32 s3, s9;
	s6 =	sadd.s32 @!p0 $0x88, s6;
	s7 =	simm.s32 @p2 $0x1082  }
0x22: {  	[simem:s7], [sflag:s8] =	dma.local @!p0 [hbm:s6], $0xF7A  }
0x23: {  	s9 =	sor.u32 $0xD0000000, s2;
	s6 =	simm.s32 $0x108;
	_ =	swait.ge @!p0 [sflag:s8], $0x0  }
0x24: {  	s3 =	sadd.s32 $0x88, s3;
	s6 =	simm.s32 @!p1 $0x1082;
	[sflag:s4] =	ssyncset.s32 $0xFFFFF086  }
0x25: {  	[simem:s6], [sflag:s4] =	dma.local [hbm:s3], $0xF7A  }
0x26: {  	[smem:$0x3F99] =	sst s1;
	(tag) =	ssettag s2;
	_ =	strace s9  }
0x27: {  	s1 =	sld [smem:$0x3FA9]  }
0x28: {  	s2 =	sld [smem:$0x3FAA]  }
0x29: {  	s4 =	sld [smem:$0x3FAC]  }
0x2a: {  	p0 =	seq.s32 s5, $0x0;
	s5 =	sld [smem:$0x3FAD]  }
0x2b: {  	s6 =	sld [smem:$0x3FAE]  }
0x2c: {  	s7 =	sld [smem:$0x3FAF]  }
0x2d: {  	s3 =	simm.s32 $0x108;
	s8 =	sld [smem:$0x3FB0]  }
0x2e: {  	s3 =	simm.s32 @!p0 $0x1082;
	s9 =	sld [smem:$0x3FB1]  }
0x2f: {  	lr =	sadd.s32 s0, s3;
	s0 =	sld [smem:$0x3FA8]  }
0x30: {  	s3 =	sld [smem:$0x3FAB]  }
0x31: {  	[smem:$0x3FB4] =	sst s10  }
0x32: {  	s10 =	sld [smem:$0x3FB2];
	_ =	sdelay $0x3  }
0x33: {  	p0 =	seq.s32 s10, $0x1;
	s10 =	sld [smem:$0x3FB4];
	_ =	sdelay $0x3  }
0x34: {  	[smem:$0x3FB4] =	sst s10  }
0x35: {  	s10 =	sld [smem:$0x3FB3];
	_ =	sdelay $0x3  }
0x36: {  	p1 =	seq.s32 s10, $0x1;
	s10 =	sld [smem:$0x3FB4];
	_ =	sdelay $0x3  }
0x37: {  	[smem:$0x3FB4] =	sst s10  }
0x38: {  	s10 =	sld [smem:$0x3FB5]  }
0x39: {  	_ = 	snop;
	(pc) =	sbr.ind lr, $3  }
0x3a: {  	_ = 	snop  }
0x3b: {  	_ = 	snop  }
0x3c: {  	p2 =	seq.s32 s10, $0x1;
	s10 =	sld [smem:$0x3FB4]  }
0x3d: {  	_ =	shalt  }
0x3e: {  	_ =	shalt  }
0x3f: {  	_ =	shalt  }
0x40: {  	_ =	shalt  }
0x41: {  	_ =	shalt  }
0x42: {  	_ =	shalt  }
0x43: {  	_ =	shalt  }
0x44: {  	_ =	shalt  }
0x45: {  	_ =	shalt  }
0x46: {  	_ =	shalt  }
0x47: {  	_ =	shalt  }
0x48: {  	_ =	shalt  }
0x49: {  	_ =	shalt  }
0x4a: {  	_ =	shalt  }
0x4b: {  	_ =	shalt  }
0x4c: {  	_ =	shalt  }
0x4d: {  	_ =	shalt  }
0x4e: {  	_ =	shalt  }
0x4f: {  	_ =	shalt  }
0x50: {  	_ =	shalt  }
0x51: {  	_ =	shalt  }
0x52: {  	_ =	shalt  }
0x53: {  	_ =	shalt  }
0x54: {  	_ =	shalt  }
0x55: {  	_ =	shalt  }
0x56: {  	_ =	shalt  }
0x57: {  	_ =	shalt  }
0x58: {  	_ =	shalt  }
0x59: {  	_ =	shalt  }
0x5a: {  	_ =	shalt  }
0x5b: {  	_ =	shalt  }
0x5c: {  	_ =	shalt  }
0x5d: {  	_ =	shalt  }
0x5e: {  	_ =	shalt  }
0x5f: {  	_ =	shalt  }
0x60: {  	_ =	shalt  }
0x61: {  	_ =	shalt  }
0x62: {  	_ =	shalt  }
0x63: {  	_ =	shalt  }
0x64: {  	_ =	shalt  }
0x65: {  	_ =	shalt  }
0x66: {  	_ =	shalt  }
0x67: {  	_ =	shalt  }
0x68: {  	_ =	shalt  }
0x69: {  	_ =	shalt  }
0x6a: {  	_ =	shalt  }
0x6b: {  	_ =	shalt  }
0x6c: {  	_ =	shalt  }
0x6d: {  	_ =	shalt  }
0x6e: {  	_ =	shalt  }
0x6f: {  	_ =	shalt  }
0x70: {  	_ =	shalt  }
0x71: {  	_ =	shalt  }
0x72: {  	_ =	shalt  }
0x73: {  	_ =	shalt  }
0x74: {  	_ =	shalt  }
0x75: {  	_ =	shalt  }
0x76: {  	_ =	shalt  }
0x77: {  	_ =	shalt  }
0x78: {  	_ =	shalt  }
0x79: {  	_ =	shalt  }
0x7a: {  	_ =	shalt  }
0x7b: {  	_ =	shalt  }
0x7c: {  	_ =	shalt  }
0x7d: {  	_ =	shalt  }
0x7e: {  	_ =	shalt  }
0x7f: {  	_ =	shalt  }
0x80: {  	_ =	shalt  }
0x81: {  	_ =	shalt  }
0x82: {  	_ =	shalt  }
0x83: {  	_ =	shalt  }
0x84: {  	_ =	shalt  }
0x85: {  	_ =	shalt  }
0x86: {  	_ =	shalt  }
0x87: {  	_ =	shalt  }
.Lfunc_end0:
.L_simem_size_0:
called_computation_lowered:
.L_overlay_start_0:
0x88: {  	s0 =	sld [smem:$0x3FD9]  }
0x89: {  	s1 =	sld [smem:$0x3FFE];
	_ =	sdelay $0x3  }
0x8a: {  	s0 =	sadd.s32 s1, s0  }
0x8b: {  	[smem:$0x3FC0] =	sst s0  }
0x8c: {  	_ = 	snop  }
0x8d: {  	s0 =	sld [smem:$0x3FD0];
	(tm) =	ssettm $0x1  }
0x8e: {  	s16 =	sld [smem:$0x3FFB];
	_ =	sdelay $0x3  }
0x8f: {  	_ =	strace s16  }
0x90: {  	s1 =	sld [smem:$0x3FFC];
	_ =	sdelay $0x3  }
0x91: {  	_ =	strace s1  }
0x92: {  	s1 =	sld [smem:$0x3FFD];
	_ =	sdelay $0x3  }
0x93: {  	_ =	strace s1  }
0x94: {  	_ =	strace $0x8FFFFFFF  }
0x95: {  	s17 =	sld [smem:$0x3FDB];
	_ =	sdelay $0x1  }
0x96: {  	s2 =	simm.s32 $_scs_section_size  }
0x97: {  	s3 =	simm.s32 $_size__tile_overlayer_lowered;
	s4 =	simm.s32 $_tile_overlayer_lowered  }
0x98: {  	s20 =	simm.s32 $0x1BFF;
	s19 =	sshll.u32 s4, $0x1;
	s1 =	sadd.s32 s2, s17  }
0x99: {  	s5 =	simm.s32 $0x0;
	s18 =	sshll.u32 s3, $0x1;
	s3 =	sadd.s32 s19, s1  }
0x9a: {  	[timem:s5], [sflag:s20] =	dma.local [hbm:s3], s18  }
0x9b: {  	_ =	swait.ge [sflag:s20], s18  }
0x9c: {  	s2 =	ssub.s32 $0x0, s18;
	[sflag:s20] =	ssyncset.done $0x0  }
0x9d: {  	[sflag:s20] =	ssyncadd.s32 s2;
	_ =	sdelay $0x1  }
0x9e: {  	s21 =	simm.s32 $0x1B8B  }
0x9f: {  	_ =	swait.ge [sflag:s21], $0x1  }
0xa0: {  	[sflag:s21] =	ssyncset.done $0x0  }
0xa1: {  	s23 =	simm.s32 $0x1B8E;
	s22 =	sld [smem:$0x3FFE];
	[sflag:s21] =	ssyncadd.s32 $0xFFFFFFFF  }
0xa2: {  	s24 =	simm.s32 $execute0_lowered;
	[smem:$0x3FD2] =	sst s23  }
0xa3: {  	s3 =	sshll.u32 s24, $0x1;
	_ =	strace $0x80000046;
	[dreg:$0x1] =	wrdreg $0xFFFFFFFF  }
0xa4: {  	s25 =	simm.s32 $_size_execute0_lowered;
	s1 =	sadd.s32 s1, s3;
	[dreg:$0x0] =	wrdreg $0x0  }
0xa5: {  	s3 =	sshll.u32 s25, $0x1;
	[dreg:$0x2] =	wrdreg s1  }
0xa6: {  	[dreg:$0x3] =	wrdreg s3  }
0xa7: {  	[dreg:$0x4] =	wrdreg $0xC0  }
0xa8: {  	_ =	task [dreg:s5], $0x5FFFF  }
0xa9: {  	[dreg:$0x1] =	wrdreg $0xFFFFFFFF  }
0xaa: {  	[dreg:$0x0] =	wrdreg $0x60  }
0xab: {  	[dreg:$0x2] =	wrdreg s22  }
0xac: {  	[dreg:$0x3] =	wrdreg s0  }
0xad: {  	[dreg:$0x4] =	wrdreg $0x9  }
0xae: {  	_ =	task.clear_ibuf [dreg:s5], $0x5FFFF;
	_ =	strace $0x90000046  }
0xaf: {  	s26 =	simm.s32 $0x9;
	_ =	strace $0x80000048  }
0xb0: {  	_ =	swait.ge [sflag:s26], $0x1  }
0xb1: {  	[sflag:s26] =	ssyncadd.s32 $0xFFFFFFFF  }
0xb2: {  	_ =	strace $0x90000048  }
0xb3: {  	_ =	sfence  }
0xb4: {  	s28 =	sld [smem:$0x0];
	_ =	sdelay $0x1  }
0xb5: {  	s29 =	srdreg.scid  }
0xb6: {  	s30 =	sshll.u32 s29, $0xD;
	s31 =	sshrl.u32 s29, $0x2  }
0xb7: {  	s2 =	sand.u32 $0x4000, s30;
	s1 =	sand.u32 $0x1, s29;
	s0 =	sadd.s32 s31, s28  }
0xb8: {  	s1 =	sor.u32 s2, s1;
	s0 =	sshll.u32 s0, $0x11  }
0xb9: {  	s0 =	sor.u32 s0, s1  }
0xba: {  	s0 =	sadd.s32 $0x8F2B, s0  }
0xbb: {  	[sflag:s0] =	ssyncadd.remote.s32 $0x1  }
0xbc: {  	_ =	sfence.sel $0xFFFF  }
0xbd: {  	[dreg:$0x0] =	wrdreg $0xFFFFFFFF;
	(pc) =	sbr.abs _section_cstart, $3  }
0xbe: {  	[dreg:$0x1] =	wrdreg $0xFFFFFFFF  }
0xbf: {  	_ =	task.clear_ibuf [dreg:s5], $0x2FFFF;
	_ =	strace $0x9FFFFFFF  }
0xc0: {  	(tm) =	ssettm $0x7FFFFFFF  }
0xc1: {  	_ =	shalt  }
tec
execute0_lowered:
.L_overlay_start_1:
0x0: {  	(tag) =	ssettag $0x1  }
0x1: {  	s0 =	rddreg [dreg:$0x0]  }
0x2: {  	s1 =	rddreg [dreg:$0x1];
	s3 =	simm.s32 $0x0;
	s4 =	stileid.u32  }
0x3: {  	s5 =	simm.s32 $0xF000;
	s11 =	simm.s32 $0xA000;
	s31 =	simm.s32 $0x2800  }
0x4: {  	s28 =	simm.s32 $0x2820;
	[smem:$0x7FF] =	sst s3;
	s6 =	smul.u32 $0x500, s4  }
0x5: {  	s2 =	sadd.s32 $0x6800, s0;
	s4 =	smul.u32 $0x640000, s4;
	_ =	strace $0x80000047  }
0x6: {  	[tilespmem:s5], [sflag:$0x3] =	stream.linear.gather [hbm4b:s2+s3], $0x8000, $0x38;
	[tilespmem:$0x17000] =	vst v63  }
0x7: {  	s29 =	simm.s32 $0x2;
	s30 =	simm.s32 $0x0;
	s26 =	sor.u32 $0x8000, s4  }
0x8: {  	s24 =	sadd.s32 s1, s6;
	s1 =	simm.s32 $0x3;
	[dreg:$0x3] =	wrdreg s26  }
0x9: {  	s10 =	sadd.s32 $0x7800, s0;
	s7 =	sadd.s32 s6, s0;
	_ =	swait.ge [sflag:s1], $0x8000  }
0xa: {  	s2 =	sadd.s32 $0x8200, s0;
	s8 =	sor.u32 $0x18000, s4;
	[sflag:s1] =	ssyncset.done $0x0  }
0xb: {  	s9 =	sor.u32 $0x20000, s4;
	s12 =	sor.u32 $0x38000, s4;
	[sflag:s1] =	ssyncadd.s32 $0xFFFF8000  }
0xc: {  	[tilespmem:s11], [sflag:$0x3] =	stream.linear.gather [hbm4b:s10+s3], $0x5000, $0x38;
	[tilespmem:$0x17000] =	vst v63  }
0xd: {  	s13 =	sadd.s32 $0x40000, s4;
	s14 =	sadd.s32 $0x48000, s4;
	_ =	swait.ge [sflag:s1], $0x5000  }
0xe: {  	s15 =	sadd.s32 $0x50000, s4;
	s16 =	sadd.s32 $0x58000, s4;
	[sflag:s1] =	ssyncset.done $0x0  }
0xf: {  	s17 =	sadd.s32 $0x60000, s4;
	s18 =	sadd.s32 $0x68000, s4;
	[sflag:s1] =	ssyncadd.s32 $0xFFFFB000  }
0x10: {  	[tilespmem:s3], [sflag:$0x3] =	stream.linear.gather [hbm4b:s24+s3], $0x2800, $0x38;
	[tilespmem:$0x17000] =	vst v63  }
0x11: {  	s19 =	sadd.s32 $0x70000, s4;
	s20 =	sadd.s32 $0x78000, s4;
	_ =	swait.ge [sflag:s1], $0x2800  }
0x12: {  	s21 =	sadd.s32 $0x80000, s4;
	s22 =	sadd.s32 $0x88000, s4;
	[sflag:s1] =	ssyncset.done $0x0  }
0x13: {  	s23 =	sadd.s32 $0x90000, s4;
	s25 =	sadd.s32 $0x1800, s7;
	[sflag:s1] =	ssyncadd.s32 $0xFFFFD800  }
0x14: {  	[tilespmem:s31], [sflag:$0x3] =	stream.linear.gather [hbm4b:s25+s3], $0x2800, $0x38;
	[tilespmem:$0x17000] =	vst v63  }
0x15: {  	s7 =	sor.u32 $0x10000, s4;
	s26 =	simm.s32 $0x20;
	_ =	swait.ge [sflag:s1], $0x2800  }
0x16: {  	s10 =	sor.u32 $0x28000, s4;
	s11 =	sor.u32 $0x30000, s4;
	[sflag:s1] =	ssyncset.done $0x0  }
0x17: {  	s24 =	sadd.s32 $0x98000, s4;
	[sflag:s1] =	ssyncadd.s32 $0xFFFFD800;
	s1 =	simm.s32 $0x5040  }
.LBB2_1:
0x18: {  	s0 =	smul.u32 $0xA0000, s30;
	_ =	sdelay $0x1  }
0x19: {  	s6 =	sadd.s32 s4, s0  }
0x1a: {  	s6 =	sshrl.u32 s6, $0x3  }
0x1b: {  	s25 =	rddreg [dreg:$0x3];
	s6 =	sadd.s32 s2, s6  }
0x1c: {  	[hbm4b:s6+s3] =	stream.linear.scatter [tilespmem:s5], [sflag:$0x2], $0x8000, $0x38;
	[tilespmem:$0x17000] =	vst v63  }
0x1d: {  	s6 =	sadd.s32 s0, s25  }
0x1e: {  	s6 =	sshrl.u32 s6, $0x3  }
0x1f: {  	s25 =	sadd.s32 s0, s7;
	s6 =	sadd.s32 s2, s6  }
0x20: {  	[hbm4b:s6+s3] =	stream.linear.scatter [tilespmem:s5], [sflag:$0x2], $0x8000, $0x38;
	[tilespmem:$0x17000] =	vst v63  }
0x21: {  	s6 =	sshrl.u32 s25, $0x3  }
0x22: {  	s25 =	sadd.s32 s0, s8;
	s6 =	sadd.s32 s2, s6  }
0x23: {  	[hbm4b:s6+s3] =	stream.linear.scatter [tilespmem:s5], [sflag:$0x2], $0x8000, $0x38;
	[tilespmem:$0x17000] =	vst v63  }
0x24: {  	s6 =	sshrl.u32 s25, $0x3  }
0x25: {  	s25 =	sadd.s32 s0, s9;
	s6 =	sadd.s32 s2, s6  }
0x26: {  	[hbm4b:s6+s3] =	stream.linear.scatter [tilespmem:s5], [sflag:$0x2], $0x8000, $0x38;
	[tilespmem:$0x17000] =	vst v63  }
0x27: {  	s6 =	sshrl.u32 s25, $0x3  }
0x28: {  	s25 =	sadd.s32 s0, s10;
	s6 =	sadd.s32 s2, s6  }
0x29: {  	[hbm4b:s6+s3] =	stream.linear.scatter [tilespmem:s5], [sflag:$0x2], $0x8000, $0x38;
	[tilespmem:$0x17000] =	vst v63  }
0x2a: {  	s6 =	sshrl.u32 s25, $0x3  }
0x2b: {  	s25 =	sadd.s32 s0, s11;
	s6 =	sadd.s32 s2, s6  }
0x2c: {  	[hbm4b:s6+s3] =	stream.linear.scatter [tilespmem:s5], [sflag:$0x2], $0x8000, $0x38;
	[tilespmem:$0x17000] =	vst v63  }
0x2d: {  	s6 =	sshrl.u32 s25, $0x3  }
0x2e: {  	s25 =	sadd.s32 s0, s12;
	s6 =	sadd.s32 s2, s6  }
0x2f: {  	[hbm4b:s6+s3] =	stream.linear.scatter [tilespmem:s5], [sflag:$0x2], $0x8000, $0x38;
	[tilespmem:$0x17000] =	vst v63  }
0x30: {  	s6 =	sshrl.u32 s25, $0x3  }
0x31: {  	s25 =	sadd.s32 s0, s13;
	s6 =	sadd.s32 s2, s6  }
0x32: {  	[hbm4b:s6+s3] =	stream.linear.scatter [tilespmem:s5], [sflag:$0x2], $0x8000, $0x38;
	[tilespmem:$0x17000] =	vst v63  }
0x33: {  	s6 =	sshrl.u32 s25, $0x3  }
0x34: {  	s25 =	sadd.s32 s0, s14;
	s6 =	sadd.s32 s2, s6  }
0x35: {  	[hbm4b:s6+s3] =	stream.linear.scatter [tilespmem:s5], [sflag:$0x2], $0x8000, $0x38;
	[tilespmem:$0x17000] =	vst v63  }
0x36: {  	s6 =	sshrl.u32 s25, $0x3  }
0x37: {  	s25 =	sadd.s32 s0, s15;
	s6 =	sadd.s32 s2, s6  }
0x38: {  	[hbm4b:s6+s3] =	stream.linear.scatter [tilespmem:s5], [sflag:$0x2], $0x8000, $0x38;
	[tilespmem:$0x17000] =	vst v63  }
0x39: {  	s6 =	sshrl.u32 s25, $0x3  }
0x3a: {  	s25 =	sadd.s32 s0, s16;
	s6 =	sadd.s32 s2, s6  }
0x3b: {  	[hbm4b:s6+s3] =	stream.linear.scatter [tilespmem:s5], [sflag:$0x2], $0x8000, $0x38;
	[tilespmem:$0x17000] =	vst v63  }
0x3c: {  	s6 =	sshrl.u32 s25, $0x3  }
0x3d: {  	s25 =	sadd.s32 s0, s17;
	s6 =	sadd.s32 s2, s6  }
0x3e: {  	[hbm4b:s6+s3] =	stream.linear.scatter [tilespmem:s5], [sflag:$0x2], $0x8000, $0x38;
	[tilespmem:$0x17000] =	vst v63  }
0x3f: {  	s6 =	sshrl.u32 s25, $0x3  }
0x40: {  	s25 =	sadd.s32 s0, s18;
	s6 =	sadd.s32 s2, s6  }
0x41: {  	[hbm4b:s6+s3] =	stream.linear.scatter [tilespmem:s5], [sflag:$0x2], $0x8000, $0x38;
	[tilespmem:$0x17000] =	vst v63  }
0x42: {  	s6 =	sshrl.u32 s25, $0x3  }
0x43: {  	s25 =	sadd.s32 s0, s19;
	s6 =	sadd.s32 s2, s6  }
0x44: {  	[hbm4b:s6+s3] =	stream.linear.scatter [tilespmem:s5], [sflag:$0x2], $0x8000, $0x38;
	[tilespmem:$0x17000] =	vst v63  }
0x45: {  	s6 =	sshrl.u32 s25, $0x3  }
0x46: {  	s25 =	sadd.s32 s0, s20;
	s6 =	sadd.s32 s2, s6  }
0x47: {  	[hbm4b:s6+s3] =	stream.linear.scatter [tilespmem:s5], [sflag:$0x2], $0x8000, $0x38;
	[tilespmem:$0x17000] =	vst v63  }
0x48: {  	s6 =	sshrl.u32 s25, $0x3  }
0x49: {  	s25 =	sadd.s32 s0, s21;
	s6 =	sadd.s32 s2, s6  }
0x4a: {  	[hbm4b:s6+s3] =	stream.linear.scatter [tilespmem:s5], [sflag:$0x2], $0x8000, $0x38;
	[tilespmem:$0x17000] =	vst v63  }
0x4b: {  	s6 =	sshrl.u32 s25, $0x3  }
0x4c: {  	s25 =	sadd.s32 s0, s22;
	s6 =	sadd.s32 s2, s6  }
0x4d: {  	[hbm4b:s6+s3] =	stream.linear.scatter [tilespmem:s5], [sflag:$0x2], $0x8000, $0x38;
	[tilespmem:$0x17000] =	vst v63  }
0x4e: {  	s6 =	sshrl.u32 s25, $0x3  }
0x4f: {  	s25 =	sadd.s32 s0, s23;
	s6 =	sadd.s32 s2, s6  }
0x50: {  	[hbm4b:s6+s3] =	stream.linear.scatter [tilespmem:s5], [sflag:$0x2], $0x8000, $0x38;
	[tilespmem:$0x17000] =	vst v63  }
0x51: {  	v0 =	vmov s26;
	s0 =	sadd.s32 s0, s24;
	s6 =	sshrl.u32 s25, $0x3  }
0x52: {  	v1 =	vmov s28;
	s0 =	sshrl.u32 s0, $0x3;
	s6 =	sadd.s32 s2, s6  }
0x53: {  	[hbm4b:s6+s3] =	stream.linear.scatter [tilespmem:s5], [sflag:$0x2], $0x8000, $0x38;
	[tilespmem:$0x17000] =	vst v63  }
0x54: {  	s0 =	sadd.s32 s2, s0;
	s25 =	simm.s32 $0x0  }
0x55: {  	[hbm4b:s0+s3] =	stream.linear.scatter [tilespmem:s5], [sflag:$0x2], $0x8000, $0x38;
	[tilespmem:$0x17000] =	vst v63  }
0x56: {  	v2 =	vld.idx.msk [tilespmem:v0+s25+$0xFFFFFFE0 ss:$0x1], $0xffff  }
0x57: {  	v3 =	vld.idx.msk [tilespmem:v1+s25+$0xFFFFFFE0 ss:$0x1], $0xffff;
	_ =	sdelay $0x3  }
0x58: {  	v4 =	vmul.u32 $0x2800, v2  }
0x59: {  	v5 =	vmul.u32 $0x2800, v3  }
0x5a: {  	v3 =	vadd.s32 v3, v4  }
0x5b: {  	v2 =	vadd.s32 v2, v5;
	[tilespmem:s1+$0x0] =	vst v3  }
0x5c: {  	[tilespmem:s1+$0xFFFFFFC0] =	vst v2  }
0x5d: {  	v2 =	vld.idx.msk [tilespmem:v0+s25+$0xFFFFFFF0 ss:$0x1], $0xffff  }
0x5e: {  	v3 =	vld.idx.msk [tilespmem:v1+s25+$0xFFFFFFF0 ss:$0x1], $0xffff;
	_ =	sdelay $0x3  }
0x5f: {  	v4 =	vmul.u32 $0x2800, v2  }
0x60: {  	v5 =	vmul.u32 $0x2800, v3  }
0x61: {  	v3 =	vadd.s32 v3, v4  }
0x62: {  	v2 =	vadd.s32 v2, v5;
	[tilespmem:s1+$0x10] =	vst v3  }
0x63: {  	[tilespmem:s1+$0xFFFFFFD0] =	vst v2  }
0x64: {  	v2 =	vld.idx.msk [tilespmem:v0+s25+$0x0 ss:$0x1], $0xffff  }
0x65: {  	v3 =	vld.idx.msk [tilespmem:v1+s25+$0x0 ss:$0x1], $0xffff;
	_ =	sdelay $0x3  }
0x66: {  	v4 =	vmul.u32 $0x2800, v2  }
0x67: {  	v5 =	vmul.u32 $0x2800, v3  }
0x68: {  	v3 =	vadd.s32 v3, v4  }
0x69: {  	v2 =	vadd.s32 v2, v5;
	[tilespmem:s1+$0x20] =	vst v3  }
0x6a: {  	[tilespmem:s1+$0xFFFFFFE0] =	vst v2  }
0x6b: {  	v2 =	vld.idx.msk [tilespmem:v0+s25+$0x10 ss:$0x1], $0xffff  }
0x6c: {  	s31 =	smov.u32 s1;
	s0 =	simm.s32 $0x100;
	v3 =	vld.idx.msk [tilespmem:v1+s25+$0x10 ss:$0x1], $0xffff;
	s25 =	smov.u32 s1  }
.LBB2_2:
0x6d: {  	_ =	sdelay $0x1  }
0x6e: {  	p0 =	sne.s32 s0, $0xF00  }
0x6f: {  	s25 =	sadd.s32 $0x80, s25;
	s6 =	smov.u32 s0;
	s0 =	sadd.s32 $0x100, s0;
	v4 =	vmul.u32 $0x2800, v2  }
0x70: {  	v5 =	vmul.u32 $0x2800, v3  }
0x71: {  	v3 =	vadd.s32 v3, v4  }
0x72: {  	v2 =	vadd.s32 v2, v5;
	[tilespmem:s31+$0x30] =	vst v3  }
0x73: {  	s6 =	sshra.s32 s6, $0x2;
	[tilespmem:s31+$0xFFFFFFF0] =	vst v2;
	s31 =	smov.u32 s25  }
0x74: {  	v2 =	vld.idx.msk [tilespmem:v0+s6+$0xFFFFFFE0 ss:$0x1], $0xffff  }
0x75: {  	v3 =	vld.idx.msk [tilespmem:v1+s6+$0xFFFFFFE0 ss:$0x1], $0xffff;
	_ =	sdelay $0x4  }
0x76: {  	v4 =	vmul.u32 $0x2800, v2  }
0x77: {  	v5 =	vmul.u32 $0x2800, v3  }
0x78: {  	v3 =	vadd.s32 v3, v4  }
0x79: {  	v2 =	vadd.s32 v2, v5;
	[tilespmem:s25+$0x0] =	vst v3  }
0x7a: {  	[tilespmem:s25+$0xFFFFFFC0] =	vst v2  }
0x7b: {  	v2 =	vld.idx.msk [tilespmem:v0+s6+$0xFFFFFFF0 ss:$0x1], $0xffff  }
0x7c: {  	v3 =	vld.idx.msk [tilespmem:v1+s6+$0xFFFFFFF0 ss:$0x1], $0xffff;
	_ =	sdelay $0x4  }
0x7d: {  	v4 =	vmul.u32 $0x2800, v2  }
0x7e: {  	v5 =	vmul.u32 $0x2800, v3  }
0x7f: {  	v3 =	vadd.s32 v3, v4  }
0x80: {  	v2 =	vadd.s32 v2, v5;
	[tilespmem:s25+$0x10] =	vst v3  }
0x81: {  	[tilespmem:s25+$0xFFFFFFD0] =	vst v2  }
0x82: {  	v2 =	vld.idx.msk [tilespmem:v0+s6+$0x0 ss:$0x1], $0xffff  }
0x83: {  	v3 =	vld.idx.msk [tilespmem:v1+s6+$0x0 ss:$0x1], $0xffff;
	_ =	sdelay $0x4  }
0x84: {  	v4 =	vmul.u32 $0x2800, v2  }
0x85: {  	v5 =	vmul.u32 $0x2800, v3  }
.Ltmp0:
0x86: {  	v3 =	vadd.s32 v3, v4;
	(pc) =	sbr.rel @p0 .LBB2_2-.Ltmp0, $4  }
0x87: {  	v2 =	vadd.s32 v2, v5;
	[tilespmem:s25+$0x20] =	vst v3  }
0x88: {  	[tilespmem:s25+$0xFFFFFFE0] =	vst v2  }
0x89: {  	v2 =	vld.idx.msk [tilespmem:v0+s6+$0x10 ss:$0x1], $0xffff  }
0x8a: {  	v3 =	vld.idx.msk [tilespmem:v1+s6+$0x10 ss:$0x1], $0xffff  }
0x8b: {  	_ =	sdelay $0x2  }
0x8c: {  	v0 =	vmul.u32 $0x2800, v2  }
0x8d: {  	v1 =	vmul.u32 $0x2800, v3  }
0x8e: {  	v0 =	vadd.s32 v3, v0  }
0x8f: {  	v1 =	vadd.s32 v2, v1;
	[tilespmem:s31+$0x30] =	vst v0  }
0x90: {  	[tilespmem:s31+$0xFFFFFFF0] =	vst v1  }
0x91: {  	_ =	swait.ge [sflag:s29], $0x8000  }
0x92: {  	[sflag:s29] =	ssyncset.done $0x0  }
0x93: {  	[sflag:s29] =	ssyncadd.s32 $0xFFFF8000  }
0x94: {  	_ =	swait.ge [sflag:s29], $0x8000  }
0x95: {  	[sflag:s29] =	ssyncset.done $0x0  }
0x96: {  	[sflag:s29] =	ssyncadd.s32 $0xFFFF8000  }
0x97: {  	_ =	swait.ge [sflag:s29], $0x8000  }
0x98: {  	[sflag:s29] =	ssyncset.done $0x0  }
0x99: {  	[sflag:s29] =	ssyncadd.s32 $0xFFFF8000  }
0x9a: {  	_ =	swait.ge [sflag:s29], $0x8000  }
0x9b: {  	[sflag:s29] =	ssyncset.done $0x0  }
0x9c: {  	[sflag:s29] =	ssyncadd.s32 $0xFFFF8000  }
0x9d: {  	_ =	swait.ge [sflag:s29], $0x8000  }
0x9e: {  	[sflag:s29] =	ssyncset.done $0x0  }
0x9f: {  	[sflag:s29] =	ssyncadd.s32 $0xFFFF8000  }
0xa0: {  	_ =	swait.ge [sflag:s29], $0x8000  }
0xa1: {  	[sflag:s29] =	ssyncset.done $0x0  }
0xa2: {  	[sflag:s29] =	ssyncadd.s32 $0xFFFF8000  }
0xa3: {  	_ =	swait.ge [sflag:s29], $0x8000  }
0xa4: {  	[sflag:s29] =	ssyncset.done $0x0  }
0xa5: {  	[sflag:s29] =	ssyncadd.s32 $0xFFFF8000  }
0xa6: {  	_ =	swait.ge [sflag:s29], $0x8000  }
0xa7: {  	[sflag:s29] =	ssyncset.done $0x0  }
0xa8: {  	[sflag:s29] =	ssyncadd.s32 $0xFFFF8000  }
0xa9: {  	_ =	swait.ge [sflag:s29], $0x8000  }
0xaa: {  	[sflag:s29] =	ssyncset.done $0x0  }
0xab: {  	[sflag:s29] =	ssyncadd.s32 $0xFFFF8000  }
0xac: {  	_ =	swait.ge [sflag:s29], $0x8000  }
0xad: {  	[sflag:s29] =	ssyncset.done $0x0  }
0xae: {  	[sflag:s29] =	ssyncadd.s32 $0xFFFF8000  }
0xaf: {  	_ =	swait.ge [sflag:s29], $0x8000  }
0xb0: {  	[sflag:s29] =	ssyncset.done $0x0  }
0xb1: {  	[sflag:s29] =	ssyncadd.s32 $0xFFFF8000  }
0xb2: {  	_ =	swait.ge [sflag:s29], $0x8000  }
0xb3: {  	[sflag:s29] =	ssyncset.done $0x0  }
0xb4: {  	[sflag:s29] =	ssyncadd.s32 $0xFFFF8000  }
0xb5: {  	_ =	swait.ge [sflag:s29], $0x8000  }
0xb6: {  	[sflag:s29] =	ssyncset.done $0x0  }
0xb7: {  	[sflag:s29] =	ssyncadd.s32 $0xFFFF8000  }
0xb8: {  	_ =	swait.ge [sflag:s29], $0x8000  }
0xb9: {  	[sflag:s29] =	ssyncset.done $0x0  }
0xba: {  	[sflag:s29] =	ssyncadd.s32 $0xFFFF8000  }
0xbb: {  	_ =	swait.ge [sflag:s29], $0x8000  }
0xbc: {  	[sflag:s29] =	ssyncset.done $0x0  }
0xbd: {  	[sflag:s29] =	ssyncadd.s32 $0xFFFF8000  }
0xbe: {  	_ =	swait.ge [sflag:s29], $0x8000  }
0xbf: {  	[sflag:s29] =	ssyncset.done $0x0  }
0xc0: {  	[sflag:s29] =	ssyncadd.s32 $0xFFFF8000  }
0xc1: {  	_ =	swait.ge [sflag:s29], $0x8000  }
0xc2: {  	[sflag:s29] =	ssyncset.done $0x0  }
0xc3: {  	[sflag:s29] =	ssyncadd.s32 $0xFFFF8000  }
0xc4: {  	_ =	swait.ge [sflag:s29], $0x8000  }
0xc5: {  	[sflag:s29] =	ssyncset.done $0x0  }
0xc6: {  	s30 =	sadd.s32 $0x1, s30;
	[sflag:s29] =	ssyncadd.s32 $0xFFFF8000  }
0xc7: {  	p0 =	sne.s32 s30, $0xA;
	_ =	swait.ge [sflag:s29], $0x8000  }
.Ltmp1:
0xc8: {  	[sflag:s29] =	ssyncset.done $0x0;
	(pc) =	sbr.rel @p0 .LBB2_1-.Ltmp1, $4  }
0xc9: {  	[sflag:s29] =	ssyncadd.s32 $0xFFFF8000  }
0xca: {  	_ =	swait.ge [sflag:s29], $0x8000  }
0xcb: {  	s1 =	sadd.s32 $0x800, s1;
	[sflag:s29] =	ssyncset.done $0x0  }
0xcc: {  	s26 =	sadd.s32 $0x400, s26;
	s28 =	sadd.s32 $0x400, s28;
	[sflag:s29] =	ssyncadd.s32 $0xFFFF8000  }
0xcd: {  	[bflag:$0x0] =	sbarrier.arrive $0xFFFF  }
0xce: {  	s4 =	simm.s32 $0x80;
	s0 =	simm.s32 $0xA000;
	s1 =	simm.s32 $0x5000  }
0xcf: {  	[hbm4b:s2+s4] =	stream.indirect.scatter [tilespmem:s0], [sflag:$0x1], $0x1, s1, s4, $0xb8;
	[tilespmem:$0x17000] =	vst v63  }
0xd0: {  	s25 =	simm.s32 $0xA080;
	s26 =	simm.s32 $0x5080  }
0xd1: {  	[hbm4b:s2+s4] =	stream.indirect.scatter [tilespmem:s25], [sflag:$0x1], $0x1, s26, s4, $0xb8;
	[tilespmem:$0x17000] =	vst v63  }
0xd2: {  	s28 =	simm.s32 $0xA100;
	s29 =	simm.s32 $0x5100  }
0xd3: {  	[hbm4b:s2+s4] =	stream.indirect.scatter [tilespmem:s28], [sflag:$0x1], $0x1, s29, s4, $0xb8;
	[tilespmem:$0x17000] =	vst v63  }
0xd4: {  	s30 =	simm.s32 $0xA180;
	s31 =	simm.s32 $0x5180  }
0xd5: {  	[hbm4b:s2+s4] =	stream.indirect.scatter [tilespmem:s30], [sflag:$0x1], $0x1, s31, s4, $0xb8;
	[tilespmem:$0x17000] =	vst v63  }
0xd6: {  	s3 =	simm.s32 $0x5200;
	s1 =	simm.s32 $0xA200  }
0xd7: {  	[hbm4b:s2+s4] =	stream.indirect.scatter [tilespmem:s1], [sflag:$0x1], $0x1, s3, s4, $0xb8;
	[tilespmem:$0x17000] =	vst v63  }
0xd8: {  	s5 =	simm.s32 $0xA280;
	s6 =	simm.s32 $0x5280  }
0xd9: {  	[hbm4b:s2+s4] =	stream.indirect.scatter [tilespmem:s5], [sflag:$0x1], $0x1, s6, s4, $0xb8;
	[tilespmem:$0x17000] =	vst v63  }
0xda: {  	s7 =	simm.s32 $0xA300;
	s8 =	simm.s32 $0x5300  }
0xdb: {  	[hbm4b:s2+s4] =	stream.indirect.scatter [tilespmem:s7], [sflag:$0x1], $0x1, s8, s4, $0xb8;
	[tilespmem:$0x17000] =	vst v63  }
0xdc: {  	s9 =	simm.s32 $0xA380;
	s10 =	simm.s32 $0x5380  }
0xdd: {  	[hbm4b:s2+s4] =	stream.indirect.scatter [tilespmem:s9], [sflag:$0x1], $0x1, s10, s4, $0xb8;
	[tilespmem:$0x17000] =	vst v63  }
0xde: {  	s11 =	simm.s32 $0xA400;
	s12 =	simm.s32 $0x5400  }
0xdf: {  	[hbm4b:s2+s4] =	stream.indirect.scatter [tilespmem:s11], [sflag:$0x1], $0x1, s12, s4, $0xb8;
	[tilespmem:$0x17000] =	vst v63  }
0xe0: {  	s13 =	simm.s32 $0xA480;
	s14 =	simm.s32 $0x5480  }
0xe1: {  	[hbm4b:s2+s4] =	stream.indirect.scatter [tilespmem:s13], [sflag:$0x1], $0x1, s14, s4, $0xb8;
	[tilespmem:$0x17000] =	vst v63  }
0xe2: {  	s15 =	simm.s32 $0xA500;
	s16 =	simm.s32 $0x5500  }
0xe3: {  	[hbm4b:s2+s4] =	stream.indirect.scatter [tilespmem:s15], [sflag:$0x1], $0x1, s16, s4, $0xb8;
	[tilespmem:$0x17000] =	vst v63  }
0xe4: {  	s17 =	simm.s32 $0xA580;
	s18 =	simm.s32 $0x5580  }
0xe5: {  	[hbm4b:s2+s4] =	stream.indirect.scatter [tilespmem:s17], [sflag:$0x1], $0x1, s18, s4, $0xb8;
	[tilespmem:$0x17000] =	vst v63  }
0xe6: {  	s19 =	simm.s32 $0xA600;
	s20 =	simm.s32 $0x5600  }
0xe7: {  	[hbm4b:s2+s4] =	stream.indirect.scatter [tilespmem:s19], [sflag:$0x1], $0x1, s20, s4, $0xb8;
	[tilespmem:$0x17000] =	vst v63  }
0xe8: {  	s21 =	simm.s32 $0xA680;
	s22 =	simm.s32 $0x5680  }
0xe9: {  	[hbm4b:s2+s4] =	stream.indirect.scatter [tilespmem:s21], [sflag:$0x1], $0x1, s22, s4, $0xb8;
	[tilespmem:$0x17000] =	vst v63  }
0xea: {  	s23 =	simm.s32 $0xA700;
	s24 =	simm.s32 $0x5700  }
0xeb: {  	[hbm4b:s2+s4] =	stream.indirect.scatter [tilespmem:s23], [sflag:$0x1], $0x1, s24, s4, $0xb8;
	[tilespmem:$0x17000] =	vst v63  }
0xec: {  	s25 =	simm.s32 $0xA780;
	s26 =	simm.s32 $0x5780  }
0xed: {  	[hbm4b:s2+s4] =	stream.indirect.scatter [tilespmem:s25], [sflag:$0x1], $0x1, s26, s4, $0xb8;
	[tilespmem:$0x17000] =	vst v63  }
0xee: {  	s28 =	simm.s32 $0xA800;
	s29 =	simm.s32 $0x5800  }
0xef: {  	[hbm4b:s2+s4] =	stream.indirect.scatter [tilespmem:s28], [sflag:$0x1], $0x1, s29, s4, $0xb8;
	[tilespmem:$0x17000] =	vst v63  }
0xf0: {  	s30 =	simm.s32 $0xA880;
	s31 =	simm.s32 $0x5880  }
0xf1: {  	[hbm4b:s2+s4] =	stream.indirect.scatter [tilespmem:s30], [sflag:$0x1], $0x1, s31, s4, $0xb8;
	[tilespmem:$0x17000] =	vst v63  }
0xf2: {  	s1 =	simm.s32 $0xA900;
	s3 =	simm.s32 $0x5900  }
0xf3: {  	[hbm4b:s2+s4] =	stream.indirect.scatter [tilespmem:s1], [sflag:$0x1], $0x1, s3, s4, $0xb8;
	[tilespmem:$0x17000] =	vst v63  }
0xf4: {  	s5 =	simm.s32 $0xA980;
	s6 =	simm.s32 $0x5980  }
0xf5: {  	[hbm4b:s2+s4] =	stream.indirect.scatter [tilespmem:s5], [sflag:$0x1], $0x1, s6, s4, $0xb8;
	[tilespmem:$0x17000] =	vst v63  }
0xf6: {  	s7 =	simm.s32 $0xAA00;
	s8 =	simm.s32 $0x5A00  }
0xf7: {  	[hbm4b:s2+s4] =	stream.indirect.scatter [tilespmem:s7], [sflag:$0x1], $0x1, s8, s4, $0xb8;
	[tilespmem:$0x17000] =	vst v63  }
0xf8: {  	s9 =	simm.s32 $0xAA80;
	s10 =	simm.s32 $0x5A80  }
0xf9: {  	[hbm4b:s2+s4] =	stream.indirect.scatter [tilespmem:s9], [sflag:$0x1], $0x1, s10, s4, $0xb8;
	[tilespmem:$0x17000] =	vst v63  }
0xfa: {  	s11 =	simm.s32 $0xAB00;
	s12 =	simm.s32 $0x5B00  }
0xfb: {  	[hbm4b:s2+s4] =	stream.indirect.scatter [tilespmem:s11], [sflag:$0x1], $0x1, s12, s4, $0xb8;
	[tilespmem:$0x17000] =	vst v63  }
0xfc: {  	s13 =	simm.s32 $0xAB80;
	s14 =	simm.s32 $0x5B80  }
0xfd: {  	[hbm4b:s2+s4] =	stream.indirect.scatter [tilespmem:s13], [sflag:$0x1], $0x1, s14, s4, $0xb8;
	[tilespmem:$0x17000] =	vst v63  }
0xfe: {  	s15 =	simm.s32 $0xAC00;
	s16 =	simm.s32 $0x5C00  }
0xff: {  	[hbm4b:s2+s4] =	stream.indirect.scatter [tilespmem:s15], [sflag:$0x1], $0x1, s16, s4, $0xb8;
	[tilespmem:$0x17000] =	vst v63  }
0x100: {  	s17 =	simm.s32 $0xAC80;
	s18 =	simm.s32 $0x5C80  }
0x101: {  	[hbm4b:s2+s4] =	stream.indirect.scatter [tilespmem:s17], [sflag:$0x1], $0x1, s18, s4, $0xb8;
	[tilespmem:$0x17000] =	vst v63  }
0x102: {  	s19 =	simm.s32 $0xAD00;
	s20 =	simm.s32 $0x5D00  }
0x103: {  	[hbm4b:s2+s4] =	stream.indirect.scatter [tilespmem:s19], [sflag:$0x1], $0x1, s20, s4, $0xb8;
	[tilespmem:$0x17000] =	vst v63  }
0x104: {  	s21 =	simm.s32 $0xAD80;
	s22 =	simm.s32 $0x5D80  }
0x105: {  	[hbm4b:s2+s4] =	stream.indirect.scatter [tilespmem:s21], [sflag:$0x1], $0x1, s22, s4, $0xb8;
	[tilespmem:$0x17000] =	vst v63  }
0x106: {  	s23 =	simm.s32 $0xAE00;
	s24 =	simm.s32 $0x5E00  }
0x107: {  	[hbm4b:s2+s4] =	stream.indirect.scatter [tilespmem:s23], [sflag:$0x1], $0x1, s24, s4, $0xb8;
	[tilespmem:$0x17000] =	vst v63  }
0x108: {  	s25 =	simm.s32 $0xAE80;
	s26 =	simm.s32 $0x5E80  }
0x109: {  	[hbm4b:s2+s4] =	stream.indirect.scatter [tilespmem:s25], [sflag:$0x1], $0x1, s26, s4, $0xb8;
	[tilespmem:$0x17000] =	vst v63  }
0x10a: {  	s28 =	simm.s32 $0xAF00;
	s29 =	simm.s32 $0x5F00  }
0x10b: {  	[hbm4b:s2+s4] =	stream.indirect.scatter [tilespmem:s28], [sflag:$0x1], $0x1, s29, s4, $0xb8;
	[tilespmem:$0x17000] =	vst v63  }
0x10c: {  	s30 =	simm.s32 $0xAF80;
	s31 =	simm.s32 $0x5F80;
	s3 =	simm.s32 $0x1  }
0x10d: {  	[hbm4b:s2+s4] =	stream.indirect.scatter [tilespmem:s30], [sflag:$0x1], $0x1, s31, s4, $0xb8;
	[tilespmem:$0x17000] =	vst v63  }
0x10e: {  	_ =	swait.ge [sflag:s3], $0x80  }
0x10f: {  	[sflag:s3] =	ssyncset.done $0x0  }
0x110: {  	[sflag:s3] =	ssyncadd.s32 $0xFFFFFF80  }
0x111: {  	_ =	swait.ge [sflag:s3], $0x80  }
0x112: {  	[sflag:s3] =	ssyncset.done $0x0  }
0x113: {  	[sflag:s3] =	ssyncadd.s32 $0xFFFFFF80  }
0x114: {  	_ =	swait.ge [sflag:s3], $0x80  }
0x115: {  	[sflag:s3] =	ssyncset.done $0x0  }
0x116: {  	[sflag:s3] =	ssyncadd.s32 $0xFFFFFF80  }
0x117: {  	_ =	swait.ge [sflag:s3], $0x80  }
0x118: {  	[sflag:s3] =	ssyncset.done $0x0  }
0x119: {  	[sflag:s3] =	ssyncadd.s32 $0xFFFFFF80  }
0x11a: {  	_ =	swait.ge [sflag:s3], $0x80  }
0x11b: {  	[sflag:s3] =	ssyncset.done $0x0  }
0x11c: {  	[sflag:s3] =	ssyncadd.s32 $0xFFFFFF80  }
0x11d: {  	_ =	swait.ge [sflag:s3], $0x80  }
0x11e: {  	[sflag:s3] =	ssyncset.done $0x0  }
0x11f: {  	[sflag:s3] =	ssyncadd.s32 $0xFFFFFF80  }
0x120: {  	_ =	swait.ge [sflag:s3], $0x80  }
0x121: {  	[sflag:s3] =	ssyncset.done $0x0  }
0x122: {  	[sflag:s3] =	ssyncadd.s32 $0xFFFFFF80  }
0x123: {  	_ =	swait.ge [sflag:s3], $0x80  }
0x124: {  	[sflag:s3] =	ssyncset.done $0x0  }
0x125: {  	[sflag:s3] =	ssyncadd.s32 $0xFFFFFF80  }
0x126: {  	_ =	swait.ge [sflag:s3], $0x80  }
0x127: {  	[sflag:s3] =	ssyncset.done $0x0  }
0x128: {  	[sflag:s3] =	ssyncadd.s32 $0xFFFFFF80  }
0x129: {  	_ =	swait.ge [sflag:s3], $0x80  }
0x12a: {  	[sflag:s3] =	ssyncset.done $0x0  }
0x12b: {  	[sflag:s3] =	ssyncadd.s32 $0xFFFFFF80  }
0x12c: {  	_ =	swait.ge [sflag:s3], $0x80  }
0x12d: {  	[sflag:s3] =	ssyncset.done $0x0  }
0x12e: {  	[sflag:s3] =	ssyncadd.s32 $0xFFFFFF80  }
0x12f: {  	_ =	swait.ge [sflag:s3], $0x80  }
0x130: {  	[sflag:s3] =	ssyncset.done $0x0  }
0x131: {  	[sflag:s3] =	ssyncadd.s32 $0xFFFFFF80  }
0x132: {  	_ =	swait.ge [sflag:s3], $0x80  }
0x133: {  	[sflag:s3] =	ssyncset.done $0x0  }
0x134: {  	[sflag:s3] =	ssyncadd.s32 $0xFFFFFF80  }
0x135: {  	_ =	swait.ge [sflag:s3], $0x80  }
0x136: {  	[sflag:s3] =	ssyncset.done $0x0  }
0x137: {  	[sflag:s3] =	ssyncadd.s32 $0xFFFFFF80  }
0x138: {  	_ =	swait.ge [sflag:s3], $0x80  }
0x139: {  	[sflag:s3] =	ssyncset.done $0x0  }
0x13a: {  	[sflag:s3] =	ssyncadd.s32 $0xFFFFFF80  }
0x13b: {  	_ =	swait.ge [sflag:s3], $0x80  }
0x13c: {  	[sflag:s3] =	ssyncset.done $0x0  }
0x13d: {  	[sflag:s3] =	ssyncadd.s32 $0xFFFFFF80  }
0x13e: {  	_ =	swait.ge [sflag:s3], $0x80  }
0x13f: {  	[sflag:s3] =	ssyncset.done $0x0  }
0x140: {  	[sflag:s3] =	ssyncadd.s32 $0xFFFFFF80  }
0x141: {  	_ =	swait.ge [sflag:s3], $0x80  }
0x142: {  	[sflag:s3] =	ssyncset.done $0x0  }
0x143: {  	[sflag:s3] =	ssyncadd.s32 $0xFFFFFF80  }
0x144: {  	_ =	swait.ge [sflag:s3], $0x80  }
0x145: {  	[sflag:s3] =	ssyncset.done $0x0  }
0x146: {  	[sflag:s3] =	ssyncadd.s32 $0xFFFFFF80  }
0x147: {  	_ =	swait.ge [sflag:s3], $0x80  }
0x148: {  	[sflag:s3] =	ssyncset.done $0x0  }
0x149: {  	[sflag:s3] =	ssyncadd.s32 $0xFFFFFF80  }
0x14a: {  	_ =	swait.ge [sflag:s3], $0x80  }
0x14b: {  	[sflag:s3] =	ssyncset.done $0x0  }
0x14c: {  	[sflag:s3] =	ssyncadd.s32 $0xFFFFFF80  }
0x14d: {  	_ =	swait.ge [sflag:s3], $0x80  }
0x14e: {  	[sflag:s3] =	ssyncset.done $0x0  }
0x14f: {  	[sflag:s3] =	ssyncadd.s32 $0xFFFFFF80  }
0x150: {  	_ =	swait.ge [sflag:s3], $0x80  }
0x151: {  	[sflag:s3] =	ssyncset.done $0x0  }
0x152: {  	[sflag:s3] =	ssyncadd.s32 $0xFFFFFF80  }
0x153: {  	_ =	swait.ge [sflag:s3], $0x80  }
0x154: {  	[sflag:s3] =	ssyncset.done $0x0  }
0x155: {  	[sflag:s3] =	ssyncadd.s32 $0xFFFFFF80  }
0x156: {  	_ =	swait.ge [sflag:s3], $0x80  }
0x157: {  	[sflag:s3] =	ssyncset.done $0x0  }
0x158: {  	[sflag:s3] =	ssyncadd.s32 $0xFFFFFF80  }
0x159: {  	_ =	swait.ge [sflag:s3], $0x80  }
0x15a: {  	[sflag:s3] =	ssyncset.done $0x0  }
0x15b: {  	[sflag:s3] =	ssyncadd.s32 $0xFFFFFF80  }
0x15c: {  	_ =	swait.ge [sflag:s3], $0x80  }
0x15d: {  	[sflag:s3] =	ssyncset.done $0x0  }
0x15e: {  	[sflag:s3] =	ssyncadd.s32 $0xFFFFFF80  }
0x15f: {  	_ =	swait.ge [sflag:s3], $0x80  }
0x160: {  	[sflag:s3] =	ssyncset.done $0x0  }
0x161: {  	[sflag:s3] =	ssyncadd.s32 $0xFFFFFF80  }
0x162: {  	_ =	swait.ge [sflag:s3], $0x80  }
0x163: {  	[sflag:s3] =	ssyncset.done $0x0  }
0x164: {  	[sflag:s3] =	ssyncadd.s32 $0xFFFFFF80  }
0x165: {  	_ =	swait.ge [sflag:s3], $0x80  }
0x166: {  	[sflag:s3] =	ssyncset.done $0x0  }
0x167: {  	[sflag:s3] =	ssyncadd.s32 $0xFFFFFF80  }
0x168: {  	_ =	swait.ge [sflag:s3], $0x80  }
0x169: {  	[sflag:s3] =	ssyncset.done $0x0  }
0x16a: {  	[sflag:s3] =	ssyncadd.s32 $0xFFFFFF80  }
0x16b: {  	_ =	swait.ge [sflag:s3], $0x80  }
0x16c: {  	s0 =	simm.s32 $0x8000;
	s7 =	simm.s32 $0x1000;
	[sflag:s3] =	ssyncset.done $0x0  }
.LBB2_5:
0x16d: {  	s1 =	sadd.s32 $0xA000, s7  }
0x16e: {  	s6 =	sadd.s32 $0x5000, s7;
	[sflag:s3] =	ssyncadd.s32 $0xFFFFFF80;
	s5 =	smov.u32 s0  }
0x16f: {  	[hbm4b:s2+s4] =	stream.indirect.scatter [tilespmem:s1], [sflag:$0x1], $0x1, s6, s4, $0xb8;
	[tilespmem:$0x17000] =	vst v63  }
0x170: {  	s8 =	sadd.s32 $0x5080, s7;
	s6 =	sadd.s32 $0x4000, s0;
	s1 =	sadd.s32 $0xA080, s7  }
0x171: {  	[hbm4b:s2+s4] =	stream.indirect.scatter [tilespmem:s1], [sflag:$0x1], $0x1, s8, s4, $0xb8;
	[tilespmem:$0x17000] =	vst v63  }
0x172: {  	p0 =	sne.s32 s0, $0x10000;
	s0 =	sadd.s32 $0xA100, s7;
	s1 =	sadd.s32 $0x5100, s7  }
0x173: {  	[hbm4b:s2+s4] =	stream.indirect.scatter [tilespmem:s0], [sflag:$0x1], $0x1, s1, s4, $0xb8;
	[tilespmem:$0x17000] =	vst v63  }
0x174: {  	s0 =	sadd.s32 $0xA180, s7;
	s1 =	sadd.s32 $0x5180, s7  }
0x175: {  	[hbm4b:s2+s4] =	stream.indirect.scatter [tilespmem:s0], [sflag:$0x1], $0x1, s1, s4, $0xb8;
	[tilespmem:$0x17000] =	vst v63  }
0x176: {  	s0 =	sadd.s32 $0xA200, s7;
	s1 =	sadd.s32 $0x5200, s7  }
0x177: {  	[hbm4b:s2+s4] =	stream.indirect.scatter [tilespmem:s0], [sflag:$0x1], $0x1, s1, s4, $0xb8;
	[tilespmem:$0x17000] =	vst v63  }
0x178: {  	s0 =	sadd.s32 $0xA280, s7;
	s1 =	sadd.s32 $0x5280, s7  }
0x179: {  	[hbm4b:s2+s4] =	stream.indirect.scatter [tilespmem:s0], [sflag:$0x1], $0x1, s1, s4, $0xb8;
	[tilespmem:$0x17000] =	vst v63  }
0x17a: {  	s0 =	sadd.s32 $0xA300, s7;
	s1 =	sadd.s32 $0x5300, s7  }
0x17b: {  	[hbm4b:s2+s4] =	stream.indirect.scatter [tilespmem:s0], [sflag:$0x1], $0x1, s1, s4, $0xb8;
	[tilespmem:$0x17000] =	vst v63  }
0x17c: {  	s0 =	sadd.s32 $0xA380, s7;
	s1 =	sadd.s32 $0x5380, s7  }
0x17d: {  	[hbm4b:s2+s4] =	stream.indirect.scatter [tilespmem:s0], [sflag:$0x1], $0x1, s1, s4, $0xb8;
	[tilespmem:$0x17000] =	vst v63  }
0x17e: {  	s0 =	sadd.s32 $0xA400, s7;
	s1 =	sadd.s32 $0x5400, s7  }
0x17f: {  	[hbm4b:s2+s4] =	stream.indirect.scatter [tilespmem:s0], [sflag:$0x1], $0x1, s1, s4, $0xb8;
	[tilespmem:$0x17000] =	vst v63  }
0x180: {  	s0 =	sadd.s32 $0xA480, s7;
	s1 =	sadd.s32 $0x5480, s7  }
0x181: {  	[hbm4b:s2+s4] =	stream.indirect.scatter [tilespmem:s0], [sflag:$0x1], $0x1, s1, s4, $0xb8;
	[tilespmem:$0x17000] =	vst v63  }
0x182: {  	s0 =	sadd.s32 $0xA500, s7;
	s1 =	sadd.s32 $0x5500, s7  }
0x183: {  	[hbm4b:s2+s4] =	stream.indirect.scatter [tilespmem:s0], [sflag:$0x1], $0x1, s1, s4, $0xb8;
	[tilespmem:$0x17000] =	vst v63  }
0x184: {  	s0 =	sadd.s32 $0xA580, s7;
	s1 =	sadd.s32 $0x5580, s7  }
0x185: {  	[hbm4b:s2+s4] =	stream.indirect.scatter [tilespmem:s0], [sflag:$0x1], $0x1, s1, s4, $0xb8;
	[tilespmem:$0x17000] =	vst v63  }
0x186: {  	s0 =	sadd.s32 $0xA600, s7;
	s1 =	sadd.s32 $0x5600, s7  }
0x187: {  	[hbm4b:s2+s4] =	stream.indirect.scatter [tilespmem:s0], [sflag:$0x1], $0x1, s1, s4, $0xb8;
	[tilespmem:$0x17000] =	vst v63  }
0x188: {  	s0 =	sadd.s32 $0xA680, s7;
	s1 =	sadd.s32 $0x5680, s7  }
0x189: {  	[hbm4b:s2+s4] =	stream.indirect.scatter [tilespmem:s0], [sflag:$0x1], $0x1, s1, s4, $0xb8;
	[tilespmem:$0x17000] =	vst v63  }
0x18a: {  	s0 =	sadd.s32 $0xA700, s7;
	s1 =	sadd.s32 $0x5700, s7  }
0x18b: {  	[hbm4b:s2+s4] =	stream.indirect.scatter [tilespmem:s0], [sflag:$0x1], $0x1, s1, s4, $0xb8;
	[tilespmem:$0x17000] =	vst v63  }
0x18c: {  	s0 =	sadd.s32 $0xA780, s7;
	s1 =	sadd.s32 $0x5780, s7  }
0x18d: {  	[hbm4b:s2+s4] =	stream.indirect.scatter [tilespmem:s0], [sflag:$0x1], $0x1, s1, s4, $0xb8;
	[tilespmem:$0x17000] =	vst v63  }
0x18e: {  	s0 =	sadd.s32 $0xA800, s7;
	s1 =	sadd.s32 $0x5800, s7  }
0x18f: {  	[hbm4b:s2+s4] =	stream.indirect.scatter [tilespmem:s0], [sflag:$0x1], $0x1, s1, s4, $0xb8;
	[tilespmem:$0x17000] =	vst v63  }
0x190: {  	s0 =	sadd.s32 $0xA880, s7;
	s1 =	sadd.s32 $0x5880, s7  }
0x191: {  	[hbm4b:s2+s4] =	stream.indirect.scatter [tilespmem:s0], [sflag:$0x1], $0x1, s1, s4, $0xb8;
	[tilespmem:$0x17000] =	vst v63  }
0x192: {  	s0 =	sadd.s32 $0xA900, s7;
	s1 =	sadd.s32 $0x5900, s7  }
0x193: {  	[hbm4b:s2+s4] =	stream.indirect.scatter [tilespmem:s0], [sflag:$0x1], $0x1, s1, s4, $0xb8;
	[tilespmem:$0x17000] =	vst v63  }
0x194: {  	s0 =	sadd.s32 $0xA980, s7;
	s1 =	sadd.s32 $0x5980, s7  }
0x195: {  	[hbm4b:s2+s4] =	stream.indirect.scatter [tilespmem:s0], [sflag:$0x1], $0x1, s1, s4, $0xb8;
	[tilespmem:$0x17000] =	vst v63  }
0x196: {  	s0 =	sadd.s32 $0xAA00, s7;
	s1 =	sadd.s32 $0x5A00, s7  }
0x197: {  	[hbm4b:s2+s4] =	stream.indirect.scatter [tilespmem:s0], [sflag:$0x1], $0x1, s1, s4, $0xb8;
	[tilespmem:$0x17000] =	vst v63  }
0x198: {  	s0 =	sadd.s32 $0xAA80, s7;
	s1 =	sadd.s32 $0x5A80, s7  }
0x199: {  	[hbm4b:s2+s4] =	stream.indirect.scatter [tilespmem:s0], [sflag:$0x1], $0x1, s1, s4, $0xb8;
	[tilespmem:$0x17000] =	vst v63  }
0x19a: {  	s0 =	sadd.s32 $0xAB00, s7;
	s1 =	sadd.s32 $0x5B00, s7  }
0x19b: {  	[hbm4b:s2+s4] =	stream.indirect.scatter [tilespmem:s0], [sflag:$0x1], $0x1, s1, s4, $0xb8;
	[tilespmem:$0x17000] =	vst v63  }
0x19c: {  	s0 =	sadd.s32 $0xAB80, s7;
	s1 =	sadd.s32 $0x5B80, s7  }
0x19d: {  	[hbm4b:s2+s4] =	stream.indirect.scatter [tilespmem:s0], [sflag:$0x1], $0x1, s1, s4, $0xb8;
	[tilespmem:$0x17000] =	vst v63  }
0x19e: {  	s0 =	sadd.s32 $0xAC00, s7;
	s1 =	sadd.s32 $0x5C00, s7  }
0x19f: {  	[hbm4b:s2+s4] =	stream.indirect.scatter [tilespmem:s0], [sflag:$0x1], $0x1, s1, s4, $0xb8;
	[tilespmem:$0x17000] =	vst v63  }
0x1a0: {  	s0 =	sadd.s32 $0xAC80, s7;
	s1 =	sadd.s32 $0x5C80, s7  }
0x1a1: {  	[hbm4b:s2+s4] =	stream.indirect.scatter [tilespmem:s0], [sflag:$0x1], $0x1, s1, s4, $0xb8;
	[tilespmem:$0x17000] =	vst v63  }
0x1a2: {  	s0 =	sadd.s32 $0xAD00, s7;
	s1 =	sadd.s32 $0x5D00, s7  }
0x1a3: {  	[hbm4b:s2+s4] =	stream.indirect.scatter [tilespmem:s0], [sflag:$0x1], $0x1, s1, s4, $0xb8;
	[tilespmem:$0x17000] =	vst v63  }
0x1a4: {  	s0 =	sadd.s32 $0xAD80, s7;
	s1 =	sadd.s32 $0x5D80, s7  }
0x1a5: {  	[hbm4b:s2+s4] =	stream.indirect.scatter [tilespmem:s0], [sflag:$0x1], $0x1, s1, s4, $0xb8;
	[tilespmem:$0x17000] =	vst v63  }
0x1a6: {  	s0 =	sadd.s32 $0xAE00, s7;
	s1 =	sadd.s32 $0x5E00, s7  }
0x1a7: {  	[hbm4b:s2+s4] =	stream.indirect.scatter [tilespmem:s0], [sflag:$0x1], $0x1, s1, s4, $0xb8;
	[tilespmem:$0x17000] =	vst v63  }
0x1a8: {  	s0 =	sadd.s32 $0xAE80, s7;
	s1 =	sadd.s32 $0x5E80, s7  }
0x1a9: {  	[hbm4b:s2+s4] =	stream.indirect.scatter [tilespmem:s0], [sflag:$0x1], $0x1, s1, s4, $0xb8;
	[tilespmem:$0x17000] =	vst v63  }
0x1aa: {  	s0 =	sadd.s32 $0xAF00, s7;
	s1 =	sadd.s32 $0x5F00, s7  }
0x1ab: {  	[hbm4b:s2+s4] =	stream.indirect.scatter [tilespmem:s0], [sflag:$0x1], $0x1, s1, s4, $0xb8;
	[tilespmem:$0x17000] =	vst v63  }
0x1ac: {  	s0 =	sadd.s32 $0xAF80, s7;
	s1 =	sadd.s32 $0x5F80, s7  }
0x1ad: {  	[hbm4b:s2+s4] =	stream.indirect.scatter [tilespmem:s0], [sflag:$0x1], $0x1, s1, s4, $0xb8;
	[tilespmem:$0x17000] =	vst v63  }
0x1ae: {  	_ =	swait.ge [sflag:s3], $0x80  }
0x1af: {  	[sflag:s3] =	ssyncset.done $0x0  }
0x1b0: {  	[sflag:s3] =	ssyncadd.s32 $0xFFFFFF80  }
0x1b1: {  	_ =	swait.ge [sflag:s3], $0x80  }
0x1b2: {  	[sflag:s3] =	ssyncset.done $0x0  }
0x1b3: {  	[sflag:s3] =	ssyncadd.s32 $0xFFFFFF80  }
0x1b4: {  	_ =	swait.ge [sflag:s3], $0x80  }
0x1b5: {  	[sflag:s3] =	ssyncset.done $0x0  }
0x1b6: {  	[sflag:s3] =	ssyncadd.s32 $0xFFFFFF80  }
0x1b7: {  	_ =	swait.ge [sflag:s3], $0x80  }
0x1b8: {  	[sflag:s3] =	ssyncset.done $0x0  }
0x1b9: {  	[sflag:s3] =	ssyncadd.s32 $0xFFFFFF80  }
0x1ba: {  	_ =	swait.ge [sflag:s3], $0x80  }
0x1bb: {  	[sflag:s3] =	ssyncset.done $0x0  }
0x1bc: {  	[sflag:s3] =	ssyncadd.s32 $0xFFFFFF80  }
0x1bd: {  	_ =	swait.ge [sflag:s3], $0x80  }
0x1be: {  	[sflag:s3] =	ssyncset.done $0x0  }
0x1bf: {  	[sflag:s3] =	ssyncadd.s32 $0xFFFFFF80  }
0x1c0: {  	_ =	swait.ge [sflag:s3], $0x80  }
0x1c1: {  	[sflag:s3] =	ssyncset.done $0x0  }
0x1c2: {  	[sflag:s3] =	ssyncadd.s32 $0xFFFFFF80  }
0x1c3: {  	_ =	swait.ge [sflag:s3], $0x80  }
0x1c4: {  	[sflag:s3] =	ssyncset.done $0x0  }
0x1c5: {  	[sflag:s3] =	ssyncadd.s32 $0xFFFFFF80  }
0x1c6: {  	_ =	swait.ge [sflag:s3], $0x80  }
0x1c7: {  	[sflag:s3] =	ssyncset.done $0x0  }
0x1c8: {  	[sflag:s3] =	ssyncadd.s32 $0xFFFFFF80  }
0x1c9: {  	_ =	swait.ge [sflag:s3], $0x80  }
0x1ca: {  	[sflag:s3] =	ssyncset.done $0x0  }
0x1cb: {  	[sflag:s3] =	ssyncadd.s32 $0xFFFFFF80  }
0x1cc: {  	_ =	swait.ge [sflag:s3], $0x80  }
0x1cd: {  	[sflag:s3] =	ssyncset.done $0x0  }
0x1ce: {  	[sflag:s3] =	ssyncadd.s32 $0xFFFFFF80  }
0x1cf: {  	_ =	swait.ge [sflag:s3], $0x80  }
0x1d0: {  	[sflag:s3] =	ssyncset.done $0x0  }
0x1d1: {  	[sflag:s3] =	ssyncadd.s32 $0xFFFFFF80  }
0x1d2: {  	_ =	swait.ge [sflag:s3], $0x80  }
0x1d3: {  	[sflag:s3] =	ssyncset.done $0x0  }
0x1d4: {  	[sflag:s3] =	ssyncadd.s32 $0xFFFFFF80  }
0x1d5: {  	_ =	swait.ge [sflag:s3], $0x80  }
0x1d6: {  	[sflag:s3] =	ssyncset.done $0x0  }
0x1d7: {  	[sflag:s3] =	ssyncadd.s32 $0xFFFFFF80  }
0x1d8: {  	_ =	swait.ge [sflag:s3], $0x80  }
0x1d9: {  	[sflag:s3] =	ssyncset.done $0x0  }
0x1da: {  	[sflag:s3] =	ssyncadd.s32 $0xFFFFFF80  }
0x1db: {  	_ =	swait.ge [sflag:s3], $0x80  }
0x1dc: {  	[sflag:s3] =	ssyncset.done $0x0  }
0x1dd: {  	[sflag:s3] =	ssyncadd.s32 $0xFFFFFF80  }
0x1de: {  	_ =	swait.ge [sflag:s3], $0x80  }
0x1df: {  	[sflag:s3] =	ssyncset.done $0x0  }
0x1e0: {  	[sflag:s3] =	ssyncadd.s32 $0xFFFFFF80  }
0x1e1: {  	_ =	swait.ge [sflag:s3], $0x80  }
0x1e2: {  	[sflag:s3] =	ssyncset.done $0x0  }
0x1e3: {  	[sflag:s3] =	ssyncadd.s32 $0xFFFFFF80  }
0x1e4: {  	_ =	swait.ge [sflag:s3], $0x80  }
0x1e5: {  	[sflag:s3] =	ssyncset.done $0x0  }
0x1e6: {  	[sflag:s3] =	ssyncadd.s32 $0xFFFFFF80  }
0x1e7: {  	_ =	swait.ge [sflag:s3], $0x80  }
0x1e8: {  	[sflag:s3] =	ssyncset.done $0x0  }
0x1e9: {  	[sflag:s3] =	ssyncadd.s32 $0xFFFFFF80  }
0x1ea: {  	_ =	swait.ge [sflag:s3], $0x80  }
0x1eb: {  	[sflag:s3] =	ssyncset.done $0x0  }
0x1ec: {  	[sflag:s3] =	ssyncadd.s32 $0xFFFFFF80  }
0x1ed: {  	_ =	swait.ge [sflag:s3], $0x80  }
0x1ee: {  	[sflag:s3] =	ssyncset.done $0x0  }
0x1ef: {  	[sflag:s3] =	ssyncadd.s32 $0xFFFFFF80  }
0x1f0: {  	_ =	swait.ge [sflag:s3], $0x80  }
0x1f1: {  	[sflag:s3] =	ssyncset.done $0x0  }
0x1f2: {  	[sflag:s3] =	ssyncadd.s32 $0xFFFFFF80  }
0x1f3: {  	_ =	swait.ge [sflag:s3], $0x80  }
0x1f4: {  	[sflag:s3] =	ssyncset.done $0x0  }
0x1f5: {  	[sflag:s3] =	ssyncadd.s32 $0xFFFFFF80  }
0x1f6: {  	_ =	swait.ge [sflag:s3], $0x80  }
0x1f7: {  	[sflag:s3] =	ssyncset.done $0x0  }
0x1f8: {  	[sflag:s3] =	ssyncadd.s32 $0xFFFFFF80  }
0x1f9: {  	_ =	swait.ge [sflag:s3], $0x80  }
0x1fa: {  	[sflag:s3] =	ssyncset.done $0x0  }
0x1fb: {  	[sflag:s3] =	ssyncadd.s32 $0xFFFFFF80  }
0x1fc: {  	_ =	swait.ge [sflag:s3], $0x80  }
0x1fd: {  	[sflag:s3] =	ssyncset.done $0x0  }
0x1fe: {  	[sflag:s3] =	ssyncadd.s32 $0xFFFFFF80  }
0x1ff: {  	_ =	swait.ge [sflag:s3], $0x80  }
0x200: {  	[sflag:s3] =	ssyncset.done $0x0  }
0x201: {  	[sflag:s3] =	ssyncadd.s32 $0xFFFFFF80  }
0x202: {  	_ =	swait.ge [sflag:s3], $0x80  }
0x203: {  	[sflag:s3] =	ssyncset.done $0x0  }
0x204: {  	[sflag:s3] =	ssyncadd.s32 $0xFFFFFF80  }
0x205: {  	_ =	swait.ge [sflag:s3], $0x80  }
0x206: {  	[sflag:s3] =	ssyncset.done $0x0  }
0x207: {  	[sflag:s3] =	ssyncadd.s32 $0xFFFFFF80  }
.Ltmp2:
0x208: {  	_ =	swait.ge [sflag:s3], $0x80;
	(pc) =	sbr.rel @p0 .LBB2_5-.Ltmp2, $4  }
0x209: {  	[sflag:s3] =	ssyncset.done $0x0  }
0x20a: {  	[sflag:s3] =	ssyncadd.s32 $0xFFFFFF80  }
0x20b: {  	_ =	swait.ge [sflag:s3], $0x80  }
0x20c: {  	s7 =	sshra.s32 s5, $0x2;
	s0 =	smov.u32 s6;
	[sflag:s3] =	ssyncset.done $0x0  }
0x20d: {  	s0 =	sadd.s32 $0xA000, s7;
	s1 =	sadd.s32 $0x5000, s7;
	[sflag:s3] =	ssyncadd.s32 $0xFFFFFF80  }
0x20e: {  	[hbm4b:s2+s4] =	stream.indirect.scatter [tilespmem:s0], [sflag:$0x1], $0x1, s1, s4, $0xb8;
	[tilespmem:$0x17000] =	vst v63  }
0x20f: {  	s19 =	sadd.s32 $0xA080, s7;
	s20 =	sadd.s32 $0x5080, s7  }
0x210: {  	[hbm4b:s2+s4] =	stream.indirect.scatter [tilespmem:s19], [sflag:$0x1], $0x1, s20, s4, $0xb8;
	[tilespmem:$0x17000] =	vst v63  }
0x211: {  	s21 =	sadd.s32 $0xA100, s7;
	s22 =	sadd.s32 $0x5100, s7  }
0x212: {  	[hbm4b:s2+s4] =	stream.indirect.scatter [tilespmem:s21], [sflag:$0x1], $0x1, s22, s4, $0xb8;
	[tilespmem:$0x17000] =	vst v63  }
0x213: {  	s23 =	sadd.s32 $0xA180, s7;
	s24 =	sadd.s32 $0x5180, s7  }
0x214: {  	[hbm4b:s2+s4] =	stream.indirect.scatter [tilespmem:s23], [sflag:$0x1], $0x1, s24, s4, $0xb8;
	[tilespmem:$0x17000] =	vst v63  }
0x215: {  	s25 =	sadd.s32 $0xA200, s7;
	s26 =	sadd.s32 $0x5200, s7  }
0x216: {  	[hbm4b:s2+s4] =	stream.indirect.scatter [tilespmem:s25], [sflag:$0x1], $0x1, s26, s4, $0xb8;
	[tilespmem:$0x17000] =	vst v63  }
0x217: {  	s28 =	sadd.s32 $0xA280, s7;
	s29 =	sadd.s32 $0x5280, s7  }
0x218: {  	[hbm4b:s2+s4] =	stream.indirect.scatter [tilespmem:s28], [sflag:$0x1], $0x1, s29, s4, $0xb8;
	[tilespmem:$0x17000] =	vst v63  }
0x219: {  	s30 =	sadd.s32 $0xA300, s7;
	s31 =	sadd.s32 $0x5300, s7  }
0x21a: {  	[hbm4b:s2+s4] =	stream.indirect.scatter [tilespmem:s30], [sflag:$0x1], $0x1, s31, s4, $0xb8;
	[tilespmem:$0x17000] =	vst v63  }
0x21b: {  	s5 =	sadd.s32 $0x5380, s7;
	s1 =	sadd.s32 $0xA380, s7  }
0x21c: {  	[hbm4b:s2+s4] =	stream.indirect.scatter [tilespmem:s1], [sflag:$0x1], $0x1, s5, s4, $0xb8;
	[tilespmem:$0x17000] =	vst v63  }
0x21d: {  	s6 =	sadd.s32 $0xA400, s7;
	s8 =	sadd.s32 $0x5400, s7  }
0x21e: {  	[hbm4b:s2+s4] =	stream.indirect.scatter [tilespmem:s6], [sflag:$0x1], $0x1, s8, s4, $0xb8;
	[tilespmem:$0x17000] =	vst v63  }
0x21f: {  	s9 =	sadd.s32 $0xA480, s7;
	s10 =	sadd.s32 $0x5480, s7  }
0x220: {  	[hbm4b:s2+s4] =	stream.indirect.scatter [tilespmem:s9], [sflag:$0x1], $0x1, s10, s4, $0xb8;
	[tilespmem:$0x17000] =	vst v63  }
0x221: {  	s11 =	sadd.s32 $0xA500, s7;
	s12 =	sadd.s32 $0x5500, s7  }
0x222: {  	[hbm4b:s2+s4] =	stream.indirect.scatter [tilespmem:s11], [sflag:$0x1], $0x1, s12, s4, $0xb8;
	[tilespmem:$0x17000] =	vst v63  }
0x223: {  	s13 =	sadd.s32 $0xA580, s7;
	s14 =	sadd.s32 $0x5580, s7  }
0x224: {  	[hbm4b:s2+s4] =	stream.indirect.scatter [tilespmem:s13], [sflag:$0x1], $0x1, s14, s4, $0xb8;
	[tilespmem:$0x17000] =	vst v63  }
0x225: {  	s15 =	sadd.s32 $0xA600, s7;
	s16 =	sadd.s32 $0x5600, s7  }
0x226: {  	[hbm4b:s2+s4] =	stream.indirect.scatter [tilespmem:s15], [sflag:$0x1], $0x1, s16, s4, $0xb8;
	[tilespmem:$0x17000] =	vst v63  }
0x227: {  	s17 =	sadd.s32 $0xA680, s7;
	s18 =	sadd.s32 $0x5680, s7  }
0x228: {  	[hbm4b:s2+s4] =	stream.indirect.scatter [tilespmem:s17], [sflag:$0x1], $0x1, s18, s4, $0xb8;
	[tilespmem:$0x17000] =	vst v63  }
0x229: {  	s19 =	sadd.s32 $0xA700, s7;
	s20 =	sadd.s32 $0x5700, s7  }
0x22a: {  	[hbm4b:s2+s4] =	stream.indirect.scatter [tilespmem:s19], [sflag:$0x1], $0x1, s20, s4, $0xb8;
	[tilespmem:$0x17000] =	vst v63  }
0x22b: {  	s21 =	sadd.s32 $0xA780, s7;
	s22 =	sadd.s32 $0x5780, s7  }
0x22c: {  	[hbm4b:s2+s4] =	stream.indirect.scatter [tilespmem:s21], [sflag:$0x1], $0x1, s22, s4, $0xb8;
	[tilespmem:$0x17000] =	vst v63  }
0x22d: {  	s23 =	sadd.s32 $0xA800, s7;
	s24 =	sadd.s32 $0x5800, s7  }
0x22e: {  	[hbm4b:s2+s4] =	stream.indirect.scatter [tilespmem:s23], [sflag:$0x1], $0x1, s24, s4, $0xb8;
	[tilespmem:$0x17000] =	vst v63  }
0x22f: {  	s25 =	sadd.s32 $0xA880, s7;
	s26 =	sadd.s32 $0x5880, s7  }
0x230: {  	[hbm4b:s2+s4] =	stream.indirect.scatter [tilespmem:s25], [sflag:$0x1], $0x1, s26, s4, $0xb8;
	[tilespmem:$0x17000] =	vst v63  }
0x231: {  	s28 =	sadd.s32 $0xA900, s7;
	s29 =	sadd.s32 $0x5900, s7  }
0x232: {  	[hbm4b:s2+s4] =	stream.indirect.scatter [tilespmem:s28], [sflag:$0x1], $0x1, s29, s4, $0xb8;
	[tilespmem:$0x17000] =	vst v63  }
0x233: {  	s30 =	sadd.s32 $0xA980, s7;
	s31 =	sadd.s32 $0x5980, s7  }
0x234: {  	[hbm4b:s2+s4] =	stream.indirect.scatter [tilespmem:s30], [sflag:$0x1], $0x1, s31, s4, $0xb8;
	[tilespmem:$0x17000] =	vst v63  }
0x235: {  	s5 =	sadd.s32 $0xAA00, s7;
	s6 =	sadd.s32 $0x5A00, s7  }
0x236: {  	[hbm4b:s2+s4] =	stream.indirect.scatter [tilespmem:s5], [sflag:$0x1], $0x1, s6, s4, $0xb8;
	[tilespmem:$0x17000] =	vst v63  }
0x237: {  	s8 =	sadd.s32 $0xAA80, s7;
	s9 =	sadd.s32 $0x5A80, s7  }
0x238: {  	[hbm4b:s2+s4] =	stream.indirect.scatter [tilespmem:s8], [sflag:$0x1], $0x1, s9, s4, $0xb8;
	[tilespmem:$0x17000] =	vst v63  }
0x239: {  	s10 =	sadd.s32 $0xAB00, s7;
	s11 =	sadd.s32 $0x5B00, s7  }
0x23a: {  	[hbm4b:s2+s4] =	stream.indirect.scatter [tilespmem:s10], [sflag:$0x1], $0x1, s11, s4, $0xb8;
	[tilespmem:$0x17000] =	vst v63  }
0x23b: {  	s12 =	sadd.s32 $0xAB80, s7;
	s13 =	sadd.s32 $0x5B80, s7  }
0x23c: {  	[hbm4b:s2+s4] =	stream.indirect.scatter [tilespmem:s12], [sflag:$0x1], $0x1, s13, s4, $0xb8;
	[tilespmem:$0x17000] =	vst v63  }
0x23d: {  	s14 =	sadd.s32 $0xAC00, s7;
	s15 =	sadd.s32 $0x5C00, s7  }
0x23e: {  	[hbm4b:s2+s4] =	stream.indirect.scatter [tilespmem:s14], [sflag:$0x1], $0x1, s15, s4, $0xb8;
	[tilespmem:$0x17000] =	vst v63  }
0x23f: {  	s16 =	sadd.s32 $0xAC80, s7;
	s17 =	sadd.s32 $0x5C80, s7  }
0x240: {  	[hbm4b:s2+s4] =	stream.indirect.scatter [tilespmem:s16], [sflag:$0x1], $0x1, s17, s4, $0xb8;
	[tilespmem:$0x17000] =	vst v63  }
0x241: {  	s18 =	sadd.s32 $0xAD00, s7;
	s19 =	sadd.s32 $0x5D00, s7  }
0x242: {  	[hbm4b:s2+s4] =	stream.indirect.scatter [tilespmem:s18], [sflag:$0x1], $0x1, s19, s4, $0xb8;
	[tilespmem:$0x17000] =	vst v63  }
0x243: {  	s20 =	sadd.s32 $0xAD80, s7;
	s21 =	sadd.s32 $0x5D80, s7  }
0x244: {  	[hbm4b:s2+s4] =	stream.indirect.scatter [tilespmem:s20], [sflag:$0x1], $0x1, s21, s4, $0xb8;
	[tilespmem:$0x17000] =	vst v63  }
0x245: {  	s22 =	sadd.s32 $0xAE00, s7;
	s23 =	sadd.s32 $0x5E00, s7  }
0x246: {  	[hbm4b:s2+s4] =	stream.indirect.scatter [tilespmem:s22], [sflag:$0x1], $0x1, s23, s4, $0xb8;
	[tilespmem:$0x17000] =	vst v63  }
0x247: {  	s24 =	sadd.s32 $0xAE80, s7;
	s25 =	sadd.s32 $0x5E80, s7  }
0x248: {  	[hbm4b:s2+s4] =	stream.indirect.scatter [tilespmem:s24], [sflag:$0x1], $0x1, s25, s4, $0xb8;
	[tilespmem:$0x17000] =	vst v63  }
0x249: {  	s26 =	sadd.s32 $0xAF00, s7;
	s28 =	sadd.s32 $0x5F00, s7  }
0x24a: {  	[hbm4b:s2+s4] =	stream.indirect.scatter [tilespmem:s26], [sflag:$0x1], $0x1, s28, s4, $0xb8;
	[tilespmem:$0x17000] =	vst v63  }
0x24b: {  	s29 =	sadd.s32 $0xAF80, s7;
	s30 =	sadd.s32 $0x5F80, s7  }
0x24c: {  	[hbm4b:s2+s4] =	stream.indirect.scatter [tilespmem:s29], [sflag:$0x1], $0x1, s30, s4, $0xb8;
	[tilespmem:$0x17000] =	vst v63  }
0x24d: {  	_ =	swait.ge [sflag:s3], $0x80  }
0x24e: {  	[sflag:s3] =	ssyncset.done $0x0  }
0x24f: {  	[sflag:s3] =	ssyncadd.s32 $0xFFFFFF80  }
0x250: {  	_ =	swait.ge [sflag:s3], $0x80  }
0x251: {  	[sflag:s3] =	ssyncset.done $0x0  }
0x252: {  	[sflag:s3] =	ssyncadd.s32 $0xFFFFFF80  }
0x253: {  	_ =	swait.ge [sflag:s3], $0x80  }
0x254: {  	[sflag:s3] =	ssyncset.done $0x0  }
0x255: {  	[sflag:s3] =	ssyncadd.s32 $0xFFFFFF80  }
0x256: {  	_ =	swait.ge [sflag:s3], $0x80  }
0x257: {  	[sflag:s3] =	ssyncset.done $0x0  }
0x258: {  	[sflag:s3] =	ssyncadd.s32 $0xFFFFFF80  }
0x259: {  	_ =	swait.ge [sflag:s3], $0x80  }
0x25a: {  	[sflag:s3] =	ssyncset.done $0x0  }
0x25b: {  	[sflag:s3] =	ssyncadd.s32 $0xFFFFFF80  }
0x25c: {  	_ =	swait.ge [sflag:s3], $0x80  }
0x25d: {  	[sflag:s3] =	ssyncset.done $0x0  }
0x25e: {  	[sflag:s3] =	ssyncadd.s32 $0xFFFFFF80  }
0x25f: {  	_ =	swait.ge [sflag:s3], $0x80  }
0x260: {  	[sflag:s3] =	ssyncset.done $0x0  }
0x261: {  	[sflag:s3] =	ssyncadd.s32 $0xFFFFFF80  }
0x262: {  	_ =	swait.ge [sflag:s3], $0x80  }
0x263: {  	[sflag:s3] =	ssyncset.done $0x0  }
0x264: {  	[sflag:s3] =	ssyncadd.s32 $0xFFFFFF80  }
0x265: {  	_ =	swait.ge [sflag:s3], $0x80  }
0x266: {  	[sflag:s3] =	ssyncset.done $0x0  }
0x267: {  	[sflag:s3] =	ssyncadd.s32 $0xFFFFFF80  }
0x268: {  	_ =	swait.ge [sflag:s3], $0x80  }
0x269: {  	[sflag:s3] =	ssyncset.done $0x0  }
0x26a: {  	[sflag:s3] =	ssyncadd.s32 $0xFFFFFF80  }
0x26b: {  	_ =	swait.ge [sflag:s3], $0x80  }
0x26c: {  	[sflag:s3] =	ssyncset.done $0x0  }
0x26d: {  	[sflag:s3] =	ssyncadd.s32 $0xFFFFFF80  }
0x26e: {  	_ =	swait.ge [sflag:s3], $0x80  }
0x26f: {  	[sflag:s3] =	ssyncset.done $0x0  }
0x270: {  	[sflag:s3] =	ssyncadd.s32 $0xFFFFFF80  }
0x271: {  	_ =	swait.ge [sflag:s3], $0x80  }
0x272: {  	[sflag:s3] =	ssyncset.done $0x0  }
0x273: {  	[sflag:s3] =	ssyncadd.s32 $0xFFFFFF80  }
0x274: {  	_ =	swait.ge [sflag:s3], $0x80  }
0x275: {  	[sflag:s3] =	ssyncset.done $0x0  }
0x276: {  	[sflag:s3] =	ssyncadd.s32 $0xFFFFFF80  }
0x277: {  	_ =	swait.ge [sflag:s3], $0x80  }
0x278: {  	[sflag:s3] =	ssyncset.done $0x0  }
0x279: {  	[sflag:s3] =	ssyncadd.s32 $0xFFFFFF80  }
0x27a: {  	_ =	swait.ge [sflag:s3], $0x80  }
0x27b: {  	[sflag:s3] =	ssyncset.done $0x0  }
0x27c: {  	[sflag:s3] =	ssyncadd.s32 $0xFFFFFF80  }
0x27d: {  	_ =	swait.ge [sflag:s3], $0x80  }
0x27e: {  	[sflag:s3] =	ssyncset.done $0x0  }
0x27f: {  	[sflag:s3] =	ssyncadd.s32 $0xFFFFFF80  }
0x280: {  	_ =	swait.ge [sflag:s3], $0x80  }
0x281: {  	[sflag:s3] =	ssyncset.done $0x0  }
0x282: {  	[sflag:s3] =	ssyncadd.s32 $0xFFFFFF80  }
0x283: {  	_ =	swait.ge [sflag:s3], $0x80  }
0x284: {  	[sflag:s3] =	ssyncset.done $0x0  }
0x285: {  	[sflag:s3] =	ssyncadd.s32 $0xFFFFFF80  }
0x286: {  	_ =	swait.ge [sflag:s3], $0x80  }
0x287: {  	[sflag:s3] =	ssyncset.done $0x0  }
0x288: {  	[sflag:s3] =	ssyncadd.s32 $0xFFFFFF80  }
0x289: {  	_ =	swait.ge [sflag:s3], $0x80  }
0x28a: {  	[sflag:s3] =	ssyncset.done $0x0  }
0x28b: {  	[sflag:s3] =	ssyncadd.s32 $0xFFFFFF80  }
0x28c: {  	_ =	swait.ge [sflag:s3], $0x80  }
0x28d: {  	[sflag:s3] =	ssyncset.done $0x0  }
0x28e: {  	[sflag:s3] =	ssyncadd.s32 $0xFFFFFF80  }
0x28f: {  	_ =	swait.ge [sflag:s3], $0x80  }
0x290: {  	[sflag:s3] =	ssyncset.done $0x0  }
0x291: {  	[sflag:s3] =	ssyncadd.s32 $0xFFFFFF80  }
0x292: {  	_ =	swait.ge [sflag:s3], $0x80  }
0x293: {  	[sflag:s3] =	ssyncset.done $0x0  }
0x294: {  	[sflag:s3] =	ssyncadd.s32 $0xFFFFFF80  }
0x295: {  	_ =	swait.ge [sflag:s3], $0x80  }
0x296: {  	[sflag:s3] =	ssyncset.done $0x0  }
0x297: {  	[sflag:s3] =	ssyncadd.s32 $0xFFFFFF80  }
0x298: {  	_ =	swait.ge [sflag:s3], $0x80  }
0x299: {  	[sflag:s3] =	ssyncset.done $0x0  }
0x29a: {  	[sflag:s3] =	ssyncadd.s32 $0xFFFFFF80  }
0x29b: {  	_ =	swait.ge [sflag:s3], $0x80  }
0x29c: {  	[sflag:s3] =	ssyncset.done $0x0  }
0x29d: {  	[sflag:s3] =	ssyncadd.s32 $0xFFFFFF80  }
0x29e: {  	_ =	swait.ge [sflag:s3], $0x80  }
0x29f: {  	[sflag:s3] =	ssyncset.done $0x0  }
0x2a0: {  	[sflag:s3] =	ssyncadd.s32 $0xFFFFFF80  }
0x2a1: {  	_ =	swait.ge [sflag:s3], $0x80  }
0x2a2: {  	[sflag:s3] =	ssyncset.done $0x0  }
0x2a3: {  	[sflag:s3] =	ssyncadd.s32 $0xFFFFFF80  }
0x2a4: {  	_ =	swait.ge [sflag:s3], $0x80  }
0x2a5: {  	[sflag:s3] =	ssyncset.done $0x0  }
0x2a6: {  	[sflag:s3] =	ssyncadd.s32 $0xFFFFFF80  }
0x2a7: {  	_ =	swait.ge [sflag:s3], $0x80  }
0x2a8: {  	[sflag:s3] =	ssyncset.done $0x0  }
0x2a9: {  	[sflag:s3] =	ssyncadd.s32 $0xFFFFFF80  }
0x2aa: {  	_ =	swait.ge [sflag:s3], $0x80  }
0x2ab: {  	[sflag:s3] =	ssyncset.done $0x0  }
0x2ac: {  	[sflag:s3] =	ssyncadd.s32 $0xFFFFFF80  }
0x2ad: {  	_ =	sfence.sel $0x180000  }
0x2ae: {  	[bflag:$0x0] =	sbarrier.arrive $0xFFFF  }
0x2af: {  	_ =	strace $0x90000047  }
0x2b0: {  	s31 =	stileid.u32;
	[bflag:$0x2] =	sbarrier.arrive $0xFFFF  }
0x2b1: {  	p0 =	sne.s32 s31, $0x0;
	s0 =	rddreg [dreg:$0x2]  }
0x2b2: {  	s0 =	sadd.s32 @!p0 $0x100000, s0  }
0x2b3: {  	[sflag:s0] =	ssyncadd.tile.s32 @!p0 $0x1;
	_ =	shalt  }
.Lfunc_end2:
_tile_overlayer_lowered:
.L_overlay_start_2:
0x2b4: {  	(tag) =	ssettag $0x2  }
0x2b5: {  	s0 =	rddreg [dreg:$0x0];
	s2 =	stileid.u32  }
0x2b6: {  	s1 =	rddreg [dreg:$0x1];
	p0 =	sne.s32 s2, $0x0  }
0x2b7: {  	s3 =	rddreg [dreg:$0x2];
	[bflag:$0x3] =	sbarrier.arrive $0xFFFF;
	s2 =	simm.s32 @!p0 $0x1C03  }
0x2b8: {  	[timem:s3], [sflag:s2] =	dma.local @!p0 [hbm:s0], s1  }
0x2b9: {  	s0 =	simm.s32 @!p0 $0x3  }
0x2ba: {  	_ =	swait.ge @!p0 [sflag:s0], s1  }
0x2bb: {  	s1 =	ssub.s32 @!p0 $0x0, s1;
	[sflag:s0] =	ssyncset.done @!p0 $0x0  }
0x2bc: {  	[sflag:s0] =	ssyncadd.s32 @!p0 s1  }
0x2bd: {  	[bflag:$0x3] =	sbarrier.arrive $0xFFFF  }
0x2be: {  	_ =	shalt  }

</sc_bundles>
